<compile_context>
chip_gen: v7x
topology: tpu7x:2x2x1
jax: 0.10.2.dev20260603
libtpu: 0.0.44.dev20260713+nightly
codegen_flags: <defaults>
</compile_context>

<pallas_src>
import jax
import jax.numpy as jnp
from jax import lax
from jax.experimental import pallas as pl
from jax.experimental.pallas import tpu as pltpu
from jax.experimental.pallas import tpu_sc as plsc

B = 8
H = W = 112
C = 96
N = H * W * C
M = 4 * N
NC = 2
NS = 16
LANES = 16
NCHUNK = 3
CHUNK = M // NCHUNK
NPASS = B * NCHUNK
NT = N // NS
P = 6272
NPIECE = NT // P
NTZ = CHUNK // NS
ZB = 3136
NZP = NTZ // ZB
UNROLL = 8


def _unpool_body(grad_hbm, arg_hbm, out_hbm, acc,
                 idx0, val0, idx1, val1, zer_v,
                 lsem0, lsem1, ssem0, ssem1, zsem):
    cid = lax.axis_index("c")
    sid = lax.axis_index("s")

    idx_s = (idx0, idx1)
    val_s = (val0, val1)
    lsem = (lsem0, lsem1)
    ssem = (ssem0, ssem1)

    zeros16 = jnp.zeros((LANES,), jnp.float32)

    def fill_zer(i, _):
        zer_v[pl.ds(i * LANES, LANES)] = zeros16
        return _

    lax.fori_loop(0, ZB // LANES, fill_zer, None)

    def start_loads(b, p, slot):
        base = b * N + sid * NT + p * P
        pltpu.make_async_copy(
            arg_hbm.at[pl.ds(base, P)], idx_s[slot], lsem[slot]).start()
        pltpu.make_async_copy(
            grad_hbm.at[pl.ds(base, P)], val_s[slot], lsem[slot]).start()

    def wait_loads(b, p, slot):
        base = b * N + sid * NT + p * P
        pltpu.make_async_copy(
            arg_hbm.at[pl.ds(base, P)], idx_s[slot], lsem[slot]).wait()
        pltpu.make_async_copy(
            grad_hbm.at[pl.ds(base, P)], val_s[slot], lsem[slot]).wait()

    def pass_body(k, _):
        t = 2 * k + cid
        b = t // NCHUNK
        ch = t % NCHUNK
        lo = ch * CHUNK

        start_loads(b, 0, 0)
        start_loads(b, 1, 1)

        def zero_body(j, _):
            pltpu.make_async_copy(
                zer_v, acc.at[pl.ds(sid * NTZ + j * ZB, ZB)], zsem).start()
            return _

        lax.fori_loop(0, NZP, zero_body, None)

        def zero_wait(j, _):
            pltpu.make_async_copy(
                zer_v, acc.at[pl.ds(sid * NTZ + j * ZB, ZB)], zsem).wait()
            return _

        lax.fori_loop(0, NZP, zero_wait, None)
        plsc.subcore_barrier()

        for p in range(NPIECE):
            slot = p % 2
            wait_loads(b, p, slot)

            def remap_body(i, _, slot=slot):
                for u in range(UNROLL):
                    sl = pl.ds(i * (LANES * UNROLL) + u * LANES, LANES)
                    iv = idx_s[slot][sl]
                    vv = val_s[slot][sl]
                    m = (iv >= lo) & (iv < lo + CHUNK)
                    idx_s[slot][sl] = jnp.where(m, iv - lo, iv >> 2)
                    val_s[slot][sl] = jnp.where(m, vv, 0.0)
                return _

            lax.fori_loop(0, P // (LANES * UNROLL), remap_body, None)
            pltpu.make_async_copy(
                val_s[slot], acc.at[idx_s[slot]], ssem[slot]
            ).start(add=True)
            if p >= 1 and p + 1 < NPIECE:
                pltpu.make_async_copy(
                    val_s[1 - slot], acc.at[idx_s[1 - slot]], ssem[1 - slot]
                ).wait()
                start_loads(b, p + 1, 1 - slot)

        pltpu.make_async_copy(val0, acc.at[idx0], ssem0).wait()
        pltpu.make_async_copy(val1, acc.at[idx1], ssem1).wait()
        plsc.subcore_barrier()

        pltpu.sync_copy(
            acc.at[pl.ds(sid * NTZ, NTZ)],
            out_hbm.at[pl.ds(b * M + lo + sid * NTZ, NTZ)],
        )
        return _

    lax.fori_loop(0, NPASS // NC, pass_body, None)


@jax.jit
def _unpool(grad_flat, arg_flat):
    mesh = plsc.VectorSubcoreMesh(core_axis_name="c", subcore_axis_name="s")
    return pl.kernel(
        _unpool_body,
        out_type=jax.ShapeDtypeStruct((B * M,), jnp.float32),
        mesh=mesh,
        compiler_params=pltpu.CompilerParams(needs_layout_passes=False),
        scratch_types=[
            pltpu.VMEM_SHARED((CHUNK,), jnp.float32),
            pltpu.VMEM((P,), jnp.int32),
            pltpu.VMEM((P,), jnp.float32),
            pltpu.VMEM((P,), jnp.int32),
            pltpu.VMEM((P,), jnp.float32),
            pltpu.VMEM((ZB,), jnp.float32),
            pltpu.SemaphoreType.DMA,
            pltpu.SemaphoreType.DMA,
            pltpu.SemaphoreType.DMA,
            pltpu.SemaphoreType.DMA,
            pltpu.SemaphoreType.DMA,
        ],
    )(grad_flat, arg_flat)


def kernel(grad_out, inputs, argmax, batch_size):
    del inputs, batch_size
    grad_flat = grad_out.reshape(B * N)
    arg_flat = argmax.reshape(B * N).astype(jnp.int32)
    out_flat = _unpool(grad_flat, arg_flat)
    return out_flat.reshape(B, 2 * H, 2 * W, C)

# --- scband reference (transcript-rebuilt; emitter-appended) ---
"""Pipeline reference for scband-backward-inject-max-pooling2-d-63617055588727 (READ-ONLY COPY).

The authoritative reference and input builder live on the scoring server;
editing this copy changes nothing except your own understanding.
"""

import jax, jax.numpy as jnp
import numpy as np


def setup_inputs(seed: int = 0) -> dict:
    key = jax.random.key(seed)
    k1, k2, k3 = jax.random.split(key, 3)
    B, H, W, C = 8, 112, 112, 96
    grad_out = jax.random.normal(k1, (B, H, W, C), dtype=jnp.float32)
    inputs = jax.random.normal(k2, (B, 2 * H, 2 * W, C), dtype=jnp.float32)
    # argmax values are per-batch flattened indices into (2H * 2W * C), as produced by
    # tf.nn.max_pool_with_argmax(include_batch_in_index=False)
    argmax = jax.random.randint(k3, (B, H, W, C), 0, (2 * H) * (2 * W) * C)
    return {"grad_out": grad_out, "inputs": inputs, "argmax": argmax, "batch_size": 8}


def reference(grad_out, inputs, argmax, batch_size):
    # Faithful translation of BackwardInjectMaxPooling2D.call (max-unpooling via scatter-add).
    B, H, W, C = grad_out.shape
    k = 2  # self.k_size (strides)
    out_H, out_W = H * k, W * k
    pooled_flat = grad_out.reshape(B * H * W * C)
    batch_range = jnp.arange(B, dtype=argmax.dtype).reshape(B, 1, 1, 1)
    b = (jnp.ones_like(argmax) * batch_range).reshape(B * H * W * C)
    ind = argmax.reshape(B * H * W * C)
    ref = jnp.zeros((B, out_H * out_W * C), dtype=grad_out.dtype)
    unpooled_flat = ref.at[b, ind].add(pooled_flat)
    unpooled = unpooled_flat.reshape(B, out_H, out_W, C)
    return unpooled

if __name__ == "__main__":
    import jax
    _d = setup_inputs()
    print(jax.jit(kernel)(*tuple(_d.values())))

</pallas_src>

<mosaic_0001>
#map = affine_map<(d0, d1) -> (0)>
module attributes {stable_mosaic.version = 14 : i64} {
  func.func @_unpool_body(%arg0: i32, %arg1: i32, %arg2: memref<9633792xf32, #tpu.memory_space<hbm>>, %arg3: memref<9633792xi32, #tpu.memory_space<hbm>>, %arg4: memref<38535168xf32, #tpu.memory_space<hbm>>, %arg5: memref<1605632xf32, #tpu.memory_space<vmem_shared>>, %arg6: memref<6272xi32, #tpu.memory_space<vmem>>, %arg7: memref<6272xf32, #tpu.memory_space<vmem>>, %arg8: memref<6272xi32, #tpu.memory_space<vmem>>, %arg9: memref<6272xf32, #tpu.memory_space<vmem>>, %arg10: memref<3136xf32, #tpu.memory_space<vmem>>, %arg11: memref<!tpu.dma_semaphore, #tpu.memory_space<semaphore_mem>>, %arg12: memref<!tpu.dma_semaphore, #tpu.memory_space<semaphore_mem>>, %arg13: memref<!tpu.dma_semaphore, #tpu.memory_space<semaphore_mem>>, %arg14: memref<!tpu.dma_semaphore, #tpu.memory_space<semaphore_mem>>, %arg15: memref<!tpu.dma_semaphore, #tpu.memory_space<semaphore_mem>>) attributes {dimension_semantics = [#tpu.dimension_semantics<core_parallel>, #tpu.dimension_semantics<subcore_parallel>], iteration_bounds = array<i64: 2, 16>, scalar_prefetch = 0 : i64, scratch_operands = 11 : i64, tpu.core_type = #tpu.core_type<sc_vector_subcore>, window_params = [{transform_indices = #map}, {transform_indices = #map}, {transform_indices = #map}]} {
    %broadcast_in_dim3A = arith.constant 0.000000e+00 : f32
    %broadcast_in_dim3A_0 = vector.broadcast %broadcast_in_dim3A : f32 to vector<16xf32>
    %scan3A = arith.constant 0 : i32
    %scan3A_1 = arith.constant 196 : i32
    %scan3A_2 = arith.addi %scan3A, %scan3A_1 : i32
    %scan3A_3 = arith.constant 1 : i32
    scf.for %scan3A_10 = %scan3A to %scan3A_2 step %scan3A_3  : i32 {
      %mul3A = arith.constant 16 : i32
      %mul3A_11 = arith.muli %scan3A_10, %mul3A : i32
      %swap3A = arith.index_cast %mul3A_11 : i32 to index
      %swap3A_12 = tpu.vector_load %arg10[%swap3A] {strides = array<i32>} : memref<3136xf32, #tpu.memory_space<vmem>>, vector<16xf32>,
      tpu.vector_store %arg10[%swap3A], %broadcast_in_dim3A_0 {strides = array<i32>} : memref<3136xf32, #tpu.memory_space<vmem>>, vector<16xf32>,
    }
    %scan3A_4 = arith.constant 196 : i32
    %scan3A_5 = arith.constant 0 : i32
    %scan3A_6 = arith.constant 12 : i32
    %scan3A_7 = arith.addi %scan3A_5, %scan3A_6 : i32
    %scan3A_8 = arith.constant 1 : i32
    scf.for %scan3A_10 = %scan3A_5 to %scan3A_7 step %scan3A_8  : i32 {
      %mul3A = arith.constant 2 : i32
      %mul3A_11 = arith.muli %mul3A, %scan3A_10 : i32
      %add3A = arith.addi %mul3A_11, %arg0 : i32
      %jit3A = arith.constant 3 : i32
      %div3A = arith.divsi %add3A, %jit3A : i32
      %sign3A = arith.constant 0 : i32
      %sign3A_12 = arith.cmpi sgt, %add3A, %sign3A : i32
      %sign3A_13 = arith.extui %sign3A_12 : i1 to i32
      %sign3A_14 = arith.constant 0 : i32
      %sign3A_15 = arith.cmpi slt, %add3A, %sign3A_14 : i32
      %sign3A_16 = arith.extui %sign3A_15 : i1 to i32
      %sign3A_17 = arith.subi %sign3A_13, %sign3A_16 : i32
      %sign3A_18 = arith.constant 0 : i32
      %sign3A_19 = arith.cmpi sgt, %jit3A, %sign3A_18 : i32
      %sign3A_20 = arith.extui %sign3A_19 : i1 to i32
      %sign3A_21 = arith.constant 0 : i32
      %sign3A_22 = arith.cmpi slt, %jit3A, %sign3A_21 : i32
      %sign3A_23 = arith.extui %sign3A_22 : i1 to i32
      %sign3A_24 = arith.subi %sign3A_20, %sign3A_23 : i32
      %ne3A = arith.cmpi ne, %sign3A_17, %sign3A_24 : i32
      %rem3A = arith.remsi %add3A, %jit3A : i32
      %ne3A_25 = arith.constant 0 : i32
      %ne3A_26 = arith.cmpi ne, %rem3A, %ne3A_25 : i32
      %and3A = arith.andi %ne3A, %ne3A_26 : i1
      %sub3A = arith.constant 1 : i32
      %sub3A_27 = arith.subi %div3A, %sub3A : i32
      %select_n3A = arith.select %and3A, %sub3A_27, %div3A : i32
      %jit3A_28 = arith.constant 3 : i32
      %eq3A = arith.constant 0 : i32
      %eq3A_29 = arith.cmpi eq, %jit3A_28, %eq3A : i32
      %jit3A_30 = arith.constant 1 : i32
      %select_n3A_31 = arith.select %eq3A_29, %jit3A_30, %jit3A_28 : i32
      %rem3A_32 = arith.remsi %add3A, %select_n3A_31 : i32
      %ne3A_33 = arith.constant 0 : i32
      %ne3A_34 = arith.cmpi ne, %rem3A_32, %ne3A_33 : i32
      %lt3A = arith.constant 0 : i32
      %lt3A_35 = arith.cmpi slt, %rem3A_32, %lt3A : i32
      %lt3A_36 = arith.constant 0 : i32
      %lt3A_37 = arith.cmpi slt, %select_n3A_31, %lt3A_36 : i32
      %ne3A_38 = arith.xori %lt3A_35, %lt3A_37 : i1
      %and3A_39 = arith.andi %ne3A_38, %ne3A_34 : i1
      %add3A_40 = arith.addi %rem3A_32, %select_n3A_31 : i32
      %select_n3A_41 = arith.select %and3A_39, %add3A_40, %rem3A_32 : i32
      %mul3A_42 = arith.constant 1605632 : i32
      %mul3A_43 = arith.muli %select_n3A_41, %mul3A_42 : i32
      %mul3A_44 = arith.constant 1204224 : i32
      %mul3A_45 = arith.muli %select_n3A, %mul3A_44 : i32
      %mul3A_46 = arith.constant 75264 : i32
      %mul3A_47 = arith.muli %arg1, %mul3A_46 : i32
      %add3A_48 = arith.addi %mul3A_45, %mul3A_47 : i32
      %add3A_49 = arith.constant 0 : i32
      %add3A_50 = arith.addi %add3A_48, %add3A_49 : i32
      %dma_start3A = tpu.memref_slice %arg3[%add3A_50] : memref<9633792xi32, #tpu.memory_space<hbm>> -> memref<6272xi32, #tpu.memory_space<hbm>>
      %dma_start3A_51 = tpu.memref_slice %arg3[%add3A_50] : memref<9633792xi32, #tpu.memory_space<hbm>> -> memref<6272xi32, #tpu.memory_space<hbm>>
      tpu.enqueue_dma source(%dma_start3A_51 : memref<6272xi32, #tpu.memory_space<hbm>>) target(%arg6 : memref<6272xi32, #tpu.memory_space<vmem>>) target_semaphore(%arg11 : memref<!tpu.dma_semaphore, #tpu.memory_space<semaphore_mem>>)
      %dma_start3A_52 = tpu.memref_slice %arg2[%add3A_50] : memref<9633792xf32, #tpu.memory_space<hbm>> -> memref<6272xf32, #tpu.memory_space<hbm>>
      %dma_start3A_53 = tpu.memref_slice %arg2[%add3A_50] : memref<9633792xf32, #tpu.memory_space<hbm>> -> memref<6272xf32, #tpu.memory_space<hbm>>
      tpu.enqueue_dma source(%dma_start3A_53 : memref<6272xf32, #tpu.memory_space<hbm>>) target(%arg7 : memref<6272xf32, #tpu.memory_space<vmem>>) target_semaphore(%arg11 : memref<!tpu.dma_semaphore, #tpu.memory_space<semaphore_mem>>)
      %mul3A_54 = arith.constant 1204224 : i32
      %mul3A_55 = arith.muli %select_n3A, %mul3A_54 : i32
      %mul3A_56 = arith.constant 75264 : i32
      %mul3A_57 = arith.muli %arg1, %mul3A_56 : i32
      %add3A_58 = arith.addi %mul3A_55, %mul3A_57 : i32
      %add3A_59 = arith.constant 6272 : i32
      %add3A_60 = arith.addi %add3A_58, %add3A_59 : i32
      %dma_start3A_61 = tpu.memref_slice %arg3[%add3A_60] : memref<9633792xi32, #tpu.memory_space<hbm>> -> memref<6272xi32, #tpu.memory_space<hbm>>
      %dma_start3A_62 = tpu.memref_slice %arg3[%add3A_60] : memref<9633792xi32, #tpu.memory_space<hbm>> -> memref<6272xi32, #tpu.memory_space<hbm>>
      tpu.enqueue_dma source(%dma_start3A_62 : memref<6272xi32, #tpu.memory_space<hbm>>) target(%arg8 : memref<6272xi32, #tpu.memory_space<vmem>>) target_semaphore(%arg12 : memref<!tpu.dma_semaphore, #tpu.memory_space<semaphore_mem>>)
      %dma_start3A_63 = tpu.memref_slice %arg2[%add3A_60] : memref<9633792xf32, #tpu.memory_space<hbm>> -> memref<6272xf32, #tpu.memory_space<hbm>>
      %dma_start3A_64 = tpu.memref_slice %arg2[%add3A_60] : memref<9633792xf32, #tpu.memory_space<hbm>> -> memref<6272xf32, #tpu.memory_space<hbm>>
      tpu.enqueue_dma source(%dma_start3A_64 : memref<6272xf32, #tpu.memory_space<hbm>>) target(%arg9 : memref<6272xf32, #tpu.memory_space<vmem>>) target_semaphore(%arg12 : memref<!tpu.dma_semaphore, #tpu.memory_space<semaphore_mem>>)
      %scan3A_65 = arith.constant 0 : i32
      %scan3A_66 = arith.constant 32 : i32
      %scan3A_67 = arith.addi %scan3A_65, %scan3A_66 : i32
      %scan3A_68 = arith.constant 1 : i32
      scf.for %scan3A_433 = %scan3A_65 to %scan3A_67 step %scan3A_68  : i32 {
        %mul3A_434 = arith.constant 100352 : i32
        %mul3A_435 = arith.muli %arg1, %mul3A_434 : i32
        %mul3A_436 = arith.constant 3136 : i32
        %mul3A_437 = arith.muli %scan3A_433, %mul3A_436 : i32
        %add3A_438 = arith.addi %mul3A_435, %mul3A_437 : i32
        %dma_start3A_439 = tpu.memref_slice %arg5[%add3A_438] : memref<1605632xf32, #tpu.memory_space<vmem_shared>> -> memref<3136xf32, #tpu.memory_space<vmem_shared>>
        %dma_start3A_440 = tpu.memref_slice %arg5[%add3A_438] : memref<1605632xf32, #tpu.memory_space<vmem_shared>> -> memref<3136xf32, #tpu.memory_space<vmem_shared>>
        tpu.enqueue_dma source(%arg10 : memref<3136xf32, #tpu.memory_space<vmem>>) target(%dma_start3A_440 : memref<3136xf32, #tpu.memory_space<vmem_shared>>) target_semaphore(%arg15 : memref<!tpu.dma_semaphore, #tpu.memory_space<semaphore_mem>>)
      }
      %scan3A_69 = arith.constant 32 : i32
      %scan3A_70 = arith.constant 0 : i32
      %scan3A_71 = arith.constant 32 : i32
      %scan3A_72 = arith.addi %scan3A_70, %scan3A_71 : i32
      %scan3A_73 = arith.constant 1 : i32
      scf.for %scan3A_433 = %scan3A_70 to %scan3A_72 step %scan3A_73  : i32 {
        %mul3A_434 = arith.constant 100352 : i32
        %mul3A_435 = arith.muli %arg1, %mul3A_434 : i32
        %mul3A_436 = arith.constant 3136 : i32
        %mul3A_437 = arith.muli %scan3A_433, %mul3A_436 : i32
        %add3A_438 = arith.addi %mul3A_435, %mul3A_437 : i32
        %dma_wait3A_439 = tpu.memref_slice %arg5[%add3A_438] : memref<1605632xf32, #tpu.memory_space<vmem_shared>> -> memref<3136xf32, #tpu.memory_space<vmem_shared>>
        %dma_wait3A_440 = tpu.memref_slice %arg5[%add3A_438] : memref<1605632xf32, #tpu.memory_space<vmem_shared>> -> memref<3136xf32, #tpu.memory_space<vmem_shared>>
        tpu.wait_dma2 semaphore(%arg15 : memref<!tpu.dma_semaphore, #tpu.memory_space<semaphore_mem>>) src(%arg10 : memref<3136xf32, #tpu.memory_space<vmem>>) dst(%dma_wait3A_440 : memref<3136xf32, #tpu.memory_space<vmem_shared>>)
      }
      %scan3A_74 = arith.constant 32 : i32
      %barrier3A = arith.constant 0 : index
      tpu.barrier barrier_id(%barrier3A)
      %mul3A_75 = arith.constant 1204224 : i32
      %mul3A_76 = arith.muli %select_n3A, %mul3A_75 : i32
      %mul3A_77 = arith.constant 75264 : i32
      %mul3A_78 = arith.muli %arg1, %mul3A_77 : i32
      %add3A_79 = arith.addi %mul3A_76, %mul3A_78 : i32
      %add3A_80 = arith.constant 0 : i32
      %add3A_81 = arith.addi %add3A_79, %add3A_80 : i32
      %dma_wait3A = tpu.memref_slice %arg3[%add3A_81] : memref<9633792xi32, #tpu.memory_space<hbm>> -> memref<6272xi32, #tpu.memory_space<hbm>>
      %dma_wait3A_82 = tpu.memref_slice %arg3[%add3A_81] : memref<9633792xi32, #tpu.memory_space<hbm>> -> memref<6272xi32, #tpu.memory_space<hbm>>
      tpu.wait_dma2 semaphore(%arg11 : memref<!tpu.dma_semaphore, #tpu.memory_space<semaphore_mem>>) src(%dma_wait3A_82 : memref<6272xi32, #tpu.memory_space<hbm>>) dst(%arg6 : memref<6272xi32, #tpu.memory_space<vmem>>)
      %dma_wait3A_83 = tpu.memref_slice %arg2[%add3A_81] : memref<9633792xf32, #tpu.memory_space<hbm>> -> memref<6272xf32, #tpu.memory_space<hbm>>
      %dma_wait3A_84 = tpu.memref_slice %arg2[%add3A_81] : memref<9633792xf32, #tpu.memory_space<hbm>> -> memref<6272xf32, #tpu.memory_space<hbm>>
      tpu.wait_dma2 semaphore(%arg11 : memref<!tpu.dma_semaphore, #tpu.memory_space<semaphore_mem>>) src(%dma_wait3A_84 : memref<6272xf32, #tpu.memory_space<hbm>>) dst(%arg7 : memref<6272xf32, #tpu.memory_space<vmem>>)
      %scan3A_85 = arith.constant 0 : i32
      %scan3A_86 = arith.constant 49 : i32
      %scan3A_87 = arith.addi %scan3A_85, %scan3A_86 : i32
      %scan3A_88 = arith.constant 1 : i32
      scf.for %scan3A_433 = %scan3A_85 to %scan3A_87 step %scan3A_88  : i32 {
        %mul3A_434 = arith.constant 128 : i32
        %mul3A_435 = arith.muli %scan3A_433, %mul3A_434 : i32
        %add3A_436 = arith.constant 0 : i32
        %add3A_437 = arith.addi %mul3A_435, %add3A_436 : i32
        %get3A = arith.index_cast %add3A_437 : i32 to index
        %get3A_438 = tpu.vector_load %arg6[%get3A] {strides = array<i32>} : memref<6272xi32, #tpu.memory_space<vmem>>, vector<16xi32>,
        %get3A_439 = arith.index_cast %add3A_437 : i32 to index
        %get3A_440 = tpu.vector_load %arg7[%get3A_439] {strides = array<i32>} : memref<6272xf32, #tpu.memory_space<vmem>>, vector<16xf32>,
        %ge3A = vector.broadcast %mul3A_43 : i32 to vector<16xi32>
        %ge3A_441 = arith.cmpi sge, %get3A_438, %ge3A : vector<16xi32>
        %add3A_442 = arith.constant 1605632 : i32
        %add3A_443 = arith.addi %mul3A_43, %add3A_442 : i32
        %lt3A_444 = vector.broadcast %add3A_443 : i32 to vector<16xi32>
        %lt3A_445 = arith.cmpi slt, %get3A_438, %lt3A_444 : vector<16xi32>
        %and3A_446 = arith.andi %ge3A_441, %lt3A_445 : vector<16xi1>
        %sub3A_447 = vector.broadcast %mul3A_43 : i32 to vector<16xi32>
        %sub3A_448 = arith.subi %get3A_438, %sub3A_447 : vector<16xi32>
        %shift_right_arithmetic3A = arith.constant 2 : i32
        %shift_right_arithmetic3A_449 = vector.broadcast %shift_right_arithmetic3A : i32 to vector<16xi32>
        %shift_right_arithmetic3A_450 = arith.shrsi %get3A_438, %shift_right_arithmetic3A_449 : vector<16xi32>
        %select_n3A_451 = arith.select %and3A_446, %sub3A_448, %shift_right_arithmetic3A_450 : vector<16xi1>, vector<16xi32>
        %swap3A = arith.index_cast %add3A_437 : i32 to index
        %swap3A_452 = tpu.vector_load %arg6[%swap3A] {strides = array<i32>} : memref<6272xi32, #tpu.memory_space<vmem>>, vector<16xi32>,
        tpu.vector_store %arg6[%swap3A], %select_n3A_451 {strides = array<i32>} : memref<6272xi32, #tpu.memory_space<vmem>>, vector<16xi32>,
        %jit3A_453 = arith.constant 0.000000e+00 : f32
        %broadcast_in_dim3A_454 = vector.broadcast %jit3A_453 : f32 to vector<16xf32>
        %select_n3A_455 = arith.select %and3A_446, %get3A_440, %broadcast_in_dim3A_454 : vector<16xi1>, vector<16xf32>
        %swap3A_456 = arith.index_cast %add3A_437 : i32 to index
        %swap3A_457 = tpu.vector_load %arg7[%swap3A_456] {strides = array<i32>} : memref<6272xf32, #tpu.memory_space<vmem>>, vector<16xf32>,
        tpu.vector_store %arg7[%swap3A_456], %select_n3A_455 {strides = array<i32>} : memref<6272xf32, #tpu.memory_space<vmem>>, vector<16xf32>,
        %mul3A_458 = arith.constant 128 : i32
        %mul3A_459 = arith.muli %scan3A_433, %mul3A_458 : i32
        %add3A_460 = arith.constant 16 : i32
        %add3A_461 = arith.addi %mul3A_459, %add3A_460 : i32
        %get3A_462 = arith.index_cast %add3A_461 : i32 to index
        %get3A_463 = tpu.vector_load %arg6[%get3A_462] {strides = array<i32>} : memref<6272xi32, #tpu.memory_space<vmem>>, vector<16xi32>,
        %get3A_464 = arith.index_cast %add3A_461 : i32 to index
        %get3A_465 = tpu.vector_load %arg7[%get3A_464] {strides = array<i32>} : memref<6272xf32, #tpu.memory_space<vmem>>, vector<16xf32>,
        %ge3A_466 = vector.broadcast %mul3A_43 : i32 to vector<16xi32>
        %ge3A_467 = arith.cmpi sge, %get3A_463, %ge3A_466 : vector<16xi32>
        %add3A_468 = arith.constant 1605632 : i32
        %add3A_469 = arith.addi %mul3A_43, %add3A_468 : i32
        %lt3A_470 = vector.broadcast %add3A_469 : i32 to vector<16xi32>
        %lt3A_471 = arith.cmpi slt, %get3A_463, %lt3A_470 : vector<16xi32>
        %and3A_472 = arith.andi %ge3A_467, %lt3A_471 : vector<16xi1>
        %sub3A_473 = vector.broadcast %mul3A_43 : i32 to vector<16xi32>
        %sub3A_474 = arith.subi %get3A_463, %sub3A_473 : vector<16xi32>
        %shift_right_arithmetic3A_475 = arith.constant 2 : i32
        %shift_right_arithmetic3A_476 = vector.broadcast %shift_right_arithmetic3A_475 : i32 to vector<16xi32>
        %shift_right_arithmetic3A_477 = arith.shrsi %get3A_463, %shift_right_arithmetic3A_476 : vector<16xi32>
        %select_n3A_478 = arith.select %and3A_472, %sub3A_474, %shift_right_arithmetic3A_477 : vector<16xi1>, vector<16xi32>
        %swap3A_479 = arith.index_cast %add3A_461 : i32 to index
        %swap3A_480 = tpu.vector_load %arg6[%swap3A_479] {strides = array<i32>} : memref<6272xi32, #tpu.memory_space<vmem>>, vector<16xi32>,
        tpu.vector_store %arg6[%swap3A_479], %select_n3A_478 {strides = array<i32>} : memref<6272xi32, #tpu.memory_space<vmem>>, vector<16xi32>,
        %jit3A_481 = arith.constant 0.000000e+00 : f32
        %broadcast_in_dim3A_482 = vector.broadcast %jit3A_481 : f32 to vector<16xf32>
        %select_n3A_483 = arith.select %and3A_472, %get3A_465, %broadcast_in_dim3A_482 : vector<16xi1>, vector<16xf32>
        %swap3A_484 = arith.index_cast %add3A_461 : i32 to index
        %swap3A_485 = tpu.vector_load %arg7[%swap3A_484] {strides = array<i32>} : memref<6272xf32, #tpu.memory_space<vmem>>, vector<16xf32>,
        tpu.vector_store %arg7[%swap3A_484], %select_n3A_483 {strides = array<i32>} : memref<6272xf32, #tpu.memory_space<vmem>>, vector<16xf32>,
        %mul3A_486 = arith.constant 128 : i32
        %mul3A_487 = arith.muli %scan3A_433, %mul3A_486 : i32
        %add3A_488 = arith.constant 32 : i32
        %add3A_489 = arith.addi %mul3A_487, %add3A_488 : i32
        %get3A_490 = arith.index_cast %add3A_489 : i32 to index
        %get3A_491 = tpu.vector_load %arg6[%get3A_490] {strides = array<i32>} : memref<6272xi32, #tpu.memory_space<vmem>>, vector<16xi32>,
        %get3A_492 = arith.index_cast %add3A_489 : i32 to index
        %get3A_493 = tpu.vector_load %arg7[%get3A_492] {strides = array<i32>} : memref<6272xf32, #tpu.memory_space<vmem>>, vector<16xf32>,
        %ge3A_494 = vector.broadcast %mul3A_43 : i32 to vector<16xi32>
        %ge3A_495 = arith.cmpi sge, %get3A_491, %ge3A_494 : vector<16xi32>
        %add3A_496 = arith.constant 1605632 : i32
        %add3A_497 = arith.addi %mul3A_43, %add3A_496 : i32
        %lt3A_498 = vector.broadcast %add3A_497 : i32 to vector<16xi32>
        %lt3A_499 = arith.cmpi slt, %get3A_491, %lt3A_498 : vector<16xi32>
        %and3A_500 = arith.andi %ge3A_495, %lt3A_499 : vector<16xi1>
        %sub3A_501 = vector.broadcast %mul3A_43 : i32 to vector<16xi32>
        %sub3A_502 = arith.subi %get3A_491, %sub3A_501 : vector<16xi32>
        %shift_right_arithmetic3A_503 = arith.constant 2 : i32
        %shift_right_arithmetic3A_504 = vector.broadcast %shift_right_arithmetic3A_503 : i32 to vector<16xi32>
        %shift_right_arithmetic3A_505 = arith.shrsi %get3A_491, %shift_right_arithmetic3A_504 : vector<16xi32>
        %select_n3A_506 = arith.select %and3A_500, %sub3A_502, %shift_right_arithmetic3A_505 : vector<16xi1>, vector<16xi32>
        %swap3A_507 = arith.index_cast %add3A_489 : i32 to index
        %swap3A_508 = tpu.vector_load %arg6[%swap3A_507] {strides = array<i32>} : memref<6272xi32, #tpu.memory_space<vmem>>, vector<16xi32>,
        tpu.vector_store %arg6[%swap3A_507], %select_n3A_506 {strides = array<i32>} : memref<6272xi32, #tpu.memory_space<vmem>>, vector<16xi32>,
        %jit3A_509 = arith.constant 0.000000e+00 : f32
        %broadcast_in_dim3A_510 = vector.broadcast %jit3A_509 : f32 to vector<16xf32>
        %select_n3A_511 = arith.select %and3A_500, %get3A_493, %broadcast_in_dim3A_510 : vector<16xi1>, vector<16xf32>
        %swap3A_512 = arith.index_cast %add3A_489 : i32 to index
        %swap3A_513 = tpu.vector_load %arg7[%swap3A_512] {strides = array<i32>} : memref<6272xf32, #tpu.memory_space<vmem>>, vector<16xf32>,
        tpu.vector_store %arg7[%swap3A_512], %select_n3A_511 {strides = array<i32>} : memref<6272xf32, #tpu.memory_space<vmem>>, vector<16xf32>,
        %mul3A_514 = arith.constant 128 : i32
        %mul3A_515 = arith.muli %scan3A_433, %mul3A_514 : i32
        %add3A_516 = arith.constant 48 : i32
        %add3A_517 = arith.addi %mul3A_515, %add3A_516 : i32
        %get3A_518 = arith.index_cast %add3A_517 : i32 to index
        %get3A_519 = tpu.vector_load %arg6[%get3A_518] {strides = array<i32>} : memref<6272xi32, #tpu.memory_space<vmem>>, vector<16xi32>,
        %get3A_520 = arith.index_cast %add3A_517 : i32 to index
        %get3A_521 = tpu.vector_load %arg7[%get3A_520] {strides = array<i32>} : memref<6272xf32, #tpu.memory_space<vmem>>, vector<16xf32>,
        %ge3A_522 = vector.broadcast %mul3A_43 : i32 to vector<16xi32>
        %ge3A_523 = arith.cmpi sge, %get3A_519, %ge3A_522 : vector<16xi32>
        %add3A_524 = arith.constant 1605632 : i32
        %add3A_525 = arith.addi %mul3A_43, %add3A_524 : i32
        %lt3A_526 = vector.broadcast %add3A_525 : i32 to vector<16xi32>
        %lt3A_527 = arith.cmpi slt, %get3A_519, %lt3A_526 : vector<16xi32>
        %and3A_528 = arith.andi %ge3A_523, %lt3A_527 : vector<16xi1>
        %sub3A_529 = vector.broadcast %mul3A_43 : i32 to vector<16xi32>
        %sub3A_530 = arith.subi %get3A_519, %sub3A_529 : vector<16xi32>
        %shift_right_arithmetic3A_531 = arith.constant 2 : i32
        %shift_right_arithmetic3A_532 = vector.broadcast %shift_right_arithmetic3A_531 : i32 to vector<16xi32>
        %shift_right_arithmetic3A_533 = arith.shrsi %get3A_519, %shift_right_arithmetic3A_532 : vector<16xi32>
        %select_n3A_534 = arith.select %and3A_528, %sub3A_530, %shift_right_arithmetic3A_533 : vector<16xi1>, vector<16xi32>
        %swap3A_535 = arith.index_cast %add3A_517 : i32 to index
        %swap3A_536 = tpu.vector_load %arg6[%swap3A_535] {strides = array<i32>} : memref<6272xi32, #tpu.memory_space<vmem>>, vector<16xi32>,
        tpu.vector_store %arg6[%swap3A_535], %select_n3A_534 {strides = array<i32>} : memref<6272xi32, #tpu.memory_space<vmem>>, vector<16xi32>,
        %jit3A_537 = arith.constant 0.000000e+00 : f32
        %broadcast_in_dim3A_538 = vector.broadcast %jit3A_537 : f32 to vector<16xf32>
        %select_n3A_539 = arith.select %and3A_528, %get3A_521, %broadcast_in_dim3A_538 : vector<16xi1>, vector<16xf32>
        %swap3A_540 = arith.index_cast %add3A_517 : i32 to index
        %swap3A_541 = tpu.vector_load %arg7[%swap3A_540] {strides = array<i32>} : memref<6272xf32, #tpu.memory_space<vmem>>, vector<16xf32>,
        tpu.vector_store %arg7[%swap3A_540], %select_n3A_539 {strides = array<i32>} : memref<6272xf32, #tpu.memory_space<vmem>>, vector<16xf32>,
        %mul3A_542 = arith.constant 128 : i32
        %mul3A_543 = arith.muli %scan3A_433, %mul3A_542 : i32
        %add3A_544 = arith.constant 64 : i32
        %add3A_545 = arith.addi %mul3A_543, %add3A_544 : i32
        %get3A_546 = arith.index_cast %add3A_545 : i32 to index
        %get3A_547 = tpu.vector_load %arg6[%get3A_546] {strides = array<i32>} : memref<6272xi32, #tpu.memory_space<vmem>>, vector<16xi32>,
        %get3A_548 = arith.index_cast %add3A_545 : i32 to index
        %get3A_549 = tpu.vector_load %arg7[%get3A_548] {strides = array<i32>} : memref<6272xf32, #tpu.memory_space<vmem>>, vector<16xf32>,
        %ge3A_550 = vector.broadcast %mul3A_43 : i32 to vector<16xi32>
        %ge3A_551 = arith.cmpi sge, %get3A_547, %ge3A_550 : vector<16xi32>
        %add3A_552 = arith.constant 1605632 : i32
        %add3A_553 = arith.addi %mul3A_43, %add3A_552 : i32
        %lt3A_554 = vector.broadcast %add3A_553 : i32 to vector<16xi32>
        %lt3A_555 = arith.cmpi slt, %get3A_547, %lt3A_554 : vector<16xi32>
        %and3A_556 = arith.andi %ge3A_551, %lt3A_555 : vector<16xi1>
        %sub3A_557 = vector.broadcast %mul3A_43 : i32 to vector<16xi32>
        %sub3A_558 = arith.subi %get3A_547, %sub3A_557 : vector<16xi32>
        %shift_right_arithmetic3A_559 = arith.constant 2 : i32
        %shift_right_arithmetic3A_560 = vector.broadcast %shift_right_arithmetic3A_559 : i32 to vector<16xi32>
        %shift_right_arithmetic3A_561 = arith.shrsi %get3A_547, %shift_right_arithmetic3A_560 : vector<16xi32>
        %select_n3A_562 = arith.select %and3A_556, %sub3A_558, %shift_right_arithmetic3A_561 : vector<16xi1>, vector<16xi32>
        %swap3A_563 = arith.index_cast %add3A_545 : i32 to index
        %swap3A_564 = tpu.vector_load %arg6[%swap3A_563] {strides = array<i32>} : memref<6272xi32, #tpu.memory_space<vmem>>, vector<16xi32>,
        tpu.vector_store %arg6[%swap3A_563], %select_n3A_562 {strides = array<i32>} : memref<6272xi32, #tpu.memory_space<vmem>>, vector<16xi32>,
        %jit3A_565 = arith.constant 0.000000e+00 : f32
        %broadcast_in_dim3A_566 = vector.broadcast %jit3A_565 : f32 to vector<16xf32>
        %select_n3A_567 = arith.select %and3A_556, %get3A_549, %broadcast_in_dim3A_566 : vector<16xi1>, vector<16xf32>
        %swap3A_568 = arith.index_cast %add3A_545 : i32 to index
        %swap3A_569 = tpu.vector_load %arg7[%swap3A_568] {strides = array<i32>} : memref<6272xf32, #tpu.memory_space<vmem>>, vector<16xf32>,
        tpu.vector_store %arg7[%swap3A_568], %select_n3A_567 {strides = array<i32>} : memref<6272xf32, #tpu.memory_space<vmem>>, vector<16xf32>,
        %mul3A_570 = arith.constant 128 : i32
        %mul3A_571 = arith.muli %scan3A_433, %mul3A_570 : i32
        %add3A_572 = arith.constant 80 : i32
        %add3A_573 = arith.addi %mul3A_571, %add3A_572 : i32
        %get3A_574 = arith.index_cast %add3A_573 : i32 to index
        %get3A_575 = tpu.vector_load %arg6[%get3A_574] {strides = array<i32>} : memref<6272xi32, #tpu.memory_space<vmem>>, vector<16xi32>,
        %get3A_576 = arith.index_cast %add3A_573 : i32 to index
        %get3A_577 = tpu.vector_load %arg7[%get3A_576] {strides = array<i32>} : memref<6272xf32, #tpu.memory_space<vmem>>, vector<16xf32>,
        %ge3A_578 = vector.broadcast %mul3A_43 : i32 to vector<16xi32>
        %ge3A_579 = arith.cmpi sge, %get3A_575, %ge3A_578 : vector<16xi32>
        %add3A_580 = arith.constant 1605632 : i32
        %add3A_581 = arith.addi %mul3A_43, %add3A_580 : i32
        %lt3A_582 = vector.broadcast %add3A_581 : i32 to vector<16xi32>
        %lt3A_583 = arith.cmpi slt, %get3A_575, %lt3A_582 : vector<16xi32>
        %and3A_584 = arith.andi %ge3A_579, %lt3A_583 : vector<16xi1>
        %sub3A_585 = vector.broadcast %mul3A_43 : i32 to vector<16xi32>
        %sub3A_586 = arith.subi %get3A_575, %sub3A_585 : vector<16xi32>
        %shift_right_arithmetic3A_587 = arith.constant 2 : i32
        %shift_right_arithmetic3A_588 = vector.broadcast %shift_right_arithmetic3A_587 : i32 to vector<16xi32>
        %shift_right_arithmetic3A_589 = arith.shrsi %get3A_575, %shift_right_arithmetic3A_588 : vector<16xi32>
        %select_n3A_590 = arith.select %and3A_584, %sub3A_586, %shift_right_arithmetic3A_589 : vector<16xi1>, vector<16xi32>
        %swap3A_591 = arith.index_cast %add3A_573 : i32 to index
        %swap3A_592 = tpu.vector_load %arg6[%swap3A_591] {strides = array<i32>} : memref<6272xi32, #tpu.memory_space<vmem>>, vector<16xi32>,
        tpu.vector_store %arg6[%swap3A_591], %select_n3A_590 {strides = array<i32>} : memref<6272xi32, #tpu.memory_space<vmem>>, vector<16xi32>,
        %jit3A_593 = arith.constant 0.000000e+00 : f32
        %broadcast_in_dim3A_594 = vector.broadcast %jit3A_593 : f32 to vector<16xf32>
        %select_n3A_595 = arith.select %and3A_584, %get3A_577, %broadcast_in_dim3A_594 : vector<16xi1>, vector<16xf32>
        %swap3A_596 = arith.index_cast %add3A_573 : i32 to index
        %swap3A_597 = tpu.vector_load %arg7[%swap3A_596] {strides = array<i32>} : memref<6272xf32, #tpu.memory_space<vmem>>, vector<16xf32>,
        tpu.vector_store %arg7[%swap3A_596], %select_n3A_595 {strides = array<i32>} : memref<6272xf32, #tpu.memory_space<vmem>>, vector<16xf32>,
        %mul3A_598 = arith.constant 128 : i32
        %mul3A_599 = arith.muli %scan3A_433, %mul3A_598 : i32
        %add3A_600 = arith.constant 96 : i32
        %add3A_601 = arith.addi %mul3A_599, %add3A_600 : i32
        %get3A_602 = arith.index_cast %add3A_601 : i32 to index
        %get3A_603 = tpu.vector_load %arg6[%get3A_602] {strides = array<i32>} : memref<6272xi32, #tpu.memory_space<vmem>>, vector<16xi32>,
        %get3A_604 = arith.index_cast %add3A_601 : i32 to index
        %get3A_605 = tpu.vector_load %arg7[%get3A_604] {strides = array<i32>} : memref<6272xf32, #tpu.memory_space<vmem>>, vector<16xf32>,
        %ge3A_606 = vector.broadcast %mul3A_43 : i32 to vector<16xi32>
        %ge3A_607 = arith.cmpi sge, %get3A_603, %ge3A_606 : vector<16xi32>
        %add3A_608 = arith.constant 1605632 : i32
        %add3A_609 = arith.addi %mul3A_43, %add3A_608 : i32
        %lt3A_610 = vector.broadcast %add3A_609 : i32 to vector<16xi32>
        %lt3A_611 = arith.cmpi slt, %get3A_603, %lt3A_610 : vector<16xi32>
        %and3A_612 = arith.andi %ge3A_607, %lt3A_611 : vector<16xi1>
        %sub3A_613 = vector.broadcast %mul3A_43 : i32 to vector<16xi32>
        %sub3A_614 = arith.subi %get3A_603, %sub3A_613 : vector<16xi32>
        %shift_right_arithmetic3A_615 = arith.constant 2 : i32
        %shift_right_arithmetic3A_616 = vector.broadcast %shift_right_arithmetic3A_615 : i32 to vector<16xi32>
        %shift_right_arithmetic3A_617 = arith.shrsi %get3A_603, %shift_right_arithmetic3A_616 : vector<16xi32>
        %select_n3A_618 = arith.select %and3A_612, %sub3A_614, %shift_right_arithmetic3A_617 : vector<16xi1>, vector<16xi32>
        %swap3A_619 = arith.index_cast %add3A_601 : i32 to index
        %swap3A_620 = tpu.vector_load %arg6[%swap3A_619] {strides = array<i32>} : memref<6272xi32, #tpu.memory_space<vmem>>, vector<16xi32>,
        tpu.vector_store %arg6[%swap3A_619], %select_n3A_618 {strides = array<i32>} : memref<6272xi32, #tpu.memory_space<vmem>>, vector<16xi32>,
        %jit3A_621 = arith.constant 0.000000e+00 : f32
        %broadcast_in_dim3A_622 = vector.broadcast %jit3A_621 : f32 to vector<16xf32>
        %select_n3A_623 = arith.select %and3A_612, %get3A_605, %broadcast_in_dim3A_622 : vector<16xi1>, vector<16xf32>
        %swap3A_624 = arith.index_cast %add3A_601 : i32 to index
        %swap3A_625 = tpu.vector_load %arg7[%swap3A_624] {strides = array<i32>} : memref<6272xf32, #tpu.memory_space<vmem>>, vector<16xf32>,
        tpu.vector_store %arg7[%swap3A_624], %select_n3A_623 {strides = array<i32>} : memref<6272xf32, #tpu.memory_space<vmem>>, vector<16xf32>,
        %mul3A_626 = arith.constant 128 : i32
        %mul3A_627 = arith.muli %scan3A_433, %mul3A_626 : i32
        %add3A_628 = arith.constant 112 : i32
        %add3A_629 = arith.addi %mul3A_627, %add3A_628 : i32
        %get3A_630 = arith.index_cast %add3A_629 : i32 to index
        %get3A_631 = tpu.vector_load %arg6[%get3A_630] {strides = array<i32>} : memref<6272xi32, #tpu.memory_space<vmem>>, vector<16xi32>,
        %get3A_632 = arith.index_cast %add3A_629 : i32 to index
        %get3A_633 = tpu.vector_load %arg7[%get3A_632] {strides = array<i32>} : memref<6272xf32, #tpu.memory_space<vmem>>, vector<16xf32>,
        %ge3A_634 = vector.broadcast %mul3A_43 : i32 to vector<16xi32>
        %ge3A_635 = arith.cmpi sge, %get3A_631, %ge3A_634 : vector<16xi32>
        %add3A_636 = arith.constant 1605632 : i32
        %add3A_637 = arith.addi %mul3A_43, %add3A_636 : i32
        %lt3A_638 = vector.broadcast %add3A_637 : i32 to vector<16xi32>
        %lt3A_639 = arith.cmpi slt, %get3A_631, %lt3A_638 : vector<16xi32>
        %and3A_640 = arith.andi %ge3A_635, %lt3A_639 : vector<16xi1>
        %sub3A_641 = vector.broadcast %mul3A_43 : i32 to vector<16xi32>
        %sub3A_642 = arith.subi %get3A_631, %sub3A_641 : vector<16xi32>
        %shift_right_arithmetic3A_643 = arith.constant 2 : i32
        %shift_right_arithmetic3A_644 = vector.broadcast %shift_right_arithmetic3A_643 : i32 to vector<16xi32>
        %shift_right_arithmetic3A_645 = arith.shrsi %get3A_631, %shift_right_arithmetic3A_644 : vector<16xi32>
        %select_n3A_646 = arith.select %and3A_640, %sub3A_642, %shift_right_arithmetic3A_645 : vector<16xi1>, vector<16xi32>
        %swap3A_647 = arith.index_cast %add3A_629 : i32 to index
        %swap3A_648 = tpu.vector_load %arg6[%swap3A_647] {strides = array<i32>} : memref<6272xi32, #tpu.memory_space<vmem>>, vector<16xi32>,
        tpu.vector_store %arg6[%swap3A_647], %select_n3A_646 {strides = array<i32>} : memref<6272xi32, #tpu.memory_space<vmem>>, vector<16xi32>,
        %jit3A_649 = arith.constant 0.000000e+00 : f32
        %broadcast_in_dim3A_650 = vector.broadcast %jit3A_649 : f32 to vector<16xf32>
        %select_n3A_651 = arith.select %and3A_640, %get3A_633, %broadcast_in_dim3A_650 : vector<16xi1>, vector<16xf32>
        %swap3A_652 = arith.index_cast %add3A_629 : i32 to index
        %swap3A_653 = tpu.vector_load %arg7[%swap3A_652] {strides = array<i32>} : memref<6272xf32, #tpu.memory_space<vmem>>, vector<16xf32>,
        tpu.vector_store %arg7[%swap3A_652], %select_n3A_651 {strides = array<i32>} : memref<6272xf32, #tpu.memory_space<vmem>>, vector<16xf32>,
      }
      %scan3A_89 = arith.constant 49 : i32
      %dma_start3A_90 = arith.constant 0 : i32
      %dma_start3A_91 = tpu.memref_slice %arg5[%dma_start3A_90] : memref<1605632xf32, #tpu.memory_space<vmem_shared>> -> memref<1605632xf32, #tpu.memory_space<vmem_shared>>
      tpu.enqueue_indirect_dma source(%arg7 : memref<6272xf32, #tpu.memory_space<vmem>>) target(%dma_start3A_91 : memref<1605632xf32, #tpu.memory_space<vmem_shared>>) offsets(%arg6 : memref<6272xi32, #tpu.memory_space<vmem>>) semaphore(%arg13 : memref<!tpu.dma_semaphore, #tpu.memory_space<semaphore_mem>>) {add = true}
      %mul3A_92 = arith.constant 1204224 : i32
      %mul3A_93 = arith.muli %select_n3A, %mul3A_92 : i32
      %mul3A_94 = arith.constant 75264 : i32
      %mul3A_95 = arith.muli %arg1, %mul3A_94 : i32
      %add3A_96 = arith.addi %mul3A_93, %mul3A_95 : i32
      %add3A_97 = arith.constant 6272 : i32
      %add3A_98 = arith.addi %add3A_96, %add3A_97 : i32
      %dma_wait3A_99 = tpu.memref_slice %arg3[%add3A_98] : memref<9633792xi32, #tpu.memory_space<hbm>> -> memref<6272xi32, #tpu.memory_space<hbm>>
      %dma_wait3A_100 = tpu.memref_slice %arg3[%add3A_98] : memref<9633792xi32, #tpu.memory_space<hbm>> -> memref<6272xi32, #tpu.memory_space<hbm>>
      tpu.wait_dma2 semaphore(%arg12 : memref<!tpu.dma_semaphore, #tpu.memory_space<semaphore_mem>>) src(%dma_wait3A_100 : memref<6272xi32, #tpu.memory_space<hbm>>) dst(%arg8 : memref<6272xi32, #tpu.memory_space<vmem>>)
      %dma_wait3A_101 = tpu.memref_slice %arg2[%add3A_98] : memref<9633792xf32, #tpu.memory_space<hbm>> -> memref<6272xf32, #tpu.memory_space<hbm>>
      %dma_wait3A_102 = tpu.memref_slice %arg2[%add3A_98] : memref<9633792xf32, #tpu.memory_space<hbm>> -> memref<6272xf32, #tpu.memory_space<hbm>>
      tpu.wait_dma2 semaphore(%arg12 : memref<!tpu.dma_semaphore, #tpu.memory_space<semaphore_mem>>) src(%dma_wait3A_102 : memref<6272xf32, #tpu.memory_space<hbm>>) dst(%arg9 : memref<6272xf32, #tpu.memory_space<vmem>>)
      %scan3A_103 = arith.constant 0 : i32
      %scan3A_104 = arith.constant 49 : i32
      %scan3A_105 = arith.addi %scan3A_103, %scan3A_104 : i32
      %scan3A_106 = arith.constant 1 : i32
      scf.for %scan3A_433 = %scan3A_103 to %scan3A_105 step %scan3A_106  : i32 {
        %mul3A_434 = arith.constant 128 : i32
        %mul3A_435 = arith.muli %scan3A_433, %mul3A_434 : i32
        %add3A_436 = arith.constant 0 : i32
        %add3A_437 = arith.addi %mul3A_435, %add3A_436 : i32
        %get3A = arith.index_cast %add3A_437 : i32 to index
        %get3A_438 = tpu.vector_load %arg8[%get3A] {strides = array<i32>} : memref<6272xi32, #tpu.memory_space<vmem>>, vector<16xi32>,
        %get3A_439 = arith.index_cast %add3A_437 : i32 to index
        %get3A_440 = tpu.vector_load %arg9[%get3A_439] {strides = array<i32>} : memref<6272xf32, #tpu.memory_space<vmem>>, vector<16xf32>,
        %ge3A = vector.broadcast %mul3A_43 : i32 to vector<16xi32>
        %ge3A_441 = arith.cmpi sge, %get3A_438, %ge3A : vector<16xi32>
        %add3A_442 = arith.constant 1605632 : i32
        %add3A_443 = arith.addi %mul3A_43, %add3A_442 : i32
        %lt3A_444 = vector.broadcast %add3A_443 : i32 to vector<16xi32>
        %lt3A_445 = arith.cmpi slt, %get3A_438, %lt3A_444 : vector<16xi32>
        %and3A_446 = arith.andi %ge3A_441, %lt3A_445 : vector<16xi1>
        %sub3A_447 = vector.broadcast %mul3A_43 : i32 to vector<16xi32>
        %sub3A_448 = arith.subi %get3A_438, %sub3A_447 : vector<16xi32>
        %shift_right_arithmetic3A = arith.constant 2 : i32
        %shift_right_arithmetic3A_449 = vector.broadcast %shift_right_arithmetic3A : i32 to vector<16xi32>
        %shift_right_arithmetic3A_450 = arith.shrsi %get3A_438, %shift_right_arithmetic3A_449 : vector<16xi32>
        %select_n3A_451 = arith.select %and3A_446, %sub3A_448, %shift_right_arithmetic3A_450 : vector<16xi1>, vector<16xi32>
        %swap3A = arith.index_cast %add3A_437 : i32 to index
        %swap3A_452 = tpu.vector_load %arg8[%swap3A] {strides = array<i32>} : memref<6272xi32, #tpu.memory_space<vmem>>, vector<16xi32>,
        tpu.vector_store %arg8[%swap3A], %select_n3A_451 {strides = array<i32>} : memref<6272xi32, #tpu.memory_space<vmem>>, vector<16xi32>,
        %jit3A_453 = arith.constant 0.000000e+00 : f32
        %broadcast_in_dim3A_454 = vector.broadcast %jit3A_453 : f32 to vector<16xf32>
        %select_n3A_455 = arith.select %and3A_446, %get3A_440, %broadcast_in_dim3A_454 : vector<16xi1>, vector<16xf32>
        %swap3A_456 = arith.index_cast %add3A_437 : i32 to index
        %swap3A_457 = tpu.vector_load %arg9[%swap3A_456] {strides = array<i32>} : memref<6272xf32, #tpu.memory_space<vmem>>, vector<16xf32>,
        tpu.vector_store %arg9[%swap3A_456], %select_n3A_455 {strides = array<i32>} : memref<6272xf32, #tpu.memory_space<vmem>>, vector<16xf32>,
        %mul3A_458 = arith.constant 128 : i32
        %mul3A_459 = arith.muli %scan3A_433, %mul3A_458 : i32
        %add3A_460 = arith.constant 16 : i32
        %add3A_461 = arith.addi %mul3A_459, %add3A_460 : i32
        %get3A_462 = arith.index_cast %add3A_461 : i32 to index
        %get3A_463 = tpu.vector_load %arg8[%get3A_462] {strides = array<i32>} : memref<6272xi32, #tpu.memory_space<vmem>>, vector<16xi32>,
        %get3A_464 = arith.index_cast %add3A_461 : i32 to index
        %get3A_465 = tpu.vector_load %arg9[%get3A_464] {strides = array<i32>} : memref<6272xf32, #tpu.memory_space<vmem>>, vector<16xf32>,
        %ge3A_466 = vector.broadcast %mul3A_43 : i32 to vector<16xi32>
        %ge3A_467 = arith.cmpi sge, %get3A_463, %ge3A_466 : vector<16xi32>
        %add3A_468 = arith.constant 1605632 : i32
        %add3A_469 = arith.addi %mul3A_43, %add3A_468 : i32
        %lt3A_470 = vector.broadcast %add3A_469 : i32 to vector<16xi32>
        %lt3A_471 = arith.cmpi slt, %get3A_463, %lt3A_470 : vector<16xi32>
        %and3A_472 = arith.andi %ge3A_467, %lt3A_471 : vector<16xi1>
        %sub3A_473 = vector.broadcast %mul3A_43 : i32 to vector<16xi32>
        %sub3A_474 = arith.subi %get3A_463, %sub3A_473 : vector<16xi32>
        %shift_right_arithmetic3A_475 = arith.constant 2 : i32
        %shift_right_arithmetic3A_476 = vector.broadcast %shift_right_arithmetic3A_475 : i32 to vector<16xi32>
        %shift_right_arithmetic3A_477 = arith.shrsi %get3A_463, %shift_right_arithmetic3A_476 : vector<16xi32>
        %select_n3A_478 = arith.select %and3A_472, %sub3A_474, %shift_right_arithmetic3A_477 : vector<16xi1>, vector<16xi32>
        %swap3A_479 = arith.index_cast %add3A_461 : i32 to index
        %swap3A_480 = tpu.vector_load %arg8[%swap3A_479] {strides = array<i32>} : memref<6272xi32, #tpu.memory_space<vmem>>, vector<16xi32>,
        tpu.vector_store %arg8[%swap3A_479], %select_n3A_478 {strides = array<i32>} : memref<6272xi32, #tpu.memory_space<vmem>>, vector<16xi32>,
        %jit3A_481 = arith.constant 0.000000e+00 : f32
        %broadcast_in_dim3A_482 = vector.broadcast %jit3A_481 : f32 to vector<16xf32>
        %select_n3A_483 = arith.select %and3A_472, %get3A_465, %broadcast_in_dim3A_482 : vector<16xi1>, vector<16xf32>
        %swap3A_484 = arith.index_cast %add3A_461 : i32 to index
        %swap3A_485 = tpu.vector_load %arg9[%swap3A_484] {strides = array<i32>} : memref<6272xf32, #tpu.memory_space<vmem>>, vector<16xf32>,
        tpu.vector_store %arg9[%swap3A_484], %select_n3A_483 {strides = array<i32>} : memref<6272xf32, #tpu.memory_space<vmem>>, vector<16xf32>,
        %mul3A_486 = arith.constant 128 : i32
        %mul3A_487 = arith.muli %scan3A_433, %mul3A_486 : i32
        %add3A_488 = arith.constant 32 : i32
        %add3A_489 = arith.addi %mul3A_487, %add3A_488 : i32
        %get3A_490 = arith.index_cast %add3A_489 : i32 to index
        %get3A_491 = tpu.vector_load %arg8[%get3A_490] {strides = array<i32>} : memref<6272xi32, #tpu.memory_space<vmem>>, vector<16xi32>,
        %get3A_492 = arith.index_cast %add3A_489 : i32 to index
        %get3A_493 = tpu.vector_load %arg9[%get3A_492] {strides = array<i32>} : memref<6272xf32, #tpu.memory_space<vmem>>, vector<16xf32>,
        %ge3A_494 = vector.broadcast %mul3A_43 : i32 to vector<16xi32>
        %ge3A_495 = arith.cmpi sge, %get3A_491, %ge3A_494 : vector<16xi32>
        %add3A_496 = arith.constant 1605632 : i32
        %add3A_497 = arith.addi %mul3A_43, %add3A_496 : i32
        %lt3A_498 = vector.broadcast %add3A_497 : i32 to vector<16xi32>
        %lt3A_499 = arith.cmpi slt, %get3A_491, %lt3A_498 : vector<16xi32>
        %and3A_500 = arith.andi %ge3A_495, %lt3A_499 : vector<16xi1>
        %sub3A_501 = vector.broadcast %mul3A_43 : i32 to vector<16xi32>
        %sub3A_502 = arith.subi %get3A_491, %sub3A_501 : vector<16xi32>
        %shift_right_arithmetic3A_503 = arith.constant 2 : i32
        %shift_right_arithmetic3A_504 = vector.broadcast %shift_right_arithmetic3A_503 : i32 to vector<16xi32>
        %shift_right_arithmetic3A_505 = arith.shrsi %get3A_491, %shift_right_arithmetic3A_504 : vector<16xi32>
        %select_n3A_506 = arith.select %and3A_500, %sub3A_502, %shift_right_arithmetic3A_505 : vector<16xi1>, vector<16xi32>
        %swap3A_507 = arith.index_cast %add3A_489 : i32 to index
        %swap3A_508 = tpu.vector_load %arg8[%swap3A_507] {strides = array<i32>} : memref<6272xi32, #tpu.memory_space<vmem>>, vector<16xi32>,
        tpu.vector_store %arg8[%swap3A_507], %select_n3A_506 {strides = array<i32>} : memref<6272xi32, #tpu.memory_space<vmem>>, vector<16xi32>,
        %jit3A_509 = arith.constant 0.000000e+00 : f32
        %broadcast_in_dim3A_510 = vector.broadcast %jit3A_509 : f32 to vector<16xf32>
        %select_n3A_511 = arith.select %and3A_500, %get3A_493, %broadcast_in_dim3A_510 : vector<16xi1>, vector<16xf32>
        %swap3A_512 = arith.index_cast %add3A_489 : i32 to index
        %swap3A_513 = tpu.vector_load %arg9[%swap3A_512] {strides = array<i32>} : memref<6272xf32, #tpu.memory_space<vmem>>, vector<16xf32>,
        tpu.vector_store %arg9[%swap3A_512], %select_n3A_511 {strides = array<i32>} : memref<6272xf32, #tpu.memory_space<vmem>>, vector<16xf32>,
        %mul3A_514 = arith.constant 128 : i32
        %mul3A_515 = arith.muli %scan3A_433, %mul3A_514 : i32
        %add3A_516 = arith.constant 48 : i32
        %add3A_517 = arith.addi %mul3A_515, %add3A_516 : i32
        %get3A_518 = arith.index_cast %add3A_517 : i32 to index
        %get3A_519 = tpu.vector_load %arg8[%get3A_518] {strides = array<i32>} : memref<6272xi32, #tpu.memory_space<vmem>>, vector<16xi32>,
        %get3A_520 = arith.index_cast %add3A_517 : i32 to index
        %get3A_521 = tpu.vector_load %arg9[%get3A_520] {strides = array<i32>} : memref<6272xf32, #tpu.memory_space<vmem>>, vector<16xf32>,
        %ge3A_522 = vector.broadcast %mul3A_43 : i32 to vector<16xi32>
        %ge3A_523 = arith.cmpi sge, %get3A_519, %ge3A_522 : vector<16xi32>
        %add3A_524 = arith.constant 1605632 : i32
        %add3A_525 = arith.addi %mul3A_43, %add3A_524 : i32
        %lt3A_526 = vector.broadcast %add3A_525 : i32 to vector<16xi32>
        %lt3A_527 = arith.cmpi slt, %get3A_519, %lt3A_526 : vector<16xi32>
        %and3A_528 = arith.andi %ge3A_523, %lt3A_527 : vector<16xi1>
        %sub3A_529 = vector.broadcast %mul3A_43 : i32 to vector<16xi32>
        %sub3A_530 = arith.subi %get3A_519, %sub3A_529 : vector<16xi32>
        %shift_right_arithmetic3A_531 = arith.constant 2 : i32
        %shift_right_arithmetic3A_532 = vector.broadcast %shift_right_arithmetic3A_531 : i32 to vector<16xi32>
        %shift_right_arithmetic3A_533 = arith.shrsi %get3A_519, %shift_right_arithmetic3A_532 : vector<16xi32>
        %select_n3A_534 = arith.select %and3A_528, %sub3A_530, %shift_right_arithmetic3A_533 : vector<16xi1>, vector<16xi32>
        %swap3A_535 = arith.index_cast %add3A_517 : i32 to index
        %swap3A_536 = tpu.vector_load %arg8[%swap3A_535] {strides = array<i32>} : memref<6272xi32, #tpu.memory_space<vmem>>, vector<16xi32>,
        tpu.vector_store %arg8[%swap3A_535], %select_n3A_534 {strides = array<i32>} : memref<6272xi32, #tpu.memory_space<vmem>>, vector<16xi32>,
        %jit3A_537 = arith.constant 0.000000e+00 : f32
        %broadcast_in_dim3A_538 = vector.broadcast %jit3A_537 : f32 to vector<16xf32>
        %select_n3A_539 = arith.select %and3A_528, %get3A_521, %broadcast_in_dim3A_538 : vector<16xi1>, vector<16xf32>
        %swap3A_540 = arith.index_cast %add3A_517 : i32 to index
        %swap3A_541 = tpu.vector_load %arg9[%swap3A_540] {strides = array<i32>} : memref<6272xf32, #tpu.memory_space<vmem>>, vector<16xf32>,
        tpu.vector_store %arg9[%swap3A_540], %select_n3A_539 {strides = array<i32>} : memref<6272xf32, #tpu.memory_space<vmem>>, vector<16xf32>,
        %mul3A_542 = arith.constant 128 : i32
        %mul3A_543 = arith.muli %scan3A_433, %mul3A_542 : i32
        %add3A_544 = arith.constant 64 : i32
        %add3A_545 = arith.addi %mul3A_543, %add3A_544 : i32
        %get3A_546 = arith.index_cast %add3A_545 : i32 to index
        %get3A_547 = tpu.vector_load %arg8[%get3A_546] {strides = array<i32>} : memref<6272xi32, #tpu.memory_space<vmem>>, vector<16xi32>,
        %get3A_548 = arith.index_cast %add3A_545 : i32 to index
        %get3A_549 = tpu.vector_load %arg9[%get3A_548] {strides = array<i32>} : memref<6272xf32, #tpu.memory_space<vmem>>, vector<16xf32>,
        %ge3A_550 = vector.broadcast %mul3A_43 : i32 to vector<16xi32>
        %ge3A_551 = arith.cmpi sge, %get3A_547, %ge3A_550 : vector<16xi32>
        %add3A_552 = arith.constant 1605632 : i32
        %add3A_553 = arith.addi %mul3A_43, %add3A_552 : i32
        %lt3A_554 = vector.broadcast %add3A_553 : i32 to vector<16xi32>
        %lt3A_555 = arith.cmpi slt, %get3A_547, %lt3A_554 : vector<16xi32>
        %and3A_556 = arith.andi %ge3A_551, %lt3A_555 : vector<16xi1>
        %sub3A_557 = vector.broadcast %mul3A_43 : i32 to vector<16xi32>
        %sub3A_558 = arith.subi %get3A_547, %sub3A_557 : vector<16xi32>
        %shift_right_arithmetic3A_559 = arith.constant 2 : i32
        %shift_right_arithmetic3A_560 = vector.broadcast %shift_right_arithmetic3A_559 : i32 to vector<16xi32>
        %shift_right_arithmetic3A_561 = arith.shrsi %get3A_547, %shift_right_arithmetic3A_560 : vector<16xi32>
        %select_n3A_562 = arith.select %and3A_556, %sub3A_558, %shift_right_arithmetic3A_561 : vector<16xi1>, vector<16xi32>
        %swap3A_563 = arith.index_cast %add3A_545 : i32 to index
        %swap3A_564 = tpu.vector_load %arg8[%swap3A_563] {strides = array<i32>} : memref<6272xi32, #tpu.memory_space<vmem>>, vector<16xi32>,
        tpu.vector_store %arg8[%swap3A_563], %select_n3A_562 {strides = array<i32>} : memref<6272xi32, #tpu.memory_space<vmem>>, vector<16xi32>,
        %jit3A_565 = arith.constant 0.000000e+00 : f32
        %broadcast_in_dim3A_566 = vector.broadcast %jit3A_565 : f32 to vector<16xf32>
        %select_n3A_567 = arith.select %and3A_556, %get3A_549, %broadcast_in_dim3A_566 : vector<16xi1>, vector<16xf32>
        %swap3A_568 = arith.index_cast %add3A_545 : i32 to index
        %swap3A_569 = tpu.vector_load %arg9[%swap3A_568] {strides = array<i32>} : memref<6272xf32, #tpu.memory_space<vmem>>, vector<16xf32>,
        tpu.vector_store %arg9[%swap3A_568], %select_n3A_567 {strides = array<i32>} : memref<6272xf32, #tpu.memory_space<vmem>>, vector<16xf32>,
        %mul3A_570 = arith.constant 128 : i32
        %mul3A_571 = arith.muli %scan3A_433, %mul3A_570 : i32
        %add3A_572 = arith.constant 80 : i32
        %add3A_573 = arith.addi %mul3A_571, %add3A_572 : i32
        %get3A_574 = arith.index_cast %add3A_573 : i32 to index
        %get3A_575 = tpu.vector_load %arg8[%get3A_574] {strides = array<i32>} : memref<6272xi32, #tpu.memory_space<vmem>>, vector<16xi32>,
        %get3A_576 = arith.index_cast %add3A_573 : i32 to index
        %get3A_577 = tpu.vector_load %arg9[%get3A_576] {strides = array<i32>} : memref<6272xf32, #tpu.memory_space<vmem>>, vector<16xf32>,
        %ge3A_578 = vector.broadcast %mul3A_43 : i32 to vector<16xi32>
        %ge3A_579 = arith.cmpi sge, %get3A_575, %ge3A_578 : vector<16xi32>
        %add3A_580 = arith.constant 1605632 : i32
        %add3A_581 = arith.addi %mul3A_43, %add3A_580 : i32
        %lt3A_582 = vector.broadcast %add3A_581 : i32 to vector<16xi32>
        %lt3A_583 = arith.cmpi slt, %get3A_575, %lt3A_582 : vector<16xi32>
        %and3A_584 = arith.andi %ge3A_579, %lt3A_583 : vector<16xi1>
        %sub3A_585 = vector.broadcast %mul3A_43 : i32 to vector<16xi32>
        %sub3A_586 = arith.subi %get3A_575, %sub3A_585 : vector<16xi32>
        %shift_right_arithmetic3A_587 = arith.constant 2 : i32
        %shift_right_arithmetic3A_588 = vector.broadcast %shift_right_arithmetic3A_587 : i32 to vector<16xi32>
        %shift_right_arithmetic3A_589 = arith.shrsi %get3A_575, %shift_right_arithmetic3A_588 : vector<16xi32>
        %select_n3A_590 = arith.select %and3A_584, %sub3A_586, %shift_right_arithmetic3A_589 : vector<16xi1>, vector<16xi32>
        %swap3A_591 = arith.index_cast %add3A_573 : i32 to index
        %swap3A_592 = tpu.vector_load %arg8[%swap3A_591] {strides = array<i32>} : memref<6272xi32, #tpu.memory_space<vmem>>, vector<16xi32>,
        tpu.vector_store %arg8[%swap3A_591], %select_n3A_590 {strides = array<i32>} : memref<6272xi32, #tpu.memory_space<vmem>>, vector<16xi32>,
        %jit3A_593 = arith.constant 0.000000e+00 : f32
        %broadcast_in_dim3A_594 = vector.broadcast %jit3A_593 : f32 to vector<16xf32>
        %select_n3A_595 = arith.select %and3A_584, %get3A_577, %broadcast_in_dim3A_594 : vector<16xi1>, vector<16xf32>
        %swap3A_596 = arith.index_cast %add3A_573 : i32 to index
        %swap3A_597 = tpu.vector_load %arg9[%swap3A_596] {strides = array<i32>} : memref<6272xf32, #tpu.memory_space<vmem>>, vector<16xf32>,
        tpu.vector_store %arg9[%swap3A_596], %select_n3A_595 {strides = array<i32>} : memref<6272xf32, #tpu.memory_space<vmem>>, vector<16xf32>,
        %mul3A_598 = arith.constant 128 : i32
        %mul3A_599 = arith.muli %scan3A_433, %mul3A_598 : i32
        %add3A_600 = arith.constant 96 : i32
        %add3A_601 = arith.addi %mul3A_599, %add3A_600 : i32
        %get3A_602 = arith.index_cast %add3A_601 : i32 to index
        %get3A_603 = tpu.vector_load %arg8[%get3A_602] {strides = array<i32>} : memref<6272xi32, #tpu.memory_space<vmem>>, vector<16xi32>,
        %get3A_604 = arith.index_cast %add3A_601 : i32 to index
        %get3A_605 = tpu.vector_load %arg9[%get3A_604] {strides = array<i32>} : memref<6272xf32, #tpu.memory_space<vmem>>, vector<16xf32>,
        %ge3A_606 = vector.broadcast %mul3A_43 : i32 to vector<16xi32>
        %ge3A_607 = arith.cmpi sge, %get3A_603, %ge3A_606 : vector<16xi32>
        %add3A_608 = arith.constant 1605632 : i32
        %add3A_609 = arith.addi %mul3A_43, %add3A_608 : i32
        %lt3A_610 = vector.broadcast %add3A_609 : i32 to vector<16xi32>
        %lt3A_611 = arith.cmpi slt, %get3A_603, %lt3A_610 : vector<16xi32>
        %and3A_612 = arith.andi %ge3A_607, %lt3A_611 : vector<16xi1>
        %sub3A_613 = vector.broadcast %mul3A_43 : i32 to vector<16xi32>
        %sub3A_614 = arith.subi %get3A_603, %sub3A_613 : vector<16xi32>
        %shift_right_arithmetic3A_615 = arith.constant 2 : i32
        %shift_right_arithmetic3A_616 = vector.broadcast %shift_right_arithmetic3A_615 : i32 to vector<16xi32>
        %shift_right_arithmetic3A_617 = arith.shrsi %get3A_603, %shift_right_arithmetic3A_616 : vector<16xi32>
        %select_n3A_618 = arith.select %and3A_612, %sub3A_614, %shift_right_arithmetic3A_617 : vector<16xi1>, vector<16xi32>
        %swap3A_619 = arith.index_cast %add3A_601 : i32 to index
        %swap3A_620 = tpu.vector_load %arg8[%swap3A_619] {strides = array<i32>} : memref<6272xi32, #tpu.memory_space<vmem>>, vector<16xi32>,
        tpu.vector_store %arg8[%swap3A_619], %select_n3A_618 {strides = array<i32>} : memref<6272xi32, #tpu.memory_space<vmem>>, vector<16xi32>,
        %jit3A_621 = arith.constant 0.000000e+00 : f32
        %broadcast_in_dim3A_622 = vector.broadcast %jit3A_621 : f32 to vector<16xf32>
        %select_n3A_623 = arith.select %and3A_612, %get3A_605, %broadcast_in_dim3A_622 : vector<16xi1>, vector<16xf32>
        %swap3A_624 = arith.index_cast %add3A_601 : i32 to index
        %swap3A_625 = tpu.vector_load %arg9[%swap3A_624] {strides = array<i32>} : memref<6272xf32, #tpu.memory_space<vmem>>, vector<16xf32>,
        tpu.vector_store %arg9[%swap3A_624], %select_n3A_623 {strides = array<i32>} : memref<6272xf32, #tpu.memory_space<vmem>>, vector<16xf32>,
        %mul3A_626 = arith.constant 128 : i32
        %mul3A_627 = arith.muli %scan3A_433, %mul3A_626 : i32
        %add3A_628 = arith.constant 112 : i32
        %add3A_629 = arith.addi %mul3A_627, %add3A_628 : i32
        %get3A_630 = arith.index_cast %add3A_629 : i32 to index
        %get3A_631 = tpu.vector_load %arg8[%get3A_630] {strides = array<i32>} : memref<6272xi32, #tpu.memory_space<vmem>>, vector<16xi32>,
        %get3A_632 = arith.index_cast %add3A_629 : i32 to index
        %get3A_633 = tpu.vector_load %arg9[%get3A_632] {strides = array<i32>} : memref<6272xf32, #tpu.memory_space<vmem>>, vector<16xf32>,
        %ge3A_634 = vector.broadcast %mul3A_43 : i32 to vector<16xi32>
        %ge3A_635 = arith.cmpi sge, %get3A_631, %ge3A_634 : vector<16xi32>
        %add3A_636 = arith.constant 1605632 : i32
        %add3A_637 = arith.addi %mul3A_43, %add3A_636 : i32
        %lt3A_638 = vector.broadcast %add3A_637 : i32 to vector<16xi32>
        %lt3A_639 = arith.cmpi slt, %get3A_631, %lt3A_638 : vector<16xi32>
        %and3A_640 = arith.andi %ge3A_635, %lt3A_639 : vector<16xi1>
        %sub3A_641 = vector.broadcast %mul3A_43 : i32 to vector<16xi32>
        %sub3A_642 = arith.subi %get3A_631, %sub3A_641 : vector<16xi32>
        %shift_right_arithmetic3A_643 = arith.constant 2 : i32
        %shift_right_arithmetic3A_644 = vector.broadcast %shift_right_arithmetic3A_643 : i32 to vector<16xi32>
        %shift_right_arithmetic3A_645 = arith.shrsi %get3A_631, %shift_right_arithmetic3A_644 : vector<16xi32>
        %select_n3A_646 = arith.select %and3A_640, %sub3A_642, %shift_right_arithmetic3A_645 : vector<16xi1>, vector<16xi32>
        %swap3A_647 = arith.index_cast %add3A_629 : i32 to index
        %swap3A_648 = tpu.vector_load %arg8[%swap3A_647] {strides = array<i32>} : memref<6272xi32, #tpu.memory_space<vmem>>, vector<16xi32>,
        tpu.vector_store %arg8[%swap3A_647], %select_n3A_646 {strides = array<i32>} : memref<6272xi32, #tpu.memory_space<vmem>>, vector<16xi32>,
        %jit3A_649 = arith.constant 0.000000e+00 : f32
        %broadcast_in_dim3A_650 = vector.broadcast %jit3A_649 : f32 to vector<16xf32>
        %select_n3A_651 = arith.select %and3A_640, %get3A_633, %broadcast_in_dim3A_650 : vector<16xi1>, vector<16xf32>
        %swap3A_652 = arith.index_cast %add3A_629 : i32 to index
        %swap3A_653 = tpu.vector_load %arg9[%swap3A_652] {strides = array<i32>} : memref<6272xf32, #tpu.memory_space<vmem>>, vector<16xf32>,
        tpu.vector_store %arg9[%swap3A_652], %select_n3A_651 {strides = array<i32>} : memref<6272xf32, #tpu.memory_space<vmem>>, vector<16xf32>,
      }
      %scan3A_107 = arith.constant 49 : i32
      %dma_start3A_108 = arith.constant 0 : i32
      %dma_start3A_109 = tpu.memref_slice %arg5[%dma_start3A_108] : memref<1605632xf32, #tpu.memory_space<vmem_shared>> -> memref<1605632xf32, #tpu.memory_space<vmem_shared>>
      tpu.enqueue_indirect_dma source(%arg9 : memref<6272xf32, #tpu.memory_space<vmem>>) target(%dma_start3A_109 : memref<1605632xf32, #tpu.memory_space<vmem_shared>>) offsets(%arg8 : memref<6272xi32, #tpu.memory_space<vmem>>) semaphore(%arg14 : memref<!tpu.dma_semaphore, #tpu.memory_space<semaphore_mem>>) {add = true}
      %dma_wait3A_110 = arith.constant 0 : i32
      %dma_wait3A_111 = tpu.memref_slice %arg5[%dma_wait3A_110] : memref<1605632xf32, #tpu.memory_space<vmem_shared>> -> memref<1605632xf32, #tpu.memory_space<vmem_shared>>
      tpu.wait_indirect_dma semaphore(%arg13 : memref<!tpu.dma_semaphore, #tpu.memory_space<semaphore_mem>>) src(%arg7 : memref<6272xf32, #tpu.memory_space<vmem>>) dst(%dma_wait3A_111 : memref<1605632xf32, #tpu.memory_space<vmem_shared>>)
      %mul3A_112 = arith.constant 1204224 : i32
      %mul3A_113 = arith.muli %select_n3A, %mul3A_112 : i32
      %mul3A_114 = arith.constant 75264 : i32
      %mul3A_115 = arith.muli %arg1, %mul3A_114 : i32
      %add3A_116 = arith.addi %mul3A_113, %mul3A_115 : i32
      %add3A_117 = arith.constant 12544 : i32
      %add3A_118 = arith.addi %add3A_116, %add3A_117 : i32
      %dma_start3A_119 = tpu.memref_slice %arg3[%add3A_118] : memref<9633792xi32, #tpu.memory_space<hbm>> -> memref<6272xi32, #tpu.memory_space<hbm>>
      %dma_start3A_120 = tpu.memref_slice %arg3[%add3A_118] : memref<9633792xi32, #tpu.memory_space<hbm>> -> memref<6272xi32, #tpu.memory_space<hbm>>
      tpu.enqueue_dma source(%dma_start3A_120 : memref<6272xi32, #tpu.memory_space<hbm>>) target(%arg6 : memref<6272xi32, #tpu.memory_space<vmem>>) target_semaphore(%arg11 : memref<!tpu.dma_semaphore, #tpu.memory_space<semaphore_mem>>)
      %dma_start3A_121 = tpu.memref_slice %arg2[%add3A_118] : memref<9633792xf32, #tpu.memory_space<hbm>> -> memref<6272xf32, #tpu.memory_space<hbm>>
      %dma_start3A_122 = tpu.memref_slice %arg2[%add3A_118] : memref<9633792xf32, #tpu.memory_space<hbm>> -> memref<6272xf32, #tpu.memory_space<hbm>>
      tpu.enqueue_dma source(%dma_start3A_122 : memref<6272xf32, #tpu.memory_space<hbm>>) target(%arg7 : memref<6272xf32, #tpu.memory_space<vmem>>) target_semaphore(%arg11 : memref<!tpu.dma_semaphore, #tpu.memory_space<semaphore_mem>>)
      %mul3A_123 = arith.constant 1204224 : i32
      %mul3A_124 = arith.muli %select_n3A, %mul3A_123 : i32
      %mul3A_125 = arith.constant 75264 : i32
      %mul3A_126 = arith.muli %arg1, %mul3A_125 : i32
      %add3A_127 = arith.addi %mul3A_124, %mul3A_126 : i32
      %add3A_128 = arith.constant 12544 : i32
      %add3A_129 = arith.addi %add3A_127, %add3A_128 : i32
      %dma_wait3A_130 = tpu.memref_slice %arg3[%add3A_129] : memref<9633792xi32, #tpu.memory_space<hbm>> -> memref<6272xi32, #tpu.memory_space<hbm>>
      %dma_wait3A_131 = tpu.memref_slice %arg3[%add3A_129] : memref<9633792xi32, #tpu.memory_space<hbm>> -> memref<6272xi32, #tpu.memory_space<hbm>>
      tpu.wait_dma2 semaphore(%arg11 : memref<!tpu.dma_semaphore, #tpu.memory_space<semaphore_mem>>) src(%dma_wait3A_131 : memref<6272xi32, #tpu.memory_space<hbm>>) dst(%arg6 : memref<6272xi32, #tpu.memory_space<vmem>>)
      %dma_wait3A_132 = tpu.memref_slice %arg2[%add3A_129] : memref<9633792xf32, #tpu.memory_space<hbm>> -> memref<6272xf32, #tpu.memory_space<hbm>>
      %dma_wait3A_133 = tpu.memref_slice %arg2[%add3A_129] : memref<9633792xf32, #tpu.memory_space<hbm>> -> memref<6272xf32, #tpu.memory_space<hbm>>
      tpu.wait_dma2 semaphore(%arg11 : memref<!tpu.dma_semaphore, #tpu.memory_space<semaphore_mem>>) src(%dma_wait3A_133 : memref<6272xf32, #tpu.memory_space<hbm>>) dst(%arg7 : memref<6272xf32, #tpu.memory_space<vmem>>)
      %scan3A_134 = arith.constant 0 : i32
      %scan3A_135 = arith.constant 49 : i32
      %scan3A_136 = arith.addi %scan3A_134, %scan3A_135 : i32
      %scan3A_137 = arith.constant 1 : i32
      scf.for %scan3A_433 = %scan3A_134 to %scan3A_136 step %scan3A_137  : i32 {
        %mul3A_434 = arith.constant 128 : i32
        %mul3A_435 = arith.muli %scan3A_433, %mul3A_434 : i32
        %add3A_436 = arith.constant 0 : i32
        %add3A_437 = arith.addi %mul3A_435, %add3A_436 : i32
        %get3A = arith.index_cast %add3A_437 : i32 to index
        %get3A_438 = tpu.vector_load %arg6[%get3A] {strides = array<i32>} : memref<6272xi32, #tpu.memory_space<vmem>>, vector<16xi32>,
        %get3A_439 = arith.index_cast %add3A_437 : i32 to index
        %get3A_440 = tpu.vector_load %arg7[%get3A_439] {strides = array<i32>} : memref<6272xf32, #tpu.memory_space<vmem>>, vector<16xf32>,
        %ge3A = vector.broadcast %mul3A_43 : i32 to vector<16xi32>
        %ge3A_441 = arith.cmpi sge, %get3A_438, %ge3A : vector<16xi32>
        %add3A_442 = arith.constant 1605632 : i32
        %add3A_443 = arith.addi %mul3A_43, %add3A_442 : i32
        %lt3A_444 = vector.broadcast %add3A_443 : i32 to vector<16xi32>
        %lt3A_445 = arith.cmpi slt, %get3A_438, %lt3A_444 : vector<16xi32>
        %and3A_446 = arith.andi %ge3A_441, %lt3A_445 : vector<16xi1>
        %sub3A_447 = vector.broadcast %mul3A_43 : i32 to vector<16xi32>
        %sub3A_448 = arith.subi %get3A_438, %sub3A_447 : vector<16xi32>
        %shift_right_arithmetic3A = arith.constant 2 : i32
        %shift_right_arithmetic3A_449 = vector.broadcast %shift_right_arithmetic3A : i32 to vector<16xi32>
        %shift_right_arithmetic3A_450 = arith.shrsi %get3A_438, %shift_right_arithmetic3A_449 : vector<16xi32>
        %select_n3A_451 = arith.select %and3A_446, %sub3A_448, %shift_right_arithmetic3A_450 : vector<16xi1>, vector<16xi32>
        %swap3A = arith.index_cast %add3A_437 : i32 to index
        %swap3A_452 = tpu.vector_load %arg6[%swap3A] {strides = array<i32>} : memref<6272xi32, #tpu.memory_space<vmem>>, vector<16xi32>,
        tpu.vector_store %arg6[%swap3A], %select_n3A_451 {strides = array<i32>} : memref<6272xi32, #tpu.memory_space<vmem>>, vector<16xi32>,
        %jit3A_453 = arith.constant 0.000000e+00 : f32
        %broadcast_in_dim3A_454 = vector.broadcast %jit3A_453 : f32 to vector<16xf32>
        %select_n3A_455 = arith.select %and3A_446, %get3A_440, %broadcast_in_dim3A_454 : vector<16xi1>, vector<16xf32>
        %swap3A_456 = arith.index_cast %add3A_437 : i32 to index
        %swap3A_457 = tpu.vector_load %arg7[%swap3A_456] {strides = array<i32>} : memref<6272xf32, #tpu.memory_space<vmem>>, vector<16xf32>,
        tpu.vector_store %arg7[%swap3A_456], %select_n3A_455 {strides = array<i32>} : memref<6272xf32, #tpu.memory_space<vmem>>, vector<16xf32>,
        %mul3A_458 = arith.constant 128 : i32
        %mul3A_459 = arith.muli %scan3A_433, %mul3A_458 : i32
        %add3A_460 = arith.constant 16 : i32
        %add3A_461 = arith.addi %mul3A_459, %add3A_460 : i32
        %get3A_462 = arith.index_cast %add3A_461 : i32 to index
        %get3A_463 = tpu.vector_load %arg6[%get3A_462] {strides = array<i32>} : memref<6272xi32, #tpu.memory_space<vmem>>, vector<16xi32>,
        %get3A_464 = arith.index_cast %add3A_461 : i32 to index
        %get3A_465 = tpu.vector_load %arg7[%get3A_464] {strides = array<i32>} : memref<6272xf32, #tpu.memory_space<vmem>>, vector<16xf32>,
        %ge3A_466 = vector.broadcast %mul3A_43 : i32 to vector<16xi32>
        %ge3A_467 = arith.cmpi sge, %get3A_463, %ge3A_466 : vector<16xi32>
        %add3A_468 = arith.constant 1605632 : i32
        %add3A_469 = arith.addi %mul3A_43, %add3A_468 : i32
        %lt3A_470 = vector.broadcast %add3A_469 : i32 to vector<16xi32>
        %lt3A_471 = arith.cmpi slt, %get3A_463, %lt3A_470 : vector<16xi32>
        %and3A_472 = arith.andi %ge3A_467, %lt3A_471 : vector<16xi1>
        %sub3A_473 = vector.broadcast %mul3A_43 : i32 to vector<16xi32>
        %sub3A_474 = arith.subi %get3A_463, %sub3A_473 : vector<16xi32>
        %shift_right_arithmetic3A_475 = arith.constant 2 : i32
        %shift_right_arithmetic3A_476 = vector.broadcast %shift_right_arithmetic3A_475 : i32 to vector<16xi32>
        %shift_right_arithmetic3A_477 = arith.shrsi %get3A_463, %shift_right_arithmetic3A_476 : vector<16xi32>
        %select_n3A_478 = arith.select %and3A_472, %sub3A_474, %shift_right_arithmetic3A_477 : vector<16xi1>, vector<16xi32>
        %swap3A_479 = arith.index_cast %add3A_461 : i32 to index
        %swap3A_480 = tpu.vector_load %arg6[%swap3A_479] {strides = array<i32>} : memref<6272xi32, #tpu.memory_space<vmem>>, vector<16xi32>,
        tpu.vector_store %arg6[%swap3A_479], %select_n3A_478 {strides = array<i32>} : memref<6272xi32, #tpu.memory_space<vmem>>, vector<16xi32>,
        %jit3A_481 = arith.constant 0.000000e+00 : f32
        %broadcast_in_dim3A_482 = vector.broadcast %jit3A_481 : f32 to vector<16xf32>
        %select_n3A_483 = arith.select %and3A_472, %get3A_465, %broadcast_in_dim3A_482 : vector<16xi1>, vector<16xf32>
        %swap3A_484 = arith.index_cast %add3A_461 : i32 to index
        %swap3A_485 = tpu.vector_load %arg7[%swap3A_484] {strides = array<i32>} : memref<6272xf32, #tpu.memory_space<vmem>>, vector<16xf32>,
        tpu.vector_store %arg7[%swap3A_484], %select_n3A_483 {strides = array<i32>} : memref<6272xf32, #tpu.memory_space<vmem>>, vector<16xf32>,
        %mul3A_486 = arith.constant 128 : i32
        %mul3A_487 = arith.muli %scan3A_433, %mul3A_486 : i32
        %add3A_488 = arith.constant 32 : i32
        %add3A_489 = arith.addi %mul3A_487, %add3A_488 : i32
        %get3A_490 = arith.index_cast %add3A_489 : i32 to index
        %get3A_491 = tpu.vector_load %arg6[%get3A_490] {strides = array<i32>} : memref<6272xi32, #tpu.memory_space<vmem>>, vector<16xi32>,
        %get3A_492 = arith.index_cast %add3A_489 : i32 to index
        %get3A_493 = tpu.vector_load %arg7[%get3A_492] {strides = array<i32>} : memref<6272xf32, #tpu.memory_space<vmem>>, vector<16xf32>,
        %ge3A_494 = vector.broadcast %mul3A_43 : i32 to vector<16xi32>
        %ge3A_495 = arith.cmpi sge, %get3A_491, %ge3A_494 : vector<16xi32>
        %add3A_496 = arith.constant 1605632 : i32
        %add3A_497 = arith.addi %mul3A_43, %add3A_496 : i32
        %lt3A_498 = vector.broadcast %add3A_497 : i32 to vector<16xi32>
        %lt3A_499 = arith.cmpi slt, %get3A_491, %lt3A_498 : vector<16xi32>
        %and3A_500 = arith.andi %ge3A_495, %lt3A_499 : vector<16xi1>
        %sub3A_501 = vector.broadcast %mul3A_43 : i32 to vector<16xi32>
        %sub3A_502 = arith.subi %get3A_491, %sub3A_501 : vector<16xi32>
        %shift_right_arithmetic3A_503 = arith.constant 2 : i32
        %shift_right_arithmetic3A_504 = vector.broadcast %shift_right_arithmetic3A_503 : i32 to vector<16xi32>
        %shift_right_arithmetic3A_505 = arith.shrsi %get3A_491, %shift_right_arithmetic3A_504 : vector<16xi32>
        %select_n3A_506 = arith.select %and3A_500, %sub3A_502, %shift_right_arithmetic3A_505 : vector<16xi1>, vector<16xi32>
        %swap3A_507 = arith.index_cast %add3A_489 : i32 to index
        %swap3A_508 = tpu.vector_load %arg6[%swap3A_507] {strides = array<i32>} : memref<6272xi32, #tpu.memory_space<vmem>>, vector<16xi32>,
        tpu.vector_store %arg6[%swap3A_507], %select_n3A_506 {strides = array<i32>} : memref<6272xi32, #tpu.memory_space<vmem>>, vector<16xi32>,
        %jit3A_509 = arith.constant 0.000000e+00 : f32
        %broadcast_in_dim3A_510 = vector.broadcast %jit3A_509 : f32 to vector<16xf32>
        %select_n3A_511 = arith.select %and3A_500, %get3A_493, %broadcast_in_dim3A_510 : vector<16xi1>, vector<16xf32>
        %swap3A_512 = arith.index_cast %add3A_489 : i32 to index
        %swap3A_513 = tpu.vector_load %arg7[%swap3A_512] {strides = array<i32>} : memref<6272xf32, #tpu.memory_space<vmem>>, vector<16xf32>,
        tpu.vector_store %arg7[%swap3A_512], %select_n3A_511 {strides = array<i32>} : memref<6272xf32, #tpu.memory_space<vmem>>, vector<16xf32>,
        %mul3A_514 = arith.constant 128 : i32
        %mul3A_515 = arith.muli %scan3A_433, %mul3A_514 : i32
        %add3A_516 = arith.constant 48 : i32
        %add3A_517 = arith.addi %mul3A_515, %add3A_516 : i32
        %get3A_518 = arith.index_cast %add3A_517 : i32 to index
        %get3A_519 = tpu.vector_load %arg6[%get3A_518] {strides = array<i32>} : memref<6272xi32, #tpu.memory_space<vmem>>, vector<16xi32>,
        %get3A_520 = arith.index_cast %add3A_517 : i32 to index
        %get3A_521 = tpu.vector_load %arg7[%get3A_520] {strides = array<i32>} : memref<6272xf32, #tpu.memory_space<vmem>>, vector<16xf32>,
        %ge3A_522 = vector.broadcast %mul3A_43 : i32 to vector<16xi32>
        %ge3A_523 = arith.cmpi sge, %get3A_519, %ge3A_522 : vector<16xi32>
        %add3A_524 = arith.constant 1605632 : i32
        %add3A_525 = arith.addi %mul3A_43, %add3A_524 : i32
        %lt3A_526 = vector.broadcast %add3A_525 : i32 to vector<16xi32>
        %lt3A_527 = arith.cmpi slt, %get3A_519, %lt3A_526 : vector<16xi32>
        %and3A_528 = arith.andi %ge3A_523, %lt3A_527 : vector<16xi1>
        %sub3A_529 = vector.broadcast %mul3A_43 : i32 to vector<16xi32>
        %sub3A_530 = arith.subi %get3A_519, %sub3A_529 : vector<16xi32>
        %shift_right_arithmetic3A_531 = arith.constant 2 : i32
        %shift_right_arithmetic3A_532 = vector.broadcast %shift_right_arithmetic3A_531 : i32 to vector<16xi32>
        %shift_right_arithmetic3A_533 = arith.shrsi %get3A_519, %shift_right_arithmetic3A_532 : vector<16xi32>
        %select_n3A_534 = arith.select %and3A_528, %sub3A_530, %shift_right_arithmetic3A_533 : vector<16xi1>, vector<16xi32>
        %swap3A_535 = arith.index_cast %add3A_517 : i32 to index
        %swap3A_536 = tpu.vector_load %arg6[%swap3A_535] {strides = array<i32>} : memref<6272xi32, #tpu.memory_space<vmem>>, vector<16xi32>,
        tpu.vector_store %arg6[%swap3A_535], %select_n3A_534 {strides = array<i32>} : memref<6272xi32, #tpu.memory_space<vmem>>, vector<16xi32>,
        %jit3A_537 = arith.constant 0.000000e+00 : f32
        %broadcast_in_dim3A_538 = vector.broadcast %jit3A_537 : f32 to vector<16xf32>
        %select_n3A_539 = arith.select %and3A_528, %get3A_521, %broadcast_in_dim3A_538 : vector<16xi1>, vector<16xf32>
        %swap3A_540 = arith.index_cast %add3A_517 : i32 to index
        %swap3A_541 = tpu.vector_load %arg7[%swap3A_540] {strides = array<i32>} : memref<6272xf32, #tpu.memory_space<vmem>>, vector<16xf32>,
        tpu.vector_store %arg7[%swap3A_540], %select_n3A_539 {strides = array<i32>} : memref<6272xf32, #tpu.memory_space<vmem>>, vector<16xf32>,
        %mul3A_542 = arith.constant 128 : i32
        %mul3A_543 = arith.muli %scan3A_433, %mul3A_542 : i32
        %add3A_544 = arith.constant 64 : i32
        %add3A_545 = arith.addi %mul3A_543, %add3A_544 : i32
        %get3A_546 = arith.index_cast %add3A_545 : i32 to index
        %get3A_547 = tpu.vector_load %arg6[%get3A_546] {strides = array<i32>} : memref<6272xi32, #tpu.memory_space<vmem>>, vector<16xi32>,
        %get3A_548 = arith.index_cast %add3A_545 : i32 to index
        %get3A_549 = tpu.vector_load %arg7[%get3A_548] {strides = array<i32>} : memref<6272xf32, #tpu.memory_space<vmem>>, vector<16xf32>,
        %ge3A_550 = vector.broadcast %mul3A_43 : i32 to vector<16xi32>
        %ge3A_551 = arith.cmpi sge, %get3A_547, %ge3A_550 : vector<16xi32>
        %add3A_552 = arith.constant 1605632 : i32
        %add3A_553 = arith.addi %mul3A_43, %add3A_552 : i32
        %lt3A_554 = vector.broadcast %add3A_553 : i32 to vector<16xi32>
        %lt3A_555 = arith.cmpi slt, %get3A_547, %lt3A_554 : vector<16xi32>
        %and3A_556 = arith.andi %ge3A_551, %lt3A_555 : vector<16xi1>
        %sub3A_557 = vector.broadcast %mul3A_43 : i32 to vector<16xi32>
        %sub3A_558 = arith.subi %get3A_547, %sub3A_557 : vector<16xi32>
        %shift_right_arithmetic3A_559 = arith.constant 2 : i32
        %shift_right_arithmetic3A_560 = vector.broadcast %shift_right_arithmetic3A_559 : i32 to vector<16xi32>
        %shift_right_arithmetic3A_561 = arith.shrsi %get3A_547, %shift_right_arithmetic3A_560 : vector<16xi32>
        %select_n3A_562 = arith.select %and3A_556, %sub3A_558, %shift_right_arithmetic3A_561 : vector<16xi1>, vector<16xi32>
        %swap3A_563 = arith.index_cast %add3A_545 : i32 to index
        %swap3A_564 = tpu.vector_load %arg6[%swap3A_563] {strides = array<i32>} : memref<6272xi32, #tpu.memory_space<vmem>>, vector<16xi32>,
        tpu.vector_store %arg6[%swap3A_563], %select_n3A_562 {strides = array<i32>} : memref<6272xi32, #tpu.memory_space<vmem>>, vector<16xi32>,
        %jit3A_565 = arith.constant 0.000000e+00 : f32
        %broadcast_in_dim3A_566 = vector.broadcast %jit3A_565 : f32 to vector<16xf32>
        %select_n3A_567 = arith.select %and3A_556, %get3A_549, %broadcast_in_dim3A_566 : vector<16xi1>, vector<16xf32>
        %swap3A_568 = arith.index_cast %add3A_545 : i32 to index
        %swap3A_569 = tpu.vector_load %arg7[%swap3A_568] {strides = array<i32>} : memref<6272xf32, #tpu.memory_space<vmem>>, vector<16xf32>,
        tpu.vector_store %arg7[%swap3A_568], %select_n3A_567 {strides = array<i32>} : memref<6272xf32, #tpu.memory_space<vmem>>, vector<16xf32>,
        %mul3A_570 = arith.constant 128 : i32
        %mul3A_571 = arith.muli %scan3A_433, %mul3A_570 : i32
        %add3A_572 = arith.constant 80 : i32
        %add3A_573 = arith.addi %mul3A_571, %add3A_572 : i32
        %get3A_574 = arith.index_cast %add3A_573 : i32 to index
        %get3A_575 = tpu.vector_load %arg6[%get3A_574] {strides = array<i32>} : memref<6272xi32, #tpu.memory_space<vmem>>, vector<16xi32>,
        %get3A_576 = arith.index_cast %add3A_573 : i32 to index
        %get3A_577 = tpu.vector_load %arg7[%get3A_576] {strides = array<i32>} : memref<6272xf32, #tpu.memory_space<vmem>>, vector<16xf32>,
        %ge3A_578 = vector.broadcast %mul3A_43 : i32 to vector<16xi32>
        %ge3A_579 = arith.cmpi sge, %get3A_575, %ge3A_578 : vector<16xi32>
        %add3A_580 = arith.constant 1605632 : i32
        %add3A_581 = arith.addi %mul3A_43, %add3A_580 : i32
        %lt3A_582 = vector.broadcast %add3A_581 : i32 to vector<16xi32>
        %lt3A_583 = arith.cmpi slt, %get3A_575, %lt3A_582 : vector<16xi32>
        %and3A_584 = arith.andi %ge3A_579, %lt3A_583 : vector<16xi1>
        %sub3A_585 = vector.broadcast %mul3A_43 : i32 to vector<16xi32>
        %sub3A_586 = arith.subi %get3A_575, %sub3A_585 : vector<16xi32>
        %shift_right_arithmetic3A_587 = arith.constant 2 : i32
        %shift_right_arithmetic3A_588 = vector.broadcast %shift_right_arithmetic3A_587 : i32 to vector<16xi32>
        %shift_right_arithmetic3A_589 = arith.shrsi %get3A_575, %shift_right_arithmetic3A_588 : vector<16xi32>
        %select_n3A_590 = arith.select %and3A_584, %sub3A_586, %shift_right_arithmetic3A_589 : vector<16xi1>, vector<16xi32>
        %swap3A_591 = arith.index_cast %add3A_573 : i32 to index
        %swap3A_592 = tpu.vector_load %arg6[%swap3A_591] {strides = array<i32>} : memref<6272xi32, #tpu.memory_space<vmem>>, vector<16xi32>,
        tpu.vector_store %arg6[%swap3A_591], %select_n3A_590 {strides = array<i32>} : memref<6272xi32, #tpu.memory_space<vmem>>, vector<16xi32>,
        %jit3A_593 = arith.constant 0.000000e+00 : f32
        %broadcast_in_dim3A_594 = vector.broadcast %jit3A_593 : f32 to vector<16xf32>
        %select_n3A_595 = arith.select %and3A_584, %get3A_577, %broadcast_in_dim3A_594 : vector<16xi1>, vector<16xf32>
        %swap3A_596 = arith.index_cast %add3A_573 : i32 to index
        %swap3A_597 = tpu.vector_load %arg7[%swap3A_596] {strides = array<i32>} : memref<6272xf32, #tpu.memory_space<vmem>>, vector<16xf32>,
        tpu.vector_store %arg7[%swap3A_596], %select_n3A_595 {strides = array<i32>} : memref<6272xf32, #tpu.memory_space<vmem>>, vector<16xf32>,
        %mul3A_598 = arith.constant 128 : i32
        %mul3A_599 = arith.muli %scan3A_433, %mul3A_598 : i32
        %add3A_600 = arith.constant 96 : i32
        %add3A_601 = arith.addi %mul3A_599, %add3A_600 : i32
        %get3A_602 = arith.index_cast %add3A_601 : i32 to index
        %get3A_603 = tpu.vector_load %arg6[%get3A_602] {strides = array<i32>} : memref<6272xi32, #tpu.memory_space<vmem>>, vector<16xi32>,
        %get3A_604 = arith.index_cast %add3A_601 : i32 to index
        %get3A_605 = tpu.vector_load %arg7[%get3A_604] {strides = array<i32>} : memref<6272xf32, #tpu.memory_space<vmem>>, vector<16xf32>,
        %ge3A_606 = vector.broadcast %mul3A_43 : i32 to vector<16xi32>
        %ge3A_607 = arith.cmpi sge, %get3A_603, %ge3A_606 : vector<16xi32>
        %add3A_608 = arith.constant 1605632 : i32
        %add3A_609 = arith.addi %mul3A_43, %add3A_608 : i32
        %lt3A_610 = vector.broadcast %add3A_609 : i32 to vector<16xi32>
        %lt3A_611 = arith.cmpi slt, %get3A_603, %lt3A_610 : vector<16xi32>
        %and3A_612 = arith.andi %ge3A_607, %lt3A_611 : vector<16xi1>
        %sub3A_613 = vector.broadcast %mul3A_43 : i32 to vector<16xi32>
        %sub3A_614 = arith.subi %get3A_603, %sub3A_613 : vector<16xi32>
        %shift_right_arithmetic3A_615 = arith.constant 2 : i32
        %shift_right_arithmetic3A_616 = vector.broadcast %shift_right_arithmetic3A_615 : i32 to vector<16xi32>
        %shift_right_arithmetic3A_617 = arith.shrsi %get3A_603, %shift_right_arithmetic3A_616 : vector<16xi32>
        %select_n3A_618 = arith.select %and3A_612, %sub3A_614, %shift_right_arithmetic3A_617 : vector<16xi1>, vector<16xi32>
        %swap3A_619 = arith.index_cast %add3A_601 : i32 to index
        %swap3A_620 = tpu.vector_load %arg6[%swap3A_619] {strides = array<i32>} : memref<6272xi32, #tpu.memory_space<vmem>>, vector<16xi32>,
        tpu.vector_store %arg6[%swap3A_619], %select_n3A_618 {strides = array<i32>} : memref<6272xi32, #tpu.memory_space<vmem>>, vector<16xi32>,
        %jit3A_621 = arith.constant 0.000000e+00 : f32
        %broadcast_in_dim3A_622 = vector.broadcast %jit3A_621 : f32 to vector<16xf32>
        %select_n3A_623 = arith.select %and3A_612, %get3A_605, %broadcast_in_dim3A_622 : vector<16xi1>, vector<16xf32>
        %swap3A_624 = arith.index_cast %add3A_601 : i32 to index
        %swap3A_625 = tpu.vector_load %arg7[%swap3A_624] {strides = array<i32>} : memref<6272xf32, #tpu.memory_space<vmem>>, vector<16xf32>,
        tpu.vector_store %arg7[%swap3A_624], %select_n3A_623 {strides = array<i32>} : memref<6272xf32, #tpu.memory_space<vmem>>, vector<16xf32>,
        %mul3A_626 = arith.constant 128 : i32
        %mul3A_627 = arith.muli %scan3A_433, %mul3A_626 : i32
        %add3A_628 = arith.constant 112 : i32
        %add3A_629 = arith.addi %mul3A_627, %add3A_628 : i32
        %get3A_630 = arith.index_cast %add3A_629 : i32 to index
        %get3A_631 = tpu.vector_load %arg6[%get3A_630] {strides = array<i32>} : memref<6272xi32, #tpu.memory_space<vmem>>, vector<16xi32>,
        %get3A_632 = arith.index_cast %add3A_629 : i32 to index
        %get3A_633 = tpu.vector_load %arg7[%get3A_632] {strides = array<i32>} : memref<6272xf32, #tpu.memory_space<vmem>>, vector<16xf32>,
        %ge3A_634 = vector.broadcast %mul3A_43 : i32 to vector<16xi32>
        %ge3A_635 = arith.cmpi sge, %get3A_631, %ge3A_634 : vector<16xi32>
        %add3A_636 = arith.constant 1605632 : i32
        %add3A_637 = arith.addi %mul3A_43, %add3A_636 : i32
        %lt3A_638 = vector.broadcast %add3A_637 : i32 to vector<16xi32>
        %lt3A_639 = arith.cmpi slt, %get3A_631, %lt3A_638 : vector<16xi32>
        %and3A_640 = arith.andi %ge3A_635, %lt3A_639 : vector<16xi1>
        %sub3A_641 = vector.broadcast %mul3A_43 : i32 to vector<16xi32>
        %sub3A_642 = arith.subi %get3A_631, %sub3A_641 : vector<16xi32>
        %shift_right_arithmetic3A_643 = arith.constant 2 : i32
        %shift_right_arithmetic3A_644 = vector.broadcast %shift_right_arithmetic3A_643 : i32 to vector<16xi32>
        %shift_right_arithmetic3A_645 = arith.shrsi %get3A_631, %shift_right_arithmetic3A_644 : vector<16xi32>
        %select_n3A_646 = arith.select %and3A_640, %sub3A_642, %shift_right_arithmetic3A_645 : vector<16xi1>, vector<16xi32>
        %swap3A_647 = arith.index_cast %add3A_629 : i32 to index
        %swap3A_648 = tpu.vector_load %arg6[%swap3A_647] {strides = array<i32>} : memref<6272xi32, #tpu.memory_space<vmem>>, vector<16xi32>,
        tpu.vector_store %arg6[%swap3A_647], %select_n3A_646 {strides = array<i32>} : memref<6272xi32, #tpu.memory_space<vmem>>, vector<16xi32>,
        %jit3A_649 = arith.constant 0.000000e+00 : f32
        %broadcast_in_dim3A_650 = vector.broadcast %jit3A_649 : f32 to vector<16xf32>
        %select_n3A_651 = arith.select %and3A_640, %get3A_633, %broadcast_in_dim3A_650 : vector<16xi1>, vector<16xf32>
        %swap3A_652 = arith.index_cast %add3A_629 : i32 to index
        %swap3A_653 = tpu.vector_load %arg7[%swap3A_652] {strides = array<i32>} : memref<6272xf32, #tpu.memory_space<vmem>>, vector<16xf32>,
        tpu.vector_store %arg7[%swap3A_652], %select_n3A_651 {strides = array<i32>} : memref<6272xf32, #tpu.memory_space<vmem>>, vector<16xf32>,
      }
      %scan3A_138 = arith.constant 49 : i32
      %dma_start3A_139 = arith.constant 0 : i32
      %dma_start3A_140 = tpu.memref_slice %arg5[%dma_start3A_139] : memref<1605632xf32, #tpu.memory_space<vmem_shared>> -> memref<1605632xf32, #tpu.memory_space<vmem_shared>>
      tpu.enqueue_indirect_dma source(%arg7 : memref<6272xf32, #tpu.memory_space<vmem>>) target(%dma_start3A_140 : memref<1605632xf32, #tpu.memory_space<vmem_shared>>) offsets(%arg6 : memref<6272xi32, #tpu.memory_space<vmem>>) semaphore(%arg13 : memref<!tpu.dma_semaphore, #tpu.memory_space<semaphore_mem>>) {add = true}
      %dma_wait3A_141 = arith.constant 0 : i32
      %dma_wait3A_142 = tpu.memref_slice %arg5[%dma_wait3A_141] : memref<1605632xf32, #tpu.memory_space<vmem_shared>> -> memref<1605632xf32, #tpu.memory_space<vmem_shared>>
      tpu.wait_indirect_dma semaphore(%arg14 : memref<!tpu.dma_semaphore, #tpu.memory_space<semaphore_mem>>) src(%arg9 : memref<6272xf32, #tpu.memory_space<vmem>>) dst(%dma_wait3A_142 : memref<1605632xf32, #tpu.memory_space<vmem_shared>>)
      %mul3A_143 = arith.constant 1204224 : i32
      %mul3A_144 = arith.muli %select_n3A, %mul3A_143 : i32
      %mul3A_145 = arith.constant 75264 : i32
      %mul3A_146 = arith.muli %arg1, %mul3A_145 : i32
      %add3A_147 = arith.addi %mul3A_144, %mul3A_146 : i32
      %add3A_148 = arith.constant 18816 : i32
      %add3A_149 = arith.addi %add3A_147, %add3A_148 : i32
      %dma_start3A_150 = tpu.memref_slice %arg3[%add3A_149] : memref<9633792xi32, #tpu.memory_space<hbm>> -> memref<6272xi32, #tpu.memory_space<hbm>>
      %dma_start3A_151 = tpu.memref_slice %arg3[%add3A_149] : memref<9633792xi32, #tpu.memory_space<hbm>> -> memref<6272xi32, #tpu.memory_space<hbm>>
      tpu.enqueue_dma source(%dma_start3A_151 : memref<6272xi32, #tpu.memory_space<hbm>>) target(%arg8 : memref<6272xi32, #tpu.memory_space<vmem>>) target_semaphore(%arg12 : memref<!tpu.dma_semaphore, #tpu.memory_space<semaphore_mem>>)
      %dma_start3A_152 = tpu.memref_slice %arg2[%add3A_149] : memref<9633792xf32, #tpu.memory_space<hbm>> -> memref<6272xf32, #tpu.memory_space<hbm>>
      %dma_start3A_153 = tpu.memref_slice %arg2[%add3A_149] : memref<9633792xf32, #tpu.memory_space<hbm>> -> memref<6272xf32, #tpu.memory_space<hbm>>
      tpu.enqueue_dma source(%dma_start3A_153 : memref<6272xf32, #tpu.memory_space<hbm>>) target(%arg9 : memref<6272xf32, #tpu.memory_space<vmem>>) target_semaphore(%arg12 : memref<!tpu.dma_semaphore, #tpu.memory_space<semaphore_mem>>)
      %mul3A_154 = arith.constant 1204224 : i32
      %mul3A_155 = arith.muli %select_n3A, %mul3A_154 : i32
      %mul3A_156 = arith.constant 75264 : i32
      %mul3A_157 = arith.muli %arg1, %mul3A_156 : i32
      %add3A_158 = arith.addi %mul3A_155, %mul3A_157 : i32
      %add3A_159 = arith.constant 18816 : i32
      %add3A_160 = arith.addi %add3A_158, %add3A_159 : i32
      %dma_wait3A_161 = tpu.memref_slice %arg3[%add3A_160] : memref<9633792xi32, #tpu.memory_space<hbm>> -> memref<6272xi32, #tpu.memory_space<hbm>>
      %dma_wait3A_162 = tpu.memref_slice %arg3[%add3A_160] : memref<9633792xi32, #tpu.memory_space<hbm>> -> memref<6272xi32, #tpu.memory_space<hbm>>
      tpu.wait_dma2 semaphore(%arg12 : memref<!tpu.dma_semaphore, #tpu.memory_space<semaphore_mem>>) src(%dma_wait3A_162 : memref<6272xi32, #tpu.memory_space<hbm>>) dst(%arg8 : memref<6272xi32, #tpu.memory_space<vmem>>)
      %dma_wait3A_163 = tpu.memref_slice %arg2[%add3A_160] : memref<9633792xf32, #tpu.memory_space<hbm>> -> memref<6272xf32, #tpu.memory_space<hbm>>
      %dma_wait3A_164 = tpu.memref_slice %arg2[%add3A_160] : memref<9633792xf32, #tpu.memory_space<hbm>> -> memref<6272xf32, #tpu.memory_space<hbm>>
      tpu.wait_dma2 semaphore(%arg12 : memref<!tpu.dma_semaphore, #tpu.memory_space<semaphore_mem>>) src(%dma_wait3A_164 : memref<6272xf32, #tpu.memory_space<hbm>>) dst(%arg9 : memref<6272xf32, #tpu.memory_space<vmem>>)
      %scan3A_165 = arith.constant 0 : i32
      %scan3A_166 = arith.constant 49 : i32
      %scan3A_167 = arith.addi %scan3A_165, %scan3A_166 : i32
      %scan3A_168 = arith.constant 1 : i32
      scf.for %scan3A_433 = %scan3A_165 to %scan3A_167 step %scan3A_168  : i32 {
        %mul3A_434 = arith.constant 128 : i32
        %mul3A_435 = arith.muli %scan3A_433, %mul3A_434 : i32
        %add3A_436 = arith.constant 0 : i32
        %add3A_437 = arith.addi %mul3A_435, %add3A_436 : i32
        %get3A = arith.index_cast %add3A_437 : i32 to index
        %get3A_438 = tpu.vector_load %arg8[%get3A] {strides = array<i32>} : memref<6272xi32, #tpu.memory_space<vmem>>, vector<16xi32>,
        %get3A_439 = arith.index_cast %add3A_437 : i32 to index
        %get3A_440 = tpu.vector_load %arg9[%get3A_439] {strides = array<i32>} : memref<6272xf32, #tpu.memory_space<vmem>>, vector<16xf32>,
        %ge3A = vector.broadcast %mul3A_43 : i32 to vector<16xi32>
        %ge3A_441 = arith.cmpi sge, %get3A_438, %ge3A : vector<16xi32>
        %add3A_442 = arith.constant 1605632 : i32
        %add3A_443 = arith.addi %mul3A_43, %add3A_442 : i32
        %lt3A_444 = vector.broadcast %add3A_443 : i32 to vector<16xi32>
        %lt3A_445 = arith.cmpi slt, %get3A_438, %lt3A_444 : vector<16xi32>
        %and3A_446 = arith.andi %ge3A_441, %lt3A_445 : vector<16xi1>
        %sub3A_447 = vector.broadcast %mul3A_43 : i32 to vector<16xi32>
        %sub3A_448 = arith.subi %get3A_438, %sub3A_447 : vector<16xi32>
        %shift_right_arithmetic3A = arith.constant 2 : i32
        %shift_right_arithmetic3A_449 = vector.broadcast %shift_right_arithmetic3A : i32 to vector<16xi32>
        %shift_right_arithmetic3A_450 = arith.shrsi %get3A_438, %shift_right_arithmetic3A_449 : vector<16xi32>
        %select_n3A_451 = arith.select %and3A_446, %sub3A_448, %shift_right_arithmetic3A_450 : vector<16xi1>, vector<16xi32>
        %swap3A = arith.index_cast %add3A_437 : i32 to index
        %swap3A_452 = tpu.vector_load %arg8[%swap3A] {strides = array<i32>} : memref<6272xi32, #tpu.memory_space<vmem>>, vector<16xi32>,
        tpu.vector_store %arg8[%swap3A], %select_n3A_451 {strides = array<i32>} : memref<6272xi32, #tpu.memory_space<vmem>>, vector<16xi32>,
        %jit3A_453 = arith.constant 0.000000e+00 : f32
        %broadcast_in_dim3A_454 = vector.broadcast %jit3A_453 : f32 to vector<16xf32>
        %select_n3A_455 = arith.select %and3A_446, %get3A_440, %broadcast_in_dim3A_454 : vector<16xi1>, vector<16xf32>
        %swap3A_456 = arith.index_cast %add3A_437 : i32 to index
        %swap3A_457 = tpu.vector_load %arg9[%swap3A_456] {strides = array<i32>} : memref<6272xf32, #tpu.memory_space<vmem>>, vector<16xf32>,
        tpu.vector_store %arg9[%swap3A_456], %select_n3A_455 {strides = array<i32>} : memref<6272xf32, #tpu.memory_space<vmem>>, vector<16xf32>,
        %mul3A_458 = arith.constant 128 : i32
        %mul3A_459 = arith.muli %scan3A_433, %mul3A_458 : i32
        %add3A_460 = arith.constant 16 : i32
        %add3A_461 = arith.addi %mul3A_459, %add3A_460 : i32
        %get3A_462 = arith.index_cast %add3A_461 : i32 to index
        %get3A_463 = tpu.vector_load %arg8[%get3A_462] {strides = array<i32>} : memref<6272xi32, #tpu.memory_space<vmem>>, vector<16xi32>,
        %get3A_464 = arith.index_cast %add3A_461 : i32 to index
        %get3A_465 = tpu.vector_load %arg9[%get3A_464] {strides = array<i32>} : memref<6272xf32, #tpu.memory_space<vmem>>, vector<16xf32>,
        %ge3A_466 = vector.broadcast %mul3A_43 : i32 to vector<16xi32>
        %ge3A_467 = arith.cmpi sge, %get3A_463, %ge3A_466 : vector<16xi32>
        %add3A_468 = arith.constant 1605632 : i32
        %add3A_469 = arith.addi %mul3A_43, %add3A_468 : i32
        %lt3A_470 = vector.broadcast %add3A_469 : i32 to vector<16xi32>
        %lt3A_471 = arith.cmpi slt, %get3A_463, %lt3A_470 : vector<16xi32>
        %and3A_472 = arith.andi %ge3A_467, %lt3A_471 : vector<16xi1>
        %sub3A_473 = vector.broadcast %mul3A_43 : i32 to vector<16xi32>
        %sub3A_474 = arith.subi %get3A_463, %sub3A_473 : vector<16xi32>
        %shift_right_arithmetic3A_475 = arith.constant 2 : i32
        %shift_right_arithmetic3A_476 = vector.broadcast %shift_right_arithmetic3A_475 : i32 to vector<16xi32>
        %shift_right_arithmetic3A_477 = arith.shrsi %get3A_463, %shift_right_arithmetic3A_476 : vector<16xi32>
        %select_n3A_478 = arith.select %and3A_472, %sub3A_474, %shift_right_arithmetic3A_477 : vector<16xi1>, vector<16xi32>
        %swap3A_479 = arith.index_cast %add3A_461 : i32 to index
        %swap3A_480 = tpu.vector_load %arg8[%swap3A_479] {strides = array<i32>} : memref<6272xi32, #tpu.memory_space<vmem>>, vector<16xi32>,
        tpu.vector_store %arg8[%swap3A_479], %select_n3A_478 {strides = array<i32>} : memref<6272xi32, #tpu.memory_space<vmem>>, vector<16xi32>,
        %jit3A_481 = arith.constant 0.000000e+00 : f32
        %broadcast_in_dim3A_482 = vector.broadcast %jit3A_481 : f32 to vector<16xf32>
        %select_n3A_483 = arith.select %and3A_472, %get3A_465, %broadcast_in_dim3A_482 : vector<16xi1>, vector<16xf32>
        %swap3A_484 = arith.index_cast %add3A_461 : i32 to index
        %swap3A_485 = tpu.vector_load %arg9[%swap3A_484] {strides = array<i32>} : memref<6272xf32, #tpu.memory_space<vmem>>, vector<16xf32>,
        tpu.vector_store %arg9[%swap3A_484], %select_n3A_483 {strides = array<i32>} : memref<6272xf32, #tpu.memory_space<vmem>>, vector<16xf32>,
        %mul3A_486 = arith.constant 128 : i32
        %mul3A_487 = arith.muli %scan3A_433, %mul3A_486 : i32
        %add3A_488 = arith.constant 32 : i32
        %add3A_489 = arith.addi %mul3A_487, %add3A_488 : i32
        %get3A_490 = arith.index_cast %add3A_489 : i32 to index
        %get3A_491 = tpu.vector_load %arg8[%get3A_490] {strides = array<i32>} : memref<6272xi32, #tpu.memory_space<vmem>>, vector<16xi32>,
        %get3A_492 = arith.index_cast %add3A_489 : i32 to index
        %get3A_493 = tpu.vector_load %arg9[%get3A_492] {strides = array<i32>} : memref<6272xf32, #tpu.memory_space<vmem>>, vector<16xf32>,
        %ge3A_494 = vector.broadcast %mul3A_43 : i32 to vector<16xi32>
        %ge3A_495 = arith.cmpi sge, %get3A_491, %ge3A_494 : vector<16xi32>
        %add3A_496 = arith.constant 1605632 : i32
        %add3A_497 = arith.addi %mul3A_43, %add3A_496 : i32
        %lt3A_498 = vector.broadcast %add3A_497 : i32 to vector<16xi32>
        %lt3A_499 = arith.cmpi slt, %get3A_491, %lt3A_498 : vector<16xi32>
        %and3A_500 = arith.andi %ge3A_495, %lt3A_499 : vector<16xi1>
        %sub3A_501 = vector.broadcast %mul3A_43 : i32 to vector<16xi32>
        %sub3A_502 = arith.subi %get3A_491, %sub3A_501 : vector<16xi32>
        %shift_right_arithmetic3A_503 = arith.constant 2 : i32
        %shift_right_arithmetic3A_504 = vector.broadcast %shift_right_arithmetic3A_503 : i32 to vector<16xi32>
        %shift_right_arithmetic3A_505 = arith.shrsi %get3A_491, %shift_right_arithmetic3A_504 : vector<16xi32>
        %select_n3A_506 = arith.select %and3A_500, %sub3A_502, %shift_right_arithmetic3A_505 : vector<16xi1>, vector<16xi32>
        %swap3A_507 = arith.index_cast %add3A_489 : i32 to index
        %swap3A_508 = tpu.vector_load %arg8[%swap3A_507] {strides = array<i32>} : memref<6272xi32, #tpu.memory_space<vmem>>, vector<16xi32>,
        tpu.vector_store %arg8[%swap3A_507], %select_n3A_506 {strides = array<i32>} : memref<6272xi32, #tpu.memory_space<vmem>>, vector<16xi32>,
        %jit3A_509 = arith.constant 0.000000e+00 : f32
        %broadcast_in_dim3A_510 = vector.broadcast %jit3A_509 : f32 to vector<16xf32>
        %select_n3A_511 = arith.select %and3A_500, %get3A_493, %broadcast_in_dim3A_510 : vector<16xi1>, vector<16xf32>
        %swap3A_512 = arith.index_cast %add3A_489 : i32 to index
        %swap3A_513 = tpu.vector_load %arg9[%swap3A_512] {strides = array<i32>} : memref<6272xf32, #tpu.memory_space<vmem>>, vector<16xf32>,
        tpu.vector_store %arg9[%swap3A_512], %select_n3A_511 {strides = array<i32>} : memref<6272xf32, #tpu.memory_space<vmem>>, vector<16xf32>,
        %mul3A_514 = arith.constant 128 : i32
        %mul3A_515 = arith.muli %scan3A_433, %mul3A_514 : i32
        %add3A_516 = arith.constant 48 : i32
        %add3A_517 = arith.addi %mul3A_515, %add3A_516 : i32
        %get3A_518 = arith.index_cast %add3A_517 : i32 to index
        %get3A_519 = tpu.vector_load %arg8[%get3A_518] {strides = array<i32>} : memref<6272xi32, #tpu.memory_space<vmem>>, vector<16xi32>,
        %get3A_520 = arith.index_cast %add3A_517 : i32 to index
        %get3A_521 = tpu.vector_load %arg9[%get3A_520] {strides = array<i32>} : memref<6272xf32, #tpu.memory_space<vmem>>, vector<16xf32>,
        %ge3A_522 = vector.broadcast %mul3A_43 : i32 to vector<16xi32>
        %ge3A_523 = arith.cmpi sge, %get3A_519, %ge3A_522 : vector<16xi32>
        %add3A_524 = arith.constant 1605632 : i32
        %add3A_525 = arith.addi %mul3A_43, %add3A_524 : i32
        %lt3A_526 = vector.broadcast %add3A_525 : i32 to vector<16xi32>
        %lt3A_527 = arith.cmpi slt, %get3A_519, %lt3A_526 : vector<16xi32>
        %and3A_528 = arith.andi %ge3A_523, %lt3A_527 : vector<16xi1>
        %sub3A_529 = vector.broadcast %mul3A_43 : i32 to vector<16xi32>
        %sub3A_530 = arith.subi %get3A_519, %sub3A_529 : vector<16xi32>
        %shift_right_arithmetic3A_531 = arith.constant 2 : i32
        %shift_right_arithmetic3A_532 = vector.broadcast %shift_right_arithmetic3A_531 : i32 to vector<16xi32>
        %shift_right_arithmetic3A_533 = arith.shrsi %get3A_519, %shift_right_arithmetic3A_532 : vector<16xi32>
        %select_n3A_534 = arith.select %and3A_528, %sub3A_530, %shift_right_arithmetic3A_533 : vector<16xi1>, vector<16xi32>
        %swap3A_535 = arith.index_cast %add3A_517 : i32 to index
        %swap3A_536 = tpu.vector_load %arg8[%swap3A_535] {strides = array<i32>} : memref<6272xi32, #tpu.memory_space<vmem>>, vector<16xi32>,
        tpu.vector_store %arg8[%swap3A_535], %select_n3A_534 {strides = array<i32>} : memref<6272xi32, #tpu.memory_space<vmem>>, vector<16xi32>,
        %jit3A_537 = arith.constant 0.000000e+00 : f32
        %broadcast_in_dim3A_538 = vector.broadcast %jit3A_537 : f32 to vector<16xf32>
        %select_n3A_539 = arith.select %and3A_528, %get3A_521, %broadcast_in_dim3A_538 : vector<16xi1>, vector<16xf32>
        %swap3A_540 = arith.index_cast %add3A_517 : i32 to index
        %swap3A_541 = tpu.vector_load %arg9[%swap3A_540] {strides = array<i32>} : memref<6272xf32, #tpu.memory_space<vmem>>, vector<16xf32>,
        tpu.vector_store %arg9[%swap3A_540], %select_n3A_539 {strides = array<i32>} : memref<6272xf32, #tpu.memory_space<vmem>>, vector<16xf32>,
        %mul3A_542 = arith.constant 128 : i32
        %mul3A_543 = arith.muli %scan3A_433, %mul3A_542 : i32
        %add3A_544 = arith.constant 64 : i32
        %add3A_545 = arith.addi %mul3A_543, %add3A_544 : i32
        %get3A_546 = arith.index_cast %add3A_545 : i32 to index
        %get3A_547 = tpu.vector_load %arg8[%get3A_546] {strides = array<i32>} : memref<6272xi32, #tpu.memory_space<vmem>>, vector<16xi32>,
        %get3A_548 = arith.index_cast %add3A_545 : i32 to index
        %get3A_549 = tpu.vector_load %arg9[%get3A_548] {strides = array<i32>} : memref<6272xf32, #tpu.memory_space<vmem>>, vector<16xf32>,
        %ge3A_550 = vector.broadcast %mul3A_43 : i32 to vector<16xi32>
        %ge3A_551 = arith.cmpi sge, %get3A_547, %ge3A_550 : vector<16xi32>
        %add3A_552 = arith.constant 1605632 : i32
        %add3A_553 = arith.addi %mul3A_43, %add3A_552 : i32
        %lt3A_554 = vector.broadcast %add3A_553 : i32 to vector<16xi32>
        %lt3A_555 = arith.cmpi slt, %get3A_547, %lt3A_554 : vector<16xi32>
        %and3A_556 = arith.andi %ge3A_551, %lt3A_555 : vector<16xi1>
        %sub3A_557 = vector.broadcast %mul3A_43 : i32 to vector<16xi32>
        %sub3A_558 = arith.subi %get3A_547, %sub3A_557 : vector<16xi32>
        %shift_right_arithmetic3A_559 = arith.constant 2 : i32
        %shift_right_arithmetic3A_560 = vector.broadcast %shift_right_arithmetic3A_559 : i32 to vector<16xi32>
        %shift_right_arithmetic3A_561 = arith.shrsi %get3A_547, %shift_right_arithmetic3A_560 : vector<16xi32>
        %select_n3A_562 = arith.select %and3A_556, %sub3A_558, %shift_right_arithmetic3A_561 : vector<16xi1>, vector<16xi32>
        %swap3A_563 = arith.index_cast %add3A_545 : i32 to index
        %swap3A_564 = tpu.vector_load %arg8[%swap3A_563] {strides = array<i32>} : memref<6272xi32, #tpu.memory_space<vmem>>, vector<16xi32>,
        tpu.vector_store %arg8[%swap3A_563], %select_n3A_562 {strides = array<i32>} : memref<6272xi32, #tpu.memory_space<vmem>>, vector<16xi32>,
        %jit3A_565 = arith.constant 0.000000e+00 : f32
        %broadcast_in_dim3A_566 = vector.broadcast %jit3A_565 : f32 to vector<16xf32>
        %select_n3A_567 = arith.select %and3A_556, %get3A_549, %broadcast_in_dim3A_566 : vector<16xi1>, vector<16xf32>
        %swap3A_568 = arith.index_cast %add3A_545 : i32 to index
        %swap3A_569 = tpu.vector_load %arg9[%swap3A_568] {strides = array<i32>} : memref<6272xf32, #tpu.memory_space<vmem>>, vector<16xf32>,
        tpu.vector_store %arg9[%swap3A_568], %select_n3A_567 {strides = array<i32>} : memref<6272xf32, #tpu.memory_space<vmem>>, vector<16xf32>,
        %mul3A_570 = arith.constant 128 : i32
        %mul3A_571 = arith.muli %scan3A_433, %mul3A_570 : i32
        %add3A_572 = arith.constant 80 : i32
        %add3A_573 = arith.addi %mul3A_571, %add3A_572 : i32
        %get3A_574 = arith.index_cast %add3A_573 : i32 to index
        %get3A_575 = tpu.vector_load %arg8[%get3A_574] {strides = array<i32>} : memref<6272xi32, #tpu.memory_space<vmem>>, vector<16xi32>,
        %get3A_576 = arith.index_cast %add3A_573 : i32 to index
        %get3A_577 = tpu.vector_load %arg9[%get3A_576] {strides = array<i32>} : memref<6272xf32, #tpu.memory_space<vmem>>, vector<16xf32>,
        %ge3A_578 = vector.broadcast %mul3A_43 : i32 to vector<16xi32>
        %ge3A_579 = arith.cmpi sge, %get3A_575, %ge3A_578 : vector<16xi32>
        %add3A_580 = arith.constant 1605632 : i32
        %add3A_581 = arith.addi %mul3A_43, %add3A_580 : i32
        %lt3A_582 = vector.broadcast %add3A_581 : i32 to vector<16xi32>
        %lt3A_583 = arith.cmpi slt, %get3A_575, %lt3A_582 : vector<16xi32>
        %and3A_584 = arith.andi %ge3A_579, %lt3A_583 : vector<16xi1>
        %sub3A_585 = vector.broadcast %mul3A_43 : i32 to vector<16xi32>
        %sub3A_586 = arith.subi %get3A_575, %sub3A_585 : vector<16xi32>
        %shift_right_arithmetic3A_587 = arith.constant 2 : i32
        %shift_right_arithmetic3A_588 = vector.broadcast %shift_right_arithmetic3A_587 : i32 to vector<16xi32>
        %shift_right_arithmetic3A_589 = arith.shrsi %get3A_575, %shift_right_arithmetic3A_588 : vector<16xi32>
        %select_n3A_590 = arith.select %and3A_584, %sub3A_586, %shift_right_arithmetic3A_589 : vector<16xi1>, vector<16xi32>
        %swap3A_591 = arith.index_cast %add3A_573 : i32 to index
        %swap3A_592 = tpu.vector_load %arg8[%swap3A_591] {strides = array<i32>} : memref<6272xi32, #tpu.memory_space<vmem>>, vector<16xi32>,
        tpu.vector_store %arg8[%swap3A_591], %select_n3A_590 {strides = array<i32>} : memref<6272xi32, #tpu.memory_space<vmem>>, vector<16xi32>,
        %jit3A_593 = arith.constant 0.000000e+00 : f32
        %broadcast_in_dim3A_594 = vector.broadcast %jit3A_593 : f32 to vector<16xf32>
        %select_n3A_595 = arith.select %and3A_584, %get3A_577, %broadcast_in_dim3A_594 : vector<16xi1>, vector<16xf32>
        %swap3A_596 = arith.index_cast %add3A_573 : i32 to index
        %swap3A_597 = tpu.vector_load %arg9[%swap3A_596] {strides = array<i32>} : memref<6272xf32, #tpu.memory_space<vmem>>, vector<16xf32>,
        tpu.vector_store %arg9[%swap3A_596], %select_n3A_595 {strides = array<i32>} : memref<6272xf32, #tpu.memory_space<vmem>>, vector<16xf32>,
        %mul3A_598 = arith.constant 128 : i32
        %mul3A_599 = arith.muli %scan3A_433, %mul3A_598 : i32
        %add3A_600 = arith.constant 96 : i32
        %add3A_601 = arith.addi %mul3A_599, %add3A_600 : i32
        %get3A_602 = arith.index_cast %add3A_601 : i32 to index
        %get3A_603 = tpu.vector_load %arg8[%get3A_602] {strides = array<i32>} : memref<6272xi32, #tpu.memory_space<vmem>>, vector<16xi32>,
        %get3A_604 = arith.index_cast %add3A_601 : i32 to index
        %get3A_605 = tpu.vector_load %arg9[%get3A_604] {strides = array<i32>} : memref<6272xf32, #tpu.memory_space<vmem>>, vector<16xf32>,
        %ge3A_606 = vector.broadcast %mul3A_43 : i32 to vector<16xi32>
        %ge3A_607 = arith.cmpi sge, %get3A_603, %ge3A_606 : vector<16xi32>
        %add3A_608 = arith.constant 1605632 : i32
        %add3A_609 = arith.addi %mul3A_43, %add3A_608 : i32
        %lt3A_610 = vector.broadcast %add3A_609 : i32 to vector<16xi32>
        %lt3A_611 = arith.cmpi slt, %get3A_603, %lt3A_610 : vector<16xi32>
        %and3A_612 = arith.andi %ge3A_607, %lt3A_611 : vector<16xi1>
        %sub3A_613 = vector.broadcast %mul3A_43 : i32 to vector<16xi32>
        %sub3A_614 = arith.subi %get3A_603, %sub3A_613 : vector<16xi32>
        %shift_right_arithmetic3A_615 = arith.constant 2 : i32
        %shift_right_arithmetic3A_616 = vector.broadcast %shift_right_arithmetic3A_615 : i32 to vector<16xi32>
        %shift_right_arithmetic3A_617 = arith.shrsi %get3A_603, %shift_right_arithmetic3A_616 : vector<16xi32>
        %select_n3A_618 = arith.select %and3A_612, %sub3A_614, %shift_right_arithmetic3A_617 : vector<16xi1>, vector<16xi32>
        %swap3A_619 = arith.index_cast %add3A_601 : i32 to index
        %swap3A_620 = tpu.vector_load %arg8[%swap3A_619] {strides = array<i32>} : memref<6272xi32, #tpu.memory_space<vmem>>, vector<16xi32>,
        tpu.vector_store %arg8[%swap3A_619], %select_n3A_618 {strides = array<i32>} : memref<6272xi32, #tpu.memory_space<vmem>>, vector<16xi32>,
        %jit3A_621 = arith.constant 0.000000e+00 : f32
        %broadcast_in_dim3A_622 = vector.broadcast %jit3A_621 : f32 to vector<16xf32>
        %select_n3A_623 = arith.select %and3A_612, %get3A_605, %broadcast_in_dim3A_622 : vector<16xi1>, vector<16xf32>
        %swap3A_624 = arith.index_cast %add3A_601 : i32 to index
        %swap3A_625 = tpu.vector_load %arg9[%swap3A_624] {strides = array<i32>} : memref<6272xf32, #tpu.memory_space<vmem>>, vector<16xf32>,
        tpu.vector_store %arg9[%swap3A_624], %select_n3A_623 {strides = array<i32>} : memref<6272xf32, #tpu.memory_space<vmem>>, vector<16xf32>,
        %mul3A_626 = arith.constant 128 : i32
        %mul3A_627 = arith.muli %scan3A_433, %mul3A_626 : i32
        %add3A_628 = arith.constant 112 : i32
        %add3A_629 = arith.addi %mul3A_627, %add3A_628 : i32
        %get3A_630 = arith.index_cast %add3A_629 : i32 to index
        %get3A_631 = tpu.vector_load %arg8[%get3A_630] {strides = array<i32>} : memref<6272xi32, #tpu.memory_space<vmem>>, vector<16xi32>,
        %get3A_632 = arith.index_cast %add3A_629 : i32 to index
        %get3A_633 = tpu.vector_load %arg9[%get3A_632] {strides = array<i32>} : memref<6272xf32, #tpu.memory_space<vmem>>, vector<16xf32>,
        %ge3A_634 = vector.broadcast %mul3A_43 : i32 to vector<16xi32>
        %ge3A_635 = arith.cmpi sge, %get3A_631, %ge3A_634 : vector<16xi32>
        %add3A_636 = arith.constant 1605632 : i32
        %add3A_637 = arith.addi %mul3A_43, %add3A_636 : i32
        %lt3A_638 = vector.broadcast %add3A_637 : i32 to vector<16xi32>
        %lt3A_639 = arith.cmpi slt, %get3A_631, %lt3A_638 : vector<16xi32>
        %and3A_640 = arith.andi %ge3A_635, %lt3A_639 : vector<16xi1>
        %sub3A_641 = vector.broadcast %mul3A_43 : i32 to vector<16xi32>
        %sub3A_642 = arith.subi %get3A_631, %sub3A_641 : vector<16xi32>
        %shift_right_arithmetic3A_643 = arith.constant 2 : i32
        %shift_right_arithmetic3A_644 = vector.broadcast %shift_right_arithmetic3A_643 : i32 to vector<16xi32>
        %shift_right_arithmetic3A_645 = arith.shrsi %get3A_631, %shift_right_arithmetic3A_644 : vector<16xi32>
        %select_n3A_646 = arith.select %and3A_640, %sub3A_642, %shift_right_arithmetic3A_645 : vector<16xi1>, vector<16xi32>
        %swap3A_647 = arith.index_cast %add3A_629 : i32 to index
        %swap3A_648 = tpu.vector_load %arg8[%swap3A_647] {strides = array<i32>} : memref<6272xi32, #tpu.memory_space<vmem>>, vector<16xi32>,
        tpu.vector_store %arg8[%swap3A_647], %select_n3A_646 {strides = array<i32>} : memref<6272xi32, #tpu.memory_space<vmem>>, vector<16xi32>,
        %jit3A_649 = arith.constant 0.000000e+00 : f32
        %broadcast_in_dim3A_650 = vector.broadcast %jit3A_649 : f32 to vector<16xf32>
        %select_n3A_651 = arith.select %and3A_640, %get3A_633, %broadcast_in_dim3A_650 : vector<16xi1>, vector<16xf32>
        %swap3A_652 = arith.index_cast %add3A_629 : i32 to index
        %swap3A_653 = tpu.vector_load %arg9[%swap3A_652] {strides = array<i32>} : memref<6272xf32, #tpu.memory_space<vmem>>, vector<16xf32>,
        tpu.vector_store %arg9[%swap3A_652], %select_n3A_651 {strides = array<i32>} : memref<6272xf32, #tpu.memory_space<vmem>>, vector<16xf32>,
      }
      %scan3A_169 = arith.constant 49 : i32
      %dma_start3A_170 = arith.constant 0 : i32
      %dma_start3A_171 = tpu.memref_slice %arg5[%dma_start3A_170] : memref<1605632xf32, #tpu.memory_space<vmem_shared>> -> memref<1605632xf32, #tpu.memory_space<vmem_shared>>
      tpu.enqueue_indirect_dma source(%arg9 : memref<6272xf32, #tpu.memory_space<vmem>>) target(%dma_start3A_171 : memref<1605632xf32, #tpu.memory_space<vmem_shared>>) offsets(%arg8 : memref<6272xi32, #tpu.memory_space<vmem>>) semaphore(%arg14 : memref<!tpu.dma_semaphore, #tpu.memory_space<semaphore_mem>>) {add = true}
      %dma_wait3A_172 = arith.constant 0 : i32
      %dma_wait3A_173 = tpu.memref_slice %arg5[%dma_wait3A_172] : memref<1605632xf32, #tpu.memory_space<vmem_shared>> -> memref<1605632xf32, #tpu.memory_space<vmem_shared>>
      tpu.wait_indirect_dma semaphore(%arg13 : memref<!tpu.dma_semaphore, #tpu.memory_space<semaphore_mem>>) src(%arg7 : memref<6272xf32, #tpu.memory_space<vmem>>) dst(%dma_wait3A_173 : memref<1605632xf32, #tpu.memory_space<vmem_shared>>)
      %mul3A_174 = arith.constant 1204224 : i32
      %mul3A_175 = arith.muli %select_n3A, %mul3A_174 : i32
      %mul3A_176 = arith.constant 75264 : i32
      %mul3A_177 = arith.muli %arg1, %mul3A_176 : i32
      %add3A_178 = arith.addi %mul3A_175, %mul3A_177 : i32
      %add3A_179 = arith.constant 25088 : i32
      %add3A_180 = arith.addi %add3A_178, %add3A_179 : i32
      %dma_start3A_181 = tpu.memref_slice %arg3[%add3A_180] : memref<9633792xi32, #tpu.memory_space<hbm>> -> memref<6272xi32, #tpu.memory_space<hbm>>
      %dma_start3A_182 = tpu.memref_slice %arg3[%add3A_180] : memref<9633792xi32, #tpu.memory_space<hbm>> -> memref<6272xi32, #tpu.memory_space<hbm>>
      tpu.enqueue_dma source(%dma_start3A_182 : memref<6272xi32, #tpu.memory_space<hbm>>) target(%arg6 : memref<6272xi32, #tpu.memory_space<vmem>>) target_semaphore(%arg11 : memref<!tpu.dma_semaphore, #tpu.memory_space<semaphore_mem>>)
      %dma_start3A_183 = tpu.memref_slice %arg2[%add3A_180] : memref<9633792xf32, #tpu.memory_space<hbm>> -> memref<6272xf32, #tpu.memory_space<hbm>>
      %dma_start3A_184 = tpu.memref_slice %arg2[%add3A_180] : memref<9633792xf32, #tpu.memory_space<hbm>> -> memref<6272xf32, #tpu.memory_space<hbm>>
      tpu.enqueue_dma source(%dma_start3A_184 : memref<6272xf32, #tpu.memory_space<hbm>>) target(%arg7 : memref<6272xf32, #tpu.memory_space<vmem>>) target_semaphore(%arg11 : memref<!tpu.dma_semaphore, #tpu.memory_space<semaphore_mem>>)
      %mul3A_185 = arith.constant 1204224 : i32
      %mul3A_186 = arith.muli %select_n3A, %mul3A_185 : i32
      %mul3A_187 = arith.constant 75264 : i32
      %mul3A_188 = arith.muli %arg1, %mul3A_187 : i32
      %add3A_189 = arith.addi %mul3A_186, %mul3A_188 : i32
      %add3A_190 = arith.constant 25088 : i32
      %add3A_191 = arith.addi %add3A_189, %add3A_190 : i32
      %dma_wait3A_192 = tpu.memref_slice %arg3[%add3A_191] : memref<9633792xi32, #tpu.memory_space<hbm>> -> memref<6272xi32, #tpu.memory_space<hbm>>
      %dma_wait3A_193 = tpu.memref_slice %arg3[%add3A_191] : memref<9633792xi32, #tpu.memory_space<hbm>> -> memref<6272xi32, #tpu.memory_space<hbm>>
      tpu.wait_dma2 semaphore(%arg11 : memref<!tpu.dma_semaphore, #tpu.memory_space<semaphore_mem>>) src(%dma_wait3A_193 : memref<6272xi32, #tpu.memory_space<hbm>>) dst(%arg6 : memref<6272xi32, #tpu.memory_space<vmem>>)
      %dma_wait3A_194 = tpu.memref_slice %arg2[%add3A_191] : memref<9633792xf32, #tpu.memory_space<hbm>> -> memref<6272xf32, #tpu.memory_space<hbm>>
      %dma_wait3A_195 = tpu.memref_slice %arg2[%add3A_191] : memref<9633792xf32, #tpu.memory_space<hbm>> -> memref<6272xf32, #tpu.memory_space<hbm>>
      tpu.wait_dma2 semaphore(%arg11 : memref<!tpu.dma_semaphore, #tpu.memory_space<semaphore_mem>>) src(%dma_wait3A_195 : memref<6272xf32, #tpu.memory_space<hbm>>) dst(%arg7 : memref<6272xf32, #tpu.memory_space<vmem>>)
      %scan3A_196 = arith.constant 0 : i32
      %scan3A_197 = arith.constant 49 : i32
      %scan3A_198 = arith.addi %scan3A_196, %scan3A_197 : i32
      %scan3A_199 = arith.constant 1 : i32
      scf.for %scan3A_433 = %scan3A_196 to %scan3A_198 step %scan3A_199  : i32 {
        %mul3A_434 = arith.constant 128 : i32
        %mul3A_435 = arith.muli %scan3A_433, %mul3A_434 : i32
        %add3A_436 = arith.constant 0 : i32
        %add3A_437 = arith.addi %mul3A_435, %add3A_436 : i32
        %get3A = arith.index_cast %add3A_437 : i32 to index
        %get3A_438 = tpu.vector_load %arg6[%get3A] {strides = array<i32>} : memref<6272xi32, #tpu.memory_space<vmem>>, vector<16xi32>,
        %get3A_439 = arith.index_cast %add3A_437 : i32 to index
        %get3A_440 = tpu.vector_load %arg7[%get3A_439] {strides = array<i32>} : memref<6272xf32, #tpu.memory_space<vmem>>, vector<16xf32>,
        %ge3A = vector.broadcast %mul3A_43 : i32 to vector<16xi32>
        %ge3A_441 = arith.cmpi sge, %get3A_438, %ge3A : vector<16xi32>
        %add3A_442 = arith.constant 1605632 : i32
        %add3A_443 = arith.addi %mul3A_43, %add3A_442 : i32
        %lt3A_444 = vector.broadcast %add3A_443 : i32 to vector<16xi32>
        %lt3A_445 = arith.cmpi slt, %get3A_438, %lt3A_444 : vector<16xi32>
        %and3A_446 = arith.andi %ge3A_441, %lt3A_445 : vector<16xi1>
        %sub3A_447 = vector.broadcast %mul3A_43 : i32 to vector<16xi32>
        %sub3A_448 = arith.subi %get3A_438, %sub3A_447 : vector<16xi32>
        %shift_right_arithmetic3A = arith.constant 2 : i32
        %shift_right_arithmetic3A_449 = vector.broadcast %shift_right_arithmetic3A : i32 to vector<16xi32>
        %shift_right_arithmetic3A_450 = arith.shrsi %get3A_438, %shift_right_arithmetic3A_449 : vector<16xi32>
        %select_n3A_451 = arith.select %and3A_446, %sub3A_448, %shift_right_arithmetic3A_450 : vector<16xi1>, vector<16xi32>
        %swap3A = arith.index_cast %add3A_437 : i32 to index
        %swap3A_452 = tpu.vector_load %arg6[%swap3A] {strides = array<i32>} : memref<6272xi32, #tpu.memory_space<vmem>>, vector<16xi32>,
        tpu.vector_store %arg6[%swap3A], %select_n3A_451 {strides = array<i32>} : memref<6272xi32, #tpu.memory_space<vmem>>, vector<16xi32>,
        %jit3A_453 = arith.constant 0.000000e+00 : f32
        %broadcast_in_dim3A_454 = vector.broadcast %jit3A_453 : f32 to vector<16xf32>
        %select_n3A_455 = arith.select %and3A_446, %get3A_440, %broadcast_in_dim3A_454 : vector<16xi1>, vector<16xf32>
        %swap3A_456 = arith.index_cast %add3A_437 : i32 to index
        %swap3A_457 = tpu.vector_load %arg7[%swap3A_456] {strides = array<i32>} : memref<6272xf32, #tpu.memory_space<vmem>>, vector<16xf32>,
        tpu.vector_store %arg7[%swap3A_456], %select_n3A_455 {strides = array<i32>} : memref<6272xf32, #tpu.memory_space<vmem>>, vector<16xf32>,
        %mul3A_458 = arith.constant 128 : i32
        %mul3A_459 = arith.muli %scan3A_433, %mul3A_458 : i32
        %add3A_460 = arith.constant 16 : i32
        %add3A_461 = arith.addi %mul3A_459, %add3A_460 : i32
        %get3A_462 = arith.index_cast %add3A_461 : i32 to index
        %get3A_463 = tpu.vector_load %arg6[%get3A_462] {strides = array<i32>} : memref<6272xi32, #tpu.memory_space<vmem>>, vector<16xi32>,
        %get3A_464 = arith.index_cast %add3A_461 : i32 to index
        %get3A_465 = tpu.vector_load %arg7[%get3A_464] {strides = array<i32>} : memref<6272xf32, #tpu.memory_space<vmem>>, vector<16xf32>,
        %ge3A_466 = vector.broadcast %mul3A_43 : i32 to vector<16xi32>
        %ge3A_467 = arith.cmpi sge, %get3A_463, %ge3A_466 : vector<16xi32>
        %add3A_468 = arith.constant 1605632 : i32
        %add3A_469 = arith.addi %mul3A_43, %add3A_468 : i32
        %lt3A_470 = vector.broadcast %add3A_469 : i32 to vector<16xi32>
        %lt3A_471 = arith.cmpi slt, %get3A_463, %lt3A_470 : vector<16xi32>
        %and3A_472 = arith.andi %ge3A_467, %lt3A_471 : vector<16xi1>
        %sub3A_473 = vector.broadcast %mul3A_43 : i32 to vector<16xi32>
        %sub3A_474 = arith.subi %get3A_463, %sub3A_473 : vector<16xi32>
        %shift_right_arithmetic3A_475 = arith.constant 2 : i32
        %shift_right_arithmetic3A_476 = vector.broadcast %shift_right_arithmetic3A_475 : i32 to vector<16xi32>
        %shift_right_arithmetic3A_477 = arith.shrsi %get3A_463, %shift_right_arithmetic3A_476 : vector<16xi32>
        %select_n3A_478 = arith.select %and3A_472, %sub3A_474, %shift_right_arithmetic3A_477 : vector<16xi1>, vector<16xi32>
        %swap3A_479 = arith.index_cast %add3A_461 : i32 to index
        %swap3A_480 = tpu.vector_load %arg6[%swap3A_479] {strides = array<i32>} : memref<6272xi32, #tpu.memory_space<vmem>>, vector<16xi32>,
        tpu.vector_store %arg6[%swap3A_479], %select_n3A_478 {strides = array<i32>} : memref<6272xi32, #tpu.memory_space<vmem>>, vector<16xi32>,
        %jit3A_481 = arith.constant 0.000000e+00 : f32
        %broadcast_in_dim3A_482 = vector.broadcast %jit3A_481 : f32 to vector<16xf32>
        %select_n3A_483 = arith.select %and3A_472, %get3A_465, %broadcast_in_dim3A_482 : vector<16xi1>, vector<16xf32>
        %swap3A_484 = arith.index_cast %add3A_461 : i32 to index
        %swap3A_485 = tpu.vector_load %arg7[%swap3A_484] {strides = array<i32>} : memref<6272xf32, #tpu.memory_space<vmem>>, vector<16xf32>,
        tpu.vector_store %arg7[%swap3A_484], %select_n3A_483 {strides = array<i32>} : memref<6272xf32, #tpu.memory_space<vmem>>, vector<16xf32>,
        %mul3A_486 = arith.constant 128 : i32
        %mul3A_487 = arith.muli %scan3A_433, %mul3A_486 : i32
        %add3A_488 = arith.constant 32 : i32
        %add3A_489 = arith.addi %mul3A_487, %add3A_488 : i32
        %get3A_490 = arith.index_cast %add3A_489 : i32 to index
        %get3A_491 = tpu.vector_load %arg6[%get3A_490] {strides = array<i32>} : memref<6272xi32, #tpu.memory_space<vmem>>, vector<16xi32>,
        %get3A_492 = arith.index_cast %add3A_489 : i32 to index
        %get3A_493 = tpu.vector_load %arg7[%get3A_492] {strides = array<i32>} : memref<6272xf32, #tpu.memory_space<vmem>>, vector<16xf32>,
        %ge3A_494 = vector.broadcast %mul3A_43 : i32 to vector<16xi32>
        %ge3A_495 = arith.cmpi sge, %get3A_491, %ge3A_494 : vector<16xi32>
        %add3A_496 = arith.constant 1605632 : i32
        %add3A_497 = arith.addi %mul3A_43, %add3A_496 : i32
        %lt3A_498 = vector.broadcast %add3A_497 : i32 to vector<16xi32>
        %lt3A_499 = arith.cmpi slt, %get3A_491, %lt3A_498 : vector<16xi32>
        %and3A_500 = arith.andi %ge3A_495, %lt3A_499 : vector<16xi1>
        %sub3A_501 = vector.broadcast %mul3A_43 : i32 to vector<16xi32>
        %sub3A_502 = arith.subi %get3A_491, %sub3A_501 : vector<16xi32>
        %shift_right_arithmetic3A_503 = arith.constant 2 : i32
        %shift_right_arithmetic3A_504 = vector.broadcast %shift_right_arithmetic3A_503 : i32 to vector<16xi32>
        %shift_right_arithmetic3A_505 = arith.shrsi %get3A_491, %shift_right_arithmetic3A_504 : vector<16xi32>
        %select_n3A_506 = arith.select %and3A_500, %sub3A_502, %shift_right_arithmetic3A_505 : vector<16xi1>, vector<16xi32>
        %swap3A_507 = arith.index_cast %add3A_489 : i32 to index
        %swap3A_508 = tpu.vector_load %arg6[%swap3A_507] {strides = array<i32>} : memref<6272xi32, #tpu.memory_space<vmem>>, vector<16xi32>,
        tpu.vector_store %arg6[%swap3A_507], %select_n3A_506 {strides = array<i32>} : memref<6272xi32, #tpu.memory_space<vmem>>, vector<16xi32>,
        %jit3A_509 = arith.constant 0.000000e+00 : f32
        %broadcast_in_dim3A_510 = vector.broadcast %jit3A_509 : f32 to vector<16xf32>
        %select_n3A_511 = arith.select %and3A_500, %get3A_493, %broadcast_in_dim3A_510 : vector<16xi1>, vector<16xf32>
        %swap3A_512 = arith.index_cast %add3A_489 : i32 to index
        %swap3A_513 = tpu.vector_load %arg7[%swap3A_512] {strides = array<i32>} : memref<6272xf32, #tpu.memory_space<vmem>>, vector<16xf32>,
        tpu.vector_store %arg7[%swap3A_512], %select_n3A_511 {strides = array<i32>} : memref<6272xf32, #tpu.memory_space<vmem>>, vector<16xf32>,
        %mul3A_514 = arith.constant 128 : i32
        %mul3A_515 = arith.muli %scan3A_433, %mul3A_514 : i32
        %add3A_516 = arith.constant 48 : i32
        %add3A_517 = arith.addi %mul3A_515, %add3A_516 : i32
        %get3A_518 = arith.index_cast %add3A_517 : i32 to index
        %get3A_519 = tpu.vector_load %arg6[%get3A_518] {strides = array<i32>} : memref<6272xi32, #tpu.memory_space<vmem>>, vector<16xi32>,
        %get3A_520 = arith.index_cast %add3A_517 : i32 to index
        %get3A_521 = tpu.vector_load %arg7[%get3A_520] {strides = array<i32>} : memref<6272xf32, #tpu.memory_space<vmem>>, vector<16xf32>,
        %ge3A_522 = vector.broadcast %mul3A_43 : i32 to vector<16xi32>
        %ge3A_523 = arith.cmpi sge, %get3A_519, %ge3A_522 : vector<16xi32>
        %add3A_524 = arith.constant 1605632 : i32
        %add3A_525 = arith.addi %mul3A_43, %add3A_524 : i32
        %lt3A_526 = vector.broadcast %add3A_525 : i32 to vector<16xi32>
        %lt3A_527 = arith.cmpi slt, %get3A_519, %lt3A_526 : vector<16xi32>
        %and3A_528 = arith.andi %ge3A_523, %lt3A_527 : vector<16xi1>
        %sub3A_529 = vector.broadcast %mul3A_43 : i32 to vector<16xi32>
        %sub3A_530 = arith.subi %get3A_519, %sub3A_529 : vector<16xi32>
        %shift_right_arithmetic3A_531 = arith.constant 2 : i32
        %shift_right_arithmetic3A_532 = vector.broadcast %shift_right_arithmetic3A_531 : i32 to vector<16xi32>
        %shift_right_arithmetic3A_533 = arith.shrsi %get3A_519, %shift_right_arithmetic3A_532 : vector<16xi32>
        %select_n3A_534 = arith.select %and3A_528, %sub3A_530, %shift_right_arithmetic3A_533 : vector<16xi1>, vector<16xi32>
        %swap3A_535 = arith.index_cast %add3A_517 : i32 to index
        %swap3A_536 = tpu.vector_load %arg6[%swap3A_535] {strides = array<i32>} : memref<6272xi32, #tpu.memory_space<vmem>>, vector<16xi32>,
        tpu.vector_store %arg6[%swap3A_535], %select_n3A_534 {strides = array<i32>} : memref<6272xi32, #tpu.memory_space<vmem>>, vector<16xi32>,
        %jit3A_537 = arith.constant 0.000000e+00 : f32
        %broadcast_in_dim3A_538 = vector.broadcast %jit3A_537 : f32 to vector<16xf32>
        %select_n3A_539 = arith.select %and3A_528, %get3A_521, %broadcast_in_dim3A_538 : vector<16xi1>, vector<16xf32>
        %swap3A_540 = arith.index_cast %add3A_517 : i32 to index
        %swap3A_541 = tpu.vector_load %arg7[%swap3A_540] {strides = array<i32>} : memref<6272xf32, #tpu.memory_space<vmem>>, vector<16xf32>,
        tpu.vector_store %arg7[%swap3A_540], %select_n3A_539 {strides = array<i32>} : memref<6272xf32, #tpu.memory_space<vmem>>, vector<16xf32>,
        %mul3A_542 = arith.constant 128 : i32
        %mul3A_543 = arith.muli %scan3A_433, %mul3A_542 : i32
        %add3A_544 = arith.constant 64 : i32
        %add3A_545 = arith.addi %mul3A_543, %add3A_544 : i32
        %get3A_546 = arith.index_cast %add3A_545 : i32 to index
        %get3A_547 = tpu.vector_load %arg6[%get3A_546] {strides = array<i32>} : memref<6272xi32, #tpu.memory_space<vmem>>, vector<16xi32>,
        %get3A_548 = arith.index_cast %add3A_545 : i32 to index
        %get3A_549 = tpu.vector_load %arg7[%get3A_548] {strides = array<i32>} : memref<6272xf32, #tpu.memory_space<vmem>>, vector<16xf32>,
        %ge3A_550 = vector.broadcast %mul3A_43 : i32 to vector<16xi32>
        %ge3A_551 = arith.cmpi sge, %get3A_547, %ge3A_550 : vector<16xi32>
        %add3A_552 = arith.constant 1605632 : i32
        %add3A_553 = arith.addi %mul3A_43, %add3A_552 : i32
        %lt3A_554 = vector.broadcast %add3A_553 : i32 to vector<16xi32>
        %lt3A_555 = arith.cmpi slt, %get3A_547, %lt3A_554 : vector<16xi32>
        %and3A_556 = arith.andi %ge3A_551, %lt3A_555 : vector<16xi1>
        %sub3A_557 = vector.broadcast %mul3A_43 : i32 to vector<16xi32>
        %sub3A_558 = arith.subi %get3A_547, %sub3A_557 : vector<16xi32>
        %shift_right_arithmetic3A_559 = arith.constant 2 : i32
        %shift_right_arithmetic3A_560 = vector.broadcast %shift_right_arithmetic3A_559 : i32 to vector<16xi32>
        %shift_right_arithmetic3A_561 = arith.shrsi %get3A_547, %shift_right_arithmetic3A_560 : vector<16xi32>
        %select_n3A_562 = arith.select %and3A_556, %sub3A_558, %shift_right_arithmetic3A_561 : vector<16xi1>, vector<16xi32>
        %swap3A_563 = arith.index_cast %add3A_545 : i32 to index
        %swap3A_564 = tpu.vector_load %arg6[%swap3A_563] {strides = array<i32>} : memref<6272xi32, #tpu.memory_space<vmem>>, vector<16xi32>,
        tpu.vector_store %arg6[%swap3A_563], %select_n3A_562 {strides = array<i32>} : memref<6272xi32, #tpu.memory_space<vmem>>, vector<16xi32>,
        %jit3A_565 = arith.constant 0.000000e+00 : f32
        %broadcast_in_dim3A_566 = vector.broadcast %jit3A_565 : f32 to vector<16xf32>
        %select_n3A_567 = arith.select %and3A_556, %get3A_549, %broadcast_in_dim3A_566 : vector<16xi1>, vector<16xf32>
        %swap3A_568 = arith.index_cast %add3A_545 : i32 to index
        %swap3A_569 = tpu.vector_load %arg7[%swap3A_568] {strides = array<i32>} : memref<6272xf32, #tpu.memory_space<vmem>>, vector<16xf32>,
        tpu.vector_store %arg7[%swap3A_568], %select_n3A_567 {strides = array<i32>} : memref<6272xf32, #tpu.memory_space<vmem>>, vector<16xf32>,
        %mul3A_570 = arith.constant 128 : i32
        %mul3A_571 = arith.muli %scan3A_433, %mul3A_570 : i32
        %add3A_572 = arith.constant 80 : i32
        %add3A_573 = arith.addi %mul3A_571, %add3A_572 : i32
        %get3A_574 = arith.index_cast %add3A_573 : i32 to index
        %get3A_575 = tpu.vector_load %arg6[%get3A_574] {strides = array<i32>} : memref<6272xi32, #tpu.memory_space<vmem>>, vector<16xi32>,
        %get3A_576 = arith.index_cast %add3A_573 : i32 to index
        %get3A_577 = tpu.vector_load %arg7[%get3A_576] {strides = array<i32>} : memref<6272xf32, #tpu.memory_space<vmem>>, vector<16xf32>,
        %ge3A_578 = vector.broadcast %mul3A_43 : i32 to vector<16xi32>
        %ge3A_579 = arith.cmpi sge, %get3A_575, %ge3A_578 : vector<16xi32>
        %add3A_580 = arith.constant 1605632 : i32
        %add3A_581 = arith.addi %mul3A_43, %add3A_580 : i32
        %lt3A_582 = vector.broadcast %add3A_581 : i32 to vector<16xi32>
        %lt3A_583 = arith.cmpi slt, %get3A_575, %lt3A_582 : vector<16xi32>
        %and3A_584 = arith.andi %ge3A_579, %lt3A_583 : vector<16xi1>
        %sub3A_585 = vector.broadcast %mul3A_43 : i32 to vector<16xi32>
        %sub3A_586 = arith.subi %get3A_575, %sub3A_585 : vector<16xi32>
        %shift_right_arithmetic3A_587 = arith.constant 2 : i32
        %shift_right_arithmetic3A_588 = vector.broadcast %shift_right_arithmetic3A_587 : i32 to vector<16xi32>
        %shift_right_arithmetic3A_589 = arith.shrsi %get3A_575, %shift_right_arithmetic3A_588 : vector<16xi32>
        %select_n3A_590 = arith.select %and3A_584, %sub3A_586, %shift_right_arithmetic3A_589 : vector<16xi1>, vector<16xi32>
        %swap3A_591 = arith.index_cast %add3A_573 : i32 to index
        %swap3A_592 = tpu.vector_load %arg6[%swap3A_591] {strides = array<i32>} : memref<6272xi32, #tpu.memory_space<vmem>>, vector<16xi32>,
        tpu.vector_store %arg6[%swap3A_591], %select_n3A_590 {strides = array<i32>} : memref<6272xi32, #tpu.memory_space<vmem>>, vector<16xi32>,
        %jit3A_593 = arith.constant 0.000000e+00 : f32
        %broadcast_in_dim3A_594 = vector.broadcast %jit3A_593 : f32 to vector<16xf32>
        %select_n3A_595 = arith.select %and3A_584, %get3A_577, %broadcast_in_dim3A_594 : vector<16xi1>, vector<16xf32>
        %swap3A_596 = arith.index_cast %add3A_573 : i32 to index
        %swap3A_597 = tpu.vector_load %arg7[%swap3A_596] {strides = array<i32>} : memref<6272xf32, #tpu.memory_space<vmem>>, vector<16xf32>,
        tpu.vector_store %arg7[%swap3A_596], %select_n3A_595 {strides = array<i32>} : memref<6272xf32, #tpu.memory_space<vmem>>, vector<16xf32>,
        %mul3A_598 = arith.constant 128 : i32
        %mul3A_599 = arith.muli %scan3A_433, %mul3A_598 : i32
        %add3A_600 = arith.constant 96 : i32
        %add3A_601 = arith.addi %mul3A_599, %add3A_600 : i32
        %get3A_602 = arith.index_cast %add3A_601 : i32 to index
        %get3A_603 = tpu.vector_load %arg6[%get3A_602] {strides = array<i32>} : memref<6272xi32, #tpu.memory_space<vmem>>, vector<16xi32>,
        %get3A_604 = arith.index_cast %add3A_601 : i32 to index
        %get3A_605 = tpu.vector_load %arg7[%get3A_604] {strides = array<i32>} : memref<6272xf32, #tpu.memory_space<vmem>>, vector<16xf32>,
        %ge3A_606 = vector.broadcast %mul3A_43 : i32 to vector<16xi32>
        %ge3A_607 = arith.cmpi sge, %get3A_603, %ge3A_606 : vector<16xi32>
        %add3A_608 = arith.constant 1605632 : i32
        %add3A_609 = arith.addi %mul3A_43, %add3A_608 : i32
        %lt3A_610 = vector.broadcast %add3A_609 : i32 to vector<16xi32>
        %lt3A_611 = arith.cmpi slt, %get3A_603, %lt3A_610 : vector<16xi32>
        %and3A_612 = arith.andi %ge3A_607, %lt3A_611 : vector<16xi1>
        %sub3A_613 = vector.broadcast %mul3A_43 : i32 to vector<16xi32>
        %sub3A_614 = arith.subi %get3A_603, %sub3A_613 : vector<16xi32>
        %shift_right_arithmetic3A_615 = arith.constant 2 : i32
        %shift_right_arithmetic3A_616 = vector.broadcast %shift_right_arithmetic3A_615 : i32 to vector<16xi32>
        %shift_right_arithmetic3A_617 = arith.shrsi %get3A_603, %shift_right_arithmetic3A_616 : vector<16xi32>
        %select_n3A_618 = arith.select %and3A_612, %sub3A_614, %shift_right_arithmetic3A_617 : vector<16xi1>, vector<16xi32>
        %swap3A_619 = arith.index_cast %add3A_601 : i32 to index
        %swap3A_620 = tpu.vector_load %arg6[%swap3A_619] {strides = array<i32>} : memref<6272xi32, #tpu.memory_space<vmem>>, vector<16xi32>,
        tpu.vector_store %arg6[%swap3A_619], %select_n3A_618 {strides = array<i32>} : memref<6272xi32, #tpu.memory_space<vmem>>, vector<16xi32>,
        %jit3A_621 = arith.constant 0.000000e+00 : f32
        %broadcast_in_dim3A_622 = vector.broadcast %jit3A_621 : f32 to vector<16xf32>
        %select_n3A_623 = arith.select %and3A_612, %get3A_605, %broadcast_in_dim3A_622 : vector<16xi1>, vector<16xf32>
        %swap3A_624 = arith.index_cast %add3A_601 : i32 to index
        %swap3A_625 = tpu.vector_load %arg7[%swap3A_624] {strides = array<i32>} : memref<6272xf32, #tpu.memory_space<vmem>>, vector<16xf32>,
        tpu.vector_store %arg7[%swap3A_624], %select_n3A_623 {strides = array<i32>} : memref<6272xf32, #tpu.memory_space<vmem>>, vector<16xf32>,
        %mul3A_626 = arith.constant 128 : i32
        %mul3A_627 = arith.muli %scan3A_433, %mul3A_626 : i32
        %add3A_628 = arith.constant 112 : i32
        %add3A_629 = arith.addi %mul3A_627, %add3A_628 : i32
        %get3A_630 = arith.index_cast %add3A_629 : i32 to index
        %get3A_631 = tpu.vector_load %arg6[%get3A_630] {strides = array<i32>} : memref<6272xi32, #tpu.memory_space<vmem>>, vector<16xi32>,
        %get3A_632 = arith.index_cast %add3A_629 : i32 to index
        %get3A_633 = tpu.vector_load %arg7[%get3A_632] {strides = array<i32>} : memref<6272xf32, #tpu.memory_space<vmem>>, vector<16xf32>,
        %ge3A_634 = vector.broadcast %mul3A_43 : i32 to vector<16xi32>
        %ge3A_635 = arith.cmpi sge, %get3A_631, %ge3A_634 : vector<16xi32>
        %add3A_636 = arith.constant 1605632 : i32
        %add3A_637 = arith.addi %mul3A_43, %add3A_636 : i32
        %lt3A_638 = vector.broadcast %add3A_637 : i32 to vector<16xi32>
        %lt3A_639 = arith.cmpi slt, %get3A_631, %lt3A_638 : vector<16xi32>
        %and3A_640 = arith.andi %ge3A_635, %lt3A_639 : vector<16xi1>
        %sub3A_641 = vector.broadcast %mul3A_43 : i32 to vector<16xi32>
        %sub3A_642 = arith.subi %get3A_631, %sub3A_641 : vector<16xi32>
        %shift_right_arithmetic3A_643 = arith.constant 2 : i32
        %shift_right_arithmetic3A_644 = vector.broadcast %shift_right_arithmetic3A_643 : i32 to vector<16xi32>
        %shift_right_arithmetic3A_645 = arith.shrsi %get3A_631, %shift_right_arithmetic3A_644 : vector<16xi32>
        %select_n3A_646 = arith.select %and3A_640, %sub3A_642, %shift_right_arithmetic3A_645 : vector<16xi1>, vector<16xi32>
        %swap3A_647 = arith.index_cast %add3A_629 : i32 to index
        %swap3A_648 = tpu.vector_load %arg6[%swap3A_647] {strides = array<i32>} : memref<6272xi32, #tpu.memory_space<vmem>>, vector<16xi32>,
        tpu.vector_store %arg6[%swap3A_647], %select_n3A_646 {strides = array<i32>} : memref<6272xi32, #tpu.memory_space<vmem>>, vector<16xi32>,
        %jit3A_649 = arith.constant 0.000000e+00 : f32
        %broadcast_in_dim3A_650 = vector.broadcast %jit3A_649 : f32 to vector<16xf32>
        %select_n3A_651 = arith.select %and3A_640, %get3A_633, %broadcast_in_dim3A_650 : vector<16xi1>, vector<16xf32>
        %swap3A_652 = arith.index_cast %add3A_629 : i32 to index
        %swap3A_653 = tpu.vector_load %arg7[%swap3A_652] {strides = array<i32>} : memref<6272xf32, #tpu.memory_space<vmem>>, vector<16xf32>,
        tpu.vector_store %arg7[%swap3A_652], %select_n3A_651 {strides = array<i32>} : memref<6272xf32, #tpu.memory_space<vmem>>, vector<16xf32>,
      }
      %scan3A_200 = arith.constant 49 : i32
      %dma_start3A_201 = arith.constant 0 : i32
      %dma_start3A_202 = tpu.memref_slice %arg5[%dma_start3A_201] : memref<1605632xf32, #tpu.memory_space<vmem_shared>> -> memref<1605632xf32, #tpu.memory_space<vmem_shared>>
      tpu.enqueue_indirect_dma source(%arg7 : memref<6272xf32, #tpu.memory_space<vmem>>) target(%dma_start3A_202 : memref<1605632xf32, #tpu.memory_space<vmem_shared>>) offsets(%arg6 : memref<6272xi32, #tpu.memory_space<vmem>>) semaphore(%arg13 : memref<!tpu.dma_semaphore, #tpu.memory_space<semaphore_mem>>) {add = true}
      %dma_wait3A_203 = arith.constant 0 : i32
      %dma_wait3A_204 = tpu.memref_slice %arg5[%dma_wait3A_203] : memref<1605632xf32, #tpu.memory_space<vmem_shared>> -> memref<1605632xf32, #tpu.memory_space<vmem_shared>>
      tpu.wait_indirect_dma semaphore(%arg14 : memref<!tpu.dma_semaphore, #tpu.memory_space<semaphore_mem>>) src(%arg9 : memref<6272xf32, #tpu.memory_space<vmem>>) dst(%dma_wait3A_204 : memref<1605632xf32, #tpu.memory_space<vmem_shared>>)
      %mul3A_205 = arith.constant 1204224 : i32
      %mul3A_206 = arith.muli %select_n3A, %mul3A_205 : i32
      %mul3A_207 = arith.constant 75264 : i32
      %mul3A_208 = arith.muli %arg1, %mul3A_207 : i32
      %add3A_209 = arith.addi %mul3A_206, %mul3A_208 : i32
      %add3A_210 = arith.constant 31360 : i32
      %add3A_211 = arith.addi %add3A_209, %add3A_210 : i32
      %dma_start3A_212 = tpu.memref_slice %arg3[%add3A_211] : memref<9633792xi32, #tpu.memory_space<hbm>> -> memref<6272xi32, #tpu.memory_space<hbm>>
      %dma_start3A_213 = tpu.memref_slice %arg3[%add3A_211] : memref<9633792xi32, #tpu.memory_space<hbm>> -> memref<6272xi32, #tpu.memory_space<hbm>>
      tpu.enqueue_dma source(%dma_start3A_213 : memref<6272xi32, #tpu.memory_space<hbm>>) target(%arg8 : memref<6272xi32, #tpu.memory_space<vmem>>) target_semaphore(%arg12 : memref<!tpu.dma_semaphore, #tpu.memory_space<semaphore_mem>>)
      %dma_start3A_214 = tpu.memref_slice %arg2[%add3A_211] : memref<9633792xf32, #tpu.memory_space<hbm>> -> memref<6272xf32, #tpu.memory_space<hbm>>
      %dma_start3A_215 = tpu.memref_slice %arg2[%add3A_211] : memref<9633792xf32, #tpu.memory_space<hbm>> -> memref<6272xf32, #tpu.memory_space<hbm>>
      tpu.enqueue_dma source(%dma_start3A_215 : memref<6272xf32, #tpu.memory_space<hbm>>) target(%arg9 : memref<6272xf32, #tpu.memory_space<vmem>>) target_semaphore(%arg12 : memref<!tpu.dma_semaphore, #tpu.memory_space<semaphore_mem>>)
      %mul3A_216 = arith.constant 1204224 : i32
      %mul3A_217 = arith.muli %select_n3A, %mul3A_216 : i32
      %mul3A_218 = arith.constant 75264 : i32
      %mul3A_219 = arith.muli %arg1, %mul3A_218 : i32
      %add3A_220 = arith.addi %mul3A_217, %mul3A_219 : i32
      %add3A_221 = arith.constant 31360 : i32
      %add3A_222 = arith.addi %add3A_220, %add3A_221 : i32
      %dma_wait3A_223 = tpu.memref_slice %arg3[%add3A_222] : memref<9633792xi32, #tpu.memory_space<hbm>> -> memref<6272xi32, #tpu.memory_space<hbm>>
      %dma_wait3A_224 = tpu.memref_slice %arg3[%add3A_222] : memref<9633792xi32, #tpu.memory_space<hbm>> -> memref<6272xi32, #tpu.memory_space<hbm>>
      tpu.wait_dma2 semaphore(%arg12 : memref<!tpu.dma_semaphore, #tpu.memory_space<semaphore_mem>>) src(%dma_wait3A_224 : memref<6272xi32, #tpu.memory_space<hbm>>) dst(%arg8 : memref<6272xi32, #tpu.memory_space<vmem>>)
      %dma_wait3A_225 = tpu.memref_slice %arg2[%add3A_222] : memref<9633792xf32, #tpu.memory_space<hbm>> -> memref<6272xf32, #tpu.memory_space<hbm>>
      %dma_wait3A_226 = tpu.memref_slice %arg2[%add3A_222] : memref<9633792xf32, #tpu.memory_space<hbm>> -> memref<6272xf32, #tpu.memory_space<hbm>>
      tpu.wait_dma2 semaphore(%arg12 : memref<!tpu.dma_semaphore, #tpu.memory_space<semaphore_mem>>) src(%dma_wait3A_226 : memref<6272xf32, #tpu.memory_space<hbm>>) dst(%arg9 : memref<6272xf32, #tpu.memory_space<vmem>>)
      %scan3A_227 = arith.constant 0 : i32
      %scan3A_228 = arith.constant 49 : i32
      %scan3A_229 = arith.addi %scan3A_227, %scan3A_228 : i32
      %scan3A_230 = arith.constant 1 : i32
      scf.for %scan3A_433 = %scan3A_227 to %scan3A_229 step %scan3A_230  : i32 {
        %mul3A_434 = arith.constant 128 : i32
        %mul3A_435 = arith.muli %scan3A_433, %mul3A_434 : i32
        %add3A_436 = arith.constant 0 : i32
        %add3A_437 = arith.addi %mul3A_435, %add3A_436 : i32
        %get3A = arith.index_cast %add3A_437 : i32 to index
        %get3A_438 = tpu.vector_load %arg8[%get3A] {strides = array<i32>} : memref<6272xi32, #tpu.memory_space<vmem>>, vector<16xi32>,
        %get3A_439 = arith.index_cast %add3A_437 : i32 to index
        %get3A_440 = tpu.vector_load %arg9[%get3A_439] {strides = array<i32>} : memref<6272xf32, #tpu.memory_space<vmem>>, vector<16xf32>,
        %ge3A = vector.broadcast %mul3A_43 : i32 to vector<16xi32>
        %ge3A_441 = arith.cmpi sge, %get3A_438, %ge3A : vector<16xi32>
        %add3A_442 = arith.constant 1605632 : i32
        %add3A_443 = arith.addi %mul3A_43, %add3A_442 : i32
        %lt3A_444 = vector.broadcast %add3A_443 : i32 to vector<16xi32>
        %lt3A_445 = arith.cmpi slt, %get3A_438, %lt3A_444 : vector<16xi32>
        %and3A_446 = arith.andi %ge3A_441, %lt3A_445 : vector<16xi1>
        %sub3A_447 = vector.broadcast %mul3A_43 : i32 to vector<16xi32>
        %sub3A_448 = arith.subi %get3A_438, %sub3A_447 : vector<16xi32>
        %shift_right_arithmetic3A = arith.constant 2 : i32
        %shift_right_arithmetic3A_449 = vector.broadcast %shift_right_arithmetic3A : i32 to vector<16xi32>
        %shift_right_arithmetic3A_450 = arith.shrsi %get3A_438, %shift_right_arithmetic3A_449 : vector<16xi32>
        %select_n3A_451 = arith.select %and3A_446, %sub3A_448, %shift_right_arithmetic3A_450 : vector<16xi1>, vector<16xi32>
        %swap3A = arith.index_cast %add3A_437 : i32 to index
        %swap3A_452 = tpu.vector_load %arg8[%swap3A] {strides = array<i32>} : memref<6272xi32, #tpu.memory_space<vmem>>, vector<16xi32>,
        tpu.vector_store %arg8[%swap3A], %select_n3A_451 {strides = array<i32>} : memref<6272xi32, #tpu.memory_space<vmem>>, vector<16xi32>,
        %jit3A_453 = arith.constant 0.000000e+00 : f32
        %broadcast_in_dim3A_454 = vector.broadcast %jit3A_453 : f32 to vector<16xf32>
        %select_n3A_455 = arith.select %and3A_446, %get3A_440, %broadcast_in_dim3A_454 : vector<16xi1>, vector<16xf32>
        %swap3A_456 = arith.index_cast %add3A_437 : i32 to index
        %swap3A_457 = tpu.vector_load %arg9[%swap3A_456] {strides = array<i32>} : memref<6272xf32, #tpu.memory_space<vmem>>, vector<16xf32>,
        tpu.vector_store %arg9[%swap3A_456], %select_n3A_455 {strides = array<i32>} : memref<6272xf32, #tpu.memory_space<vmem>>, vector<16xf32>,
        %mul3A_458 = arith.constant 128 : i32
        %mul3A_459 = arith.muli %scan3A_433, %mul3A_458 : i32
        %add3A_460 = arith.constant 16 : i32
        %add3A_461 = arith.addi %mul3A_459, %add3A_460 : i32
        %get3A_462 = arith.index_cast %add3A_461 : i32 to index
        %get3A_463 = tpu.vector_load %arg8[%get3A_462] {strides = array<i32>} : memref<6272xi32, #tpu.memory_space<vmem>>, vector<16xi32>,
        %get3A_464 = arith.index_cast %add3A_461 : i32 to index
        %get3A_465 = tpu.vector_load %arg9[%get3A_464] {strides = array<i32>} : memref<6272xf32, #tpu.memory_space<vmem>>, vector<16xf32>,
        %ge3A_466 = vector.broadcast %mul3A_43 : i32 to vector<16xi32>
        %ge3A_467 = arith.cmpi sge, %get3A_463, %ge3A_466 : vector<16xi32>
        %add3A_468 = arith.constant 1605632 : i32
        %add3A_469 = arith.addi %mul3A_43, %add3A_468 : i32
        %lt3A_470 = vector.broadcast %add3A_469 : i32 to vector<16xi32>
        %lt3A_471 = arith.cmpi slt, %get3A_463, %lt3A_470 : vector<16xi32>
        %and3A_472 = arith.andi %ge3A_467, %lt3A_471 : vector<16xi1>
        %sub3A_473 = vector.broadcast %mul3A_43 : i32 to vector<16xi32>
        %sub3A_474 = arith.subi %get3A_463, %sub3A_473 : vector<16xi32>
        %shift_right_arithmetic3A_475 = arith.constant 2 : i32
        %shift_right_arithmetic3A_476 = vector.broadcast %shift_right_arithmetic3A_475 : i32 to vector<16xi32>
        %shift_right_arithmetic3A_477 = arith.shrsi %get3A_463, %shift_right_arithmetic3A_476 : vector<16xi32>
        %select_n3A_478 = arith.select %and3A_472, %sub3A_474, %shift_right_arithmetic3A_477 : vector<16xi1>, vector<16xi32>
        %swap3A_479 = arith.index_cast %add3A_461 : i32 to index
        %swap3A_480 = tpu.vector_load %arg8[%swap3A_479] {strides = array<i32>} : memref<6272xi32, #tpu.memory_space<vmem>>, vector<16xi32>,
        tpu.vector_store %arg8[%swap3A_479], %select_n3A_478 {strides = array<i32>} : memref<6272xi32, #tpu.memory_space<vmem>>, vector<16xi32>,
        %jit3A_481 = arith.constant 0.000000e+00 : f32
        %broadcast_in_dim3A_482 = vector.broadcast %jit3A_481 : f32 to vector<16xf32>
        %select_n3A_483 = arith.select %and3A_472, %get3A_465, %broadcast_in_dim3A_482 : vector<16xi1>, vector<16xf32>
        %swap3A_484 = arith.index_cast %add3A_461 : i32 to index
        %swap3A_485 = tpu.vector_load %arg9[%swap3A_484] {strides = array<i32>} : memref<6272xf32, #tpu.memory_space<vmem>>, vector<16xf32>,
        tpu.vector_store %arg9[%swap3A_484], %select_n3A_483 {strides = array<i32>} : memref<6272xf32, #tpu.memory_space<vmem>>, vector<16xf32>,
        %mul3A_486 = arith.constant 128 : i32
        %mul3A_487 = arith.muli %scan3A_433, %mul3A_486 : i32
        %add3A_488 = arith.constant 32 : i32
        %add3A_489 = arith.addi %mul3A_487, %add3A_488 : i32
        %get3A_490 = arith.index_cast %add3A_489 : i32 to index
        %get3A_491 = tpu.vector_load %arg8[%get3A_490] {strides = array<i32>} : memref<6272xi32, #tpu.memory_space<vmem>>, vector<16xi32>,
        %get3A_492 = arith.index_cast %add3A_489 : i32 to index
        %get3A_493 = tpu.vector_load %arg9[%get3A_492] {strides = array<i32>} : memref<6272xf32, #tpu.memory_space<vmem>>, vector<16xf32>,
        %ge3A_494 = vector.broadcast %mul3A_43 : i32 to vector<16xi32>
        %ge3A_495 = arith.cmpi sge, %get3A_491, %ge3A_494 : vector<16xi32>
        %add3A_496 = arith.constant 1605632 : i32
        %add3A_497 = arith.addi %mul3A_43, %add3A_496 : i32
        %lt3A_498 = vector.broadcast %add3A_497 : i32 to vector<16xi32>
        %lt3A_499 = arith.cmpi slt, %get3A_491, %lt3A_498 : vector<16xi32>
        %and3A_500 = arith.andi %ge3A_495, %lt3A_499 : vector<16xi1>
        %sub3A_501 = vector.broadcast %mul3A_43 : i32 to vector<16xi32>
        %sub3A_502 = arith.subi %get3A_491, %sub3A_501 : vector<16xi32>
        %shift_right_arithmetic3A_503 = arith.constant 2 : i32
        %shift_right_arithmetic3A_504 = vector.broadcast %shift_right_arithmetic3A_503 : i32 to vector<16xi32>
        %shift_right_arithmetic3A_505 = arith.shrsi %get3A_491, %shift_right_arithmetic3A_504 : vector<16xi32>
        %select_n3A_506 = arith.select %and3A_500, %sub3A_502, %shift_right_arithmetic3A_505 : vector<16xi1>, vector<16xi32>
        %swap3A_507 = arith.index_cast %add3A_489 : i32 to index
        %swap3A_508 = tpu.vector_load %arg8[%swap3A_507] {strides = array<i32>} : memref<6272xi32, #tpu.memory_space<vmem>>, vector<16xi32>,
        tpu.vector_store %arg8[%swap3A_507], %select_n3A_506 {strides = array<i32>} : memref<6272xi32, #tpu.memory_space<vmem>>, vector<16xi32>,
        %jit3A_509 = arith.constant 0.000000e+00 : f32
        %broadcast_in_dim3A_510 = vector.broadcast %jit3A_509 : f32 to vector<16xf32>
        %select_n3A_511 = arith.select %and3A_500, %get3A_493, %broadcast_in_dim3A_510 : vector<16xi1>, vector<16xf32>
        %swap3A_512 = arith.index_cast %add3A_489 : i32 to index
        %swap3A_513 = tpu.vector_load %arg9[%swap3A_512] {strides = array<i32>} : memref<6272xf32, #tpu.memory_space<vmem>>, vector<16xf32>,
        tpu.vector_store %arg9[%swap3A_512], %select_n3A_511 {strides = array<i32>} : memref<6272xf32, #tpu.memory_space<vmem>>, vector<16xf32>,
        %mul3A_514 = arith.constant 128 : i32
        %mul3A_515 = arith.muli %scan3A_433, %mul3A_514 : i32
        %add3A_516 = arith.constant 48 : i32
        %add3A_517 = arith.addi %mul3A_515, %add3A_516 : i32
        %get3A_518 = arith.index_cast %add3A_517 : i32 to index
        %get3A_519 = tpu.vector_load %arg8[%get3A_518] {strides = array<i32>} : memref<6272xi32, #tpu.memory_space<vmem>>, vector<16xi32>,
        %get3A_520 = arith.index_cast %add3A_517 : i32 to index
        %get3A_521 = tpu.vector_load %arg9[%get3A_520] {strides = array<i32>} : memref<6272xf32, #tpu.memory_space<vmem>>, vector<16xf32>,
        %ge3A_522 = vector.broadcast %mul3A_43 : i32 to vector<16xi32>
        %ge3A_523 = arith.cmpi sge, %get3A_519, %ge3A_522 : vector<16xi32>
        %add3A_524 = arith.constant 1605632 : i32
        %add3A_525 = arith.addi %mul3A_43, %add3A_524 : i32
        %lt3A_526 = vector.broadcast %add3A_525 : i32 to vector<16xi32>
        %lt3A_527 = arith.cmpi slt, %get3A_519, %lt3A_526 : vector<16xi32>
        %and3A_528 = arith.andi %ge3A_523, %lt3A_527 : vector<16xi1>
        %sub3A_529 = vector.broadcast %mul3A_43 : i32 to vector<16xi32>
        %sub3A_530 = arith.subi %get3A_519, %sub3A_529 : vector<16xi32>
        %shift_right_arithmetic3A_531 = arith.constant 2 : i32
        %shift_right_arithmetic3A_532 = vector.broadcast %shift_right_arithmetic3A_531 : i32 to vector<16xi32>
        %shift_right_arithmetic3A_533 = arith.shrsi %get3A_519, %shift_right_arithmetic3A_532 : vector<16xi32>
        %select_n3A_534 = arith.select %and3A_528, %sub3A_530, %shift_right_arithmetic3A_533 : vector<16xi1>, vector<16xi32>
        %swap3A_535 = arith.index_cast %add3A_517 : i32 to index
        %swap3A_536 = tpu.vector_load %arg8[%swap3A_535] {strides = array<i32>} : memref<6272xi32, #tpu.memory_space<vmem>>, vector<16xi32>,
        tpu.vector_store %arg8[%swap3A_535], %select_n3A_534 {strides = array<i32>} : memref<6272xi32, #tpu.memory_space<vmem>>, vector<16xi32>,
        %jit3A_537 = arith.constant 0.000000e+00 : f32
        %broadcast_in_dim3A_538 = vector.broadcast %jit3A_537 : f32 to vector<16xf32>
        %select_n3A_539 = arith.select %and3A_528, %get3A_521, %broadcast_in_dim3A_538 : vector<16xi1>, vector<16xf32>
        %swap3A_540 = arith.index_cast %add3A_517 : i32 to index
        %swap3A_541 = tpu.vector_load %arg9[%swap3A_540] {strides = array<i32>} : memref<6272xf32, #tpu.memory_space<vmem>>, vector<16xf32>,
        tpu.vector_store %arg9[%swap3A_540], %select_n3A_539 {strides = array<i32>} : memref<6272xf32, #tpu.memory_space<vmem>>, vector<16xf32>,
        %mul3A_542 = arith.constant 128 : i32
        %mul3A_543 = arith.muli %scan3A_433, %mul3A_542 : i32
        %add3A_544 = arith.constant 64 : i32
        %add3A_545 = arith.addi %mul3A_543, %add3A_544 : i32
        %get3A_546 = arith.index_cast %add3A_545 : i32 to index
        %get3A_547 = tpu.vector_load %arg8[%get3A_546] {strides = array<i32>} : memref<6272xi32, #tpu.memory_space<vmem>>, vector<16xi32>,
        %get3A_548 = arith.index_cast %add3A_545 : i32 to index
        %get3A_549 = tpu.vector_load %arg9[%get3A_548] {strides = array<i32>} : memref<6272xf32, #tpu.memory_space<vmem>>, vector<16xf32>,
        %ge3A_550 = vector.broadcast %mul3A_43 : i32 to vector<16xi32>
        %ge3A_551 = arith.cmpi sge, %get3A_547, %ge3A_550 : vector<16xi32>
        %add3A_552 = arith.constant 1605632 : i32
        %add3A_553 = arith.addi %mul3A_43, %add3A_552 : i32
        %lt3A_554 = vector.broadcast %add3A_553 : i32 to vector<16xi32>
        %lt3A_555 = arith.cmpi slt, %get3A_547, %lt3A_554 : vector<16xi32>
        %and3A_556 = arith.andi %ge3A_551, %lt3A_555 : vector<16xi1>
        %sub3A_557 = vector.broadcast %mul3A_43 : i32 to vector<16xi32>
        %sub3A_558 = arith.subi %get3A_547, %sub3A_557 : vector<16xi32>
        %shift_right_arithmetic3A_559 = arith.constant 2 : i32
        %shift_right_arithmetic3A_560 = vector.broadcast %shift_right_arithmetic3A_559 : i32 to vector<16xi32>
        %shift_right_arithmetic3A_561 = arith.shrsi %get3A_547, %shift_right_arithmetic3A_560 : vector<16xi32>
        %select_n3A_562 = arith.select %and3A_556, %sub3A_558, %shift_right_arithmetic3A_561 : vector<16xi1>, vector<16xi32>
        %swap3A_563 = arith.index_cast %add3A_545 : i32 to index
        %swap3A_564 = tpu.vector_load %arg8[%swap3A_563] {strides = array<i32>} : memref<6272xi32, #tpu.memory_space<vmem>>, vector<16xi32>,
        tpu.vector_store %arg8[%swap3A_563], %select_n3A_562 {strides = array<i32>} : memref<6272xi32, #tpu.memory_space<vmem>>, vector<16xi32>,
        %jit3A_565 = arith.constant 0.000000e+00 : f32
        %broadcast_in_dim3A_566 = vector.broadcast %jit3A_565 : f32 to vector<16xf32>
        %select_n3A_567 = arith.select %and3A_556, %get3A_549, %broadcast_in_dim3A_566 : vector<16xi1>, vector<16xf32>
        %swap3A_568 = arith.index_cast %add3A_545 : i32 to index
        %swap3A_569 = tpu.vector_load %arg9[%swap3A_568] {strides = array<i32>} : memref<6272xf32, #tpu.memory_space<vmem>>, vector<16xf32>,
        tpu.vector_store %arg9[%swap3A_568], %select_n3A_567 {strides = array<i32>} : memref<6272xf32, #tpu.memory_space<vmem>>, vector<16xf32>,
        %mul3A_570 = arith.constant 128 : i32
        %mul3A_571 = arith.muli %scan3A_433, %mul3A_570 : i32
        %add3A_572 = arith.constant 80 : i32
        %add3A_573 = arith.addi %mul3A_571, %add3A_572 : i32
        %get3A_574 = arith.index_cast %add3A_573 : i32 to index
        %get3A_575 = tpu.vector_load %arg8[%get3A_574] {strides = array<i32>} : memref<6272xi32, #tpu.memory_space<vmem>>, vector<16xi32>,
        %get3A_576 = arith.index_cast %add3A_573 : i32 to index
        %get3A_577 = tpu.vector_load %arg9[%get3A_576] {strides = array<i32>} : memref<6272xf32, #tpu.memory_space<vmem>>, vector<16xf32>,
        %ge3A_578 = vector.broadcast %mul3A_43 : i32 to vector<16xi32>
        %ge3A_579 = arith.cmpi sge, %get3A_575, %ge3A_578 : vector<16xi32>
        %add3A_580 = arith.constant 1605632 : i32
        %add3A_581 = arith.addi %mul3A_43, %add3A_580 : i32
        %lt3A_582 = vector.broadcast %add3A_581 : i32 to vector<16xi32>
        %lt3A_583 = arith.cmpi slt, %get3A_575, %lt3A_582 : vector<16xi32>
        %and3A_584 = arith.andi %ge3A_579, %lt3A_583 : vector<16xi1>
        %sub3A_585 = vector.broadcast %mul3A_43 : i32 to vector<16xi32>
        %sub3A_586 = arith.subi %get3A_575, %sub3A_585 : vector<16xi32>
        %shift_right_arithmetic3A_587 = arith.constant 2 : i32
        %shift_right_arithmetic3A_588 = vector.broadcast %shift_right_arithmetic3A_587 : i32 to vector<16xi32>
        %shift_right_arithmetic3A_589 = arith.shrsi %get3A_575, %shift_right_arithmetic3A_588 : vector<16xi32>
        %select_n3A_590 = arith.select %and3A_584, %sub3A_586, %shift_right_arithmetic3A_589 : vector<16xi1>, vector<16xi32>
        %swap3A_591 = arith.index_cast %add3A_573 : i32 to index
        %swap3A_592 = tpu.vector_load %arg8[%swap3A_591] {strides = array<i32>} : memref<6272xi32, #tpu.memory_space<vmem>>, vector<16xi32>,
        tpu.vector_store %arg8[%swap3A_591], %select_n3A_590 {strides = array<i32>} : memref<6272xi32, #tpu.memory_space<vmem>>, vector<16xi32>,
        %jit3A_593 = arith.constant 0.000000e+00 : f32
        %broadcast_in_dim3A_594 = vector.broadcast %jit3A_593 : f32 to vector<16xf32>
        %select_n3A_595 = arith.select %and3A_584, %get3A_577, %broadcast_in_dim3A_594 : vector<16xi1>, vector<16xf32>
        %swap3A_596 = arith.index_cast %add3A_573 : i32 to index
        %swap3A_597 = tpu.vector_load %arg9[%swap3A_596] {strides = array<i32>} : memref<6272xf32, #tpu.memory_space<vmem>>, vector<16xf32>,
        tpu.vector_store %arg9[%swap3A_596], %select_n3A_595 {strides = array<i32>} : memref<6272xf32, #tpu.memory_space<vmem>>, vector<16xf32>,
        %mul3A_598 = arith.constant 128 : i32
        %mul3A_599 = arith.muli %scan3A_433, %mul3A_598 : i32
        %add3A_600 = arith.constant 96 : i32
        %add3A_601 = arith.addi %mul3A_599, %add3A_600 : i32
        %get3A_602 = arith.index_cast %add3A_601 : i32 to index
        %get3A_603 = tpu.vector_load %arg8[%get3A_602] {strides = array<i32>} : memref<6272xi32, #tpu.memory_space<vmem>>, vector<16xi32>,
        %get3A_604 = arith.index_cast %add3A_601 : i32 to index
        %get3A_605 = tpu.vector_load %arg9[%get3A_604] {strides = array<i32>} : memref<6272xf32, #tpu.memory_space<vmem>>, vector<16xf32>,
        %ge3A_606 = vector.broadcast %mul3A_43 : i32 to vector<16xi32>
        %ge3A_607 = arith.cmpi sge, %get3A_603, %ge3A_606 : vector<16xi32>
        %add3A_608 = arith.constant 1605632 : i32
        %add3A_609 = arith.addi %mul3A_43, %add3A_608 : i32
        %lt3A_610 = vector.broadcast %add3A_609 : i32 to vector<16xi32>
        %lt3A_611 = arith.cmpi slt, %get3A_603, %lt3A_610 : vector<16xi32>
        %and3A_612 = arith.andi %ge3A_607, %lt3A_611 : vector<16xi1>
        %sub3A_613 = vector.broadcast %mul3A_43 : i32 to vector<16xi32>
        %sub3A_614 = arith.subi %get3A_603, %sub3A_613 : vector<16xi32>
        %shift_right_arithmetic3A_615 = arith.constant 2 : i32
        %shift_right_arithmetic3A_616 = vector.broadcast %shift_right_arithmetic3A_615 : i32 to vector<16xi32>
        %shift_right_arithmetic3A_617 = arith.shrsi %get3A_603, %shift_right_arithmetic3A_616 : vector<16xi32>
        %select_n3A_618 = arith.select %and3A_612, %sub3A_614, %shift_right_arithmetic3A_617 : vector<16xi1>, vector<16xi32>
        %swap3A_619 = arith.index_cast %add3A_601 : i32 to index
        %swap3A_620 = tpu.vector_load %arg8[%swap3A_619] {strides = array<i32>} : memref<6272xi32, #tpu.memory_space<vmem>>, vector<16xi32>,
        tpu.vector_store %arg8[%swap3A_619], %select_n3A_618 {strides = array<i32>} : memref<6272xi32, #tpu.memory_space<vmem>>, vector<16xi32>,
        %jit3A_621 = arith.constant 0.000000e+00 : f32
        %broadcast_in_dim3A_622 = vector.broadcast %jit3A_621 : f32 to vector<16xf32>
        %select_n3A_623 = arith.select %and3A_612, %get3A_605, %broadcast_in_dim3A_622 : vector<16xi1>, vector<16xf32>
        %swap3A_624 = arith.index_cast %add3A_601 : i32 to index
        %swap3A_625 = tpu.vector_load %arg9[%swap3A_624] {strides = array<i32>} : memref<6272xf32, #tpu.memory_space<vmem>>, vector<16xf32>,
        tpu.vector_store %arg9[%swap3A_624], %select_n3A_623 {strides = array<i32>} : memref<6272xf32, #tpu.memory_space<vmem>>, vector<16xf32>,
        %mul3A_626 = arith.constant 128 : i32
        %mul3A_627 = arith.muli %scan3A_433, %mul3A_626 : i32
        %add3A_628 = arith.constant 112 : i32
        %add3A_629 = arith.addi %mul3A_627, %add3A_628 : i32
        %get3A_630 = arith.index_cast %add3A_629 : i32 to index
        %get3A_631 = tpu.vector_load %arg8[%get3A_630] {strides = array<i32>} : memref<6272xi32, #tpu.memory_space<vmem>>, vector<16xi32>,
        %get3A_632 = arith.index_cast %add3A_629 : i32 to index
        %get3A_633 = tpu.vector_load %arg9[%get3A_632] {strides = array<i32>} : memref<6272xf32, #tpu.memory_space<vmem>>, vector<16xf32>,
        %ge3A_634 = vector.broadcast %mul3A_43 : i32 to vector<16xi32>
        %ge3A_635 = arith.cmpi sge, %get3A_631, %ge3A_634 : vector<16xi32>
        %add3A_636 = arith.constant 1605632 : i32
        %add3A_637 = arith.addi %mul3A_43, %add3A_636 : i32
        %lt3A_638 = vector.broadcast %add3A_637 : i32 to vector<16xi32>
        %lt3A_639 = arith.cmpi slt, %get3A_631, %lt3A_638 : vector<16xi32>
        %and3A_640 = arith.andi %ge3A_635, %lt3A_639 : vector<16xi1>
        %sub3A_641 = vector.broadcast %mul3A_43 : i32 to vector<16xi32>
        %sub3A_642 = arith.subi %get3A_631, %sub3A_641 : vector<16xi32>
        %shift_right_arithmetic3A_643 = arith.constant 2 : i32
        %shift_right_arithmetic3A_644 = vector.broadcast %shift_right_arithmetic3A_643 : i32 to vector<16xi32>
        %shift_right_arithmetic3A_645 = arith.shrsi %get3A_631, %shift_right_arithmetic3A_644 : vector<16xi32>
        %select_n3A_646 = arith.select %and3A_640, %sub3A_642, %shift_right_arithmetic3A_645 : vector<16xi1>, vector<16xi32>
        %swap3A_647 = arith.index_cast %add3A_629 : i32 to index
        %swap3A_648 = tpu.vector_load %arg8[%swap3A_647] {strides = array<i32>} : memref<6272xi32, #tpu.memory_space<vmem>>, vector<16xi32>,
        tpu.vector_store %arg8[%swap3A_647], %select_n3A_646 {strides = array<i32>} : memref<6272xi32, #tpu.memory_space<vmem>>, vector<16xi32>,
        %jit3A_649 = arith.constant 0.000000e+00 : f32
        %broadcast_in_dim3A_650 = vector.broadcast %jit3A_649 : f32 to vector<16xf32>
        %select_n3A_651 = arith.select %and3A_640, %get3A_633, %broadcast_in_dim3A_650 : vector<16xi1>, vector<16xf32>
        %swap3A_652 = arith.index_cast %add3A_629 : i32 to index
        %swap3A_653 = tpu.vector_load %arg9[%swap3A_652] {strides = array<i32>} : memref<6272xf32, #tpu.memory_space<vmem>>, vector<16xf32>,
        tpu.vector_store %arg9[%swap3A_652], %select_n3A_651 {strides = array<i32>} : memref<6272xf32, #tpu.memory_space<vmem>>, vector<16xf32>,
      }
      %scan3A_231 = arith.constant 49 : i32
      %dma_start3A_232 = arith.constant 0 : i32
      %dma_start3A_233 = tpu.memref_slice %arg5[%dma_start3A_232] : memref<1605632xf32, #tpu.memory_space<vmem_shared>> -> memref<1605632xf32, #tpu.memory_space<vmem_shared>>
      tpu.enqueue_indirect_dma source(%arg9 : memref<6272xf32, #tpu.memory_space<vmem>>) target(%dma_start3A_233 : memref<1605632xf32, #tpu.memory_space<vmem_shared>>) offsets(%arg8 : memref<6272xi32, #tpu.memory_space<vmem>>) semaphore(%arg14 : memref<!tpu.dma_semaphore, #tpu.memory_space<semaphore_mem>>) {add = true}
      %dma_wait3A_234 = arith.constant 0 : i32
      %dma_wait3A_235 = tpu.memref_slice %arg5[%dma_wait3A_234] : memref<1605632xf32, #tpu.memory_space<vmem_shared>> -> memref<1605632xf32, #tpu.memory_space<vmem_shared>>
      tpu.wait_indirect_dma semaphore(%arg13 : memref<!tpu.dma_semaphore, #tpu.memory_space<semaphore_mem>>) src(%arg7 : memref<6272xf32, #tpu.memory_space<vmem>>) dst(%dma_wait3A_235 : memref<1605632xf32, #tpu.memory_space<vmem_shared>>)
      %mul3A_236 = arith.constant 1204224 : i32
      %mul3A_237 = arith.muli %select_n3A, %mul3A_236 : i32
      %mul3A_238 = arith.constant 75264 : i32
      %mul3A_239 = arith.muli %arg1, %mul3A_238 : i32
      %add3A_240 = arith.addi %mul3A_237, %mul3A_239 : i32
      %add3A_241 = arith.constant 37632 : i32
      %add3A_242 = arith.addi %add3A_240, %add3A_241 : i32
      %dma_start3A_243 = tpu.memref_slice %arg3[%add3A_242] : memref<9633792xi32, #tpu.memory_space<hbm>> -> memref<6272xi32, #tpu.memory_space<hbm>>
      %dma_start3A_244 = tpu.memref_slice %arg3[%add3A_242] : memref<9633792xi32, #tpu.memory_space<hbm>> -> memref<6272xi32, #tpu.memory_space<hbm>>
      tpu.enqueue_dma source(%dma_start3A_244 : memref<6272xi32, #tpu.memory_space<hbm>>) target(%arg6 : memref<6272xi32, #tpu.memory_space<vmem>>) target_semaphore(%arg11 : memref<!tpu.dma_semaphore, #tpu.memory_space<semaphore_mem>>)
      %dma_start3A_245 = tpu.memref_slice %arg2[%add3A_242] : memref<9633792xf32, #tpu.memory_space<hbm>> -> memref<6272xf32, #tpu.memory_space<hbm>>
      %dma_start3A_246 = tpu.memref_slice %arg2[%add3A_242] : memref<9633792xf32, #tpu.memory_space<hbm>> -> memref<6272xf32, #tpu.memory_space<hbm>>
      tpu.enqueue_dma source(%dma_start3A_246 : memref<6272xf32, #tpu.memory_space<hbm>>) target(%arg7 : memref<6272xf32, #tpu.memory_space<vmem>>) target_semaphore(%arg11 : memref<!tpu.dma_semaphore, #tpu.memory_space<semaphore_mem>>)
      %mul3A_247 = arith.constant 1204224 : i32
      %mul3A_248 = arith.muli %select_n3A, %mul3A_247 : i32
      %mul3A_249 = arith.constant 75264 : i32
      %mul3A_250 = arith.muli %arg1, %mul3A_249 : i32
      %add3A_251 = arith.addi %mul3A_248, %mul3A_250 : i32
      %add3A_252 = arith.constant 37632 : i32
      %add3A_253 = arith.addi %add3A_251, %add3A_252 : i32
      %dma_wait3A_254 = tpu.memref_slice %arg3[%add3A_253] : memref<9633792xi32, #tpu.memory_space<hbm>> -> memref<6272xi32, #tpu.memory_space<hbm>>
      %dma_wait3A_255 = tpu.memref_slice %arg3[%add3A_253] : memref<9633792xi32, #tpu.memory_space<hbm>> -> memref<6272xi32, #tpu.memory_space<hbm>>
      tpu.wait_dma2 semaphore(%arg11 : memref<!tpu.dma_semaphore, #tpu.memory_space<semaphore_mem>>) src(%dma_wait3A_255 : memref<6272xi32, #tpu.memory_space<hbm>>) dst(%arg6 : memref<6272xi32, #tpu.memory_space<vmem>>)
      %dma_wait3A_256 = tpu.memref_slice %arg2[%add3A_253] : memref<9633792xf32, #tpu.memory_space<hbm>> -> memref<6272xf32, #tpu.memory_space<hbm>>
      %dma_wait3A_257 = tpu.memref_slice %arg2[%add3A_253] : memref<9633792xf32, #tpu.memory_space<hbm>> -> memref<6272xf32, #tpu.memory_space<hbm>>
      tpu.wait_dma2 semaphore(%arg11 : memref<!tpu.dma_semaphore, #tpu.memory_space<semaphore_mem>>) src(%dma_wait3A_257 : memref<6272xf32, #tpu.memory_space<hbm>>) dst(%arg7 : memref<6272xf32, #tpu.memory_space<vmem>>)
      %scan3A_258 = arith.constant 0 : i32
      %scan3A_259 = arith.constant 49 : i32
      %scan3A_260 = arith.addi %scan3A_258, %scan3A_259 : i32
      %scan3A_261 = arith.constant 1 : i32
      scf.for %scan3A_433 = %scan3A_258 to %scan3A_260 step %scan3A_261  : i32 {
        %mul3A_434 = arith.constant 128 : i32
        %mul3A_435 = arith.muli %scan3A_433, %mul3A_434 : i32
        %add3A_436 = arith.constant 0 : i32
        %add3A_437 = arith.addi %mul3A_435, %add3A_436 : i32
        %get3A = arith.index_cast %add3A_437 : i32 to index
        %get3A_438 = tpu.vector_load %arg6[%get3A] {strides = array<i32>} : memref<6272xi32, #tpu.memory_space<vmem>>, vector<16xi32>,
        %get3A_439 = arith.index_cast %add3A_437 : i32 to index
        %get3A_440 = tpu.vector_load %arg7[%get3A_439] {strides = array<i32>} : memref<6272xf32, #tpu.memory_space<vmem>>, vector<16xf32>,
        %ge3A = vector.broadcast %mul3A_43 : i32 to vector<16xi32>
        %ge3A_441 = arith.cmpi sge, %get3A_438, %ge3A : vector<16xi32>
        %add3A_442 = arith.constant 1605632 : i32
        %add3A_443 = arith.addi %mul3A_43, %add3A_442 : i32
        %lt3A_444 = vector.broadcast %add3A_443 : i32 to vector<16xi32>
        %lt3A_445 = arith.cmpi slt, %get3A_438, %lt3A_444 : vector<16xi32>
        %and3A_446 = arith.andi %ge3A_441, %lt3A_445 : vector<16xi1>
        %sub3A_447 = vector.broadcast %mul3A_43 : i32 to vector<16xi32>
        %sub3A_448 = arith.subi %get3A_438, %sub3A_447 : vector<16xi32>
        %shift_right_arithmetic3A = arith.constant 2 : i32
        %shift_right_arithmetic3A_449 = vector.broadcast %shift_right_arithmetic3A : i32 to vector<16xi32>
        %shift_right_arithmetic3A_450 = arith.shrsi %get3A_438, %shift_right_arithmetic3A_449 : vector<16xi32>
        %select_n3A_451 = arith.select %and3A_446, %sub3A_448, %shift_right_arithmetic3A_450 : vector<16xi1>, vector<16xi32>
        %swap3A = arith.index_cast %add3A_437 : i32 to index
        %swap3A_452 = tpu.vector_load %arg6[%swap3A] {strides = array<i32>} : memref<6272xi32, #tpu.memory_space<vmem>>, vector<16xi32>,
        tpu.vector_store %arg6[%swap3A], %select_n3A_451 {strides = array<i32>} : memref<6272xi32, #tpu.memory_space<vmem>>, vector<16xi32>,
        %jit3A_453 = arith.constant 0.000000e+00 : f32
        %broadcast_in_dim3A_454 = vector.broadcast %jit3A_453 : f32 to vector<16xf32>
        %select_n3A_455 = arith.select %and3A_446, %get3A_440, %broadcast_in_dim3A_454 : vector<16xi1>, vector<16xf32>
        %swap3A_456 = arith.index_cast %add3A_437 : i32 to index
        %swap3A_457 = tpu.vector_load %arg7[%swap3A_456] {strides = array<i32>} : memref<6272xf32, #tpu.memory_space<vmem>>, vector<16xf32>,
        tpu.vector_store %arg7[%swap3A_456], %select_n3A_455 {strides = array<i32>} : memref<6272xf32, #tpu.memory_space<vmem>>, vector<16xf32>,
        %mul3A_458 = arith.constant 128 : i32
        %mul3A_459 = arith.muli %scan3A_433, %mul3A_458 : i32
        %add3A_460 = arith.constant 16 : i32
        %add3A_461 = arith.addi %mul3A_459, %add3A_460 : i32
        %get3A_462 = arith.index_cast %add3A_461 : i32 to index
        %get3A_463 = tpu.vector_load %arg6[%get3A_462] {strides = array<i32>} : memref<6272xi32, #tpu.memory_space<vmem>>, vector<16xi32>,
        %get3A_464 = arith.index_cast %add3A_461 : i32 to index
        %get3A_465 = tpu.vector_load %arg7[%get3A_464] {strides = array<i32>} : memref<6272xf32, #tpu.memory_space<vmem>>, vector<16xf32>,
        %ge3A_466 = vector.broadcast %mul3A_43 : i32 to vector<16xi32>
        %ge3A_467 = arith.cmpi sge, %get3A_463, %ge3A_466 : vector<16xi32>
        %add3A_468 = arith.constant 1605632 : i32
        %add3A_469 = arith.addi %mul3A_43, %add3A_468 : i32
        %lt3A_470 = vector.broadcast %add3A_469 : i32 to vector<16xi32>
        %lt3A_471 = arith.cmpi slt, %get3A_463, %lt3A_470 : vector<16xi32>
        %and3A_472 = arith.andi %ge3A_467, %lt3A_471 : vector<16xi1>
        %sub3A_473 = vector.broadcast %mul3A_43 : i32 to vector<16xi32>
        %sub3A_474 = arith.subi %get3A_463, %sub3A_473 : vector<16xi32>
        %shift_right_arithmetic3A_475 = arith.constant 2 : i32
        %shift_right_arithmetic3A_476 = vector.broadcast %shift_right_arithmetic3A_475 : i32 to vector<16xi32>
        %shift_right_arithmetic3A_477 = arith.shrsi %get3A_463, %shift_right_arithmetic3A_476 : vector<16xi32>
        %select_n3A_478 = arith.select %and3A_472, %sub3A_474, %shift_right_arithmetic3A_477 : vector<16xi1>, vector<16xi32>
        %swap3A_479 = arith.index_cast %add3A_461 : i32 to index
        %swap3A_480 = tpu.vector_load %arg6[%swap3A_479] {strides = array<i32>} : memref<6272xi32, #tpu.memory_space<vmem>>, vector<16xi32>,
        tpu.vector_store %arg6[%swap3A_479], %select_n3A_478 {strides = array<i32>} : memref<6272xi32, #tpu.memory_space<vmem>>, vector<16xi32>,
        %jit3A_481 = arith.constant 0.000000e+00 : f32
        %broadcast_in_dim3A_482 = vector.broadcast %jit3A_481 : f32 to vector<16xf32>
        %select_n3A_483 = arith.select %and3A_472, %get3A_465, %broadcast_in_dim3A_482 : vector<16xi1>, vector<16xf32>
        %swap3A_484 = arith.index_cast %add3A_461 : i32 to index
        %swap3A_485 = tpu.vector_load %arg7[%swap3A_484] {strides = array<i32>} : memref<6272xf32, #tpu.memory_space<vmem>>, vector<16xf32>,
        tpu.vector_store %arg7[%swap3A_484], %select_n3A_483 {strides = array<i32>} : memref<6272xf32, #tpu.memory_space<vmem>>, vector<16xf32>,
        %mul3A_486 = arith.constant 128 : i32
        %mul3A_487 = arith.muli %scan3A_433, %mul3A_486 : i32
        %add3A_488 = arith.constant 32 : i32
        %add3A_489 = arith.addi %mul3A_487, %add3A_488 : i32
        %get3A_490 = arith.index_cast %add3A_489 : i32 to index
        %get3A_491 = tpu.vector_load %arg6[%get3A_490] {strides = array<i32>} : memref<6272xi32, #tpu.memory_space<vmem>>, vector<16xi32>,
        %get3A_492 = arith.index_cast %add3A_489 : i32 to index
        %get3A_493 = tpu.vector_load %arg7[%get3A_492] {strides = array<i32>} : memref<6272xf32, #tpu.memory_space<vmem>>, vector<16xf32>,
        %ge3A_494 = vector.broadcast %mul3A_43 : i32 to vector<16xi32>
        %ge3A_495 = arith.cmpi sge, %get3A_491, %ge3A_494 : vector<16xi32>
        %add3A_496 = arith.constant 1605632 : i32
        %add3A_497 = arith.addi %mul3A_43, %add3A_496 : i32
        %lt3A_498 = vector.broadcast %add3A_497 : i32 to vector<16xi32>
        %lt3A_499 = arith.cmpi slt, %get3A_491, %lt3A_498 : vector<16xi32>
        %and3A_500 = arith.andi %ge3A_495, %lt3A_499 : vector<16xi1>
        %sub3A_501 = vector.broadcast %mul3A_43 : i32 to vector<16xi32>
        %sub3A_502 = arith.subi %get3A_491, %sub3A_501 : vector<16xi32>
        %shift_right_arithmetic3A_503 = arith.constant 2 : i32
        %shift_right_arithmetic3A_504 = vector.broadcast %shift_right_arithmetic3A_503 : i32 to vector<16xi32>
        %shift_right_arithmetic3A_505 = arith.shrsi %get3A_491, %shift_right_arithmetic3A_504 : vector<16xi32>
        %select_n3A_506 = arith.select %and3A_500, %sub3A_502, %shift_right_arithmetic3A_505 : vector<16xi1>, vector<16xi32>
        %swap3A_507 = arith.index_cast %add3A_489 : i32 to index
        %swap3A_508 = tpu.vector_load %arg6[%swap3A_507] {strides = array<i32>} : memref<6272xi32, #tpu.memory_space<vmem>>, vector<16xi32>,
        tpu.vector_store %arg6[%swap3A_507], %select_n3A_506 {strides = array<i32>} : memref<6272xi32, #tpu.memory_space<vmem>>, vector<16xi32>,
        %jit3A_509 = arith.constant 0.000000e+00 : f32
        %broadcast_in_dim3A_510 = vector.broadcast %jit3A_509 : f32 to vector<16xf32>
        %select_n3A_511 = arith.select %and3A_500, %get3A_493, %broadcast_in_dim3A_510 : vector<16xi1>, vector<16xf32>
        %swap3A_512 = arith.index_cast %add3A_489 : i32 to index
        %swap3A_513 = tpu.vector_load %arg7[%swap3A_512] {strides = array<i32>} : memref<6272xf32, #tpu.memory_space<vmem>>, vector<16xf32>,
        tpu.vector_store %arg7[%swap3A_512], %select_n3A_511 {strides = array<i32>} : memref<6272xf32, #tpu.memory_space<vmem>>, vector<16xf32>,
        %mul3A_514 = arith.constant 128 : i32
        %mul3A_515 = arith.muli %scan3A_433, %mul3A_514 : i32
        %add3A_516 = arith.constant 48 : i32
        %add3A_517 = arith.addi %mul3A_515, %add3A_516 : i32
        %get3A_518 = arith.index_cast %add3A_517 : i32 to index
        %get3A_519 = tpu.vector_load %arg6[%get3A_518] {strides = array<i32>} : memref<6272xi32, #tpu.memory_space<vmem>>, vector<16xi32>,
        %get3A_520 = arith.index_cast %add3A_517 : i32 to index
        %get3A_521 = tpu.vector_load %arg7[%get3A_520] {strides = array<i32>} : memref<6272xf32, #tpu.memory_space<vmem>>, vector<16xf32>,
        %ge3A_522 = vector.broadcast %mul3A_43 : i32 to vector<16xi32>
        %ge3A_523 = arith.cmpi sge, %get3A_519, %ge3A_522 : vector<16xi32>
        %add3A_524 = arith.constant 1605632 : i32
        %add3A_525 = arith.addi %mul3A_43, %add3A_524 : i32
        %lt3A_526 = vector.broadcast %add3A_525 : i32 to vector<16xi32>
        %lt3A_527 = arith.cmpi slt, %get3A_519, %lt3A_526 : vector<16xi32>
        %and3A_528 = arith.andi %ge3A_523, %lt3A_527 : vector<16xi1>
        %sub3A_529 = vector.broadcast %mul3A_43 : i32 to vector<16xi32>
        %sub3A_530 = arith.subi %get3A_519, %sub3A_529 : vector<16xi32>
        %shift_right_arithmetic3A_531 = arith.constant 2 : i32
        %shift_right_arithmetic3A_532 = vector.broadcast %shift_right_arithmetic3A_531 : i32 to vector<16xi32>
        %shift_right_arithmetic3A_533 = arith.shrsi %get3A_519, %shift_right_arithmetic3A_532 : vector<16xi32>
        %select_n3A_534 = arith.select %and3A_528, %sub3A_530, %shift_right_arithmetic3A_533 : vector<16xi1>, vector<16xi32>
        %swap3A_535 = arith.index_cast %add3A_517 : i32 to index
        %swap3A_536 = tpu.vector_load %arg6[%swap3A_535] {strides = array<i32>} : memref<6272xi32, #tpu.memory_space<vmem>>, vector<16xi32>,
        tpu.vector_store %arg6[%swap3A_535], %select_n3A_534 {strides = array<i32>} : memref<6272xi32, #tpu.memory_space<vmem>>, vector<16xi32>,
        %jit3A_537 = arith.constant 0.000000e+00 : f32
        %broadcast_in_dim3A_538 = vector.broadcast %jit3A_537 : f32 to vector<16xf32>
        %select_n3A_539 = arith.select %and3A_528, %get3A_521, %broadcast_in_dim3A_538 : vector<16xi1>, vector<16xf32>
        %swap3A_540 = arith.index_cast %add3A_517 : i32 to index
        %swap3A_541 = tpu.vector_load %arg7[%swap3A_540] {strides = array<i32>} : memref<6272xf32, #tpu.memory_space<vmem>>, vector<16xf32>,
        tpu.vector_store %arg7[%swap3A_540], %select_n3A_539 {strides = array<i32>} : memref<6272xf32, #tpu.memory_space<vmem>>, vector<16xf32>,
        %mul3A_542 = arith.constant 128 : i32
        %mul3A_543 = arith.muli %scan3A_433, %mul3A_542 : i32
        %add3A_544 = arith.constant 64 : i32
        %add3A_545 = arith.addi %mul3A_543, %add3A_544 : i32
        %get3A_546 = arith.index_cast %add3A_545 : i32 to index
        %get3A_547 = tpu.vector_load %arg6[%get3A_546] {strides = array<i32>} : memref<6272xi32, #tpu.memory_space<vmem>>, vector<16xi32>,
        %get3A_548 = arith.index_cast %add3A_545 : i32 to index
        %get3A_549 = tpu.vector_load %arg7[%get3A_548] {strides = array<i32>} : memref<6272xf32, #tpu.memory_space<vmem>>, vector<16xf32>,
        %ge3A_550 = vector.broadcast %mul3A_43 : i32 to vector<16xi32>
        %ge3A_551 = arith.cmpi sge, %get3A_547, %ge3A_550 : vector<16xi32>
        %add3A_552 = arith.constant 1605632 : i32
        %add3A_553 = arith.addi %mul3A_43, %add3A_552 : i32
        %lt3A_554 = vector.broadcast %add3A_553 : i32 to vector<16xi32>
        %lt3A_555 = arith.cmpi slt, %get3A_547, %lt3A_554 : vector<16xi32>
        %and3A_556 = arith.andi %ge3A_551, %lt3A_555 : vector<16xi1>
        %sub3A_557 = vector.broadcast %mul3A_43 : i32 to vector<16xi32>
        %sub3A_558 = arith.subi %get3A_547, %sub3A_557 : vector<16xi32>
        %shift_right_arithmetic3A_559 = arith.constant 2 : i32
        %shift_right_arithmetic3A_560 = vector.broadcast %shift_right_arithmetic3A_559 : i32 to vector<16xi32>
        %shift_right_arithmetic3A_561 = arith.shrsi %get3A_547, %shift_right_arithmetic3A_560 : vector<16xi32>
        %select_n3A_562 = arith.select %and3A_556, %sub3A_558, %shift_right_arithmetic3A_561 : vector<16xi1>, vector<16xi32>
        %swap3A_563 = arith.index_cast %add3A_545 : i32 to index
        %swap3A_564 = tpu.vector_load %arg6[%swap3A_563] {strides = array<i32>} : memref<6272xi32, #tpu.memory_space<vmem>>, vector<16xi32>,
        tpu.vector_store %arg6[%swap3A_563], %select_n3A_562 {strides = array<i32>} : memref<6272xi32, #tpu.memory_space<vmem>>, vector<16xi32>,
        %jit3A_565 = arith.constant 0.000000e+00 : f32
        %broadcast_in_dim3A_566 = vector.broadcast %jit3A_565 : f32 to vector<16xf32>
        %select_n3A_567 = arith.select %and3A_556, %get3A_549, %broadcast_in_dim3A_566 : vector<16xi1>, vector<16xf32>
        %swap3A_568 = arith.index_cast %add3A_545 : i32 to index
        %swap3A_569 = tpu.vector_load %arg7[%swap3A_568] {strides = array<i32>} : memref<6272xf32, #tpu.memory_space<vmem>>, vector<16xf32>,
        tpu.vector_store %arg7[%swap3A_568], %select_n3A_567 {strides = array<i32>} : memref<6272xf32, #tpu.memory_space<vmem>>, vector<16xf32>,
        %mul3A_570 = arith.constant 128 : i32
        %mul3A_571 = arith.muli %scan3A_433, %mul3A_570 : i32
        %add3A_572 = arith.constant 80 : i32
        %add3A_573 = arith.addi %mul3A_571, %add3A_572 : i32
        %get3A_574 = arith.index_cast %add3A_573 : i32 to index
        %get3A_575 = tpu.vector_load %arg6[%get3A_574] {strides = array<i32>} : memref<6272xi32, #tpu.memory_space<vmem>>, vector<16xi32>,
        %get3A_576 = arith.index_cast %add3A_573 : i32 to index
        %get3A_577 = tpu.vector_load %arg7[%get3A_576] {strides = array<i32>} : memref<6272xf32, #tpu.memory_space<vmem>>, vector<16xf32>,
        %ge3A_578 = vector.broadcast %mul3A_43 : i32 to vector<16xi32>
        %ge3A_579 = arith.cmpi sge, %get3A_575, %ge3A_578 : vector<16xi32>
        %add3A_580 = arith.constant 1605632 : i32
        %add3A_581 = arith.addi %mul3A_43, %add3A_580 : i32
        %lt3A_582 = vector.broadcast %add3A_581 : i32 to vector<16xi32>
        %lt3A_583 = arith.cmpi slt, %get3A_575, %lt3A_582 : vector<16xi32>
        %and3A_584 = arith.andi %ge3A_579, %lt3A_583 : vector<16xi1>
        %sub3A_585 = vector.broadcast %mul3A_43 : i32 to vector<16xi32>
        %sub3A_586 = arith.subi %get3A_575, %sub3A_585 : vector<16xi32>
        %shift_right_arithmetic3A_587 = arith.constant 2 : i32
        %shift_right_arithmetic3A_588 = vector.broadcast %shift_right_arithmetic3A_587 : i32 to vector<16xi32>
        %shift_right_arithmetic3A_589 = arith.shrsi %get3A_575, %shift_right_arithmetic3A_588 : vector<16xi32>
        %select_n3A_590 = arith.select %and3A_584, %sub3A_586, %shift_right_arithmetic3A_589 : vector<16xi1>, vector<16xi32>
        %swap3A_591 = arith.index_cast %add3A_573 : i32 to index
        %swap3A_592 = tpu.vector_load %arg6[%swap3A_591] {strides = array<i32>} : memref<6272xi32, #tpu.memory_space<vmem>>, vector<16xi32>,
        tpu.vector_store %arg6[%swap3A_591], %select_n3A_590 {strides = array<i32>} : memref<6272xi32, #tpu.memory_space<vmem>>, vector<16xi32>,
        %jit3A_593 = arith.constant 0.000000e+00 : f32
        %broadcast_in_dim3A_594 = vector.broadcast %jit3A_593 : f32 to vector<16xf32>
        %select_n3A_595 = arith.select %and3A_584, %get3A_577, %broadcast_in_dim3A_594 : vector<16xi1>, vector<16xf32>
        %swap3A_596 = arith.index_cast %add3A_573 : i32 to index
        %swap3A_597 = tpu.vector_load %arg7[%swap3A_596] {strides = array<i32>} : memref<6272xf32, #tpu.memory_space<vmem>>, vector<16xf32>,
        tpu.vector_store %arg7[%swap3A_596], %select_n3A_595 {strides = array<i32>} : memref<6272xf32, #tpu.memory_space<vmem>>, vector<16xf32>,
        %mul3A_598 = arith.constant 128 : i32
        %mul3A_599 = arith.muli %scan3A_433, %mul3A_598 : i32
        %add3A_600 = arith.constant 96 : i32
        %add3A_601 = arith.addi %mul3A_599, %add3A_600 : i32
        %get3A_602 = arith.index_cast %add3A_601 : i32 to index
        %get3A_603 = tpu.vector_load %arg6[%get3A_602] {strides = array<i32>} : memref<6272xi32, #tpu.memory_space<vmem>>, vector<16xi32>,
        %get3A_604 = arith.index_cast %add3A_601 : i32 to index
        %get3A_605 = tpu.vector_load %arg7[%get3A_604] {strides = array<i32>} : memref<6272xf32, #tpu.memory_space<vmem>>, vector<16xf32>,
        %ge3A_606 = vector.broadcast %mul3A_43 : i32 to vector<16xi32>
        %ge3A_607 = arith.cmpi sge, %get3A_603, %ge3A_606 : vector<16xi32>
        %add3A_608 = arith.constant 1605632 : i32
        %add3A_609 = arith.addi %mul3A_43, %add3A_608 : i32
        %lt3A_610 = vector.broadcast %add3A_609 : i32 to vector<16xi32>
        %lt3A_611 = arith.cmpi slt, %get3A_603, %lt3A_610 : vector<16xi32>
        %and3A_612 = arith.andi %ge3A_607, %lt3A_611 : vector<16xi1>
        %sub3A_613 = vector.broadcast %mul3A_43 : i32 to vector<16xi32>
        %sub3A_614 = arith.subi %get3A_603, %sub3A_613 : vector<16xi32>
        %shift_right_arithmetic3A_615 = arith.constant 2 : i32
        %shift_right_arithmetic3A_616 = vector.broadcast %shift_right_arithmetic3A_615 : i32 to vector<16xi32>
        %shift_right_arithmetic3A_617 = arith.shrsi %get3A_603, %shift_right_arithmetic3A_616 : vector<16xi32>
        %select_n3A_618 = arith.select %and3A_612, %sub3A_614, %shift_right_arithmetic3A_617 : vector<16xi1>, vector<16xi32>
        %swap3A_619 = arith.index_cast %add3A_601 : i32 to index
        %swap3A_620 = tpu.vector_load %arg6[%swap3A_619] {strides = array<i32>} : memref<6272xi32, #tpu.memory_space<vmem>>, vector<16xi32>,
        tpu.vector_store %arg6[%swap3A_619], %select_n3A_618 {strides = array<i32>} : memref<6272xi32, #tpu.memory_space<vmem>>, vector<16xi32>,
        %jit3A_621 = arith.constant 0.000000e+00 : f32
        %broadcast_in_dim3A_622 = vector.broadcast %jit3A_621 : f32 to vector<16xf32>
        %select_n3A_623 = arith.select %and3A_612, %get3A_605, %broadcast_in_dim3A_622 : vector<16xi1>, vector<16xf32>
        %swap3A_624 = arith.index_cast %add3A_601 : i32 to index
        %swap3A_625 = tpu.vector_load %arg7[%swap3A_624] {strides = array<i32>} : memref<6272xf32, #tpu.memory_space<vmem>>, vector<16xf32>,
        tpu.vector_store %arg7[%swap3A_624], %select_n3A_623 {strides = array<i32>} : memref<6272xf32, #tpu.memory_space<vmem>>, vector<16xf32>,
        %mul3A_626 = arith.constant 128 : i32
        %mul3A_627 = arith.muli %scan3A_433, %mul3A_626 : i32
        %add3A_628 = arith.constant 112 : i32
        %add3A_629 = arith.addi %mul3A_627, %add3A_628 : i32
        %get3A_630 = arith.index_cast %add3A_629 : i32 to index
        %get3A_631 = tpu.vector_load %arg6[%get3A_630] {strides = array<i32>} : memref<6272xi32, #tpu.memory_space<vmem>>, vector<16xi32>,
        %get3A_632 = arith.index_cast %add3A_629 : i32 to index
        %get3A_633 = tpu.vector_load %arg7[%get3A_632] {strides = array<i32>} : memref<6272xf32, #tpu.memory_space<vmem>>, vector<16xf32>,
        %ge3A_634 = vector.broadcast %mul3A_43 : i32 to vector<16xi32>
        %ge3A_635 = arith.cmpi sge, %get3A_631, %ge3A_634 : vector<16xi32>
        %add3A_636 = arith.constant 1605632 : i32
        %add3A_637 = arith.addi %mul3A_43, %add3A_636 : i32
        %lt3A_638 = vector.broadcast %add3A_637 : i32 to vector<16xi32>
        %lt3A_639 = arith.cmpi slt, %get3A_631, %lt3A_638 : vector<16xi32>
        %and3A_640 = arith.andi %ge3A_635, %lt3A_639 : vector<16xi1>
        %sub3A_641 = vector.broadcast %mul3A_43 : i32 to vector<16xi32>
        %sub3A_642 = arith.subi %get3A_631, %sub3A_641 : vector<16xi32>
        %shift_right_arithmetic3A_643 = arith.constant 2 : i32
        %shift_right_arithmetic3A_644 = vector.broadcast %shift_right_arithmetic3A_643 : i32 to vector<16xi32>
        %shift_right_arithmetic3A_645 = arith.shrsi %get3A_631, %shift_right_arithmetic3A_644 : vector<16xi32>
        %select_n3A_646 = arith.select %and3A_640, %sub3A_642, %shift_right_arithmetic3A_645 : vector<16xi1>, vector<16xi32>
        %swap3A_647 = arith.index_cast %add3A_629 : i32 to index
        %swap3A_648 = tpu.vector_load %arg6[%swap3A_647] {strides = array<i32>} : memref<6272xi32, #tpu.memory_space<vmem>>, vector<16xi32>,
        tpu.vector_store %arg6[%swap3A_647], %select_n3A_646 {strides = array<i32>} : memref<6272xi32, #tpu.memory_space<vmem>>, vector<16xi32>,
        %jit3A_649 = arith.constant 0.000000e+00 : f32
        %broadcast_in_dim3A_650 = vector.broadcast %jit3A_649 : f32 to vector<16xf32>
        %select_n3A_651 = arith.select %and3A_640, %get3A_633, %broadcast_in_dim3A_650 : vector<16xi1>, vector<16xf32>
        %swap3A_652 = arith.index_cast %add3A_629 : i32 to index
        %swap3A_653 = tpu.vector_load %arg7[%swap3A_652] {strides = array<i32>} : memref<6272xf32, #tpu.memory_space<vmem>>, vector<16xf32>,
        tpu.vector_store %arg7[%swap3A_652], %select_n3A_651 {strides = array<i32>} : memref<6272xf32, #tpu.memory_space<vmem>>, vector<16xf32>,
      }
      %scan3A_262 = arith.constant 49 : i32
      %dma_start3A_263 = arith.constant 0 : i32
      %dma_start3A_264 = tpu.memref_slice %arg5[%dma_start3A_263] : memref<1605632xf32, #tpu.memory_space<vmem_shared>> -> memref<1605632xf32, #tpu.memory_space<vmem_shared>>
      tpu.enqueue_indirect_dma source(%arg7 : memref<6272xf32, #tpu.memory_space<vmem>>) target(%dma_start3A_264 : memref<1605632xf32, #tpu.memory_space<vmem_shared>>) offsets(%arg6 : memref<6272xi32, #tpu.memory_space<vmem>>) semaphore(%arg13 : memref<!tpu.dma_semaphore, #tpu.memory_space<semaphore_mem>>) {add = true}
      %dma_wait3A_265 = arith.constant 0 : i32
      %dma_wait3A_266 = tpu.memref_slice %arg5[%dma_wait3A_265] : memref<1605632xf32, #tpu.memory_space<vmem_shared>> -> memref<1605632xf32, #tpu.memory_space<vmem_shared>>
      tpu.wait_indirect_dma semaphore(%arg14 : memref<!tpu.dma_semaphore, #tpu.memory_space<semaphore_mem>>) src(%arg9 : memref<6272xf32, #tpu.memory_space<vmem>>) dst(%dma_wait3A_266 : memref<1605632xf32, #tpu.memory_space<vmem_shared>>)
      %mul3A_267 = arith.constant 1204224 : i32
      %mul3A_268 = arith.muli %select_n3A, %mul3A_267 : i32
      %mul3A_269 = arith.constant 75264 : i32
      %mul3A_270 = arith.muli %arg1, %mul3A_269 : i32
      %add3A_271 = arith.addi %mul3A_268, %mul3A_270 : i32
      %add3A_272 = arith.constant 43904 : i32
      %add3A_273 = arith.addi %add3A_271, %add3A_272 : i32
      %dma_start3A_274 = tpu.memref_slice %arg3[%add3A_273] : memref<9633792xi32, #tpu.memory_space<hbm>> -> memref<6272xi32, #tpu.memory_space<hbm>>
      %dma_start3A_275 = tpu.memref_slice %arg3[%add3A_273] : memref<9633792xi32, #tpu.memory_space<hbm>> -> memref<6272xi32, #tpu.memory_space<hbm>>
      tpu.enqueue_dma source(%dma_start3A_275 : memref<6272xi32, #tpu.memory_space<hbm>>) target(%arg8 : memref<6272xi32, #tpu.memory_space<vmem>>) target_semaphore(%arg12 : memref<!tpu.dma_semaphore, #tpu.memory_space<semaphore_mem>>)
      %dma_start3A_276 = tpu.memref_slice %arg2[%add3A_273] : memref<9633792xf32, #tpu.memory_space<hbm>> -> memref<6272xf32, #tpu.memory_space<hbm>>
      %dma_start3A_277 = tpu.memref_slice %arg2[%add3A_273] : memref<9633792xf32, #tpu.memory_space<hbm>> -> memref<6272xf32, #tpu.memory_space<hbm>>
      tpu.enqueue_dma source(%dma_start3A_277 : memref<6272xf32, #tpu.memory_space<hbm>>) target(%arg9 : memref<6272xf32, #tpu.memory_space<vmem>>) target_semaphore(%arg12 : memref<!tpu.dma_semaphore, #tpu.memory_space<semaphore_mem>>)
      %mul3A_278 = arith.constant 1204224 : i32
      %mul3A_279 = arith.muli %select_n3A, %mul3A_278 : i32
      %mul3A_280 = arith.constant 75264 : i32
      %mul3A_281 = arith.muli %arg1, %mul3A_280 : i32
      %add3A_282 = arith.addi %mul3A_279, %mul3A_281 : i32
      %add3A_283 = arith.constant 43904 : i32
      %add3A_284 = arith.addi %add3A_282, %add3A_283 : i32
      %dma_wait3A_285 = tpu.memref_slice %arg3[%add3A_284] : memref<9633792xi32, #tpu.memory_space<hbm>> -> memref<6272xi32, #tpu.memory_space<hbm>>
      %dma_wait3A_286 = tpu.memref_slice %arg3[%add3A_284] : memref<9633792xi32, #tpu.memory_space<hbm>> -> memref<6272xi32, #tpu.memory_space<hbm>>
      tpu.wait_dma2 semaphore(%arg12 : memref<!tpu.dma_semaphore, #tpu.memory_space<semaphore_mem>>) src(%dma_wait3A_286 : memref<6272xi32, #tpu.memory_space<hbm>>) dst(%arg8 : memref<6272xi32, #tpu.memory_space<vmem>>)
      %dma_wait3A_287 = tpu.memref_slice %arg2[%add3A_284] : memref<9633792xf32, #tpu.memory_space<hbm>> -> memref<6272xf32, #tpu.memory_space<hbm>>
      %dma_wait3A_288 = tpu.memref_slice %arg2[%add3A_284] : memref<9633792xf32, #tpu.memory_space<hbm>> -> memref<6272xf32, #tpu.memory_space<hbm>>
      tpu.wait_dma2 semaphore(%arg12 : memref<!tpu.dma_semaphore, #tpu.memory_space<semaphore_mem>>) src(%dma_wait3A_288 : memref<6272xf32, #tpu.memory_space<hbm>>) dst(%arg9 : memref<6272xf32, #tpu.memory_space<vmem>>)
      %scan3A_289 = arith.constant 0 : i32
      %scan3A_290 = arith.constant 49 : i32
      %scan3A_291 = arith.addi %scan3A_289, %scan3A_290 : i32
      %scan3A_292 = arith.constant 1 : i32
      scf.for %scan3A_433 = %scan3A_289 to %scan3A_291 step %scan3A_292  : i32 {
        %mul3A_434 = arith.constant 128 : i32
        %mul3A_435 = arith.muli %scan3A_433, %mul3A_434 : i32
        %add3A_436 = arith.constant 0 : i32
        %add3A_437 = arith.addi %mul3A_435, %add3A_436 : i32
        %get3A = arith.index_cast %add3A_437 : i32 to index
        %get3A_438 = tpu.vector_load %arg8[%get3A] {strides = array<i32>} : memref<6272xi32, #tpu.memory_space<vmem>>, vector<16xi32>,
        %get3A_439 = arith.index_cast %add3A_437 : i32 to index
        %get3A_440 = tpu.vector_load %arg9[%get3A_439] {strides = array<i32>} : memref<6272xf32, #tpu.memory_space<vmem>>, vector<16xf32>,
        %ge3A = vector.broadcast %mul3A_43 : i32 to vector<16xi32>
        %ge3A_441 = arith.cmpi sge, %get3A_438, %ge3A : vector<16xi32>
        %add3A_442 = arith.constant 1605632 : i32
        %add3A_443 = arith.addi %mul3A_43, %add3A_442 : i32
        %lt3A_444 = vector.broadcast %add3A_443 : i32 to vector<16xi32>
        %lt3A_445 = arith.cmpi slt, %get3A_438, %lt3A_444 : vector<16xi32>
        %and3A_446 = arith.andi %ge3A_441, %lt3A_445 : vector<16xi1>
        %sub3A_447 = vector.broadcast %mul3A_43 : i32 to vector<16xi32>
        %sub3A_448 = arith.subi %get3A_438, %sub3A_447 : vector<16xi32>
        %shift_right_arithmetic3A = arith.constant 2 : i32
        %shift_right_arithmetic3A_449 = vector.broadcast %shift_right_arithmetic3A : i32 to vector<16xi32>
        %shift_right_arithmetic3A_450 = arith.shrsi %get3A_438, %shift_right_arithmetic3A_449 : vector<16xi32>
        %select_n3A_451 = arith.select %and3A_446, %sub3A_448, %shift_right_arithmetic3A_450 : vector<16xi1>, vector<16xi32>
        %swap3A = arith.index_cast %add3A_437 : i32 to index
        %swap3A_452 = tpu.vector_load %arg8[%swap3A] {strides = array<i32>} : memref<6272xi32, #tpu.memory_space<vmem>>, vector<16xi32>,
        tpu.vector_store %arg8[%swap3A], %select_n3A_451 {strides = array<i32>} : memref<6272xi32, #tpu.memory_space<vmem>>, vector<16xi32>,
        %jit3A_453 = arith.constant 0.000000e+00 : f32
        %broadcast_in_dim3A_454 = vector.broadcast %jit3A_453 : f32 to vector<16xf32>
        %select_n3A_455 = arith.select %and3A_446, %get3A_440, %broadcast_in_dim3A_454 : vector<16xi1>, vector<16xf32>
        %swap3A_456 = arith.index_cast %add3A_437 : i32 to index
        %swap3A_457 = tpu.vector_load %arg9[%swap3A_456] {strides = array<i32>} : memref<6272xf32, #tpu.memory_space<vmem>>, vector<16xf32>,
        tpu.vector_store %arg9[%swap3A_456], %select_n3A_455 {strides = array<i32>} : memref<6272xf32, #tpu.memory_space<vmem>>, vector<16xf32>,
        %mul3A_458 = arith.constant 128 : i32
        %mul3A_459 = arith.muli %scan3A_433, %mul3A_458 : i32
        %add3A_460 = arith.constant 16 : i32
        %add3A_461 = arith.addi %mul3A_459, %add3A_460 : i32
        %get3A_462 = arith.index_cast %add3A_461 : i32 to index
        %get3A_463 = tpu.vector_load %arg8[%get3A_462] {strides = array<i32>} : memref<6272xi32, #tpu.memory_space<vmem>>, vector<16xi32>,
        %get3A_464 = arith.index_cast %add3A_461 : i32 to index
        %get3A_465 = tpu.vector_load %arg9[%get3A_464] {strides = array<i32>} : memref<6272xf32, #tpu.memory_space<vmem>>, vector<16xf32>,
        %ge3A_466 = vector.broadcast %mul3A_43 : i32 to vector<16xi32>
        %ge3A_467 = arith.cmpi sge, %get3A_463, %ge3A_466 : vector<16xi32>
        %add3A_468 = arith.constant 1605632 : i32
        %add3A_469 = arith.addi %mul3A_43, %add3A_468 : i32
        %lt3A_470 = vector.broadcast %add3A_469 : i32 to vector<16xi32>
        %lt3A_471 = arith.cmpi slt, %get3A_463, %lt3A_470 : vector<16xi32>
        %and3A_472 = arith.andi %ge3A_467, %lt3A_471 : vector<16xi1>
        %sub3A_473 = vector.broadcast %mul3A_43 : i32 to vector<16xi32>
        %sub3A_474 = arith.subi %get3A_463, %sub3A_473 : vector<16xi32>
        %shift_right_arithmetic3A_475 = arith.constant 2 : i32
        %shift_right_arithmetic3A_476 = vector.broadcast %shift_right_arithmetic3A_475 : i32 to vector<16xi32>
        %shift_right_arithmetic3A_477 = arith.shrsi %get3A_463, %shift_right_arithmetic3A_476 : vector<16xi32>
        %select_n3A_478 = arith.select %and3A_472, %sub3A_474, %shift_right_arithmetic3A_477 : vector<16xi1>, vector<16xi32>
        %swap3A_479 = arith.index_cast %add3A_461 : i32 to index
        %swap3A_480 = tpu.vector_load %arg8[%swap3A_479] {strides = array<i32>} : memref<6272xi32, #tpu.memory_space<vmem>>, vector<16xi32>,
        tpu.vector_store %arg8[%swap3A_479], %select_n3A_478 {strides = array<i32>} : memref<6272xi32, #tpu.memory_space<vmem>>, vector<16xi32>,
        %jit3A_481 = arith.constant 0.000000e+00 : f32
        %broadcast_in_dim3A_482 = vector.broadcast %jit3A_481 : f32 to vector<16xf32>
        %select_n3A_483 = arith.select %and3A_472, %get3A_465, %broadcast_in_dim3A_482 : vector<16xi1>, vector<16xf32>
        %swap3A_484 = arith.index_cast %add3A_461 : i32 to index
        %swap3A_485 = tpu.vector_load %arg9[%swap3A_484] {strides = array<i32>} : memref<6272xf32, #tpu.memory_space<vmem>>, vector<16xf32>,
        tpu.vector_store %arg9[%swap3A_484], %select_n3A_483 {strides = array<i32>} : memref<6272xf32, #tpu.memory_space<vmem>>, vector<16xf32>,
        %mul3A_486 = arith.constant 128 : i32
        %mul3A_487 = arith.muli %scan3A_433, %mul3A_486 : i32
        %add3A_488 = arith.constant 32 : i32
        %add3A_489 = arith.addi %mul3A_487, %add3A_488 : i32
        %get3A_490 = arith.index_cast %add3A_489 : i32 to index
        %get3A_491 = tpu.vector_load %arg8[%get3A_490] {strides = array<i32>} : memref<6272xi32, #tpu.memory_space<vmem>>, vector<16xi32>,
        %get3A_492 = arith.index_cast %add3A_489 : i32 to index
        %get3A_493 = tpu.vector_load %arg9[%get3A_492] {strides = array<i32>} : memref<6272xf32, #tpu.memory_space<vmem>>, vector<16xf32>,
        %ge3A_494 = vector.broadcast %mul3A_43 : i32 to vector<16xi32>
        %ge3A_495 = arith.cmpi sge, %get3A_491, %ge3A_494 : vector<16xi32>
        %add3A_496 = arith.constant 1605632 : i32
        %add3A_497 = arith.addi %mul3A_43, %add3A_496 : i32
        %lt3A_498 = vector.broadcast %add3A_497 : i32 to vector<16xi32>
        %lt3A_499 = arith.cmpi slt, %get3A_491, %lt3A_498 : vector<16xi32>
        %and3A_500 = arith.andi %ge3A_495, %lt3A_499 : vector<16xi1>
        %sub3A_501 = vector.broadcast %mul3A_43 : i32 to vector<16xi32>
        %sub3A_502 = arith.subi %get3A_491, %sub3A_501 : vector<16xi32>
        %shift_right_arithmetic3A_503 = arith.constant 2 : i32
        %shift_right_arithmetic3A_504 = vector.broadcast %shift_right_arithmetic3A_503 : i32 to vector<16xi32>
        %shift_right_arithmetic3A_505 = arith.shrsi %get3A_491, %shift_right_arithmetic3A_504 : vector<16xi32>
        %select_n3A_506 = arith.select %and3A_500, %sub3A_502, %shift_right_arithmetic3A_505 : vector<16xi1>, vector<16xi32>
        %swap3A_507 = arith.index_cast %add3A_489 : i32 to index
        %swap3A_508 = tpu.vector_load %arg8[%swap3A_507] {strides = array<i32>} : memref<6272xi32, #tpu.memory_space<vmem>>, vector<16xi32>,
        tpu.vector_store %arg8[%swap3A_507], %select_n3A_506 {strides = array<i32>} : memref<6272xi32, #tpu.memory_space<vmem>>, vector<16xi32>,
        %jit3A_509 = arith.constant 0.000000e+00 : f32
        %broadcast_in_dim3A_510 = vector.broadcast %jit3A_509 : f32 to vector<16xf32>
        %select_n3A_511 = arith.select %and3A_500, %get3A_493, %broadcast_in_dim3A_510 : vector<16xi1>, vector<16xf32>
        %swap3A_512 = arith.index_cast %add3A_489 : i32 to index
        %swap3A_513 = tpu.vector_load %arg9[%swap3A_512] {strides = array<i32>} : memref<6272xf32, #tpu.memory_space<vmem>>, vector<16xf32>,
        tpu.vector_store %arg9[%swap3A_512], %select_n3A_511 {strides = array<i32>} : memref<6272xf32, #tpu.memory_space<vmem>>, vector<16xf32>,
        %mul3A_514 = arith.constant 128 : i32
        %mul3A_515 = arith.muli %scan3A_433, %mul3A_514 : i32
        %add3A_516 = arith.constant 48 : i32
        %add3A_517 = arith.addi %mul3A_515, %add3A_516 : i32
        %get3A_518 = arith.index_cast %add3A_517 : i32 to index
        %get3A_519 = tpu.vector_load %arg8[%get3A_518] {strides = array<i32>} : memref<6272xi32, #tpu.memory_space<vmem>>, vector<16xi32>,
        %get3A_520 = arith.index_cast %add3A_517 : i32 to index
        %get3A_521 = tpu.vector_load %arg9[%get3A_520] {strides = array<i32>} : memref<6272xf32, #tpu.memory_space<vmem>>, vector<16xf32>,
        %ge3A_522 = vector.broadcast %mul3A_43 : i32 to vector<16xi32>
        %ge3A_523 = arith.cmpi sge, %get3A_519, %ge3A_522 : vector<16xi32>
        %add3A_524 = arith.constant 1605632 : i32
        %add3A_525 = arith.addi %mul3A_43, %add3A_524 : i32
        %lt3A_526 = vector.broadcast %add3A_525 : i32 to vector<16xi32>
        %lt3A_527 = arith.cmpi slt, %get3A_519, %lt3A_526 : vector<16xi32>
        %and3A_528 = arith.andi %ge3A_523, %lt3A_527 : vector<16xi1>
        %sub3A_529 = vector.broadcast %mul3A_43 : i32 to vector<16xi32>
        %sub3A_530 = arith.subi %get3A_519, %sub3A_529 : vector<16xi32>
        %shift_right_arithmetic3A_531 = arith.constant 2 : i32
        %shift_right_arithmetic3A_532 = vector.broadcast %shift_right_arithmetic3A_531 : i32 to vector<16xi32>
        %shift_right_arithmetic3A_533 = arith.shrsi %get3A_519, %shift_right_arithmetic3A_532 : vector<16xi32>
        %select_n3A_534 = arith.select %and3A_528, %sub3A_530, %shift_right_arithmetic3A_533 : vector<16xi1>, vector<16xi32>
        %swap3A_535 = arith.index_cast %add3A_517 : i32 to index
        %swap3A_536 = tpu.vector_load %arg8[%swap3A_535] {strides = array<i32>} : memref<6272xi32, #tpu.memory_space<vmem>>, vector<16xi32>,
        tpu.vector_store %arg8[%swap3A_535], %select_n3A_534 {strides = array<i32>} : memref<6272xi32, #tpu.memory_space<vmem>>, vector<16xi32>,
        %jit3A_537 = arith.constant 0.000000e+00 : f32
        %broadcast_in_dim3A_538 = vector.broadcast %jit3A_537 : f32 to vector<16xf32>
        %select_n3A_539 = arith.select %and3A_528, %get3A_521, %broadcast_in_dim3A_538 : vector<16xi1>, vector<16xf32>
        %swap3A_540 = arith.index_cast %add3A_517 : i32 to index
        %swap3A_541 = tpu.vector_load %arg9[%swap3A_540] {strides = array<i32>} : memref<6272xf32, #tpu.memory_space<vmem>>, vector<16xf32>,
        tpu.vector_store %arg9[%swap3A_540], %select_n3A_539 {strides = array<i32>} : memref<6272xf32, #tpu.memory_space<vmem>>, vector<16xf32>,
        %mul3A_542 = arith.constant 128 : i32
        %mul3A_543 = arith.muli %scan3A_433, %mul3A_542 : i32
        %add3A_544 = arith.constant 64 : i32
        %add3A_545 = arith.addi %mul3A_543, %add3A_544 : i32
        %get3A_546 = arith.index_cast %add3A_545 : i32 to index
        %get3A_547 = tpu.vector_load %arg8[%get3A_546] {strides = array<i32>} : memref<6272xi32, #tpu.memory_space<vmem>>, vector<16xi32>,
        %get3A_548 = arith.index_cast %add3A_545 : i32 to index
        %get3A_549 = tpu.vector_load %arg9[%get3A_548] {strides = array<i32>} : memref<6272xf32, #tpu.memory_space<vmem>>, vector<16xf32>,
        %ge3A_550 = vector.broadcast %mul3A_43 : i32 to vector<16xi32>
        %ge3A_551 = arith.cmpi sge, %get3A_547, %ge3A_550 : vector<16xi32>
        %add3A_552 = arith.constant 1605632 : i32
        %add3A_553 = arith.addi %mul3A_43, %add3A_552 : i32
        %lt3A_554 = vector.broadcast %add3A_553 : i32 to vector<16xi32>
        %lt3A_555 = arith.cmpi slt, %get3A_547, %lt3A_554 : vector<16xi32>
        %and3A_556 = arith.andi %ge3A_551, %lt3A_555 : vector<16xi1>
        %sub3A_557 = vector.broadcast %mul3A_43 : i32 to vector<16xi32>
        %sub3A_558 = arith.subi %get3A_547, %sub3A_557 : vector<16xi32>
        %shift_right_arithmetic3A_559 = arith.constant 2 : i32
        %shift_right_arithmetic3A_560 = vector.broadcast %shift_right_arithmetic3A_559 : i32 to vector<16xi32>
        %shift_right_arithmetic3A_561 = arith.shrsi %get3A_547, %shift_right_arithmetic3A_560 : vector<16xi32>
        %select_n3A_562 = arith.select %and3A_556, %sub3A_558, %shift_right_arithmetic3A_561 : vector<16xi1>, vector<16xi32>
        %swap3A_563 = arith.index_cast %add3A_545 : i32 to index
        %swap3A_564 = tpu.vector_load %arg8[%swap3A_563] {strides = array<i32>} : memref<6272xi32, #tpu.memory_space<vmem>>, vector<16xi32>,
        tpu.vector_store %arg8[%swap3A_563], %select_n3A_562 {strides = array<i32>} : memref<6272xi32, #tpu.memory_space<vmem>>, vector<16xi32>,
        %jit3A_565 = arith.constant 0.000000e+00 : f32
        %broadcast_in_dim3A_566 = vector.broadcast %jit3A_565 : f32 to vector<16xf32>
        %select_n3A_567 = arith.select %and3A_556, %get3A_549, %broadcast_in_dim3A_566 : vector<16xi1>, vector<16xf32>
        %swap3A_568 = arith.index_cast %add3A_545 : i32 to index
        %swap3A_569 = tpu.vector_load %arg9[%swap3A_568] {strides = array<i32>} : memref<6272xf32, #tpu.memory_space<vmem>>, vector<16xf32>,
        tpu.vector_store %arg9[%swap3A_568], %select_n3A_567 {strides = array<i32>} : memref<6272xf32, #tpu.memory_space<vmem>>, vector<16xf32>,
        %mul3A_570 = arith.constant 128 : i32
        %mul3A_571 = arith.muli %scan3A_433, %mul3A_570 : i32
        %add3A_572 = arith.constant 80 : i32
        %add3A_573 = arith.addi %mul3A_571, %add3A_572 : i32
        %get3A_574 = arith.index_cast %add3A_573 : i32 to index
        %get3A_575 = tpu.vector_load %arg8[%get3A_574] {strides = array<i32>} : memref<6272xi32, #tpu.memory_space<vmem>>, vector<16xi32>,
        %get3A_576 = arith.index_cast %add3A_573 : i32 to index
        %get3A_577 = tpu.vector_load %arg9[%get3A_576] {strides = array<i32>} : memref<6272xf32, #tpu.memory_space<vmem>>, vector<16xf32>,
        %ge3A_578 = vector.broadcast %mul3A_43 : i32 to vector<16xi32>
        %ge3A_579 = arith.cmpi sge, %get3A_575, %ge3A_578 : vector<16xi32>
        %add3A_580 = arith.constant 1605632 : i32
        %add3A_581 = arith.addi %mul3A_43, %add3A_580 : i32
        %lt3A_582 = vector.broadcast %add3A_581 : i32 to vector<16xi32>
        %lt3A_583 = arith.cmpi slt, %get3A_575, %lt3A_582 : vector<16xi32>
        %and3A_584 = arith.andi %ge3A_579, %lt3A_583 : vector<16xi1>
        %sub3A_585 = vector.broadcast %mul3A_43 : i32 to vector<16xi32>
        %sub3A_586 = arith.subi %get3A_575, %sub3A_585 : vector<16xi32>
        %shift_right_arithmetic3A_587 = arith.constant 2 : i32
        %shift_right_arithmetic3A_588 = vector.broadcast %shift_right_arithmetic3A_587 : i32 to vector<16xi32>
        %shift_right_arithmetic3A_589 = arith.shrsi %get3A_575, %shift_right_arithmetic3A_588 : vector<16xi32>
        %select_n3A_590 = arith.select %and3A_584, %sub3A_586, %shift_right_arithmetic3A_589 : vector<16xi1>, vector<16xi32>
        %swap3A_591 = arith.index_cast %add3A_573 : i32 to index
        %swap3A_592 = tpu.vector_load %arg8[%swap3A_591] {strides = array<i32>} : memref<6272xi32, #tpu.memory_space<vmem>>, vector<16xi32>,
        tpu.vector_store %arg8[%swap3A_591], %select_n3A_590 {strides = array<i32>} : memref<6272xi32, #tpu.memory_space<vmem>>, vector<16xi32>,
        %jit3A_593 = arith.constant 0.000000e+00 : f32
        %broadcast_in_dim3A_594 = vector.broadcast %jit3A_593 : f32 to vector<16xf32>
        %select_n3A_595 = arith.select %and3A_584, %get3A_577, %broadcast_in_dim3A_594 : vector<16xi1>, vector<16xf32>
        %swap3A_596 = arith.index_cast %add3A_573 : i32 to index
        %swap3A_597 = tpu.vector_load %arg9[%swap3A_596] {strides = array<i32>} : memref<6272xf32, #tpu.memory_space<vmem>>, vector<16xf32>,
        tpu.vector_store %arg9[%swap3A_596], %select_n3A_595 {strides = array<i32>} : memref<6272xf32, #tpu.memory_space<vmem>>, vector<16xf32>,
        %mul3A_598 = arith.constant 128 : i32
        %mul3A_599 = arith.muli %scan3A_433, %mul3A_598 : i32
        %add3A_600 = arith.constant 96 : i32
        %add3A_601 = arith.addi %mul3A_599, %add3A_600 : i32
        %get3A_602 = arith.index_cast %add3A_601 : i32 to index
        %get3A_603 = tpu.vector_load %arg8[%get3A_602] {strides = array<i32>} : memref<6272xi32, #tpu.memory_space<vmem>>, vector<16xi32>,
        %get3A_604 = arith.index_cast %add3A_601 : i32 to index
        %get3A_605 = tpu.vector_load %arg9[%get3A_604] {strides = array<i32>} : memref<6272xf32, #tpu.memory_space<vmem>>, vector<16xf32>,
        %ge3A_606 = vector.broadcast %mul3A_43 : i32 to vector<16xi32>
        %ge3A_607 = arith.cmpi sge, %get3A_603, %ge3A_606 : vector<16xi32>
        %add3A_608 = arith.constant 1605632 : i32
        %add3A_609 = arith.addi %mul3A_43, %add3A_608 : i32
        %lt3A_610 = vector.broadcast %add3A_609 : i32 to vector<16xi32>
        %lt3A_611 = arith.cmpi slt, %get3A_603, %lt3A_610 : vector<16xi32>
        %and3A_612 = arith.andi %ge3A_607, %lt3A_611 : vector<16xi1>
        %sub3A_613 = vector.broadcast %mul3A_43 : i32 to vector<16xi32>
        %sub3A_614 = arith.subi %get3A_603, %sub3A_613 : vector<16xi32>
        %shift_right_arithmetic3A_615 = arith.constant 2 : i32
        %shift_right_arithmetic3A_616 = vector.broadcast %shift_right_arithmetic3A_615 : i32 to vector<16xi32>
        %shift_right_arithmetic3A_617 = arith.shrsi %get3A_603, %shift_right_arithmetic3A_616 : vector<16xi32>
        %select_n3A_618 = arith.select %and3A_612, %sub3A_614, %shift_right_arithmetic3A_617 : vector<16xi1>, vector<16xi32>
        %swap3A_619 = arith.index_cast %add3A_601 : i32 to index
        %swap3A_620 = tpu.vector_load %arg8[%swap3A_619] {strides = array<i32>} : memref<6272xi32, #tpu.memory_space<vmem>>, vector<16xi32>,
        tpu.vector_store %arg8[%swap3A_619], %select_n3A_618 {strides = array<i32>} : memref<6272xi32, #tpu.memory_space<vmem>>, vector<16xi32>,
        %jit3A_621 = arith.constant 0.000000e+00 : f32
        %broadcast_in_dim3A_622 = vector.broadcast %jit3A_621 : f32 to vector<16xf32>
        %select_n3A_623 = arith.select %and3A_612, %get3A_605, %broadcast_in_dim3A_622 : vector<16xi1>, vector<16xf32>
        %swap3A_624 = arith.index_cast %add3A_601 : i32 to index
        %swap3A_625 = tpu.vector_load %arg9[%swap3A_624] {strides = array<i32>} : memref<6272xf32, #tpu.memory_space<vmem>>, vector<16xf32>,
        tpu.vector_store %arg9[%swap3A_624], %select_n3A_623 {strides = array<i32>} : memref<6272xf32, #tpu.memory_space<vmem>>, vector<16xf32>,
        %mul3A_626 = arith.constant 128 : i32
        %mul3A_627 = arith.muli %scan3A_433, %mul3A_626 : i32
        %add3A_628 = arith.constant 112 : i32
        %add3A_629 = arith.addi %mul3A_627, %add3A_628 : i32
        %get3A_630 = arith.index_cast %add3A_629 : i32 to index
        %get3A_631 = tpu.vector_load %arg8[%get3A_630] {strides = array<i32>} : memref<6272xi32, #tpu.memory_space<vmem>>, vector<16xi32>,
        %get3A_632 = arith.index_cast %add3A_629 : i32 to index
        %get3A_633 = tpu.vector_load %arg9[%get3A_632] {strides = array<i32>} : memref<6272xf32, #tpu.memory_space<vmem>>, vector<16xf32>,
        %ge3A_634 = vector.broadcast %mul3A_43 : i32 to vector<16xi32>
        %ge3A_635 = arith.cmpi sge, %get3A_631, %ge3A_634 : vector<16xi32>
        %add3A_636 = arith.constant 1605632 : i32
        %add3A_637 = arith.addi %mul3A_43, %add3A_636 : i32
        %lt3A_638 = vector.broadcast %add3A_637 : i32 to vector<16xi32>
        %lt3A_639 = arith.cmpi slt, %get3A_631, %lt3A_638 : vector<16xi32>
        %and3A_640 = arith.andi %ge3A_635, %lt3A_639 : vector<16xi1>
        %sub3A_641 = vector.broadcast %mul3A_43 : i32 to vector<16xi32>
        %sub3A_642 = arith.subi %get3A_631, %sub3A_641 : vector<16xi32>
        %shift_right_arithmetic3A_643 = arith.constant 2 : i32
        %shift_right_arithmetic3A_644 = vector.broadcast %shift_right_arithmetic3A_643 : i32 to vector<16xi32>
        %shift_right_arithmetic3A_645 = arith.shrsi %get3A_631, %shift_right_arithmetic3A_644 : vector<16xi32>
        %select_n3A_646 = arith.select %and3A_640, %sub3A_642, %shift_right_arithmetic3A_645 : vector<16xi1>, vector<16xi32>
        %swap3A_647 = arith.index_cast %add3A_629 : i32 to index
        %swap3A_648 = tpu.vector_load %arg8[%swap3A_647] {strides = array<i32>} : memref<6272xi32, #tpu.memory_space<vmem>>, vector<16xi32>,
        tpu.vector_store %arg8[%swap3A_647], %select_n3A_646 {strides = array<i32>} : memref<6272xi32, #tpu.memory_space<vmem>>, vector<16xi32>,
        %jit3A_649 = arith.constant 0.000000e+00 : f32
        %broadcast_in_dim3A_650 = vector.broadcast %jit3A_649 : f32 to vector<16xf32>
        %select_n3A_651 = arith.select %and3A_640, %get3A_633, %broadcast_in_dim3A_650 : vector<16xi1>, vector<16xf32>
        %swap3A_652 = arith.index_cast %add3A_629 : i32 to index
        %swap3A_653 = tpu.vector_load %arg9[%swap3A_652] {strides = array<i32>} : memref<6272xf32, #tpu.memory_space<vmem>>, vector<16xf32>,
        tpu.vector_store %arg9[%swap3A_652], %select_n3A_651 {strides = array<i32>} : memref<6272xf32, #tpu.memory_space<vmem>>, vector<16xf32>,
      }
      %scan3A_293 = arith.constant 49 : i32
      %dma_start3A_294 = arith.constant 0 : i32
      %dma_start3A_295 = tpu.memref_slice %arg5[%dma_start3A_294] : memref<1605632xf32, #tpu.memory_space<vmem_shared>> -> memref<1605632xf32, #tpu.memory_space<vmem_shared>>
      tpu.enqueue_indirect_dma source(%arg9 : memref<6272xf32, #tpu.memory_space<vmem>>) target(%dma_start3A_295 : memref<1605632xf32, #tpu.memory_space<vmem_shared>>) offsets(%arg8 : memref<6272xi32, #tpu.memory_space<vmem>>) semaphore(%arg14 : memref<!tpu.dma_semaphore, #tpu.memory_space<semaphore_mem>>) {add = true}
      %dma_wait3A_296 = arith.constant 0 : i32
      %dma_wait3A_297 = tpu.memref_slice %arg5[%dma_wait3A_296] : memref<1605632xf32, #tpu.memory_space<vmem_shared>> -> memref<1605632xf32, #tpu.memory_space<vmem_shared>>
      tpu.wait_indirect_dma semaphore(%arg13 : memref<!tpu.dma_semaphore, #tpu.memory_space<semaphore_mem>>) src(%arg7 : memref<6272xf32, #tpu.memory_space<vmem>>) dst(%dma_wait3A_297 : memref<1605632xf32, #tpu.memory_space<vmem_shared>>)
      %mul3A_298 = arith.constant 1204224 : i32
      %mul3A_299 = arith.muli %select_n3A, %mul3A_298 : i32
      %mul3A_300 = arith.constant 75264 : i32
      %mul3A_301 = arith.muli %arg1, %mul3A_300 : i32
      %add3A_302 = arith.addi %mul3A_299, %mul3A_301 : i32
      %add3A_303 = arith.constant 50176 : i32
      %add3A_304 = arith.addi %add3A_302, %add3A_303 : i32
      %dma_start3A_305 = tpu.memref_slice %arg3[%add3A_304] : memref<9633792xi32, #tpu.memory_space<hbm>> -> memref<6272xi32, #tpu.memory_space<hbm>>
      %dma_start3A_306 = tpu.memref_slice %arg3[%add3A_304] : memref<9633792xi32, #tpu.memory_space<hbm>> -> memref<6272xi32, #tpu.memory_space<hbm>>
      tpu.enqueue_dma source(%dma_start3A_306 : memref<6272xi32, #tpu.memory_space<hbm>>) target(%arg6 : memref<6272xi32, #tpu.memory_space<vmem>>) target_semaphore(%arg11 : memref<!tpu.dma_semaphore, #tpu.memory_space<semaphore_mem>>)
      %dma_start3A_307 = tpu.memref_slice %arg2[%add3A_304] : memref<9633792xf32, #tpu.memory_space<hbm>> -> memref<6272xf32, #tpu.memory_space<hbm>>
      %dma_start3A_308 = tpu.memref_slice %arg2[%add3A_304] : memref<9633792xf32, #tpu.memory_space<hbm>> -> memref<6272xf32, #tpu.memory_space<hbm>>
      tpu.enqueue_dma source(%dma_start3A_308 : memref<6272xf32, #tpu.memory_space<hbm>>) target(%arg7 : memref<6272xf32, #tpu.memory_space<vmem>>) target_semaphore(%arg11 : memref<!tpu.dma_semaphore, #tpu.memory_space<semaphore_mem>>)
      %mul3A_309 = arith.constant 1204224 : i32
      %mul3A_310 = arith.muli %select_n3A, %mul3A_309 : i32
      %mul3A_311 = arith.constant 75264 : i32
      %mul3A_312 = arith.muli %arg1, %mul3A_311 : i32
      %add3A_313 = arith.addi %mul3A_310, %mul3A_312 : i32
      %add3A_314 = arith.constant 50176 : i32
      %add3A_315 = arith.addi %add3A_313, %add3A_314 : i32
      %dma_wait3A_316 = tpu.memref_slice %arg3[%add3A_315] : memref<9633792xi32, #tpu.memory_space<hbm>> -> memref<6272xi32, #tpu.memory_space<hbm>>
      %dma_wait3A_317 = tpu.memref_slice %arg3[%add3A_315] : memref<9633792xi32, #tpu.memory_space<hbm>> -> memref<6272xi32, #tpu.memory_space<hbm>>
      tpu.wait_dma2 semaphore(%arg11 : memref<!tpu.dma_semaphore, #tpu.memory_space<semaphore_mem>>) src(%dma_wait3A_317 : memref<6272xi32, #tpu.memory_space<hbm>>) dst(%arg6 : memref<6272xi32, #tpu.memory_space<vmem>>)
      %dma_wait3A_318 = tpu.memref_slice %arg2[%add3A_315] : memref<9633792xf32, #tpu.memory_space<hbm>> -> memref<6272xf32, #tpu.memory_space<hbm>>
      %dma_wait3A_319 = tpu.memref_slice %arg2[%add3A_315] : memref<9633792xf32, #tpu.memory_space<hbm>> -> memref<6272xf32, #tpu.memory_space<hbm>>
      tpu.wait_dma2 semaphore(%arg11 : memref<!tpu.dma_semaphore, #tpu.memory_space<semaphore_mem>>) src(%dma_wait3A_319 : memref<6272xf32, #tpu.memory_space<hbm>>) dst(%arg7 : memref<6272xf32, #tpu.memory_space<vmem>>)
      %scan3A_320 = arith.constant 0 : i32
      %scan3A_321 = arith.constant 49 : i32
      %scan3A_322 = arith.addi %scan3A_320, %scan3A_321 : i32
      %scan3A_323 = arith.constant 1 : i32
      scf.for %scan3A_433 = %scan3A_320 to %scan3A_322 step %scan3A_323  : i32 {
        %mul3A_434 = arith.constant 128 : i32
        %mul3A_435 = arith.muli %scan3A_433, %mul3A_434 : i32
        %add3A_436 = arith.constant 0 : i32
        %add3A_437 = arith.addi %mul3A_435, %add3A_436 : i32
        %get3A = arith.index_cast %add3A_437 : i32 to index
        %get3A_438 = tpu.vector_load %arg6[%get3A] {strides = array<i32>} : memref<6272xi32, #tpu.memory_space<vmem>>, vector<16xi32>,
        %get3A_439 = arith.index_cast %add3A_437 : i32 to index
        %get3A_440 = tpu.vector_load %arg7[%get3A_439] {strides = array<i32>} : memref<6272xf32, #tpu.memory_space<vmem>>, vector<16xf32>,
        %ge3A = vector.broadcast %mul3A_43 : i32 to vector<16xi32>
        %ge3A_441 = arith.cmpi sge, %get3A_438, %ge3A : vector<16xi32>
        %add3A_442 = arith.constant 1605632 : i32
        %add3A_443 = arith.addi %mul3A_43, %add3A_442 : i32
        %lt3A_444 = vector.broadcast %add3A_443 : i32 to vector<16xi32>
        %lt3A_445 = arith.cmpi slt, %get3A_438, %lt3A_444 : vector<16xi32>
        %and3A_446 = arith.andi %ge3A_441, %lt3A_445 : vector<16xi1>
        %sub3A_447 = vector.broadcast %mul3A_43 : i32 to vector<16xi32>
        %sub3A_448 = arith.subi %get3A_438, %sub3A_447 : vector<16xi32>
        %shift_right_arithmetic3A = arith.constant 2 : i32
        %shift_right_arithmetic3A_449 = vector.broadcast %shift_right_arithmetic3A : i32 to vector<16xi32>
        %shift_right_arithmetic3A_450 = arith.shrsi %get3A_438, %shift_right_arithmetic3A_449 : vector<16xi32>
        %select_n3A_451 = arith.select %and3A_446, %sub3A_448, %shift_right_arithmetic3A_450 : vector<16xi1>, vector<16xi32>
        %swap3A = arith.index_cast %add3A_437 : i32 to index
        %swap3A_452 = tpu.vector_load %arg6[%swap3A] {strides = array<i32>} : memref<6272xi32, #tpu.memory_space<vmem>>, vector<16xi32>,
        tpu.vector_store %arg6[%swap3A], %select_n3A_451 {strides = array<i32>} : memref<6272xi32, #tpu.memory_space<vmem>>, vector<16xi32>,
        %jit3A_453 = arith.constant 0.000000e+00 : f32
        %broadcast_in_dim3A_454 = vector.broadcast %jit3A_453 : f32 to vector<16xf32>
        %select_n3A_455 = arith.select %and3A_446, %get3A_440, %broadcast_in_dim3A_454 : vector<16xi1>, vector<16xf32>
        %swap3A_456 = arith.index_cast %add3A_437 : i32 to index
        %swap3A_457 = tpu.vector_load %arg7[%swap3A_456] {strides = array<i32>} : memref<6272xf32, #tpu.memory_space<vmem>>, vector<16xf32>,
        tpu.vector_store %arg7[%swap3A_456], %select_n3A_455 {strides = array<i32>} : memref<6272xf32, #tpu.memory_space<vmem>>, vector<16xf32>,
        %mul3A_458 = arith.constant 128 : i32
        %mul3A_459 = arith.muli %scan3A_433, %mul3A_458 : i32
        %add3A_460 = arith.constant 16 : i32
        %add3A_461 = arith.addi %mul3A_459, %add3A_460 : i32
        %get3A_462 = arith.index_cast %add3A_461 : i32 to index
        %get3A_463 = tpu.vector_load %arg6[%get3A_462] {strides = array<i32>} : memref<6272xi32, #tpu.memory_space<vmem>>, vector<16xi32>,
        %get3A_464 = arith.index_cast %add3A_461 : i32 to index
        %get3A_465 = tpu.vector_load %arg7[%get3A_464] {strides = array<i32>} : memref<6272xf32, #tpu.memory_space<vmem>>, vector<16xf32>,
        %ge3A_466 = vector.broadcast %mul3A_43 : i32 to vector<16xi32>
        %ge3A_467 = arith.cmpi sge, %get3A_463, %ge3A_466 : vector<16xi32>
        %add3A_468 = arith.constant 1605632 : i32
        %add3A_469 = arith.addi %mul3A_43, %add3A_468 : i32
        %lt3A_470 = vector.broadcast %add3A_469 : i32 to vector<16xi32>
        %lt3A_471 = arith.cmpi slt, %get3A_463, %lt3A_470 : vector<16xi32>
        %and3A_472 = arith.andi %ge3A_467, %lt3A_471 : vector<16xi1>
        %sub3A_473 = vector.broadcast %mul3A_43 : i32 to vector<16xi32>
        %sub3A_474 = arith.subi %get3A_463, %sub3A_473 : vector<16xi32>
        %shift_right_arithmetic3A_475 = arith.constant 2 : i32
        %shift_right_arithmetic3A_476 = vector.broadcast %shift_right_arithmetic3A_475 : i32 to vector<16xi32>
        %shift_right_arithmetic3A_477 = arith.shrsi %get3A_463, %shift_right_arithmetic3A_476 : vector<16xi32>
        %select_n3A_478 = arith.select %and3A_472, %sub3A_474, %shift_right_arithmetic3A_477 : vector<16xi1>, vector<16xi32>
        %swap3A_479 = arith.index_cast %add3A_461 : i32 to index
        %swap3A_480 = tpu.vector_load %arg6[%swap3A_479] {strides = array<i32>} : memref<6272xi32, #tpu.memory_space<vmem>>, vector<16xi32>,
        tpu.vector_store %arg6[%swap3A_479], %select_n3A_478 {strides = array<i32>} : memref<6272xi32, #tpu.memory_space<vmem>>, vector<16xi32>,
        %jit3A_481 = arith.constant 0.000000e+00 : f32
        %broadcast_in_dim3A_482 = vector.broadcast %jit3A_481 : f32 to vector<16xf32>
        %select_n3A_483 = arith.select %and3A_472, %get3A_465, %broadcast_in_dim3A_482 : vector<16xi1>, vector<16xf32>
        %swap3A_484 = arith.index_cast %add3A_461 : i32 to index
        %swap3A_485 = tpu.vector_load %arg7[%swap3A_484] {strides = array<i32>} : memref<6272xf32, #tpu.memory_space<vmem>>, vector<16xf32>,
        tpu.vector_store %arg7[%swap3A_484], %select_n3A_483 {strides = array<i32>} : memref<6272xf32, #tpu.memory_space<vmem>>, vector<16xf32>,
        %mul3A_486 = arith.constant 128 : i32
        %mul3A_487 = arith.muli %scan3A_433, %mul3A_486 : i32
        %add3A_488 = arith.constant 32 : i32
        %add3A_489 = arith.addi %mul3A_487, %add3A_488 : i32
        %get3A_490 = arith.index_cast %add3A_489 : i32 to index
        %get3A_491 = tpu.vector_load %arg6[%get3A_490] {strides = array<i32>} : memref<6272xi32, #tpu.memory_space<vmem>>, vector<16xi32>,
        %get3A_492 = arith.index_cast %add3A_489 : i32 to index
        %get3A_493 = tpu.vector_load %arg7[%get3A_492] {strides = array<i32>} : memref<6272xf32, #tpu.memory_space<vmem>>, vector<16xf32>,
        %ge3A_494 = vector.broadcast %mul3A_43 : i32 to vector<16xi32>
        %ge3A_495 = arith.cmpi sge, %get3A_491, %ge3A_494 : vector<16xi32>
        %add3A_496 = arith.constant 1605632 : i32
        %add3A_497 = arith.addi %mul3A_43, %add3A_496 : i32
        %lt3A_498 = vector.broadcast %add3A_497 : i32 to vector<16xi32>
        %lt3A_499 = arith.cmpi slt, %get3A_491, %lt3A_498 : vector<16xi32>
        %and3A_500 = arith.andi %ge3A_495, %lt3A_499 : vector<16xi1>
        %sub3A_501 = vector.broadcast %mul3A_43 : i32 to vector<16xi32>
        %sub3A_502 = arith.subi %get3A_491, %sub3A_501 : vector<16xi32>
        %shift_right_arithmetic3A_503 = arith.constant 2 : i32
        %shift_right_arithmetic3A_504 = vector.broadcast %shift_right_arithmetic3A_503 : i32 to vector<16xi32>
        %shift_right_arithmetic3A_505 = arith.shrsi %get3A_491, %shift_right_arithmetic3A_504 : vector<16xi32>
        %select_n3A_506 = arith.select %and3A_500, %sub3A_502, %shift_right_arithmetic3A_505 : vector<16xi1>, vector<16xi32>
        %swap3A_507 = arith.index_cast %add3A_489 : i32 to index
        %swap3A_508 = tpu.vector_load %arg6[%swap3A_507] {strides = array<i32>} : memref<6272xi32, #tpu.memory_space<vmem>>, vector<16xi32>,
        tpu.vector_store %arg6[%swap3A_507], %select_n3A_506 {strides = array<i32>} : memref<6272xi32, #tpu.memory_space<vmem>>, vector<16xi32>,
        %jit3A_509 = arith.constant 0.000000e+00 : f32
        %broadcast_in_dim3A_510 = vector.broadcast %jit3A_509 : f32 to vector<16xf32>
        %select_n3A_511 = arith.select %and3A_500, %get3A_493, %broadcast_in_dim3A_510 : vector<16xi1>, vector<16xf32>
        %swap3A_512 = arith.index_cast %add3A_489 : i32 to index
        %swap3A_513 = tpu.vector_load %arg7[%swap3A_512] {strides = array<i32>} : memref<6272xf32, #tpu.memory_space<vmem>>, vector<16xf32>,
        tpu.vector_store %arg7[%swap3A_512], %select_n3A_511 {strides = array<i32>} : memref<6272xf32, #tpu.memory_space<vmem>>, vector<16xf32>,
        %mul3A_514 = arith.constant 128 : i32
        %mul3A_515 = arith.muli %scan3A_433, %mul3A_514 : i32
        %add3A_516 = arith.constant 48 : i32
        %add3A_517 = arith.addi %mul3A_515, %add3A_516 : i32
        %get3A_518 = arith.index_cast %add3A_517 : i32 to index
        %get3A_519 = tpu.vector_load %arg6[%get3A_518] {strides = array<i32>} : memref<6272xi32, #tpu.memory_space<vmem>>, vector<16xi32>,
        %get3A_520 = arith.index_cast %add3A_517 : i32 to index
        %get3A_521 = tpu.vector_load %arg7[%get3A_520] {strides = array<i32>} : memref<6272xf32, #tpu.memory_space<vmem>>, vector<16xf32>,
        %ge3A_522 = vector.broadcast %mul3A_43 : i32 to vector<16xi32>
        %ge3A_523 = arith.cmpi sge, %get3A_519, %ge3A_522 : vector<16xi32>
        %add3A_524 = arith.constant 1605632 : i32
        %add3A_525 = arith.addi %mul3A_43, %add3A_524 : i32
        %lt3A_526 = vector.broadcast %add3A_525 : i32 to vector<16xi32>
        %lt3A_527 = arith.cmpi slt, %get3A_519, %lt3A_526 : vector<16xi32>
        %and3A_528 = arith.andi %ge3A_523, %lt3A_527 : vector<16xi1>
        %sub3A_529 = vector.broadcast %mul3A_43 : i32 to vector<16xi32>
        %sub3A_530 = arith.subi %get3A_519, %sub3A_529 : vector<16xi32>
        %shift_right_arithmetic3A_531 = arith.constant 2 : i32
        %shift_right_arithmetic3A_532 = vector.broadcast %shift_right_arithmetic3A_531 : i32 to vector<16xi32>
        %shift_right_arithmetic3A_533 = arith.shrsi %get3A_519, %shift_right_arithmetic3A_532 : vector<16xi32>
        %select_n3A_534 = arith.select %and3A_528, %sub3A_530, %shift_right_arithmetic3A_533 : vector<16xi1>, vector<16xi32>
        %swap3A_535 = arith.index_cast %add3A_517 : i32 to index
        %swap3A_536 = tpu.vector_load %arg6[%swap3A_535] {strides = array<i32>} : memref<6272xi32, #tpu.memory_space<vmem>>, vector<16xi32>,
        tpu.vector_store %arg6[%swap3A_535], %select_n3A_534 {strides = array<i32>} : memref<6272xi32, #tpu.memory_space<vmem>>, vector<16xi32>,
        %jit3A_537 = arith.constant 0.000000e+00 : f32
        %broadcast_in_dim3A_538 = vector.broadcast %jit3A_537 : f32 to vector<16xf32>
        %select_n3A_539 = arith.select %and3A_528, %get3A_521, %broadcast_in_dim3A_538 : vector<16xi1>, vector<16xf32>
        %swap3A_540 = arith.index_cast %add3A_517 : i32 to index
        %swap3A_541 = tpu.vector_load %arg7[%swap3A_540] {strides = array<i32>} : memref<6272xf32, #tpu.memory_space<vmem>>, vector<16xf32>,
        tpu.vector_store %arg7[%swap3A_540], %select_n3A_539 {strides = array<i32>} : memref<6272xf32, #tpu.memory_space<vmem>>, vector<16xf32>,
        %mul3A_542 = arith.constant 128 : i32
        %mul3A_543 = arith.muli %scan3A_433, %mul3A_542 : i32
        %add3A_544 = arith.constant 64 : i32
        %add3A_545 = arith.addi %mul3A_543, %add3A_544 : i32
        %get3A_546 = arith.index_cast %add3A_545 : i32 to index
        %get3A_547 = tpu.vector_load %arg6[%get3A_546] {strides = array<i32>} : memref<6272xi32, #tpu.memory_space<vmem>>, vector<16xi32>,
        %get3A_548 = arith.index_cast %add3A_545 : i32 to index
        %get3A_549 = tpu.vector_load %arg7[%get3A_548] {strides = array<i32>} : memref<6272xf32, #tpu.memory_space<vmem>>, vector<16xf32>,
        %ge3A_550 = vector.broadcast %mul3A_43 : i32 to vector<16xi32>
        %ge3A_551 = arith.cmpi sge, %get3A_547, %ge3A_550 : vector<16xi32>
        %add3A_552 = arith.constant 1605632 : i32
        %add3A_553 = arith.addi %mul3A_43, %add3A_552 : i32
        %lt3A_554 = vector.broadcast %add3A_553 : i32 to vector<16xi32>
        %lt3A_555 = arith.cmpi slt, %get3A_547, %lt3A_554 : vector<16xi32>
        %and3A_556 = arith.andi %ge3A_551, %lt3A_555 : vector<16xi1>
        %sub3A_557 = vector.broadcast %mul3A_43 : i32 to vector<16xi32>
        %sub3A_558 = arith.subi %get3A_547, %sub3A_557 : vector<16xi32>
        %shift_right_arithmetic3A_559 = arith.constant 2 : i32
        %shift_right_arithmetic3A_560 = vector.broadcast %shift_right_arithmetic3A_559 : i32 to vector<16xi32>
        %shift_right_arithmetic3A_561 = arith.shrsi %get3A_547, %shift_right_arithmetic3A_560 : vector<16xi32>
        %select_n3A_562 = arith.select %and3A_556, %sub3A_558, %shift_right_arithmetic3A_561 : vector<16xi1>, vector<16xi32>
        %swap3A_563 = arith.index_cast %add3A_545 : i32 to index
        %swap3A_564 = tpu.vector_load %arg6[%swap3A_563] {strides = array<i32>} : memref<6272xi32, #tpu.memory_space<vmem>>, vector<16xi32>,
        tpu.vector_store %arg6[%swap3A_563], %select_n3A_562 {strides = array<i32>} : memref<6272xi32, #tpu.memory_space<vmem>>, vector<16xi32>,
        %jit3A_565 = arith.constant 0.000000e+00 : f32
        %broadcast_in_dim3A_566 = vector.broadcast %jit3A_565 : f32 to vector<16xf32>
        %select_n3A_567 = arith.select %and3A_556, %get3A_549, %broadcast_in_dim3A_566 : vector<16xi1>, vector<16xf32>
        %swap3A_568 = arith.index_cast %add3A_545 : i32 to index
        %swap3A_569 = tpu.vector_load %arg7[%swap3A_568] {strides = array<i32>} : memref<6272xf32, #tpu.memory_space<vmem>>, vector<16xf32>,
        tpu.vector_store %arg7[%swap3A_568], %select_n3A_567 {strides = array<i32>} : memref<6272xf32, #tpu.memory_space<vmem>>, vector<16xf32>,
        %mul3A_570 = arith.constant 128 : i32
        %mul3A_571 = arith.muli %scan3A_433, %mul3A_570 : i32
        %add3A_572 = arith.constant 80 : i32
        %add3A_573 = arith.addi %mul3A_571, %add3A_572 : i32
        %get3A_574 = arith.index_cast %add3A_573 : i32 to index
        %get3A_575 = tpu.vector_load %arg6[%get3A_574] {strides = array<i32>} : memref<6272xi32, #tpu.memory_space<vmem>>, vector<16xi32>,
        %get3A_576 = arith.index_cast %add3A_573 : i32 to index
        %get3A_577 = tpu.vector_load %arg7[%get3A_576] {strides = array<i32>} : memref<6272xf32, #tpu.memory_space<vmem>>, vector<16xf32>,
        %ge3A_578 = vector.broadcast %mul3A_43 : i32 to vector<16xi32>
        %ge3A_579 = arith.cmpi sge, %get3A_575, %ge3A_578 : vector<16xi32>
        %add3A_580 = arith.constant 1605632 : i32
        %add3A_581 = arith.addi %mul3A_43, %add3A_580 : i32
        %lt3A_582 = vector.broadcast %add3A_581 : i32 to vector<16xi32>
        %lt3A_583 = arith.cmpi slt, %get3A_575, %lt3A_582 : vector<16xi32>
        %and3A_584 = arith.andi %ge3A_579, %lt3A_583 : vector<16xi1>
        %sub3A_585 = vector.broadcast %mul3A_43 : i32 to vector<16xi32>
        %sub3A_586 = arith.subi %get3A_575, %sub3A_585 : vector<16xi32>
        %shift_right_arithmetic3A_587 = arith.constant 2 : i32
        %shift_right_arithmetic3A_588 = vector.broadcast %shift_right_arithmetic3A_587 : i32 to vector<16xi32>
        %shift_right_arithmetic3A_589 = arith.shrsi %get3A_575, %shift_right_arithmetic3A_588 : vector<16xi32>
        %select_n3A_590 = arith.select %and3A_584, %sub3A_586, %shift_right_arithmetic3A_589 : vector<16xi1>, vector<16xi32>
        %swap3A_591 = arith.index_cast %add3A_573 : i32 to index
        %swap3A_592 = tpu.vector_load %arg6[%swap3A_591] {strides = array<i32>} : memref<6272xi32, #tpu.memory_space<vmem>>, vector<16xi32>,
        tpu.vector_store %arg6[%swap3A_591], %select_n3A_590 {strides = array<i32>} : memref<6272xi32, #tpu.memory_space<vmem>>, vector<16xi32>,
        %jit3A_593 = arith.constant 0.000000e+00 : f32
        %broadcast_in_dim3A_594 = vector.broadcast %jit3A_593 : f32 to vector<16xf32>
        %select_n3A_595 = arith.select %and3A_584, %get3A_577, %broadcast_in_dim3A_594 : vector<16xi1>, vector<16xf32>
        %swap3A_596 = arith.index_cast %add3A_573 : i32 to index
        %swap3A_597 = tpu.vector_load %arg7[%swap3A_596] {strides = array<i32>} : memref<6272xf32, #tpu.memory_space<vmem>>, vector<16xf32>,
        tpu.vector_store %arg7[%swap3A_596], %select_n3A_595 {strides = array<i32>} : memref<6272xf32, #tpu.memory_space<vmem>>, vector<16xf32>,
        %mul3A_598 = arith.constant 128 : i32
        %mul3A_599 = arith.muli %scan3A_433, %mul3A_598 : i32
        %add3A_600 = arith.constant 96 : i32
        %add3A_601 = arith.addi %mul3A_599, %add3A_600 : i32
        %get3A_602 = arith.index_cast %add3A_601 : i32 to index
        %get3A_603 = tpu.vector_load %arg6[%get3A_602] {strides = array<i32>} : memref<6272xi32, #tpu.memory_space<vmem>>, vector<16xi32>,
        %get3A_604 = arith.index_cast %add3A_601 : i32 to index
        %get3A_605 = tpu.vector_load %arg7[%get3A_604] {strides = array<i32>} : memref<6272xf32, #tpu.memory_space<vmem>>, vector<16xf32>,
        %ge3A_606 = vector.broadcast %mul3A_43 : i32 to vector<16xi32>
        %ge3A_607 = arith.cmpi sge, %get3A_603, %ge3A_606 : vector<16xi32>
        %add3A_608 = arith.constant 1605632 : i32
        %add3A_609 = arith.addi %mul3A_43, %add3A_608 : i32
        %lt3A_610 = vector.broadcast %add3A_609 : i32 to vector<16xi32>
        %lt3A_611 = arith.cmpi slt, %get3A_603, %lt3A_610 : vector<16xi32>
        %and3A_612 = arith.andi %ge3A_607, %lt3A_611 : vector<16xi1>
        %sub3A_613 = vector.broadcast %mul3A_43 : i32 to vector<16xi32>
        %sub3A_614 = arith.subi %get3A_603, %sub3A_613 : vector<16xi32>
        %shift_right_arithmetic3A_615 = arith.constant 2 : i32
        %shift_right_arithmetic3A_616 = vector.broadcast %shift_right_arithmetic3A_615 : i32 to vector<16xi32>
        %shift_right_arithmetic3A_617 = arith.shrsi %get3A_603, %shift_right_arithmetic3A_616 : vector<16xi32>
        %select_n3A_618 = arith.select %and3A_612, %sub3A_614, %shift_right_arithmetic3A_617 : vector<16xi1>, vector<16xi32>
        %swap3A_619 = arith.index_cast %add3A_601 : i32 to index
        %swap3A_620 = tpu.vector_load %arg6[%swap3A_619] {strides = array<i32>} : memref<6272xi32, #tpu.memory_space<vmem>>, vector<16xi32>,
        tpu.vector_store %arg6[%swap3A_619], %select_n3A_618 {strides = array<i32>} : memref<6272xi32, #tpu.memory_space<vmem>>, vector<16xi32>,
        %jit3A_621 = arith.constant 0.000000e+00 : f32
        %broadcast_in_dim3A_622 = vector.broadcast %jit3A_621 : f32 to vector<16xf32>
        %select_n3A_623 = arith.select %and3A_612, %get3A_605, %broadcast_in_dim3A_622 : vector<16xi1>, vector<16xf32>
        %swap3A_624 = arith.index_cast %add3A_601 : i32 to index
        %swap3A_625 = tpu.vector_load %arg7[%swap3A_624] {strides = array<i32>} : memref<6272xf32, #tpu.memory_space<vmem>>, vector<16xf32>,
        tpu.vector_store %arg7[%swap3A_624], %select_n3A_623 {strides = array<i32>} : memref<6272xf32, #tpu.memory_space<vmem>>, vector<16xf32>,
        %mul3A_626 = arith.constant 128 : i32
        %mul3A_627 = arith.muli %scan3A_433, %mul3A_626 : i32
        %add3A_628 = arith.constant 112 : i32
        %add3A_629 = arith.addi %mul3A_627, %add3A_628 : i32
        %get3A_630 = arith.index_cast %add3A_629 : i32 to index
        %get3A_631 = tpu.vector_load %arg6[%get3A_630] {strides = array<i32>} : memref<6272xi32, #tpu.memory_space<vmem>>, vector<16xi32>,
        %get3A_632 = arith.index_cast %add3A_629 : i32 to index
        %get3A_633 = tpu.vector_load %arg7[%get3A_632] {strides = array<i32>} : memref<6272xf32, #tpu.memory_space<vmem>>, vector<16xf32>,
        %ge3A_634 = vector.broadcast %mul3A_43 : i32 to vector<16xi32>
        %ge3A_635 = arith.cmpi sge, %get3A_631, %ge3A_634 : vector<16xi32>
        %add3A_636 = arith.constant 1605632 : i32
        %add3A_637 = arith.addi %mul3A_43, %add3A_636 : i32
        %lt3A_638 = vector.broadcast %add3A_637 : i32 to vector<16xi32>
        %lt3A_639 = arith.cmpi slt, %get3A_631, %lt3A_638 : vector<16xi32>
        %and3A_640 = arith.andi %ge3A_635, %lt3A_639 : vector<16xi1>
        %sub3A_641 = vector.broadcast %mul3A_43 : i32 to vector<16xi32>
        %sub3A_642 = arith.subi %get3A_631, %sub3A_641 : vector<16xi32>
        %shift_right_arithmetic3A_643 = arith.constant 2 : i32
        %shift_right_arithmetic3A_644 = vector.broadcast %shift_right_arithmetic3A_643 : i32 to vector<16xi32>
        %shift_right_arithmetic3A_645 = arith.shrsi %get3A_631, %shift_right_arithmetic3A_644 : vector<16xi32>
        %select_n3A_646 = arith.select %and3A_640, %sub3A_642, %shift_right_arithmetic3A_645 : vector<16xi1>, vector<16xi32>
        %swap3A_647 = arith.index_cast %add3A_629 : i32 to index
        %swap3A_648 = tpu.vector_load %arg6[%swap3A_647] {strides = array<i32>} : memref<6272xi32, #tpu.memory_space<vmem>>, vector<16xi32>,
        tpu.vector_store %arg6[%swap3A_647], %select_n3A_646 {strides = array<i32>} : memref<6272xi32, #tpu.memory_space<vmem>>, vector<16xi32>,
        %jit3A_649 = arith.constant 0.000000e+00 : f32
        %broadcast_in_dim3A_650 = vector.broadcast %jit3A_649 : f32 to vector<16xf32>
        %select_n3A_651 = arith.select %and3A_640, %get3A_633, %broadcast_in_dim3A_650 : vector<16xi1>, vector<16xf32>
        %swap3A_652 = arith.index_cast %add3A_629 : i32 to index
        %swap3A_653 = tpu.vector_load %arg7[%swap3A_652] {strides = array<i32>} : memref<6272xf32, #tpu.memory_space<vmem>>, vector<16xf32>,
        tpu.vector_store %arg7[%swap3A_652], %select_n3A_651 {strides = array<i32>} : memref<6272xf32, #tpu.memory_space<vmem>>, vector<16xf32>,
      }
      %scan3A_324 = arith.constant 49 : i32
      %dma_start3A_325 = arith.constant 0 : i32
      %dma_start3A_326 = tpu.memref_slice %arg5[%dma_start3A_325] : memref<1605632xf32, #tpu.memory_space<vmem_shared>> -> memref<1605632xf32, #tpu.memory_space<vmem_shared>>
      tpu.enqueue_indirect_dma source(%arg7 : memref<6272xf32, #tpu.memory_space<vmem>>) target(%dma_start3A_326 : memref<1605632xf32, #tpu.memory_space<vmem_shared>>) offsets(%arg6 : memref<6272xi32, #tpu.memory_space<vmem>>) semaphore(%arg13 : memref<!tpu.dma_semaphore, #tpu.memory_space<semaphore_mem>>) {add = true}
      %dma_wait3A_327 = arith.constant 0 : i32
      %dma_wait3A_328 = tpu.memref_slice %arg5[%dma_wait3A_327] : memref<1605632xf32, #tpu.memory_space<vmem_shared>> -> memref<1605632xf32, #tpu.memory_space<vmem_shared>>
      tpu.wait_indirect_dma semaphore(%arg14 : memref<!tpu.dma_semaphore, #tpu.memory_space<semaphore_mem>>) src(%arg9 : memref<6272xf32, #tpu.memory_space<vmem>>) dst(%dma_wait3A_328 : memref<1605632xf32, #tpu.memory_space<vmem_shared>>)
      %mul3A_329 = arith.constant 1204224 : i32
      %mul3A_330 = arith.muli %select_n3A, %mul3A_329 : i32
      %mul3A_331 = arith.constant 75264 : i32
      %mul3A_332 = arith.muli %arg1, %mul3A_331 : i32
      %add3A_333 = arith.addi %mul3A_330, %mul3A_332 : i32
      %add3A_334 = arith.constant 56448 : i32
      %add3A_335 = arith.addi %add3A_333, %add3A_334 : i32
      %dma_start3A_336 = tpu.memref_slice %arg3[%add3A_335] : memref<9633792xi32, #tpu.memory_space<hbm>> -> memref<6272xi32, #tpu.memory_space<hbm>>
      %dma_start3A_337 = tpu.memref_slice %arg3[%add3A_335] : memref<9633792xi32, #tpu.memory_space<hbm>> -> memref<6272xi32, #tpu.memory_space<hbm>>
      tpu.enqueue_dma source(%dma_start3A_337 : memref<6272xi32, #tpu.memory_space<hbm>>) target(%arg8 : memref<6272xi32, #tpu.memory_space<vmem>>) target_semaphore(%arg12 : memref<!tpu.dma_semaphore, #tpu.memory_space<semaphore_mem>>)
      %dma_start3A_338 = tpu.memref_slice %arg2[%add3A_335] : memref<9633792xf32, #tpu.memory_space<hbm>> -> memref<6272xf32, #tpu.memory_space<hbm>>
      %dma_start3A_339 = tpu.memref_slice %arg2[%add3A_335] : memref<9633792xf32, #tpu.memory_space<hbm>> -> memref<6272xf32, #tpu.memory_space<hbm>>
      tpu.enqueue_dma source(%dma_start3A_339 : memref<6272xf32, #tpu.memory_space<hbm>>) target(%arg9 : memref<6272xf32, #tpu.memory_space<vmem>>) target_semaphore(%arg12 : memref<!tpu.dma_semaphore, #tpu.memory_space<semaphore_mem>>)
      %mul3A_340 = arith.constant 1204224 : i32
      %mul3A_341 = arith.muli %select_n3A, %mul3A_340 : i32
      %mul3A_342 = arith.constant 75264 : i32
      %mul3A_343 = arith.muli %arg1, %mul3A_342 : i32
      %add3A_344 = arith.addi %mul3A_341, %mul3A_343 : i32
      %add3A_345 = arith.constant 56448 : i32
      %add3A_346 = arith.addi %add3A_344, %add3A_345 : i32
      %dma_wait3A_347 = tpu.memref_slice %arg3[%add3A_346] : memref<9633792xi32, #tpu.memory_space<hbm>> -> memref<6272xi32, #tpu.memory_space<hbm>>
      %dma_wait3A_348 = tpu.memref_slice %arg3[%add3A_346] : memref<9633792xi32, #tpu.memory_space<hbm>> -> memref<6272xi32, #tpu.memory_space<hbm>>
      tpu.wait_dma2 semaphore(%arg12 : memref<!tpu.dma_semaphore, #tpu.memory_space<semaphore_mem>>) src(%dma_wait3A_348 : memref<6272xi32, #tpu.memory_space<hbm>>) dst(%arg8 : memref<6272xi32, #tpu.memory_space<vmem>>)
      %dma_wait3A_349 = tpu.memref_slice %arg2[%add3A_346] : memref<9633792xf32, #tpu.memory_space<hbm>> -> memref<6272xf32, #tpu.memory_space<hbm>>
      %dma_wait3A_350 = tpu.memref_slice %arg2[%add3A_346] : memref<9633792xf32, #tpu.memory_space<hbm>> -> memref<6272xf32, #tpu.memory_space<hbm>>
      tpu.wait_dma2 semaphore(%arg12 : memref<!tpu.dma_semaphore, #tpu.memory_space<semaphore_mem>>) src(%dma_wait3A_350 : memref<6272xf32, #tpu.memory_space<hbm>>) dst(%arg9 : memref<6272xf32, #tpu.memory_space<vmem>>)
      %scan3A_351 = arith.constant 0 : i32
      %scan3A_352 = arith.constant 49 : i32
      %scan3A_353 = arith.addi %scan3A_351, %scan3A_352 : i32
      %scan3A_354 = arith.constant 1 : i32
      scf.for %scan3A_433 = %scan3A_351 to %scan3A_353 step %scan3A_354  : i32 {
        %mul3A_434 = arith.constant 128 : i32
        %mul3A_435 = arith.muli %scan3A_433, %mul3A_434 : i32
        %add3A_436 = arith.constant 0 : i32
        %add3A_437 = arith.addi %mul3A_435, %add3A_436 : i32
        %get3A = arith.index_cast %add3A_437 : i32 to index
        %get3A_438 = tpu.vector_load %arg8[%get3A] {strides = array<i32>} : memref<6272xi32, #tpu.memory_space<vmem>>, vector<16xi32>,
        %get3A_439 = arith.index_cast %add3A_437 : i32 to index
        %get3A_440 = tpu.vector_load %arg9[%get3A_439] {strides = array<i32>} : memref<6272xf32, #tpu.memory_space<vmem>>, vector<16xf32>,
        %ge3A = vector.broadcast %mul3A_43 : i32 to vector<16xi32>
        %ge3A_441 = arith.cmpi sge, %get3A_438, %ge3A : vector<16xi32>
        %add3A_442 = arith.constant 1605632 : i32
        %add3A_443 = arith.addi %mul3A_43, %add3A_442 : i32
        %lt3A_444 = vector.broadcast %add3A_443 : i32 to vector<16xi32>
        %lt3A_445 = arith.cmpi slt, %get3A_438, %lt3A_444 : vector<16xi32>
        %and3A_446 = arith.andi %ge3A_441, %lt3A_445 : vector<16xi1>
        %sub3A_447 = vector.broadcast %mul3A_43 : i32 to vector<16xi32>
        %sub3A_448 = arith.subi %get3A_438, %sub3A_447 : vector<16xi32>
        %shift_right_arithmetic3A = arith.constant 2 : i32
        %shift_right_arithmetic3A_449 = vector.broadcast %shift_right_arithmetic3A : i32 to vector<16xi32>
        %shift_right_arithmetic3A_450 = arith.shrsi %get3A_438, %shift_right_arithmetic3A_449 : vector<16xi32>
        %select_n3A_451 = arith.select %and3A_446, %sub3A_448, %shift_right_arithmetic3A_450 : vector<16xi1>, vector<16xi32>
        %swap3A = arith.index_cast %add3A_437 : i32 to index
        %swap3A_452 = tpu.vector_load %arg8[%swap3A] {strides = array<i32>} : memref<6272xi32, #tpu.memory_space<vmem>>, vector<16xi32>,
        tpu.vector_store %arg8[%swap3A], %select_n3A_451 {strides = array<i32>} : memref<6272xi32, #tpu.memory_space<vmem>>, vector<16xi32>,
        %jit3A_453 = arith.constant 0.000000e+00 : f32
        %broadcast_in_dim3A_454 = vector.broadcast %jit3A_453 : f32 to vector<16xf32>
        %select_n3A_455 = arith.select %and3A_446, %get3A_440, %broadcast_in_dim3A_454 : vector<16xi1>, vector<16xf32>
        %swap3A_456 = arith.index_cast %add3A_437 : i32 to index
        %swap3A_457 = tpu.vector_load %arg9[%swap3A_456] {strides = array<i32>} : memref<6272xf32, #tpu.memory_space<vmem>>, vector<16xf32>,
        tpu.vector_store %arg9[%swap3A_456], %select_n3A_455 {strides = array<i32>} : memref<6272xf32, #tpu.memory_space<vmem>>, vector<16xf32>,
        %mul3A_458 = arith.constant 128 : i32
        %mul3A_459 = arith.muli %scan3A_433, %mul3A_458 : i32
        %add3A_460 = arith.constant 16 : i32
        %add3A_461 = arith.addi %mul3A_459, %add3A_460 : i32
        %get3A_462 = arith.index_cast %add3A_461 : i32 to index
        %get3A_463 = tpu.vector_load %arg8[%get3A_462] {strides = array<i32>} : memref<6272xi32, #tpu.memory_space<vmem>>, vector<16xi32>,
        %get3A_464 = arith.index_cast %add3A_461 : i32 to index
        %get3A_465 = tpu.vector_load %arg9[%get3A_464] {strides = array<i32>} : memref<6272xf32, #tpu.memory_space<vmem>>, vector<16xf32>,
        %ge3A_466 = vector.broadcast %mul3A_43 : i32 to vector<16xi32>
        %ge3A_467 = arith.cmpi sge, %get3A_463, %ge3A_466 : vector<16xi32>
        %add3A_468 = arith.constant 1605632 : i32
        %add3A_469 = arith.addi %mul3A_43, %add3A_468 : i32
        %lt3A_470 = vector.broadcast %add3A_469 : i32 to vector<16xi32>
        %lt3A_471 = arith.cmpi slt, %get3A_463, %lt3A_470 : vector<16xi32>
        %and3A_472 = arith.andi %ge3A_467, %lt3A_471 : vector<16xi1>
        %sub3A_473 = vector.broadcast %mul3A_43 : i32 to vector<16xi32>
        %sub3A_474 = arith.subi %get3A_463, %sub3A_473 : vector<16xi32>
        %shift_right_arithmetic3A_475 = arith.constant 2 : i32
        %shift_right_arithmetic3A_476 = vector.broadcast %shift_right_arithmetic3A_475 : i32 to vector<16xi32>
        %shift_right_arithmetic3A_477 = arith.shrsi %get3A_463, %shift_right_arithmetic3A_476 : vector<16xi32>
        %select_n3A_478 = arith.select %and3A_472, %sub3A_474, %shift_right_arithmetic3A_477 : vector<16xi1>, vector<16xi32>
        %swap3A_479 = arith.index_cast %add3A_461 : i32 to index
        %swap3A_480 = tpu.vector_load %arg8[%swap3A_479] {strides = array<i32>} : memref<6272xi32, #tpu.memory_space<vmem>>, vector<16xi32>,
        tpu.vector_store %arg8[%swap3A_479], %select_n3A_478 {strides = array<i32>} : memref<6272xi32, #tpu.memory_space<vmem>>, vector<16xi32>,
        %jit3A_481 = arith.constant 0.000000e+00 : f32
        %broadcast_in_dim3A_482 = vector.broadcast %jit3A_481 : f32 to vector<16xf32>
        %select_n3A_483 = arith.select %and3A_472, %get3A_465, %broadcast_in_dim3A_482 : vector<16xi1>, vector<16xf32>
        %swap3A_484 = arith.index_cast %add3A_461 : i32 to index
        %swap3A_485 = tpu.vector_load %arg9[%swap3A_484] {strides = array<i32>} : memref<6272xf32, #tpu.memory_space<vmem>>, vector<16xf32>,
        tpu.vector_store %arg9[%swap3A_484], %select_n3A_483 {strides = array<i32>} : memref<6272xf32, #tpu.memory_space<vmem>>, vector<16xf32>,
        %mul3A_486 = arith.constant 128 : i32
        %mul3A_487 = arith.muli %scan3A_433, %mul3A_486 : i32
        %add3A_488 = arith.constant 32 : i32
        %add3A_489 = arith.addi %mul3A_487, %add3A_488 : i32
        %get3A_490 = arith.index_cast %add3A_489 : i32 to index
        %get3A_491 = tpu.vector_load %arg8[%get3A_490] {strides = array<i32>} : memref<6272xi32, #tpu.memory_space<vmem>>, vector<16xi32>,
        %get3A_492 = arith.index_cast %add3A_489 : i32 to index
        %get3A_493 = tpu.vector_load %arg9[%get3A_492] {strides = array<i32>} : memref<6272xf32, #tpu.memory_space<vmem>>, vector<16xf32>,
        %ge3A_494 = vector.broadcast %mul3A_43 : i32 to vector<16xi32>
        %ge3A_495 = arith.cmpi sge, %get3A_491, %ge3A_494 : vector<16xi32>
        %add3A_496 = arith.constant 1605632 : i32
        %add3A_497 = arith.addi %mul3A_43, %add3A_496 : i32
        %lt3A_498 = vector.broadcast %add3A_497 : i32 to vector<16xi32>
        %lt3A_499 = arith.cmpi slt, %get3A_491, %lt3A_498 : vector<16xi32>
        %and3A_500 = arith.andi %ge3A_495, %lt3A_499 : vector<16xi1>
        %sub3A_501 = vector.broadcast %mul3A_43 : i32 to vector<16xi32>
        %sub3A_502 = arith.subi %get3A_491, %sub3A_501 : vector<16xi32>
        %shift_right_arithmetic3A_503 = arith.constant 2 : i32
        %shift_right_arithmetic3A_504 = vector.broadcast %shift_right_arithmetic3A_503 : i32 to vector<16xi32>
        %shift_right_arithmetic3A_505 = arith.shrsi %get3A_491, %shift_right_arithmetic3A_504 : vector<16xi32>
        %select_n3A_506 = arith.select %and3A_500, %sub3A_502, %shift_right_arithmetic3A_505 : vector<16xi1>, vector<16xi32>
        %swap3A_507 = arith.index_cast %add3A_489 : i32 to index
        %swap3A_508 = tpu.vector_load %arg8[%swap3A_507] {strides = array<i32>} : memref<6272xi32, #tpu.memory_space<vmem>>, vector<16xi32>,
        tpu.vector_store %arg8[%swap3A_507], %select_n3A_506 {strides = array<i32>} : memref<6272xi32, #tpu.memory_space<vmem>>, vector<16xi32>,
        %jit3A_509 = arith.constant 0.000000e+00 : f32
        %broadcast_in_dim3A_510 = vector.broadcast %jit3A_509 : f32 to vector<16xf32>
        %select_n3A_511 = arith.select %and3A_500, %get3A_493, %broadcast_in_dim3A_510 : vector<16xi1>, vector<16xf32>
        %swap3A_512 = arith.index_cast %add3A_489 : i32 to index
        %swap3A_513 = tpu.vector_load %arg9[%swap3A_512] {strides = array<i32>} : memref<6272xf32, #tpu.memory_space<vmem>>, vector<16xf32>,
        tpu.vector_store %arg9[%swap3A_512], %select_n3A_511 {strides = array<i32>} : memref<6272xf32, #tpu.memory_space<vmem>>, vector<16xf32>,
        %mul3A_514 = arith.constant 128 : i32
        %mul3A_515 = arith.muli %scan3A_433, %mul3A_514 : i32
        %add3A_516 = arith.constant 48 : i32
        %add3A_517 = arith.addi %mul3A_515, %add3A_516 : i32
        %get3A_518 = arith.index_cast %add3A_517 : i32 to index
        %get3A_519 = tpu.vector_load %arg8[%get3A_518] {strides = array<i32>} : memref<6272xi32, #tpu.memory_space<vmem>>, vector<16xi32>,
        %get3A_520 = arith.index_cast %add3A_517 : i32 to index
        %get3A_521 = tpu.vector_load %arg9[%get3A_520] {strides = array<i32>} : memref<6272xf32, #tpu.memory_space<vmem>>, vector<16xf32>,
        %ge3A_522 = vector.broadcast %mul3A_43 : i32 to vector<16xi32>
        %ge3A_523 = arith.cmpi sge, %get3A_519, %ge3A_522 : vector<16xi32>
        %add3A_524 = arith.constant 1605632 : i32
        %add3A_525 = arith.addi %mul3A_43, %add3A_524 : i32
        %lt3A_526 = vector.broadcast %add3A_525 : i32 to vector<16xi32>
        %lt3A_527 = arith.cmpi slt, %get3A_519, %lt3A_526 : vector<16xi32>
        %and3A_528 = arith.andi %ge3A_523, %lt3A_527 : vector<16xi1>
        %sub3A_529 = vector.broadcast %mul3A_43 : i32 to vector<16xi32>
        %sub3A_530 = arith.subi %get3A_519, %sub3A_529 : vector<16xi32>
        %shift_right_arithmetic3A_531 = arith.constant 2 : i32
        %shift_right_arithmetic3A_532 = vector.broadcast %shift_right_arithmetic3A_531 : i32 to vector<16xi32>
        %shift_right_arithmetic3A_533 = arith.shrsi %get3A_519, %shift_right_arithmetic3A_532 : vector<16xi32>
        %select_n3A_534 = arith.select %and3A_528, %sub3A_530, %shift_right_arithmetic3A_533 : vector<16xi1>, vector<16xi32>
        %swap3A_535 = arith.index_cast %add3A_517 : i32 to index
        %swap3A_536 = tpu.vector_load %arg8[%swap3A_535] {strides = array<i32>} : memref<6272xi32, #tpu.memory_space<vmem>>, vector<16xi32>,
        tpu.vector_store %arg8[%swap3A_535], %select_n3A_534 {strides = array<i32>} : memref<6272xi32, #tpu.memory_space<vmem>>, vector<16xi32>,
        %jit3A_537 = arith.constant 0.000000e+00 : f32
        %broadcast_in_dim3A_538 = vector.broadcast %jit3A_537 : f32 to vector<16xf32>
        %select_n3A_539 = arith.select %and3A_528, %get3A_521, %broadcast_in_dim3A_538 : vector<16xi1>, vector<16xf32>
        %swap3A_540 = arith.index_cast %add3A_517 : i32 to index
        %swap3A_541 = tpu.vector_load %arg9[%swap3A_540] {strides = array<i32>} : memref<6272xf32, #tpu.memory_space<vmem>>, vector<16xf32>,
        tpu.vector_store %arg9[%swap3A_540], %select_n3A_539 {strides = array<i32>} : memref<6272xf32, #tpu.memory_space<vmem>>, vector<16xf32>,
        %mul3A_542 = arith.constant 128 : i32
        %mul3A_543 = arith.muli %scan3A_433, %mul3A_542 : i32
        %add3A_544 = arith.constant 64 : i32
        %add3A_545 = arith.addi %mul3A_543, %add3A_544 : i32
        %get3A_546 = arith.index_cast %add3A_545 : i32 to index
        %get3A_547 = tpu.vector_load %arg8[%get3A_546] {strides = array<i32>} : memref<6272xi32, #tpu.memory_space<vmem>>, vector<16xi32>,
        %get3A_548 = arith.index_cast %add3A_545 : i32 to index
        %get3A_549 = tpu.vector_load %arg9[%get3A_548] {strides = array<i32>} : memref<6272xf32, #tpu.memory_space<vmem>>, vector<16xf32>,
        %ge3A_550 = vector.broadcast %mul3A_43 : i32 to vector<16xi32>
        %ge3A_551 = arith.cmpi sge, %get3A_547, %ge3A_550 : vector<16xi32>
        %add3A_552 = arith.constant 1605632 : i32
        %add3A_553 = arith.addi %mul3A_43, %add3A_552 : i32
        %lt3A_554 = vector.broadcast %add3A_553 : i32 to vector<16xi32>
        %lt3A_555 = arith.cmpi slt, %get3A_547, %lt3A_554 : vector<16xi32>
        %and3A_556 = arith.andi %ge3A_551, %lt3A_555 : vector<16xi1>
        %sub3A_557 = vector.broadcast %mul3A_43 : i32 to vector<16xi32>
        %sub3A_558 = arith.subi %get3A_547, %sub3A_557 : vector<16xi32>
        %shift_right_arithmetic3A_559 = arith.constant 2 : i32
        %shift_right_arithmetic3A_560 = vector.broadcast %shift_right_arithmetic3A_559 : i32 to vector<16xi32>
        %shift_right_arithmetic3A_561 = arith.shrsi %get3A_547, %shift_right_arithmetic3A_560 : vector<16xi32>
        %select_n3A_562 = arith.select %and3A_556, %sub3A_558, %shift_right_arithmetic3A_561 : vector<16xi1>, vector<16xi32>
        %swap3A_563 = arith.index_cast %add3A_545 : i32 to index
        %swap3A_564 = tpu.vector_load %arg8[%swap3A_563] {strides = array<i32>} : memref<6272xi32, #tpu.memory_space<vmem>>, vector<16xi32>,
        tpu.vector_store %arg8[%swap3A_563], %select_n3A_562 {strides = array<i32>} : memref<6272xi32, #tpu.memory_space<vmem>>, vector<16xi32>,
        %jit3A_565 = arith.constant 0.000000e+00 : f32
        %broadcast_in_dim3A_566 = vector.broadcast %jit3A_565 : f32 to vector<16xf32>
        %select_n3A_567 = arith.select %and3A_556, %get3A_549, %broadcast_in_dim3A_566 : vector<16xi1>, vector<16xf32>
        %swap3A_568 = arith.index_cast %add3A_545 : i32 to index
        %swap3A_569 = tpu.vector_load %arg9[%swap3A_568] {strides = array<i32>} : memref<6272xf32, #tpu.memory_space<vmem>>, vector<16xf32>,
        tpu.vector_store %arg9[%swap3A_568], %select_n3A_567 {strides = array<i32>} : memref<6272xf32, #tpu.memory_space<vmem>>, vector<16xf32>,
        %mul3A_570 = arith.constant 128 : i32
        %mul3A_571 = arith.muli %scan3A_433, %mul3A_570 : i32
        %add3A_572 = arith.constant 80 : i32
        %add3A_573 = arith.addi %mul3A_571, %add3A_572 : i32
        %get3A_574 = arith.index_cast %add3A_573 : i32 to index
        %get3A_575 = tpu.vector_load %arg8[%get3A_574] {strides = array<i32>} : memref<6272xi32, #tpu.memory_space<vmem>>, vector<16xi32>,
        %get3A_576 = arith.index_cast %add3A_573 : i32 to index
        %get3A_577 = tpu.vector_load %arg9[%get3A_576] {strides = array<i32>} : memref<6272xf32, #tpu.memory_space<vmem>>, vector<16xf32>,
        %ge3A_578 = vector.broadcast %mul3A_43 : i32 to vector<16xi32>
        %ge3A_579 = arith.cmpi sge, %get3A_575, %ge3A_578 : vector<16xi32>
        %add3A_580 = arith.constant 1605632 : i32
        %add3A_581 = arith.addi %mul3A_43, %add3A_580 : i32
        %lt3A_582 = vector.broadcast %add3A_581 : i32 to vector<16xi32>
        %lt3A_583 = arith.cmpi slt, %get3A_575, %lt3A_582 : vector<16xi32>
        %and3A_584 = arith.andi %ge3A_579, %lt3A_583 : vector<16xi1>
        %sub3A_585 = vector.broadcast %mul3A_43 : i32 to vector<16xi32>
        %sub3A_586 = arith.subi %get3A_575, %sub3A_585 : vector<16xi32>
        %shift_right_arithmetic3A_587 = arith.constant 2 : i32
        %shift_right_arithmetic3A_588 = vector.broadcast %shift_right_arithmetic3A_587 : i32 to vector<16xi32>
        %shift_right_arithmetic3A_589 = arith.shrsi %get3A_575, %shift_right_arithmetic3A_588 : vector<16xi32>
        %select_n3A_590 = arith.select %and3A_584, %sub3A_586, %shift_right_arithmetic3A_589 : vector<16xi1>, vector<16xi32>
        %swap3A_591 = arith.index_cast %add3A_573 : i32 to index
        %swap3A_592 = tpu.vector_load %arg8[%swap3A_591] {strides = array<i32>} : memref<6272xi32, #tpu.memory_space<vmem>>, vector<16xi32>,
        tpu.vector_store %arg8[%swap3A_591], %select_n3A_590 {strides = array<i32>} : memref<6272xi32, #tpu.memory_space<vmem>>, vector<16xi32>,
        %jit3A_593 = arith.constant 0.000000e+00 : f32
        %broadcast_in_dim3A_594 = vector.broadcast %jit3A_593 : f32 to vector<16xf32>
        %select_n3A_595 = arith.select %and3A_584, %get3A_577, %broadcast_in_dim3A_594 : vector<16xi1>, vector<16xf32>
        %swap3A_596 = arith.index_cast %add3A_573 : i32 to index
        %swap3A_597 = tpu.vector_load %arg9[%swap3A_596] {strides = array<i32>} : memref<6272xf32, #tpu.memory_space<vmem>>, vector<16xf32>,
        tpu.vector_store %arg9[%swap3A_596], %select_n3A_595 {strides = array<i32>} : memref<6272xf32, #tpu.memory_space<vmem>>, vector<16xf32>,
        %mul3A_598 = arith.constant 128 : i32
        %mul3A_599 = arith.muli %scan3A_433, %mul3A_598 : i32
        %add3A_600 = arith.constant 96 : i32
        %add3A_601 = arith.addi %mul3A_599, %add3A_600 : i32
        %get3A_602 = arith.index_cast %add3A_601 : i32 to index
        %get3A_603 = tpu.vector_load %arg8[%get3A_602] {strides = array<i32>} : memref<6272xi32, #tpu.memory_space<vmem>>, vector<16xi32>,
        %get3A_604 = arith.index_cast %add3A_601 : i32 to index
        %get3A_605 = tpu.vector_load %arg9[%get3A_604] {strides = array<i32>} : memref<6272xf32, #tpu.memory_space<vmem>>, vector<16xf32>,
        %ge3A_606 = vector.broadcast %mul3A_43 : i32 to vector<16xi32>
        %ge3A_607 = arith.cmpi sge, %get3A_603, %ge3A_606 : vector<16xi32>
        %add3A_608 = arith.constant 1605632 : i32
        %add3A_609 = arith.addi %mul3A_43, %add3A_608 : i32
        %lt3A_610 = vector.broadcast %add3A_609 : i32 to vector<16xi32>
        %lt3A_611 = arith.cmpi slt, %get3A_603, %lt3A_610 : vector<16xi32>
        %and3A_612 = arith.andi %ge3A_607, %lt3A_611 : vector<16xi1>
        %sub3A_613 = vector.broadcast %mul3A_43 : i32 to vector<16xi32>
        %sub3A_614 = arith.subi %get3A_603, %sub3A_613 : vector<16xi32>
        %shift_right_arithmetic3A_615 = arith.constant 2 : i32
        %shift_right_arithmetic3A_616 = vector.broadcast %shift_right_arithmetic3A_615 : i32 to vector<16xi32>
        %shift_right_arithmetic3A_617 = arith.shrsi %get3A_603, %shift_right_arithmetic3A_616 : vector<16xi32>
        %select_n3A_618 = arith.select %and3A_612, %sub3A_614, %shift_right_arithmetic3A_617 : vector<16xi1>, vector<16xi32>
        %swap3A_619 = arith.index_cast %add3A_601 : i32 to index
        %swap3A_620 = tpu.vector_load %arg8[%swap3A_619] {strides = array<i32>} : memref<6272xi32, #tpu.memory_space<vmem>>, vector<16xi32>,
        tpu.vector_store %arg8[%swap3A_619], %select_n3A_618 {strides = array<i32>} : memref<6272xi32, #tpu.memory_space<vmem>>, vector<16xi32>,
        %jit3A_621 = arith.constant 0.000000e+00 : f32
        %broadcast_in_dim3A_622 = vector.broadcast %jit3A_621 : f32 to vector<16xf32>
        %select_n3A_623 = arith.select %and3A_612, %get3A_605, %broadcast_in_dim3A_622 : vector<16xi1>, vector<16xf32>
        %swap3A_624 = arith.index_cast %add3A_601 : i32 to index
        %swap3A_625 = tpu.vector_load %arg9[%swap3A_624] {strides = array<i32>} : memref<6272xf32, #tpu.memory_space<vmem>>, vector<16xf32>,
        tpu.vector_store %arg9[%swap3A_624], %select_n3A_623 {strides = array<i32>} : memref<6272xf32, #tpu.memory_space<vmem>>, vector<16xf32>,
        %mul3A_626 = arith.constant 128 : i32
        %mul3A_627 = arith.muli %scan3A_433, %mul3A_626 : i32
        %add3A_628 = arith.constant 112 : i32
        %add3A_629 = arith.addi %mul3A_627, %add3A_628 : i32
        %get3A_630 = arith.index_cast %add3A_629 : i32 to index
        %get3A_631 = tpu.vector_load %arg8[%get3A_630] {strides = array<i32>} : memref<6272xi32, #tpu.memory_space<vmem>>, vector<16xi32>,
        %get3A_632 = arith.index_cast %add3A_629 : i32 to index
        %get3A_633 = tpu.vector_load %arg9[%get3A_632] {strides = array<i32>} : memref<6272xf32, #tpu.memory_space<vmem>>, vector<16xf32>,
        %ge3A_634 = vector.broadcast %mul3A_43 : i32 to vector<16xi32>
        %ge3A_635 = arith.cmpi sge, %get3A_631, %ge3A_634 : vector<16xi32>
        %add3A_636 = arith.constant 1605632 : i32
        %add3A_637 = arith.addi %mul3A_43, %add3A_636 : i32
        %lt3A_638 = vector.broadcast %add3A_637 : i32 to vector<16xi32>
        %lt3A_639 = arith.cmpi slt, %get3A_631, %lt3A_638 : vector<16xi32>
        %and3A_640 = arith.andi %ge3A_635, %lt3A_639 : vector<16xi1>
        %sub3A_641 = vector.broadcast %mul3A_43 : i32 to vector<16xi32>
        %sub3A_642 = arith.subi %get3A_631, %sub3A_641 : vector<16xi32>
        %shift_right_arithmetic3A_643 = arith.constant 2 : i32
        %shift_right_arithmetic3A_644 = vector.broadcast %shift_right_arithmetic3A_643 : i32 to vector<16xi32>
        %shift_right_arithmetic3A_645 = arith.shrsi %get3A_631, %shift_right_arithmetic3A_644 : vector<16xi32>
        %select_n3A_646 = arith.select %and3A_640, %sub3A_642, %shift_right_arithmetic3A_645 : vector<16xi1>, vector<16xi32>
        %swap3A_647 = arith.index_cast %add3A_629 : i32 to index
        %swap3A_648 = tpu.vector_load %arg8[%swap3A_647] {strides = array<i32>} : memref<6272xi32, #tpu.memory_space<vmem>>, vector<16xi32>,
        tpu.vector_store %arg8[%swap3A_647], %select_n3A_646 {strides = array<i32>} : memref<6272xi32, #tpu.memory_space<vmem>>, vector<16xi32>,
        %jit3A_649 = arith.constant 0.000000e+00 : f32
        %broadcast_in_dim3A_650 = vector.broadcast %jit3A_649 : f32 to vector<16xf32>
        %select_n3A_651 = arith.select %and3A_640, %get3A_633, %broadcast_in_dim3A_650 : vector<16xi1>, vector<16xf32>
        %swap3A_652 = arith.index_cast %add3A_629 : i32 to index
        %swap3A_653 = tpu.vector_load %arg9[%swap3A_652] {strides = array<i32>} : memref<6272xf32, #tpu.memory_space<vmem>>, vector<16xf32>,
        tpu.vector_store %arg9[%swap3A_652], %select_n3A_651 {strides = array<i32>} : memref<6272xf32, #tpu.memory_space<vmem>>, vector<16xf32>,
      }
      %scan3A_355 = arith.constant 49 : i32
      %dma_start3A_356 = arith.constant 0 : i32
      %dma_start3A_357 = tpu.memref_slice %arg5[%dma_start3A_356] : memref<1605632xf32, #tpu.memory_space<vmem_shared>> -> memref<1605632xf32, #tpu.memory_space<vmem_shared>>
      tpu.enqueue_indirect_dma source(%arg9 : memref<6272xf32, #tpu.memory_space<vmem>>) target(%dma_start3A_357 : memref<1605632xf32, #tpu.memory_space<vmem_shared>>) offsets(%arg8 : memref<6272xi32, #tpu.memory_space<vmem>>) semaphore(%arg14 : memref<!tpu.dma_semaphore, #tpu.memory_space<semaphore_mem>>) {add = true}
      %dma_wait3A_358 = arith.constant 0 : i32
      %dma_wait3A_359 = tpu.memref_slice %arg5[%dma_wait3A_358] : memref<1605632xf32, #tpu.memory_space<vmem_shared>> -> memref<1605632xf32, #tpu.memory_space<vmem_shared>>
      tpu.wait_indirect_dma semaphore(%arg13 : memref<!tpu.dma_semaphore, #tpu.memory_space<semaphore_mem>>) src(%arg7 : memref<6272xf32, #tpu.memory_space<vmem>>) dst(%dma_wait3A_359 : memref<1605632xf32, #tpu.memory_space<vmem_shared>>)
      %mul3A_360 = arith.constant 1204224 : i32
      %mul3A_361 = arith.muli %select_n3A, %mul3A_360 : i32
      %mul3A_362 = arith.constant 75264 : i32
      %mul3A_363 = arith.muli %arg1, %mul3A_362 : i32
      %add3A_364 = arith.addi %mul3A_361, %mul3A_363 : i32
      %add3A_365 = arith.constant 62720 : i32
      %add3A_366 = arith.addi %add3A_364, %add3A_365 : i32
      %dma_start3A_367 = tpu.memref_slice %arg3[%add3A_366] : memref<9633792xi32, #tpu.memory_space<hbm>> -> memref<6272xi32, #tpu.memory_space<hbm>>
      %dma_start3A_368 = tpu.memref_slice %arg3[%add3A_366] : memref<9633792xi32, #tpu.memory_space<hbm>> -> memref<6272xi32, #tpu.memory_space<hbm>>
      tpu.enqueue_dma source(%dma_start3A_368 : memref<6272xi32, #tpu.memory_space<hbm>>) target(%arg6 : memref<6272xi32, #tpu.memory_space<vmem>>) target_semaphore(%arg11 : memref<!tpu.dma_semaphore, #tpu.memory_space<semaphore_mem>>)
      %dma_start3A_369 = tpu.memref_slice %arg2[%add3A_366] : memref<9633792xf32, #tpu.memory_space<hbm>> -> memref<6272xf32, #tpu.memory_space<hbm>>
      %dma_start3A_370 = tpu.memref_slice %arg2[%add3A_366] : memref<9633792xf32, #tpu.memory_space<hbm>> -> memref<6272xf32, #tpu.memory_space<hbm>>
      tpu.enqueue_dma source(%dma_start3A_370 : memref<6272xf32, #tpu.memory_space<hbm>>) target(%arg7 : memref<6272xf32, #tpu.memory_space<vmem>>) target_semaphore(%arg11 : memref<!tpu.dma_semaphore, #tpu.memory_space<semaphore_mem>>)
      %mul3A_371 = arith.constant 1204224 : i32
      %mul3A_372 = arith.muli %select_n3A, %mul3A_371 : i32
      %mul3A_373 = arith.constant 75264 : i32
      %mul3A_374 = arith.muli %arg1, %mul3A_373 : i32
      %add3A_375 = arith.addi %mul3A_372, %mul3A_374 : i32
      %add3A_376 = arith.constant 62720 : i32
      %add3A_377 = arith.addi %add3A_375, %add3A_376 : i32
      %dma_wait3A_378 = tpu.memref_slice %arg3[%add3A_377] : memref<9633792xi32, #tpu.memory_space<hbm>> -> memref<6272xi32, #tpu.memory_space<hbm>>
      %dma_wait3A_379 = tpu.memref_slice %arg3[%add3A_377] : memref<9633792xi32, #tpu.memory_space<hbm>> -> memref<6272xi32, #tpu.memory_space<hbm>>
      tpu.wait_dma2 semaphore(%arg11 : memref<!tpu.dma_semaphore, #tpu.memory_space<semaphore_mem>>) src(%dma_wait3A_379 : memref<6272xi32, #tpu.memory_space<hbm>>) dst(%arg6 : memref<6272xi32, #tpu.memory_space<vmem>>)
      %dma_wait3A_380 = tpu.memref_slice %arg2[%add3A_377] : memref<9633792xf32, #tpu.memory_space<hbm>> -> memref<6272xf32, #tpu.memory_space<hbm>>
      %dma_wait3A_381 = tpu.memref_slice %arg2[%add3A_377] : memref<9633792xf32, #tpu.memory_space<hbm>> -> memref<6272xf32, #tpu.memory_space<hbm>>
      tpu.wait_dma2 semaphore(%arg11 : memref<!tpu.dma_semaphore, #tpu.memory_space<semaphore_mem>>) src(%dma_wait3A_381 : memref<6272xf32, #tpu.memory_space<hbm>>) dst(%arg7 : memref<6272xf32, #tpu.memory_space<vmem>>)
      %scan3A_382 = arith.constant 0 : i32
      %scan3A_383 = arith.constant 49 : i32
      %scan3A_384 = arith.addi %scan3A_382, %scan3A_383 : i32
      %scan3A_385 = arith.constant 1 : i32
      scf.for %scan3A_433 = %scan3A_382 to %scan3A_384 step %scan3A_385  : i32 {
        %mul3A_434 = arith.constant 128 : i32
        %mul3A_435 = arith.muli %scan3A_433, %mul3A_434 : i32
        %add3A_436 = arith.constant 0 : i32
        %add3A_437 = arith.addi %mul3A_435, %add3A_436 : i32
        %get3A = arith.index_cast %add3A_437 : i32 to index
        %get3A_438 = tpu.vector_load %arg6[%get3A] {strides = array<i32>} : memref<6272xi32, #tpu.memory_space<vmem>>, vector<16xi32>,
        %get3A_439 = arith.index_cast %add3A_437 : i32 to index
        %get3A_440 = tpu.vector_load %arg7[%get3A_439] {strides = array<i32>} : memref<6272xf32, #tpu.memory_space<vmem>>, vector<16xf32>,
        %ge3A = vector.broadcast %mul3A_43 : i32 to vector<16xi32>
        %ge3A_441 = arith.cmpi sge, %get3A_438, %ge3A : vector<16xi32>
        %add3A_442 = arith.constant 1605632 : i32
        %add3A_443 = arith.addi %mul3A_43, %add3A_442 : i32
        %lt3A_444 = vector.broadcast %add3A_443 : i32 to vector<16xi32>
        %lt3A_445 = arith.cmpi slt, %get3A_438, %lt3A_444 : vector<16xi32>
        %and3A_446 = arith.andi %ge3A_441, %lt3A_445 : vector<16xi1>
        %sub3A_447 = vector.broadcast %mul3A_43 : i32 to vector<16xi32>
        %sub3A_448 = arith.subi %get3A_438, %sub3A_447 : vector<16xi32>
        %shift_right_arithmetic3A = arith.constant 2 : i32
        %shift_right_arithmetic3A_449 = vector.broadcast %shift_right_arithmetic3A : i32 to vector<16xi32>
        %shift_right_arithmetic3A_450 = arith.shrsi %get3A_438, %shift_right_arithmetic3A_449 : vector<16xi32>
        %select_n3A_451 = arith.select %and3A_446, %sub3A_448, %shift_right_arithmetic3A_450 : vector<16xi1>, vector<16xi32>
        %swap3A = arith.index_cast %add3A_437 : i32 to index
        %swap3A_452 = tpu.vector_load %arg6[%swap3A] {strides = array<i32>} : memref<6272xi32, #tpu.memory_space<vmem>>, vector<16xi32>,
        tpu.vector_store %arg6[%swap3A], %select_n3A_451 {strides = array<i32>} : memref<6272xi32, #tpu.memory_space<vmem>>, vector<16xi32>,
        %jit3A_453 = arith.constant 0.000000e+00 : f32
        %broadcast_in_dim3A_454 = vector.broadcast %jit3A_453 : f32 to vector<16xf32>
        %select_n3A_455 = arith.select %and3A_446, %get3A_440, %broadcast_in_dim3A_454 : vector<16xi1>, vector<16xf32>
        %swap3A_456 = arith.index_cast %add3A_437 : i32 to index
        %swap3A_457 = tpu.vector_load %arg7[%swap3A_456] {strides = array<i32>} : memref<6272xf32, #tpu.memory_space<vmem>>, vector<16xf32>,
        tpu.vector_store %arg7[%swap3A_456], %select_n3A_455 {strides = array<i32>} : memref<6272xf32, #tpu.memory_space<vmem>>, vector<16xf32>,
        %mul3A_458 = arith.constant 128 : i32
        %mul3A_459 = arith.muli %scan3A_433, %mul3A_458 : i32
        %add3A_460 = arith.constant 16 : i32
        %add3A_461 = arith.addi %mul3A_459, %add3A_460 : i32
        %get3A_462 = arith.index_cast %add3A_461 : i32 to index
        %get3A_463 = tpu.vector_load %arg6[%get3A_462] {strides = array<i32>} : memref<6272xi32, #tpu.memory_space<vmem>>, vector<16xi32>,
        %get3A_464 = arith.index_cast %add3A_461 : i32 to index
        %get3A_465 = tpu.vector_load %arg7[%get3A_464] {strides = array<i32>} : memref<6272xf32, #tpu.memory_space<vmem>>, vector<16xf32>,
        %ge3A_466 = vector.broadcast %mul3A_43 : i32 to vector<16xi32>
        %ge3A_467 = arith.cmpi sge, %get3A_463, %ge3A_466 : vector<16xi32>
        %add3A_468 = arith.constant 1605632 : i32
        %add3A_469 = arith.addi %mul3A_43, %add3A_468 : i32
        %lt3A_470 = vector.broadcast %add3A_469 : i32 to vector<16xi32>
        %lt3A_471 = arith.cmpi slt, %get3A_463, %lt3A_470 : vector<16xi32>
        %and3A_472 = arith.andi %ge3A_467, %lt3A_471 : vector<16xi1>
        %sub3A_473 = vector.broadcast %mul3A_43 : i32 to vector<16xi32>
        %sub3A_474 = arith.subi %get3A_463, %sub3A_473 : vector<16xi32>
        %shift_right_arithmetic3A_475 = arith.constant 2 : i32
        %shift_right_arithmetic3A_476 = vector.broadcast %shift_right_arithmetic3A_475 : i32 to vector<16xi32>
        %shift_right_arithmetic3A_477 = arith.shrsi %get3A_463, %shift_right_arithmetic3A_476 : vector<16xi32>
        %select_n3A_478 = arith.select %and3A_472, %sub3A_474, %shift_right_arithmetic3A_477 : vector<16xi1>, vector<16xi32>
        %swap3A_479 = arith.index_cast %add3A_461 : i32 to index
        %swap3A_480 = tpu.vector_load %arg6[%swap3A_479] {strides = array<i32>} : memref<6272xi32, #tpu.memory_space<vmem>>, vector<16xi32>,
        tpu.vector_store %arg6[%swap3A_479], %select_n3A_478 {strides = array<i32>} : memref<6272xi32, #tpu.memory_space<vmem>>, vector<16xi32>,
        %jit3A_481 = arith.constant 0.000000e+00 : f32
        %broadcast_in_dim3A_482 = vector.broadcast %jit3A_481 : f32 to vector<16xf32>
        %select_n3A_483 = arith.select %and3A_472, %get3A_465, %broadcast_in_dim3A_482 : vector<16xi1>, vector<16xf32>
        %swap3A_484 = arith.index_cast %add3A_461 : i32 to index
        %swap3A_485 = tpu.vector_load %arg7[%swap3A_484] {strides = array<i32>} : memref<6272xf32, #tpu.memory_space<vmem>>, vector<16xf32>,
        tpu.vector_store %arg7[%swap3A_484], %select_n3A_483 {strides = array<i32>} : memref<6272xf32, #tpu.memory_space<vmem>>, vector<16xf32>,
        %mul3A_486 = arith.constant 128 : i32
        %mul3A_487 = arith.muli %scan3A_433, %mul3A_486 : i32
        %add3A_488 = arith.constant 32 : i32
        %add3A_489 = arith.addi %mul3A_487, %add3A_488 : i32
        %get3A_490 = arith.index_cast %add3A_489 : i32 to index
        %get3A_491 = tpu.vector_load %arg6[%get3A_490] {strides = array<i32>} : memref<6272xi32, #tpu.memory_space<vmem>>, vector<16xi32>,
        %get3A_492 = arith.index_cast %add3A_489 : i32 to index
        %get3A_493 = tpu.vector_load %arg7[%get3A_492] {strides = array<i32>} : memref<6272xf32, #tpu.memory_space<vmem>>, vector<16xf32>,
        %ge3A_494 = vector.broadcast %mul3A_43 : i32 to vector<16xi32>
        %ge3A_495 = arith.cmpi sge, %get3A_491, %ge3A_494 : vector<16xi32>
        %add3A_496 = arith.constant 1605632 : i32
        %add3A_497 = arith.addi %mul3A_43, %add3A_496 : i32
        %lt3A_498 = vector.broadcast %add3A_497 : i32 to vector<16xi32>
        %lt3A_499 = arith.cmpi slt, %get3A_491, %lt3A_498 : vector<16xi32>
        %and3A_500 = arith.andi %ge3A_495, %lt3A_499 : vector<16xi1>
        %sub3A_501 = vector.broadcast %mul3A_43 : i32 to vector<16xi32>
        %sub3A_502 = arith.subi %get3A_491, %sub3A_501 : vector<16xi32>
        %shift_right_arithmetic3A_503 = arith.constant 2 : i32
        %shift_right_arithmetic3A_504 = vector.broadcast %shift_right_arithmetic3A_503 : i32 to vector<16xi32>
        %shift_right_arithmetic3A_505 = arith.shrsi %get3A_491, %shift_right_arithmetic3A_504 : vector<16xi32>
        %select_n3A_506 = arith.select %and3A_500, %sub3A_502, %shift_right_arithmetic3A_505 : vector<16xi1>, vector<16xi32>
        %swap3A_507 = arith.index_cast %add3A_489 : i32 to index
        %swap3A_508 = tpu.vector_load %arg6[%swap3A_507] {strides = array<i32>} : memref<6272xi32, #tpu.memory_space<vmem>>, vector<16xi32>,
        tpu.vector_store %arg6[%swap3A_507], %select_n3A_506 {strides = array<i32>} : memref<6272xi32, #tpu.memory_space<vmem>>, vector<16xi32>,
        %jit3A_509 = arith.constant 0.000000e+00 : f32
        %broadcast_in_dim3A_510 = vector.broadcast %jit3A_509 : f32 to vector<16xf32>
        %select_n3A_511 = arith.select %and3A_500, %get3A_493, %broadcast_in_dim3A_510 : vector<16xi1>, vector<16xf32>
        %swap3A_512 = arith.index_cast %add3A_489 : i32 to index
        %swap3A_513 = tpu.vector_load %arg7[%swap3A_512] {strides = array<i32>} : memref<6272xf32, #tpu.memory_space<vmem>>, vector<16xf32>,
        tpu.vector_store %arg7[%swap3A_512], %select_n3A_511 {strides = array<i32>} : memref<6272xf32, #tpu.memory_space<vmem>>, vector<16xf32>,
        %mul3A_514 = arith.constant 128 : i32
        %mul3A_515 = arith.muli %scan3A_433, %mul3A_514 : i32
        %add3A_516 = arith.constant 48 : i32
        %add3A_517 = arith.addi %mul3A_515, %add3A_516 : i32
        %get3A_518 = arith.index_cast %add3A_517 : i32 to index
        %get3A_519 = tpu.vector_load %arg6[%get3A_518] {strides = array<i32>} : memref<6272xi32, #tpu.memory_space<vmem>>, vector<16xi32>,
        %get3A_520 = arith.index_cast %add3A_517 : i32 to index
        %get3A_521 = tpu.vector_load %arg7[%get3A_520] {strides = array<i32>} : memref<6272xf32, #tpu.memory_space<vmem>>, vector<16xf32>,
        %ge3A_522 = vector.broadcast %mul3A_43 : i32 to vector<16xi32>
        %ge3A_523 = arith.cmpi sge, %get3A_519, %ge3A_522 : vector<16xi32>
        %add3A_524 = arith.constant 1605632 : i32
        %add3A_525 = arith.addi %mul3A_43, %add3A_524 : i32
        %lt3A_526 = vector.broadcast %add3A_525 : i32 to vector<16xi32>
        %lt3A_527 = arith.cmpi slt, %get3A_519, %lt3A_526 : vector<16xi32>
        %and3A_528 = arith.andi %ge3A_523, %lt3A_527 : vector<16xi1>
        %sub3A_529 = vector.broadcast %mul3A_43 : i32 to vector<16xi32>
        %sub3A_530 = arith.subi %get3A_519, %sub3A_529 : vector<16xi32>
        %shift_right_arithmetic3A_531 = arith.constant 2 : i32
        %shift_right_arithmetic3A_532 = vector.broadcast %shift_right_arithmetic3A_531 : i32 to vector<16xi32>
        %shift_right_arithmetic3A_533 = arith.shrsi %get3A_519, %shift_right_arithmetic3A_532 : vector<16xi32>
        %select_n3A_534 = arith.select %and3A_528, %sub3A_530, %shift_right_arithmetic3A_533 : vector<16xi1>, vector<16xi32>
        %swap3A_535 = arith.index_cast %add3A_517 : i32 to index
        %swap3A_536 = tpu.vector_load %arg6[%swap3A_535] {strides = array<i32>} : memref<6272xi32, #tpu.memory_space<vmem>>, vector<16xi32>,
        tpu.vector_store %arg6[%swap3A_535], %select_n3A_534 {strides = array<i32>} : memref<6272xi32, #tpu.memory_space<vmem>>, vector<16xi32>,
        %jit3A_537 = arith.constant 0.000000e+00 : f32
        %broadcast_in_dim3A_538 = vector.broadcast %jit3A_537 : f32 to vector<16xf32>
        %select_n3A_539 = arith.select %and3A_528, %get3A_521, %broadcast_in_dim3A_538 : vector<16xi1>, vector<16xf32>
        %swap3A_540 = arith.index_cast %add3A_517 : i32 to index
        %swap3A_541 = tpu.vector_load %arg7[%swap3A_540] {strides = array<i32>} : memref<6272xf32, #tpu.memory_space<vmem>>, vector<16xf32>,
        tpu.vector_store %arg7[%swap3A_540], %select_n3A_539 {strides = array<i32>} : memref<6272xf32, #tpu.memory_space<vmem>>, vector<16xf32>,
        %mul3A_542 = arith.constant 128 : i32
        %mul3A_543 = arith.muli %scan3A_433, %mul3A_542 : i32
        %add3A_544 = arith.constant 64 : i32
        %add3A_545 = arith.addi %mul3A_543, %add3A_544 : i32
        %get3A_546 = arith.index_cast %add3A_545 : i32 to index
        %get3A_547 = tpu.vector_load %arg6[%get3A_546] {strides = array<i32>} : memref<6272xi32, #tpu.memory_space<vmem>>, vector<16xi32>,
        %get3A_548 = arith.index_cast %add3A_545 : i32 to index
        %get3A_549 = tpu.vector_load %arg7[%get3A_548] {strides = array<i32>} : memref<6272xf32, #tpu.memory_space<vmem>>, vector<16xf32>,
        %ge3A_550 = vector.broadcast %mul3A_43 : i32 to vector<16xi32>
        %ge3A_551 = arith.cmpi sge, %get3A_547, %ge3A_550 : vector<16xi32>
        %add3A_552 = arith.constant 1605632 : i32
        %add3A_553 = arith.addi %mul3A_43, %add3A_552 : i32
        %lt3A_554 = vector.broadcast %add3A_553 : i32 to vector<16xi32>
        %lt3A_555 = arith.cmpi slt, %get3A_547, %lt3A_554 : vector<16xi32>
        %and3A_556 = arith.andi %ge3A_551, %lt3A_555 : vector<16xi1>
        %sub3A_557 = vector.broadcast %mul3A_43 : i32 to vector<16xi32>
        %sub3A_558 = arith.subi %get3A_547, %sub3A_557 : vector<16xi32>
        %shift_right_arithmetic3A_559 = arith.constant 2 : i32
        %shift_right_arithmetic3A_560 = vector.broadcast %shift_right_arithmetic3A_559 : i32 to vector<16xi32>
        %shift_right_arithmetic3A_561 = arith.shrsi %get3A_547, %shift_right_arithmetic3A_560 : vector<16xi32>
        %select_n3A_562 = arith.select %and3A_556, %sub3A_558, %shift_right_arithmetic3A_561 : vector<16xi1>, vector<16xi32>
        %swap3A_563 = arith.index_cast %add3A_545 : i32 to index
        %swap3A_564 = tpu.vector_load %arg6[%swap3A_563] {strides = array<i32>} : memref<6272xi32, #tpu.memory_space<vmem>>, vector<16xi32>,
        tpu.vector_store %arg6[%swap3A_563], %select_n3A_562 {strides = array<i32>} : memref<6272xi32, #tpu.memory_space<vmem>>, vector<16xi32>,
        %jit3A_565 = arith.constant 0.000000e+00 : f32
        %broadcast_in_dim3A_566 = vector.broadcast %jit3A_565 : f32 to vector<16xf32>
        %select_n3A_567 = arith.select %and3A_556, %get3A_549, %broadcast_in_dim3A_566 : vector<16xi1>, vector<16xf32>
        %swap3A_568 = arith.index_cast %add3A_545 : i32 to index
        %swap3A_569 = tpu.vector_load %arg7[%swap3A_568] {strides = array<i32>} : memref<6272xf32, #tpu.memory_space<vmem>>, vector<16xf32>,
        tpu.vector_store %arg7[%swap3A_568], %select_n3A_567 {strides = array<i32>} : memref<6272xf32, #tpu.memory_space<vmem>>, vector<16xf32>,
        %mul3A_570 = arith.constant 128 : i32
        %mul3A_571 = arith.muli %scan3A_433, %mul3A_570 : i32
        %add3A_572 = arith.constant 80 : i32
        %add3A_573 = arith.addi %mul3A_571, %add3A_572 : i32
        %get3A_574 = arith.index_cast %add3A_573 : i32 to index
        %get3A_575 = tpu.vector_load %arg6[%get3A_574] {strides = array<i32>} : memref<6272xi32, #tpu.memory_space<vmem>>, vector<16xi32>,
        %get3A_576 = arith.index_cast %add3A_573 : i32 to index
        %get3A_577 = tpu.vector_load %arg7[%get3A_576] {strides = array<i32>} : memref<6272xf32, #tpu.memory_space<vmem>>, vector<16xf32>,
        %ge3A_578 = vector.broadcast %mul3A_43 : i32 to vector<16xi32>
        %ge3A_579 = arith.cmpi sge, %get3A_575, %ge3A_578 : vector<16xi32>
        %add3A_580 = arith.constant 1605632 : i32
        %add3A_581 = arith.addi %mul3A_43, %add3A_580 : i32
        %lt3A_582 = vector.broadcast %add3A_581 : i32 to vector<16xi32>
        %lt3A_583 = arith.cmpi slt, %get3A_575, %lt3A_582 : vector<16xi32>
        %and3A_584 = arith.andi %ge3A_579, %lt3A_583 : vector<16xi1>
        %sub3A_585 = vector.broadcast %mul3A_43 : i32 to vector<16xi32>
        %sub3A_586 = arith.subi %get3A_575, %sub3A_585 : vector<16xi32>
        %shift_right_arithmetic3A_587 = arith.constant 2 : i32
        %shift_right_arithmetic3A_588 = vector.broadcast %shift_right_arithmetic3A_587 : i32 to vector<16xi32>
        %shift_right_arithmetic3A_589 = arith.shrsi %get3A_575, %shift_right_arithmetic3A_588 : vector<16xi32>
        %select_n3A_590 = arith.select %and3A_584, %sub3A_586, %shift_right_arithmetic3A_589 : vector<16xi1>, vector<16xi32>
        %swap3A_591 = arith.index_cast %add3A_573 : i32 to index
        %swap3A_592 = tpu.vector_load %arg6[%swap3A_591] {strides = array<i32>} : memref<6272xi32, #tpu.memory_space<vmem>>, vector<16xi32>,
        tpu.vector_store %arg6[%swap3A_591], %select_n3A_590 {strides = array<i32>} : memref<6272xi32, #tpu.memory_space<vmem>>, vector<16xi32>,
        %jit3A_593 = arith.constant 0.000000e+00 : f32
        %broadcast_in_dim3A_594 = vector.broadcast %jit3A_593 : f32 to vector<16xf32>
        %select_n3A_595 = arith.select %and3A_584, %get3A_577, %broadcast_in_dim3A_594 : vector<16xi1>, vector<16xf32>
        %swap3A_596 = arith.index_cast %add3A_573 : i32 to index
        %swap3A_597 = tpu.vector_load %arg7[%swap3A_596] {strides = array<i32>} : memref<6272xf32, #tpu.memory_space<vmem>>, vector<16xf32>,
        tpu.vector_store %arg7[%swap3A_596], %select_n3A_595 {strides = array<i32>} : memref<6272xf32, #tpu.memory_space<vmem>>, vector<16xf32>,
        %mul3A_598 = arith.constant 128 : i32
        %mul3A_599 = arith.muli %scan3A_433, %mul3A_598 : i32
        %add3A_600 = arith.constant 96 : i32
        %add3A_601 = arith.addi %mul3A_599, %add3A_600 : i32
        %get3A_602 = arith.index_cast %add3A_601 : i32 to index
        %get3A_603 = tpu.vector_load %arg6[%get3A_602] {strides = array<i32>} : memref<6272xi32, #tpu.memory_space<vmem>>, vector<16xi32>,
        %get3A_604 = arith.index_cast %add3A_601 : i32 to index
        %get3A_605 = tpu.vector_load %arg7[%get3A_604] {strides = array<i32>} : memref<6272xf32, #tpu.memory_space<vmem>>, vector<16xf32>,
        %ge3A_606 = vector.broadcast %mul3A_43 : i32 to vector<16xi32>
        %ge3A_607 = arith.cmpi sge, %get3A_603, %ge3A_606 : vector<16xi32>
        %add3A_608 = arith.constant 1605632 : i32
        %add3A_609 = arith.addi %mul3A_43, %add3A_608 : i32
        %lt3A_610 = vector.broadcast %add3A_609 : i32 to vector<16xi32>
        %lt3A_611 = arith.cmpi slt, %get3A_603, %lt3A_610 : vector<16xi32>
        %and3A_612 = arith.andi %ge3A_607, %lt3A_611 : vector<16xi1>
        %sub3A_613 = vector.broadcast %mul3A_43 : i32 to vector<16xi32>
        %sub3A_614 = arith.subi %get3A_603, %sub3A_613 : vector<16xi32>
        %shift_right_arithmetic3A_615 = arith.constant 2 : i32
        %shift_right_arithmetic3A_616 = vector.broadcast %shift_right_arithmetic3A_615 : i32 to vector<16xi32>
        %shift_right_arithmetic3A_617 = arith.shrsi %get3A_603, %shift_right_arithmetic3A_616 : vector<16xi32>
        %select_n3A_618 = arith.select %and3A_612, %sub3A_614, %shift_right_arithmetic3A_617 : vector<16xi1>, vector<16xi32>
        %swap3A_619 = arith.index_cast %add3A_601 : i32 to index
        %swap3A_620 = tpu.vector_load %arg6[%swap3A_619] {strides = array<i32>} : memref<6272xi32, #tpu.memory_space<vmem>>, vector<16xi32>,
        tpu.vector_store %arg6[%swap3A_619], %select_n3A_618 {strides = array<i32>} : memref<6272xi32, #tpu.memory_space<vmem>>, vector<16xi32>,
        %jit3A_621 = arith.constant 0.000000e+00 : f32
        %broadcast_in_dim3A_622 = vector.broadcast %jit3A_621 : f32 to vector<16xf32>
        %select_n3A_623 = arith.select %and3A_612, %get3A_605, %broadcast_in_dim3A_622 : vector<16xi1>, vector<16xf32>
        %swap3A_624 = arith.index_cast %add3A_601 : i32 to index
        %swap3A_625 = tpu.vector_load %arg7[%swap3A_624] {strides = array<i32>} : memref<6272xf32, #tpu.memory_space<vmem>>, vector<16xf32>,
        tpu.vector_store %arg7[%swap3A_624], %select_n3A_623 {strides = array<i32>} : memref<6272xf32, #tpu.memory_space<vmem>>, vector<16xf32>,
        %mul3A_626 = arith.constant 128 : i32
        %mul3A_627 = arith.muli %scan3A_433, %mul3A_626 : i32
        %add3A_628 = arith.constant 112 : i32
        %add3A_629 = arith.addi %mul3A_627, %add3A_628 : i32
        %get3A_630 = arith.index_cast %add3A_629 : i32 to index
        %get3A_631 = tpu.vector_load %arg6[%get3A_630] {strides = array<i32>} : memref<6272xi32, #tpu.memory_space<vmem>>, vector<16xi32>,
        %get3A_632 = arith.index_cast %add3A_629 : i32 to index
        %get3A_633 = tpu.vector_load %arg7[%get3A_632] {strides = array<i32>} : memref<6272xf32, #tpu.memory_space<vmem>>, vector<16xf32>,
        %ge3A_634 = vector.broadcast %mul3A_43 : i32 to vector<16xi32>
        %ge3A_635 = arith.cmpi sge, %get3A_631, %ge3A_634 : vector<16xi32>
        %add3A_636 = arith.constant 1605632 : i32
        %add3A_637 = arith.addi %mul3A_43, %add3A_636 : i32
        %lt3A_638 = vector.broadcast %add3A_637 : i32 to vector<16xi32>
        %lt3A_639 = arith.cmpi slt, %get3A_631, %lt3A_638 : vector<16xi32>
        %and3A_640 = arith.andi %ge3A_635, %lt3A_639 : vector<16xi1>
        %sub3A_641 = vector.broadcast %mul3A_43 : i32 to vector<16xi32>
        %sub3A_642 = arith.subi %get3A_631, %sub3A_641 : vector<16xi32>
        %shift_right_arithmetic3A_643 = arith.constant 2 : i32
        %shift_right_arithmetic3A_644 = vector.broadcast %shift_right_arithmetic3A_643 : i32 to vector<16xi32>
        %shift_right_arithmetic3A_645 = arith.shrsi %get3A_631, %shift_right_arithmetic3A_644 : vector<16xi32>
        %select_n3A_646 = arith.select %and3A_640, %sub3A_642, %shift_right_arithmetic3A_645 : vector<16xi1>, vector<16xi32>
        %swap3A_647 = arith.index_cast %add3A_629 : i32 to index
        %swap3A_648 = tpu.vector_load %arg6[%swap3A_647] {strides = array<i32>} : memref<6272xi32, #tpu.memory_space<vmem>>, vector<16xi32>,
        tpu.vector_store %arg6[%swap3A_647], %select_n3A_646 {strides = array<i32>} : memref<6272xi32, #tpu.memory_space<vmem>>, vector<16xi32>,
        %jit3A_649 = arith.constant 0.000000e+00 : f32
        %broadcast_in_dim3A_650 = vector.broadcast %jit3A_649 : f32 to vector<16xf32>
        %select_n3A_651 = arith.select %and3A_640, %get3A_633, %broadcast_in_dim3A_650 : vector<16xi1>, vector<16xf32>
        %swap3A_652 = arith.index_cast %add3A_629 : i32 to index
        %swap3A_653 = tpu.vector_load %arg7[%swap3A_652] {strides = array<i32>} : memref<6272xf32, #tpu.memory_space<vmem>>, vector<16xf32>,
        tpu.vector_store %arg7[%swap3A_652], %select_n3A_651 {strides = array<i32>} : memref<6272xf32, #tpu.memory_space<vmem>>, vector<16xf32>,
      }
      %scan3A_386 = arith.constant 49 : i32
      %dma_start3A_387 = arith.constant 0 : i32
      %dma_start3A_388 = tpu.memref_slice %arg5[%dma_start3A_387] : memref<1605632xf32, #tpu.memory_space<vmem_shared>> -> memref<1605632xf32, #tpu.memory_space<vmem_shared>>
      tpu.enqueue_indirect_dma source(%arg7 : memref<6272xf32, #tpu.memory_space<vmem>>) target(%dma_start3A_388 : memref<1605632xf32, #tpu.memory_space<vmem_shared>>) offsets(%arg6 : memref<6272xi32, #tpu.memory_space<vmem>>) semaphore(%arg13 : memref<!tpu.dma_semaphore, #tpu.memory_space<semaphore_mem>>) {add = true}
      %dma_wait3A_389 = arith.constant 0 : i32
      %dma_wait3A_390 = tpu.memref_slice %arg5[%dma_wait3A_389] : memref<1605632xf32, #tpu.memory_space<vmem_shared>> -> memref<1605632xf32, #tpu.memory_space<vmem_shared>>
      tpu.wait_indirect_dma semaphore(%arg14 : memref<!tpu.dma_semaphore, #tpu.memory_space<semaphore_mem>>) src(%arg9 : memref<6272xf32, #tpu.memory_space<vmem>>) dst(%dma_wait3A_390 : memref<1605632xf32, #tpu.memory_space<vmem_shared>>)
      %mul3A_391 = arith.constant 1204224 : i32
      %mul3A_392 = arith.muli %select_n3A, %mul3A_391 : i32
      %mul3A_393 = arith.constant 75264 : i32
      %mul3A_394 = arith.muli %arg1, %mul3A_393 : i32
      %add3A_395 = arith.addi %mul3A_392, %mul3A_394 : i32
      %add3A_396 = arith.constant 68992 : i32
      %add3A_397 = arith.addi %add3A_395, %add3A_396 : i32
      %dma_start3A_398 = tpu.memref_slice %arg3[%add3A_397] : memref<9633792xi32, #tpu.memory_space<hbm>> -> memref<6272xi32, #tpu.memory_space<hbm>>
      %dma_start3A_399 = tpu.memref_slice %arg3[%add3A_397] : memref<9633792xi32, #tpu.memory_space<hbm>> -> memref<6272xi32, #tpu.memory_space<hbm>>
      tpu.enqueue_dma source(%dma_start3A_399 : memref<6272xi32, #tpu.memory_space<hbm>>) target(%arg8 : memref<6272xi32, #tpu.memory_space<vmem>>) target_semaphore(%arg12 : memref<!tpu.dma_semaphore, #tpu.memory_space<semaphore_mem>>)
      %dma_start3A_400 = tpu.memref_slice %arg2[%add3A_397] : memref<9633792xf32, #tpu.memory_space<hbm>> -> memref<6272xf32, #tpu.memory_space<hbm>>
      %dma_start3A_401 = tpu.memref_slice %arg2[%add3A_397] : memref<9633792xf32, #tpu.memory_space<hbm>> -> memref<6272xf32, #tpu.memory_space<hbm>>
      tpu.enqueue_dma source(%dma_start3A_401 : memref<6272xf32, #tpu.memory_space<hbm>>) target(%arg9 : memref<6272xf32, #tpu.memory_space<vmem>>) target_semaphore(%arg12 : memref<!tpu.dma_semaphore, #tpu.memory_space<semaphore_mem>>)
      %mul3A_402 = arith.constant 1204224 : i32
      %mul3A_403 = arith.muli %select_n3A, %mul3A_402 : i32
      %mul3A_404 = arith.constant 75264 : i32
      %mul3A_405 = arith.muli %arg1, %mul3A_404 : i32
      %add3A_406 = arith.addi %mul3A_403, %mul3A_405 : i32
      %add3A_407 = arith.constant 68992 : i32
      %add3A_408 = arith.addi %add3A_406, %add3A_407 : i32
      %dma_wait3A_409 = tpu.memref_slice %arg3[%add3A_408] : memref<9633792xi32, #tpu.memory_space<hbm>> -> memref<6272xi32, #tpu.memory_space<hbm>>
      %dma_wait3A_410 = tpu.memref_slice %arg3[%add3A_408] : memref<9633792xi32, #tpu.memory_space<hbm>> -> memref<6272xi32, #tpu.memory_space<hbm>>
      tpu.wait_dma2 semaphore(%arg12 : memref<!tpu.dma_semaphore, #tpu.memory_space<semaphore_mem>>) src(%dma_wait3A_410 : memref<6272xi32, #tpu.memory_space<hbm>>) dst(%arg8 : memref<6272xi32, #tpu.memory_space<vmem>>)
      %dma_wait3A_411 = tpu.memref_slice %arg2[%add3A_408] : memref<9633792xf32, #tpu.memory_space<hbm>> -> memref<6272xf32, #tpu.memory_space<hbm>>
      %dma_wait3A_412 = tpu.memref_slice %arg2[%add3A_408] : memref<9633792xf32, #tpu.memory_space<hbm>> -> memref<6272xf32, #tpu.memory_space<hbm>>
      tpu.wait_dma2 semaphore(%arg12 : memref<!tpu.dma_semaphore, #tpu.memory_space<semaphore_mem>>) src(%dma_wait3A_412 : memref<6272xf32, #tpu.memory_space<hbm>>) dst(%arg9 : memref<6272xf32, #tpu.memory_space<vmem>>)
      %scan3A_413 = arith.constant 0 : i32
      %scan3A_414 = arith.constant 49 : i32
      %scan3A_415 = arith.addi %scan3A_413, %scan3A_414 : i32
      %scan3A_416 = arith.constant 1 : i32
      scf.for %scan3A_433 = %scan3A_413 to %scan3A_415 step %scan3A_416  : i32 {
        %mul3A_434 = arith.constant 128 : i32
        %mul3A_435 = arith.muli %scan3A_433, %mul3A_434 : i32
        %add3A_436 = arith.constant 0 : i32
        %add3A_437 = arith.addi %mul3A_435, %add3A_436 : i32
        %get3A = arith.index_cast %add3A_437 : i32 to index
        %get3A_438 = tpu.vector_load %arg8[%get3A] {strides = array<i32>} : memref<6272xi32, #tpu.memory_space<vmem>>, vector<16xi32>,
        %get3A_439 = arith.index_cast %add3A_437 : i32 to index
        %get3A_440 = tpu.vector_load %arg9[%get3A_439] {strides = array<i32>} : memref<6272xf32, #tpu.memory_space<vmem>>, vector<16xf32>,
        %ge3A = vector.broadcast %mul3A_43 : i32 to vector<16xi32>
        %ge3A_441 = arith.cmpi sge, %get3A_438, %ge3A : vector<16xi32>
        %add3A_442 = arith.constant 1605632 : i32
        %add3A_443 = arith.addi %mul3A_43, %add3A_442 : i32
        %lt3A_444 = vector.broadcast %add3A_443 : i32 to vector<16xi32>
        %lt3A_445 = arith.cmpi slt, %get3A_438, %lt3A_444 : vector<16xi32>
        %and3A_446 = arith.andi %ge3A_441, %lt3A_445 : vector<16xi1>
        %sub3A_447 = vector.broadcast %mul3A_43 : i32 to vector<16xi32>
        %sub3A_448 = arith.subi %get3A_438, %sub3A_447 : vector<16xi32>
        %shift_right_arithmetic3A = arith.constant 2 : i32
        %shift_right_arithmetic3A_449 = vector.broadcast %shift_right_arithmetic3A : i32 to vector<16xi32>
        %shift_right_arithmetic3A_450 = arith.shrsi %get3A_438, %shift_right_arithmetic3A_449 : vector<16xi32>
        %select_n3A_451 = arith.select %and3A_446, %sub3A_448, %shift_right_arithmetic3A_450 : vector<16xi1>, vector<16xi32>
        %swap3A = arith.index_cast %add3A_437 : i32 to index
        %swap3A_452 = tpu.vector_load %arg8[%swap3A] {strides = array<i32>} : memref<6272xi32, #tpu.memory_space<vmem>>, vector<16xi32>,
        tpu.vector_store %arg8[%swap3A], %select_n3A_451 {strides = array<i32>} : memref<6272xi32, #tpu.memory_space<vmem>>, vector<16xi32>,
        %jit3A_453 = arith.constant 0.000000e+00 : f32
        %broadcast_in_dim3A_454 = vector.broadcast %jit3A_453 : f32 to vector<16xf32>
        %select_n3A_455 = arith.select %and3A_446, %get3A_440, %broadcast_in_dim3A_454 : vector<16xi1>, vector<16xf32>
        %swap3A_456 = arith.index_cast %add3A_437 : i32 to index
        %swap3A_457 = tpu.vector_load %arg9[%swap3A_456] {strides = array<i32>} : memref<6272xf32, #tpu.memory_space<vmem>>, vector<16xf32>,
        tpu.vector_store %arg9[%swap3A_456], %select_n3A_455 {strides = array<i32>} : memref<6272xf32, #tpu.memory_space<vmem>>, vector<16xf32>,
        %mul3A_458 = arith.constant 128 : i32
        %mul3A_459 = arith.muli %scan3A_433, %mul3A_458 : i32
        %add3A_460 = arith.constant 16 : i32
        %add3A_461 = arith.addi %mul3A_459, %add3A_460 : i32
        %get3A_462 = arith.index_cast %add3A_461 : i32 to index
        %get3A_463 = tpu.vector_load %arg8[%get3A_462] {strides = array<i32>} : memref<6272xi32, #tpu.memory_space<vmem>>, vector<16xi32>,
        %get3A_464 = arith.index_cast %add3A_461 : i32 to index
        %get3A_465 = tpu.vector_load %arg9[%get3A_464] {strides = array<i32>} : memref<6272xf32, #tpu.memory_space<vmem>>, vector<16xf32>,
        %ge3A_466 = vector.broadcast %mul3A_43 : i32 to vector<16xi32>
        %ge3A_467 = arith.cmpi sge, %get3A_463, %ge3A_466 : vector<16xi32>
        %add3A_468 = arith.constant 1605632 : i32
        %add3A_469 = arith.addi %mul3A_43, %add3A_468 : i32
        %lt3A_470 = vector.broadcast %add3A_469 : i32 to vector<16xi32>
        %lt3A_471 = arith.cmpi slt, %get3A_463, %lt3A_470 : vector<16xi32>
        %and3A_472 = arith.andi %ge3A_467, %lt3A_471 : vector<16xi1>
        %sub3A_473 = vector.broadcast %mul3A_43 : i32 to vector<16xi32>
        %sub3A_474 = arith.subi %get3A_463, %sub3A_473 : vector<16xi32>
        %shift_right_arithmetic3A_475 = arith.constant 2 : i32
        %shift_right_arithmetic3A_476 = vector.broadcast %shift_right_arithmetic3A_475 : i32 to vector<16xi32>
        %shift_right_arithmetic3A_477 = arith.shrsi %get3A_463, %shift_right_arithmetic3A_476 : vector<16xi32>
        %select_n3A_478 = arith.select %and3A_472, %sub3A_474, %shift_right_arithmetic3A_477 : vector<16xi1>, vector<16xi32>
        %swap3A_479 = arith.index_cast %add3A_461 : i32 to index
        %swap3A_480 = tpu.vector_load %arg8[%swap3A_479] {strides = array<i32>} : memref<6272xi32, #tpu.memory_space<vmem>>, vector<16xi32>,
        tpu.vector_store %arg8[%swap3A_479], %select_n3A_478 {strides = array<i32>} : memref<6272xi32, #tpu.memory_space<vmem>>, vector<16xi32>,
        %jit3A_481 = arith.constant 0.000000e+00 : f32
        %broadcast_in_dim3A_482 = vector.broadcast %jit3A_481 : f32 to vector<16xf32>
        %select_n3A_483 = arith.select %and3A_472, %get3A_465, %broadcast_in_dim3A_482 : vector<16xi1>, vector<16xf32>
        %swap3A_484 = arith.index_cast %add3A_461 : i32 to index
        %swap3A_485 = tpu.vector_load %arg9[%swap3A_484] {strides = array<i32>} : memref<6272xf32, #tpu.memory_space<vmem>>, vector<16xf32>,
        tpu.vector_store %arg9[%swap3A_484], %select_n3A_483 {strides = array<i32>} : memref<6272xf32, #tpu.memory_space<vmem>>, vector<16xf32>,
        %mul3A_486 = arith.constant 128 : i32
        %mul3A_487 = arith.muli %scan3A_433, %mul3A_486 : i32
        %add3A_488 = arith.constant 32 : i32
        %add3A_489 = arith.addi %mul3A_487, %add3A_488 : i32
        %get3A_490 = arith.index_cast %add3A_489 : i32 to index
        %get3A_491 = tpu.vector_load %arg8[%get3A_490] {strides = array<i32>} : memref<6272xi32, #tpu.memory_space<vmem>>, vector<16xi32>,
        %get3A_492 = arith.index_cast %add3A_489 : i32 to index
        %get3A_493 = tpu.vector_load %arg9[%get3A_492] {strides = array<i32>} : memref<6272xf32, #tpu.memory_space<vmem>>, vector<16xf32>,
        %ge3A_494 = vector.broadcast %mul3A_43 : i32 to vector<16xi32>
        %ge3A_495 = arith.cmpi sge, %get3A_491, %ge3A_494 : vector<16xi32>
        %add3A_496 = arith.constant 1605632 : i32
        %add3A_497 = arith.addi %mul3A_43, %add3A_496 : i32
        %lt3A_498 = vector.broadcast %add3A_497 : i32 to vector<16xi32>
        %lt3A_499 = arith.cmpi slt, %get3A_491, %lt3A_498 : vector<16xi32>
        %and3A_500 = arith.andi %ge3A_495, %lt3A_499 : vector<16xi1>
        %sub3A_501 = vector.broadcast %mul3A_43 : i32 to vector<16xi32>
        %sub3A_502 = arith.subi %get3A_491, %sub3A_501 : vector<16xi32>
        %shift_right_arithmetic3A_503 = arith.constant 2 : i32
        %shift_right_arithmetic3A_504 = vector.broadcast %shift_right_arithmetic3A_503 : i32 to vector<16xi32>
        %shift_right_arithmetic3A_505 = arith.shrsi %get3A_491, %shift_right_arithmetic3A_504 : vector<16xi32>
        %select_n3A_506 = arith.select %and3A_500, %sub3A_502, %shift_right_arithmetic3A_505 : vector<16xi1>, vector<16xi32>
        %swap3A_507 = arith.index_cast %add3A_489 : i32 to index
        %swap3A_508 = tpu.vector_load %arg8[%swap3A_507] {strides = array<i32>} : memref<6272xi32, #tpu.memory_space<vmem>>, vector<16xi32>,
        tpu.vector_store %arg8[%swap3A_507], %select_n3A_506 {strides = array<i32>} : memref<6272xi32, #tpu.memory_space<vmem>>, vector<16xi32>,
        %jit3A_509 = arith.constant 0.000000e+00 : f32
        %broadcast_in_dim3A_510 = vector.broadcast %jit3A_509 : f32 to vector<16xf32>
        %select_n3A_511 = arith.select %and3A_500, %get3A_493, %broadcast_in_dim3A_510 : vector<16xi1>, vector<16xf32>
        %swap3A_512 = arith.index_cast %add3A_489 : i32 to index
        %swap3A_513 = tpu.vector_load %arg9[%swap3A_512] {strides = array<i32>} : memref<6272xf32, #tpu.memory_space<vmem>>, vector<16xf32>,
        tpu.vector_store %arg9[%swap3A_512], %select_n3A_511 {strides = array<i32>} : memref<6272xf32, #tpu.memory_space<vmem>>, vector<16xf32>,
        %mul3A_514 = arith.constant 128 : i32
        %mul3A_515 = arith.muli %scan3A_433, %mul3A_514 : i32
        %add3A_516 = arith.constant 48 : i32
        %add3A_517 = arith.addi %mul3A_515, %add3A_516 : i32
        %get3A_518 = arith.index_cast %add3A_517 : i32 to index
        %get3A_519 = tpu.vector_load %arg8[%get3A_518] {strides = array<i32>} : memref<6272xi32, #tpu.memory_space<vmem>>, vector<16xi32>,
        %get3A_520 = arith.index_cast %add3A_517 : i32 to index
        %get3A_521 = tpu.vector_load %arg9[%get3A_520] {strides = array<i32>} : memref<6272xf32, #tpu.memory_space<vmem>>, vector<16xf32>,
        %ge3A_522 = vector.broadcast %mul3A_43 : i32 to vector<16xi32>
        %ge3A_523 = arith.cmpi sge, %get3A_519, %ge3A_522 : vector<16xi32>
        %add3A_524 = arith.constant 1605632 : i32
        %add3A_525 = arith.addi %mul3A_43, %add3A_524 : i32
        %lt3A_526 = vector.broadcast %add3A_525 : i32 to vector<16xi32>
        %lt3A_527 = arith.cmpi slt, %get3A_519, %lt3A_526 : vector<16xi32>
        %and3A_528 = arith.andi %ge3A_523, %lt3A_527 : vector<16xi1>
        %sub3A_529 = vector.broadcast %mul3A_43 : i32 to vector<16xi32>
        %sub3A_530 = arith.subi %get3A_519, %sub3A_529 : vector<16xi32>
        %shift_right_arithmetic3A_531 = arith.constant 2 : i32
        %shift_right_arithmetic3A_532 = vector.broadcast %shift_right_arithmetic3A_531 : i32 to vector<16xi32>
        %shift_right_arithmetic3A_533 = arith.shrsi %get3A_519, %shift_right_arithmetic3A_532 : vector<16xi32>
        %select_n3A_534 = arith.select %and3A_528, %sub3A_530, %shift_right_arithmetic3A_533 : vector<16xi1>, vector<16xi32>
        %swap3A_535 = arith.index_cast %add3A_517 : i32 to index
        %swap3A_536 = tpu.vector_load %arg8[%swap3A_535] {strides = array<i32>} : memref<6272xi32, #tpu.memory_space<vmem>>, vector<16xi32>,
        tpu.vector_store %arg8[%swap3A_535], %select_n3A_534 {strides = array<i32>} : memref<6272xi32, #tpu.memory_space<vmem>>, vector<16xi32>,
        %jit3A_537 = arith.constant 0.000000e+00 : f32
        %broadcast_in_dim3A_538 = vector.broadcast %jit3A_537 : f32 to vector<16xf32>
        %select_n3A_539 = arith.select %and3A_528, %get3A_521, %broadcast_in_dim3A_538 : vector<16xi1>, vector<16xf32>
        %swap3A_540 = arith.index_cast %add3A_517 : i32 to index
        %swap3A_541 = tpu.vector_load %arg9[%swap3A_540] {strides = array<i32>} : memref<6272xf32, #tpu.memory_space<vmem>>, vector<16xf32>,
        tpu.vector_store %arg9[%swap3A_540], %select_n3A_539 {strides = array<i32>} : memref<6272xf32, #tpu.memory_space<vmem>>, vector<16xf32>,
        %mul3A_542 = arith.constant 128 : i32
        %mul3A_543 = arith.muli %scan3A_433, %mul3A_542 : i32
        %add3A_544 = arith.constant 64 : i32
        %add3A_545 = arith.addi %mul3A_543, %add3A_544 : i32
        %get3A_546 = arith.index_cast %add3A_545 : i32 to index
        %get3A_547 = tpu.vector_load %arg8[%get3A_546] {strides = array<i32>} : memref<6272xi32, #tpu.memory_space<vmem>>, vector<16xi32>,
        %get3A_548 = arith.index_cast %add3A_545 : i32 to index
        %get3A_549 = tpu.vector_load %arg9[%get3A_548] {strides = array<i32>} : memref<6272xf32, #tpu.memory_space<vmem>>, vector<16xf32>,
        %ge3A_550 = vector.broadcast %mul3A_43 : i32 to vector<16xi32>
        %ge3A_551 = arith.cmpi sge, %get3A_547, %ge3A_550 : vector<16xi32>
        %add3A_552 = arith.constant 1605632 : i32
        %add3A_553 = arith.addi %mul3A_43, %add3A_552 : i32
        %lt3A_554 = vector.broadcast %add3A_553 : i32 to vector<16xi32>
        %lt3A_555 = arith.cmpi slt, %get3A_547, %lt3A_554 : vector<16xi32>
        %and3A_556 = arith.andi %ge3A_551, %lt3A_555 : vector<16xi1>
        %sub3A_557 = vector.broadcast %mul3A_43 : i32 to vector<16xi32>
        %sub3A_558 = arith.subi %get3A_547, %sub3A_557 : vector<16xi32>
        %shift_right_arithmetic3A_559 = arith.constant 2 : i32
        %shift_right_arithmetic3A_560 = vector.broadcast %shift_right_arithmetic3A_559 : i32 to vector<16xi32>
        %shift_right_arithmetic3A_561 = arith.shrsi %get3A_547, %shift_right_arithmetic3A_560 : vector<16xi32>
        %select_n3A_562 = arith.select %and3A_556, %sub3A_558, %shift_right_arithmetic3A_561 : vector<16xi1>, vector<16xi32>
        %swap3A_563 = arith.index_cast %add3A_545 : i32 to index
        %swap3A_564 = tpu.vector_load %arg8[%swap3A_563] {strides = array<i32>} : memref<6272xi32, #tpu.memory_space<vmem>>, vector<16xi32>,
        tpu.vector_store %arg8[%swap3A_563], %select_n3A_562 {strides = array<i32>} : memref<6272xi32, #tpu.memory_space<vmem>>, vector<16xi32>,
        %jit3A_565 = arith.constant 0.000000e+00 : f32
        %broadcast_in_dim3A_566 = vector.broadcast %jit3A_565 : f32 to vector<16xf32>
        %select_n3A_567 = arith.select %and3A_556, %get3A_549, %broadcast_in_dim3A_566 : vector<16xi1>, vector<16xf32>
        %swap3A_568 = arith.index_cast %add3A_545 : i32 to index
        %swap3A_569 = tpu.vector_load %arg9[%swap3A_568] {strides = array<i32>} : memref<6272xf32, #tpu.memory_space<vmem>>, vector<16xf32>,
        tpu.vector_store %arg9[%swap3A_568], %select_n3A_567 {strides = array<i32>} : memref<6272xf32, #tpu.memory_space<vmem>>, vector<16xf32>,
        %mul3A_570 = arith.constant 128 : i32
        %mul3A_571 = arith.muli %scan3A_433, %mul3A_570 : i32
        %add3A_572 = arith.constant 80 : i32
        %add3A_573 = arith.addi %mul3A_571, %add3A_572 : i32
        %get3A_574 = arith.index_cast %add3A_573 : i32 to index
        %get3A_575 = tpu.vector_load %arg8[%get3A_574] {strides = array<i32>} : memref<6272xi32, #tpu.memory_space<vmem>>, vector<16xi32>,
        %get3A_576 = arith.index_cast %add3A_573 : i32 to index
        %get3A_577 = tpu.vector_load %arg9[%get3A_576] {strides = array<i32>} : memref<6272xf32, #tpu.memory_space<vmem>>, vector<16xf32>,
        %ge3A_578 = vector.broadcast %mul3A_43 : i32 to vector<16xi32>
        %ge3A_579 = arith.cmpi sge, %get3A_575, %ge3A_578 : vector<16xi32>
        %add3A_580 = arith.constant 1605632 : i32
        %add3A_581 = arith.addi %mul3A_43, %add3A_580 : i32
        %lt3A_582 = vector.broadcast %add3A_581 : i32 to vector<16xi32>
        %lt3A_583 = arith.cmpi slt, %get3A_575, %lt3A_582 : vector<16xi32>
        %and3A_584 = arith.andi %ge3A_579, %lt3A_583 : vector<16xi1>
        %sub3A_585 = vector.broadcast %mul3A_43 : i32 to vector<16xi32>
        %sub3A_586 = arith.subi %get3A_575, %sub3A_585 : vector<16xi32>
        %shift_right_arithmetic3A_587 = arith.constant 2 : i32
        %shift_right_arithmetic3A_588 = vector.broadcast %shift_right_arithmetic3A_587 : i32 to vector<16xi32>
        %shift_right_arithmetic3A_589 = arith.shrsi %get3A_575, %shift_right_arithmetic3A_588 : vector<16xi32>
        %select_n3A_590 = arith.select %and3A_584, %sub3A_586, %shift_right_arithmetic3A_589 : vector<16xi1>, vector<16xi32>
        %swap3A_591 = arith.index_cast %add3A_573 : i32 to index
        %swap3A_592 = tpu.vector_load %arg8[%swap3A_591] {strides = array<i32>} : memref<6272xi32, #tpu.memory_space<vmem>>, vector<16xi32>,
        tpu.vector_store %arg8[%swap3A_591], %select_n3A_590 {strides = array<i32>} : memref<6272xi32, #tpu.memory_space<vmem>>, vector<16xi32>,
        %jit3A_593 = arith.constant 0.000000e+00 : f32
        %broadcast_in_dim3A_594 = vector.broadcast %jit3A_593 : f32 to vector<16xf32>
        %select_n3A_595 = arith.select %and3A_584, %get3A_577, %broadcast_in_dim3A_594 : vector<16xi1>, vector<16xf32>
        %swap3A_596 = arith.index_cast %add3A_573 : i32 to index
        %swap3A_597 = tpu.vector_load %arg9[%swap3A_596] {strides = array<i32>} : memref<6272xf32, #tpu.memory_space<vmem>>, vector<16xf32>,
        tpu.vector_store %arg9[%swap3A_596], %select_n3A_595 {strides = array<i32>} : memref<6272xf32, #tpu.memory_space<vmem>>, vector<16xf32>,
        %mul3A_598 = arith.constant 128 : i32
        %mul3A_599 = arith.muli %scan3A_433, %mul3A_598 : i32
        %add3A_600 = arith.constant 96 : i32
        %add3A_601 = arith.addi %mul3A_599, %add3A_600 : i32
        %get3A_602 = arith.index_cast %add3A_601 : i32 to index
        %get3A_603 = tpu.vector_load %arg8[%get3A_602] {strides = array<i32>} : memref<6272xi32, #tpu.memory_space<vmem>>, vector<16xi32>,
        %get3A_604 = arith.index_cast %add3A_601 : i32 to index
        %get3A_605 = tpu.vector_load %arg9[%get3A_604] {strides = array<i32>} : memref<6272xf32, #tpu.memory_space<vmem>>, vector<16xf32>,
        %ge3A_606 = vector.broadcast %mul3A_43 : i32 to vector<16xi32>
        %ge3A_607 = arith.cmpi sge, %get3A_603, %ge3A_606 : vector<16xi32>
        %add3A_608 = arith.constant 1605632 : i32
        %add3A_609 = arith.addi %mul3A_43, %add3A_608 : i32
        %lt3A_610 = vector.broadcast %add3A_609 : i32 to vector<16xi32>
        %lt3A_611 = arith.cmpi slt, %get3A_603, %lt3A_610 : vector<16xi32>
        %and3A_612 = arith.andi %ge3A_607, %lt3A_611 : vector<16xi1>
        %sub3A_613 = vector.broadcast %mul3A_43 : i32 to vector<16xi32>
        %sub3A_614 = arith.subi %get3A_603, %sub3A_613 : vector<16xi32>
        %shift_right_arithmetic3A_615 = arith.constant 2 : i32
        %shift_right_arithmetic3A_616 = vector.broadcast %shift_right_arithmetic3A_615 : i32 to vector<16xi32>
        %shift_right_arithmetic3A_617 = arith.shrsi %get3A_603, %shift_right_arithmetic3A_616 : vector<16xi32>
        %select_n3A_618 = arith.select %and3A_612, %sub3A_614, %shift_right_arithmetic3A_617 : vector<16xi1>, vector<16xi32>
        %swap3A_619 = arith.index_cast %add3A_601 : i32 to index
        %swap3A_620 = tpu.vector_load %arg8[%swap3A_619] {strides = array<i32>} : memref<6272xi32, #tpu.memory_space<vmem>>, vector<16xi32>,
        tpu.vector_store %arg8[%swap3A_619], %select_n3A_618 {strides = array<i32>} : memref<6272xi32, #tpu.memory_space<vmem>>, vector<16xi32>,
        %jit3A_621 = arith.constant 0.000000e+00 : f32
        %broadcast_in_dim3A_622 = vector.broadcast %jit3A_621 : f32 to vector<16xf32>
        %select_n3A_623 = arith.select %and3A_612, %get3A_605, %broadcast_in_dim3A_622 : vector<16xi1>, vector<16xf32>
        %swap3A_624 = arith.index_cast %add3A_601 : i32 to index
        %swap3A_625 = tpu.vector_load %arg9[%swap3A_624] {strides = array<i32>} : memref<6272xf32, #tpu.memory_space<vmem>>, vector<16xf32>,
        tpu.vector_store %arg9[%swap3A_624], %select_n3A_623 {strides = array<i32>} : memref<6272xf32, #tpu.memory_space<vmem>>, vector<16xf32>,
        %mul3A_626 = arith.constant 128 : i32
        %mul3A_627 = arith.muli %scan3A_433, %mul3A_626 : i32
        %add3A_628 = arith.constant 112 : i32
        %add3A_629 = arith.addi %mul3A_627, %add3A_628 : i32
        %get3A_630 = arith.index_cast %add3A_629 : i32 to index
        %get3A_631 = tpu.vector_load %arg8[%get3A_630] {strides = array<i32>} : memref<6272xi32, #tpu.memory_space<vmem>>, vector<16xi32>,
        %get3A_632 = arith.index_cast %add3A_629 : i32 to index
        %get3A_633 = tpu.vector_load %arg9[%get3A_632] {strides = array<i32>} : memref<6272xf32, #tpu.memory_space<vmem>>, vector<16xf32>,
        %ge3A_634 = vector.broadcast %mul3A_43 : i32 to vector<16xi32>
        %ge3A_635 = arith.cmpi sge, %get3A_631, %ge3A_634 : vector<16xi32>
        %add3A_636 = arith.constant 1605632 : i32
        %add3A_637 = arith.addi %mul3A_43, %add3A_636 : i32
        %lt3A_638 = vector.broadcast %add3A_637 : i32 to vector<16xi32>
        %lt3A_639 = arith.cmpi slt, %get3A_631, %lt3A_638 : vector<16xi32>
        %and3A_640 = arith.andi %ge3A_635, %lt3A_639 : vector<16xi1>
        %sub3A_641 = vector.broadcast %mul3A_43 : i32 to vector<16xi32>
        %sub3A_642 = arith.subi %get3A_631, %sub3A_641 : vector<16xi32>
        %shift_right_arithmetic3A_643 = arith.constant 2 : i32
        %shift_right_arithmetic3A_644 = vector.broadcast %shift_right_arithmetic3A_643 : i32 to vector<16xi32>
        %shift_right_arithmetic3A_645 = arith.shrsi %get3A_631, %shift_right_arithmetic3A_644 : vector<16xi32>
        %select_n3A_646 = arith.select %and3A_640, %sub3A_642, %shift_right_arithmetic3A_645 : vector<16xi1>, vector<16xi32>
        %swap3A_647 = arith.index_cast %add3A_629 : i32 to index
        %swap3A_648 = tpu.vector_load %arg8[%swap3A_647] {strides = array<i32>} : memref<6272xi32, #tpu.memory_space<vmem>>, vector<16xi32>,
        tpu.vector_store %arg8[%swap3A_647], %select_n3A_646 {strides = array<i32>} : memref<6272xi32, #tpu.memory_space<vmem>>, vector<16xi32>,
        %jit3A_649 = arith.constant 0.000000e+00 : f32
        %broadcast_in_dim3A_650 = vector.broadcast %jit3A_649 : f32 to vector<16xf32>
        %select_n3A_651 = arith.select %and3A_640, %get3A_633, %broadcast_in_dim3A_650 : vector<16xi1>, vector<16xf32>
        %swap3A_652 = arith.index_cast %add3A_629 : i32 to index
        %swap3A_653 = tpu.vector_load %arg9[%swap3A_652] {strides = array<i32>} : memref<6272xf32, #tpu.memory_space<vmem>>, vector<16xf32>,
        tpu.vector_store %arg9[%swap3A_652], %select_n3A_651 {strides = array<i32>} : memref<6272xf32, #tpu.memory_space<vmem>>, vector<16xf32>,
      }
      %scan3A_417 = arith.constant 49 : i32
      %dma_start3A_418 = arith.constant 0 : i32
      %dma_start3A_419 = tpu.memref_slice %arg5[%dma_start3A_418] : memref<1605632xf32, #tpu.memory_space<vmem_shared>> -> memref<1605632xf32, #tpu.memory_space<vmem_shared>>
      tpu.enqueue_indirect_dma source(%arg9 : memref<6272xf32, #tpu.memory_space<vmem>>) target(%dma_start3A_419 : memref<1605632xf32, #tpu.memory_space<vmem_shared>>) offsets(%arg8 : memref<6272xi32, #tpu.memory_space<vmem>>) semaphore(%arg14 : memref<!tpu.dma_semaphore, #tpu.memory_space<semaphore_mem>>) {add = true}
      %dma_wait3A_420 = arith.constant 0 : i32
      %dma_wait3A_421 = tpu.memref_slice %arg5[%dma_wait3A_420] : memref<1605632xf32, #tpu.memory_space<vmem_shared>> -> memref<1605632xf32, #tpu.memory_space<vmem_shared>>
      tpu.wait_indirect_dma semaphore(%arg13 : memref<!tpu.dma_semaphore, #tpu.memory_space<semaphore_mem>>) src(%arg7 : memref<6272xf32, #tpu.memory_space<vmem>>) dst(%dma_wait3A_421 : memref<1605632xf32, #tpu.memory_space<vmem_shared>>)
      %dma_wait3A_422 = arith.constant 0 : i32
      %dma_wait3A_423 = tpu.memref_slice %arg5[%dma_wait3A_422] : memref<1605632xf32, #tpu.memory_space<vmem_shared>> -> memref<1605632xf32, #tpu.memory_space<vmem_shared>>
      tpu.wait_indirect_dma semaphore(%arg14 : memref<!tpu.dma_semaphore, #tpu.memory_space<semaphore_mem>>) src(%arg9 : memref<6272xf32, #tpu.memory_space<vmem>>) dst(%dma_wait3A_423 : memref<1605632xf32, #tpu.memory_space<vmem_shared>>)
      %barrier3A_424 = arith.constant 0 : index
      tpu.barrier barrier_id(%barrier3A_424)
      %mul3A_425 = arith.constant 100352 : i32
      %mul3A_426 = arith.muli %arg1, %mul3A_425 : i32
      %mul3A_427 = arith.constant 4816896 : i32
      %mul3A_428 = arith.muli %select_n3A, %mul3A_427 : i32
      %add3A_429 = arith.addi %mul3A_428, %mul3A_43 : i32
      %mul3A_430 = arith.constant 100352 : i32
      %mul3A_431 = arith.muli %arg1, %mul3A_430 : i32
      %add3A_432 = arith.addi %add3A_429, %mul3A_431 : i32
      "tpu.region"() ({
        %run_scoped3A = tpu.sem_alloc : memref<!tpu.dma_semaphore, #tpu.memory_space<semaphore_mem>>
        %dma_start3A_433 = tpu.memref_slice %arg4[%add3A_432] : memref<38535168xf32, #tpu.memory_space<hbm>> -> memref<100352xf32, #tpu.memory_space<hbm>>
        %dma_start3A_434 = tpu.memref_slice %arg5[%mul3A_426] : memref<1605632xf32, #tpu.memory_space<vmem_shared>> -> memref<100352xf32, #tpu.memory_space<vmem_shared>>
        tpu.enqueue_dma source(%dma_start3A_434 : memref<100352xf32, #tpu.memory_space<vmem_shared>>) target(%dma_start3A_433 : memref<100352xf32, #tpu.memory_space<hbm>>) target_semaphore(%run_scoped3A : memref<!tpu.dma_semaphore, #tpu.memory_space<semaphore_mem>>)
        %dma_wait3A_435 = tpu.memref_slice %arg4[%add3A_432] : memref<38535168xf32, #tpu.memory_space<hbm>> -> memref<100352xf32, #tpu.memory_space<hbm>>
        %dma_wait3A_436 = tpu.memref_slice %arg5[%mul3A_426] : memref<1605632xf32, #tpu.memory_space<vmem_shared>> -> memref<100352xf32, #tpu.memory_space<vmem_shared>>
        tpu.wait_dma2 semaphore(%run_scoped3A : memref<!tpu.dma_semaphore, #tpu.memory_space<semaphore_mem>>) src(%dma_wait3A_436 : memref<100352xf32, #tpu.memory_space<vmem_shared>>) dst(%dma_wait3A_435 : memref<100352xf32, #tpu.memory_space<hbm>>)
        tpu.yield
      }) : () -> ()
    }
    %scan3A_9 = arith.constant 12 : i32
    return
  }
}

</mosaic_0001>

<sc_bundles>
// kernel: _unpool.3.cloned.1.call-start
scs
__scs_entry_jumppad:
0x0: {  	(pc) =	sbr.rel $0x88, $3  }
0x1: {  	(tag) =	ssettag $0x0;
	lr =	simm.s32 $0x1  }
0x2: {  	[smem:$0x3F9F] =	sst lr;
	_ =	strace $0xD0000000  }
0x3: {  	_ = 	snop  }
0x4: {  	_ = 	snop  }
0x5: {  	_ = 	snop  }
0x6: {  	_ = 	snop  }
0x7: {  	_ = 	snop  }
__scs_overlays_trampoline_lowered:
0x8: {  	[smem:$0x3FAE] =	sst s0  }
0x9: {  	[smem:$0x3FAF] =	sst s1  }
0xa: {  	[smem:$0x3FB0] =	sst s2  }
0xb: {  	[smem:$0x3FB1] =	sst s3  }
0xc: {  	[smem:$0x3FB2] =	sst s4  }
0xd: {  	[smem:$0x3FB3] =	sst s5  }
0xe: {  	[smem:$0x3FB4] =	sst s6  }
0xf: {  	[smem:$0x3FB5] =	sst s7  }
0x10: {  	[smem:$0x3FB6] =	sst s8  }
0x11: {  	[smem:$0x3FB7] =	sst s9;
	s0 =	simm.s32 @!p0 $0x0  }
0x12: {  	s1 =	sld [smem:$0x3F9D];
	s0 =	simm.s32 @p0 $0x1  }
0x13: {  	[smem:$0x3FB8] =	sst s0;
	s0 =	simm.s32 @!p1 $0x0  }
0x14: {  	s2 =	sld [smem:$0x3F9C];
	s0 =	simm.s32 @p1 $0x1  }
0x15: {  	[smem:$0x3FB9] =	sst s0;
	s0 =	simm.s32 @!p2 $0x0  }
0x16: {  	s3 =	sld [smem:$0x3FDB];
	s0 =	simm.s32 @p2 $0x1  }
0x17: {  	s4 =	simm.s32 $0x1BF5;
	[smem:$0x3FBB] =	sst s0  }
0x18: {  	s0 =	sld [smem:$0x3F9E];
	_ =	swait.ge [sflag:s4], $0x0  }
0x19: {  	s7 =	sld [smem:$0x3F9F]  }
0x1a: {  	s8 =	sadd.s32 $0xFFFFE003, lr  }
0x1b: {  	s9 =	sadd.s32 $0xFFFFFEF7, lr;
	s5 =	simm.s32 $0xFFFFFFFF;
	p2 =	slt.u32 s8, $0xFFFFF086  }
0x1c: {  	p1 =	slt.u32 s9, $0xF7A;
	s5 =	simm.s32 @!p2 $0x0  }
0x1d: {  	s5 =	simm.s32 @p1 $0x1;
	p0 =	seq.s32 s7, s2  }
0x1e: {  	s7 =	smul.u32 @!p0 $0xF7A, s2;
	p2 =	seq.s32 @!p0 s5, $0x0  }
0x1f: {  	s9 =	smul.u32 $0xF7A, s1;
	s8 =	simm.s32 @!p0 $0x1BF5;
	p2 =	por !p2, p0  }
0x20: {  	[sflag:s8] =	ssyncset.s32 @!p0 $0xFFFFF086;
	s6 =	sadd.s32 @!p0 s3, s7;
	s7 =	simm.s32 @!p0 $0x108  }
0x21: {  	s3 =	sadd.s32 s3, s9;
	s6 =	sadd.s32 @!p0 $0x88, s6;
	s7 =	simm.s32 @p2 $0x1082  }
0x22: {  	[simem:s7], [sflag:s8] =	dma.local @!p0 [hbm:s6], $0xF7A  }
0x23: {  	s9 =	sor.u32 $0xD0000000, s2;
	s6 =	simm.s32 $0x108;
	_ =	swait.ge @!p0 [sflag:s8], $0x0  }
0x24: {  	s3 =	sadd.s32 $0x88, s3;
	s6 =	simm.s32 @!p1 $0x1082;
	[sflag:s4] =	ssyncset.s32 $0xFFFFF086  }
0x25: {  	[simem:s6], [sflag:s4] =	dma.local [hbm:s3], $0xF7A  }
0x26: {  	[smem:$0x3F9F] =	sst s1;
	(tag) =	ssettag s2;
	_ =	strace s9  }
0x27: {  	s1 =	sld [smem:$0x3FAF]  }
0x28: {  	s2 =	sld [smem:$0x3FB0]  }
0x29: {  	s4 =	sld [smem:$0x3FB2]  }
0x2a: {  	p0 =	seq.s32 s5, $0x0;
	s5 =	sld [smem:$0x3FB3]  }
0x2b: {  	s6 =	sld [smem:$0x3FB4]  }
0x2c: {  	s7 =	sld [smem:$0x3FB5]  }
0x2d: {  	s3 =	simm.s32 $0x108;
	s8 =	sld [smem:$0x3FB6]  }
0x2e: {  	s3 =	simm.s32 @!p0 $0x1082;
	s9 =	sld [smem:$0x3FB7]  }
0x2f: {  	lr =	sadd.s32 s0, s3;
	s0 =	sld [smem:$0x3FAE]  }
0x30: {  	s3 =	sld [smem:$0x3FB1]  }
0x31: {  	[smem:$0x3FBA] =	sst s10  }
0x32: {  	s10 =	sld [smem:$0x3FB8];
	_ =	sdelay $0x3  }
0x33: {  	p0 =	seq.s32 s10, $0x1;
	s10 =	sld [smem:$0x3FBA];
	_ =	sdelay $0x3  }
0x34: {  	[smem:$0x3FBA] =	sst s10  }
0x35: {  	s10 =	sld [smem:$0x3FB9];
	_ =	sdelay $0x3  }
0x36: {  	p1 =	seq.s32 s10, $0x1;
	s10 =	sld [smem:$0x3FBA];
	_ =	sdelay $0x3  }
0x37: {  	[smem:$0x3FBA] =	sst s10  }
0x38: {  	s10 =	sld [smem:$0x3FBB]  }
0x39: {  	_ = 	snop;
	(pc) =	sbr.ind lr, $3  }
0x3a: {  	_ = 	snop  }
0x3b: {  	_ = 	snop  }
0x3c: {  	p2 =	seq.s32 s10, $0x1;
	s10 =	sld [smem:$0x3FBA]  }
0x3d: {  	_ =	shalt  }
0x3e: {  	_ =	shalt  }
0x3f: {  	_ =	shalt  }
0x40: {  	_ =	shalt  }
0x41: {  	_ =	shalt  }
0x42: {  	_ =	shalt  }
0x43: {  	_ =	shalt  }
0x44: {  	_ =	shalt  }
0x45: {  	_ =	shalt  }
0x46: {  	_ =	shalt  }
0x47: {  	_ =	shalt  }
0x48: {  	_ =	shalt  }
0x49: {  	_ =	shalt  }
0x4a: {  	_ =	shalt  }
0x4b: {  	_ =	shalt  }
0x4c: {  	_ =	shalt  }
0x4d: {  	_ =	shalt  }
0x4e: {  	_ =	shalt  }
0x4f: {  	_ =	shalt  }
0x50: {  	_ =	shalt  }
0x51: {  	_ =	shalt  }
0x52: {  	_ =	shalt  }
0x53: {  	_ =	shalt  }
0x54: {  	_ =	shalt  }
0x55: {  	_ =	shalt  }
0x56: {  	_ =	shalt  }
0x57: {  	_ =	shalt  }
0x58: {  	_ =	shalt  }
0x59: {  	_ =	shalt  }
0x5a: {  	_ =	shalt  }
0x5b: {  	_ =	shalt  }
0x5c: {  	_ =	shalt  }
0x5d: {  	_ =	shalt  }
0x5e: {  	_ =	shalt  }
0x5f: {  	_ =	shalt  }
0x60: {  	_ =	shalt  }
0x61: {  	_ =	shalt  }
0x62: {  	_ =	shalt  }
0x63: {  	_ =	shalt  }
0x64: {  	_ =	shalt  }
0x65: {  	_ =	shalt  }
0x66: {  	_ =	shalt  }
0x67: {  	_ =	shalt  }
0x68: {  	_ =	shalt  }
0x69: {  	_ =	shalt  }
0x6a: {  	_ =	shalt  }
0x6b: {  	_ =	shalt  }
0x6c: {  	_ =	shalt  }
0x6d: {  	_ =	shalt  }
0x6e: {  	_ =	shalt  }
0x6f: {  	_ =	shalt  }
0x70: {  	_ =	shalt  }
0x71: {  	_ =	shalt  }
0x72: {  	_ =	shalt  }
0x73: {  	_ =	shalt  }
0x74: {  	_ =	shalt  }
0x75: {  	_ =	shalt  }
0x76: {  	_ =	shalt  }
0x77: {  	_ =	shalt  }
0x78: {  	_ =	shalt  }
0x79: {  	_ =	shalt  }
0x7a: {  	_ =	shalt  }
0x7b: {  	_ =	shalt  }
0x7c: {  	_ =	shalt  }
0x7d: {  	_ =	shalt  }
0x7e: {  	_ =	shalt  }
0x7f: {  	_ =	shalt  }
0x80: {  	_ =	shalt  }
0x81: {  	_ =	shalt  }
0x82: {  	_ =	shalt  }
0x83: {  	_ =	shalt  }
0x84: {  	_ =	shalt  }
0x85: {  	_ =	shalt  }
0x86: {  	_ =	shalt  }
0x87: {  	_ =	shalt  }
.Lfunc_end0:
.L_simem_size_0:
called_computation_lowered:
.L_overlay_start_0:
0x88: {  	s2 =	sld [smem:$0x3FD9]  }
0x89: {  	s3 =	sld [smem:$0x3FFE];
	_ =	sdelay $0x1  }
0x8a: {  	s1 =	srdreg.scid  }
0x8b: {  	s0 =	sand.u32 $0x1, s1  }
0x8c: {  	s18 =	sshll.u32 s0, $0xA;
	s2 =	sadd.s32 s3, s2  }
0x8d: {  	s2 =	sadd.s32 s2, s18  }
0x8e: {  	[smem:$0x3FC6] =	sst s2  }
0x8f: {  	_ = 	snop  }
0x90: {  	s2 =	sld [smem:$0x3FC9]  }
0x91: {  	s19 =	sld [smem:$0x3FC8]  }
0x92: {  	s4 =	sld [smem:$0x3FD0];
	(tm) =	ssettm $0x1  }
0x93: {  	s5 =	sld [smem:$0x3FFB];
	_ =	sdelay $0x3  }
0x94: {  	_ =	strace s5  }
0x95: {  	s5 =	sld [smem:$0x3FFC];
	_ =	sdelay $0x3  }
0x96: {  	_ =	strace s5  }
0x97: {  	s5 =	sld [smem:$0x3FFD];
	_ =	sdelay $0x3  }
0x98: {  	_ =	strace s5  }
0x99: {  	_ =	strace $0x8FFFFFFF  }
0x9a: {  	s20 =	sld [smem:$0x3FDB];
	_ =	sdelay $0x1  }
0x9b: {  	s6 =	simm.s32 $_scs_section_size  }
0x9c: {  	s7 =	simm.s32 $_size__tile_overlayer_lowered;
	s8 =	simm.s32 $_tile_overlayer_lowered  }
0x9d: {  	s23 =	simm.s32 $0x1BFF;
	s22 =	sshll.u32 s8, $0x1;
	s5 =	sadd.s32 s6, s20  }
0x9e: {  	s9 =	simm.s32 $0x0;
	s21 =	sshll.u32 s7, $0x1;
	s7 =	sadd.s32 s22, s5  }
0x9f: {  	[timem:s9], [sflag:s23] =	dma.local [hbm:s7], s21  }
0xa0: {  	_ =	swait.ge [sflag:s23], s21  }
0xa1: {  	s6 =	ssub.s32 $0x0, s21;
	[sflag:s23] =	ssyncset.done $0x0  }
0xa2: {  	[sflag:s23] =	ssyncadd.s32 s6;
	_ =	sdelay $0x1  }
0xa3: {  	s24 =	simm.s32 $0x1B8B  }
0xa4: {  	_ =	swait.ge [sflag:s24], $0x1  }
0xa5: {  	[sflag:s24] =	ssyncset.done $0x0  }
0xa6: {  	s25 =	simm.s32 $0x1B8E;
	[sflag:s24] =	ssyncadd.s32 $0xFFFFFFFF  }
0xa7: {  	s26 =	simm.s32 $execute0_lowered;
	[smem:$0x3FD2] =	sst s25  }
0xa8: {  	s6 =	sshll.u32 s26, $0x1;
	_ =	strace $0x80000046;
	[dreg:$0x1] =	wrdreg $0xFFFFFFFF  }
0xa9: {  	s28 =	simm.s32 $_size_execute0_lowered;
	s5 =	sadd.s32 s5, s6;
	[dreg:$0x0] =	wrdreg $0x0  }
0xaa: {  	s6 =	sshll.u32 s28, $0x1;
	[dreg:$0x2] =	wrdreg s5  }
0xab: {  	[dreg:$0x3] =	wrdreg s6  }
0xac: {  	[dreg:$0x4] =	wrdreg $0xC0  }
0xad: {  	_ =	task [dreg:s9], $0x5FFFF  }
0xae: {  	[dreg:$0x1] =	wrdreg $0xFFFFFFFF  }
0xaf: {  	[dreg:$0x0] =	wrdreg $0x60  }
0xb0: {  	[dreg:$0x2] =	wrdreg s2  }
0xb1: {  	[dreg:$0x3] =	wrdreg s19  }
0xb2: {  	[dreg:$0x4] =	wrdreg s4  }
0xb3: {  	[dreg:$0x5] =	wrdreg $0x0  }
0xb4: {  	[dreg:$0x6] =	wrdreg $0x9  }
0xb5: {  	_ =	task.clear_ibuf [dreg:s9], $0x7FFFF;
	_ =	strace $0x90000046  }
0xb6: {  	s29 =	simm.s32 $0x9;
	_ =	strace $0x80000048  }
0xb7: {  	_ =	swait.ge [sflag:s29], $0x1  }
0xb8: {  	[sflag:s29] =	ssyncadd.s32 $0xFFFFFFFF  }
0xb9: {  	_ =	strace $0x90000048  }
0xba: {  	_ =	sfence  }
0xbb: {  	s30 =	sld [smem:$0x0];
	_ =	sdelay $0x2  }
0xbc: {  	s31 =	sshll.u32 s1, $0xD;
	s1 =	sshrl.u32 s1, $0x2  }
0xbd: {  	s3 =	sand.u32 $0x4000, s31;
	s1 =	sadd.s32 s1, s30  }
0xbe: {  	s0 =	sor.u32 s3, s0;
	s1 =	sshll.u32 s1, $0x11  }
0xbf: {  	s0 =	sor.u32 s1, s0  }
0xc0: {  	s0 =	sadd.s32 $0x8F2B, s0  }
0xc1: {  	[sflag:s0] =	ssyncadd.remote.s32 $0x1  }
0xc2: {  	_ =	sfence.sel $0xFFFF  }
0xc3: {  	[dreg:$0x0] =	wrdreg $0xFFFFFFFF;
	(pc) =	sbr.abs _section_cstart, $3  }
0xc4: {  	[dreg:$0x1] =	wrdreg $0xFFFFFFFF  }
0xc5: {  	_ =	task.clear_ibuf [dreg:s9], $0x2FFFF;
	_ =	strace $0x9FFFFFFF  }
0xc6: {  	(tm) =	ssettm $0x7FFFFFFF  }
0xc7: {  	_ =	shalt  }
tec
execute0_lowered:
.L_overlay_start_1:
0x0: {  	(tag) =	ssettag $0x1  }
0x1: {  	s1 =	rddreg [dreg:$0x0]  }
0x2: {  	s2 =	rddreg [dreg:$0x1]  }
0x3: {  	s5 =	rddreg [dreg:$0x3]  }
0x4: {  	s0 =	srdreg.scid;
	s6 =	stileid.u32  }
0x5: {  	s7 =	simm.s32 $0x0;
	s0 =	sand.u32 $0x1, s0;
	s3 =	smul.u32 $0x62000, s6  }
0x6: {  	s9 =	smul.u32 $0x18800, s6;
	[dreg:$0x5] =	wrdreg s0;
	s0 =	ssub.s32 $0x2, s0  }
0x7: {  	[smem:$0x7FF] =	sst s7;
	s20 =	smul.u32 $0x12600, s6;
	s4 =	sshrl.u32 s0, $0x1  }
0x8: {  	_ =	strace $0x80000047;
	s3 =	sshrl.u32 s3, $0x2;
	s21 =	sadd.s32 s9, s5  }
0x9: {  	[dreg:$0x7] =	wrdreg s20;
	s0 =	ssub.s32 s0, s4;
	s15 =	sshrl.u32 s21, $0x3  }
0xa: {  	s10 =	sadd.s32 s3, s5;
	s0 =	smax.u32 s0, $0x1;
	[dreg:$0x16] =	wrdreg s15  }
0xb: {  	s22 =	sadd.s32 $0xC40, s10;
	[dreg:$0x8] =	wrdreg s0  }
0xc: {  	s23 =	sadd.s32 $0x1880, s10;
	[dreg:$0x9] =	wrdreg s22  }
0xd: {  	s24 =	sadd.s32 $0x24C0, s10;
	[dreg:$0xa] =	wrdreg s23  }
0xe: {  	s25 =	sadd.s32 $0x3100, s10;
	[dreg:$0xb] =	wrdreg s24  }
0xf: {  	s26 =	sadd.s32 $0x3D40, s10;
	[dreg:$0xc] =	wrdreg s25  }
0x10: {  	s31 =	sadd.s32 $0x4980, s10;
	[dreg:$0xd] =	wrdreg s26  }
0x11: {  	s4 =	sadd.s32 $0x55C0, s10;
	[dreg:$0xe] =	wrdreg s31  }
0x12: {  	s6 =	sadd.s32 $0x6200, s10;
	[dreg:$0xf] =	wrdreg s4  }
0x13: {  	s8 =	smov.u32 s9;
	s9 =	sadd.s32 $0x6E40, s10;
	[dreg:$0x10] =	wrdreg s6  }
0x14: {  	s11 =	sadd.s32 $0x7A80, s10;
	[dreg:$0x11] =	wrdreg s9  }
0x15: {  	s12 =	sadd.s32 $0x86C0, s10;
	[dreg:$0x12] =	wrdreg s11  }
0x16: {  	s13 =	sadd.s32 $0x9300, s10;
	[dreg:$0x13] =	wrdreg s12  }
0x17: {  	s14 =	sadd.s32 $0x9F40, s10;
	[dreg:$0x14] =	wrdreg s13  }
0x18: {  	s16 =	sadd.s32 $0xAB80, s10;
	[dreg:$0x15] =	wrdreg s14  }
0x19: {  	s17 =	sadd.s32 $0xB7C0, s10;
	[dreg:$0x17] =	wrdreg s16  }
0x1a: {  	s18 =	sadd.s32 $0xC400, s10;
	[dreg:$0x18] =	wrdreg s17  }
0x1b: {  	s19 =	sadd.s32 $0xD040, s10;
	[dreg:$0x19] =	wrdreg s18  }
0x1c: {  	s28 =	simm.s32 $0x4;
	s20 =	sadd.s32 $0xDC80, s10;
	[dreg:$0x1a] =	wrdreg s19  }
0x1d: {  	s29 =	simm.s32 $0x6;
	s21 =	sadd.s32 $0xE8C0, s10;
	[dreg:$0x1b] =	wrdreg s20  }
0x1e: {  	s30 =	simm.s32 $0x0;
	s15 =	sadd.s32 $0x16F80, s10;
	[dreg:$0x1c] =	wrdreg s21  }
0x1f: {  	s22 =	sadd.s32 $0xF500, s10;
	s23 =	sadd.s32 $0x10140, s10;
	s24 =	sadd.s32 $0x10D80, s10  }
0x20: {  	s25 =	sadd.s32 $0x119C0, s10;
	s26 =	sadd.s32 $0x12600, s10;
	s31 =	sadd.s32 $0x13240, s10  }
0x21: {  	s9 =	sadd.s32 $0x13E80, s10;
	s12 =	sadd.s32 $0x14AC0, s10;
	[dreg:$0x1d] =	wrdreg s22  }
0x22: {  	s13 =	sadd.s32 $0x15700, s10;
	s14 =	sadd.s32 $0x16340, s10;
	[dreg:$0x1e] =	wrdreg s23  }
0x23: {  	s16 =	sadd.s32 $0x17BC0, s10;
	s17 =	simm.s32 $0x18800;
	[dreg:$0x1f] =	wrdreg s24  }
0x24: {  	s18 =	simm.s32 $0x1A080;
	s19 =	simm.s32 $0x1B900;
	[smem:$0x7FB] =	sst s25  }
0x25: {  	s20 =	simm.s32 $0x1D180;
	s21 =	simm.s32 $0x1EA00;
	[smem:$0x7FC] =	sst s26  }
0x26: {  	[smem:$0x7FD] =	sst s31;
	s22 =	simm.s32 $0x5;
	s23 =	simm.s32 $0x1  }
0x27: {  	v0 =	vimm.f32 $0.0e+00;
	s24 =	simm.s32 $0x1880;
	s25 =	simm.s32 $0x2;
	s26 =	simm.s32 $0x3  }
.LBB2_1:
0x28: {  	[dreg:$0x6] =	wrdreg s7;
	s0 =	simm.s32 $0x40;
	s3 =	simm.s32 $0x0  }
.LBB2_2:
0x29: {  	p0 =	sne.s32 s0, $0x30C0;
	[tilespmem:s3+$0x1EA00] =	vst v0;
	s3 =	smov.u32 s0;
	s0 =	sadd.s32 $0x40, s0  }
.Ltmp0:
0x2a: {  	(pc) =	sbr.rel @p0 .LBB2_2-.Ltmp0, $2  }
0x2b: {  	_ =	sdelay $0x2  }
0x2c: {  	s3 =	sshra.s32 s3, $0x2  }
0x2d: {  	[tilespmem:s3+$0x1EA00] =	vst v0;
	s31 =	simm.s32 $0x0  }
.LBB2_4:
0x2e: {  	s0 =	sshll.u32 s31, $0x1;
	s3 =	rddreg [dreg:$0x5]  }
0x2f: {  	s11 =	sor.u32 s3, s0  }
0x30: {  	s0 =	smulhi.u32 $0x55555556, s11;
	_ =	sdelay $0x1  }
0x31: {  	s7 =	smul.u32 $0x126000, s0  }
0x32: {  	s4 =	rddreg [dreg:$0x7]  }
0x33: {  	s3 =	sadd.s32 s4, s7  }
0x34: {  	s7 =	sshrl.u32 s3, $0x3  }
0x35: {  	s3 =	sadd.s32 s2, s7  }
0x36: {  	[tilespmem:s17], [sflag:$0x1] =	stream.linear.gather [hbm4b:s3+s30], $0x1880, $0x38;
	[tilespmem:$0x1F680] =	vst v63  }
0x37: {  	s4 =	sadd.s32 s1, s7;
	s3 =	sadd.s32 $0x310, s7  }
0x38: {  	[tilespmem:s18], [sflag:$0x1] =	stream.linear.gather [hbm4b:s4+s30], $0x1880, $0x38;
	[tilespmem:$0x1F680] =	vst v63  }
0x39: {  	s6 =	sadd.s32 s2, s3  }
0x3a: {  	[tilespmem:s19], [sflag:$0x2] =	stream.linear.gather [hbm4b:s6+s30], $0x1880, $0x38;
	[tilespmem:$0x1F680] =	vst v63  }
0x3b: {  	s3 =	sadd.s32 s1, s3  }
0x3c: {  	[tilespmem:s20], [sflag:$0x2] =	stream.linear.gather [hbm4b:s3+s30], $0x1880, $0x38;
	[tilespmem:$0x1F680] =	vst v63  }
0x3d: {  	s4 =	rddreg [dreg:$0x9]  }
0x3e: {  	[spmem:s10] =	stream.linear.scatter [tilespmem:s21], [sflag:$0x5], $0xC40, $0x38;
	[tilespmem:$0x1F680] =	vst v63  }
0x3f: {  	s6 =	rddreg [dreg:$0xa]  }
0x40: {  	[spmem:s4] =	stream.linear.scatter [tilespmem:s21], [sflag:$0x5], $0xC40, $0x38;
	[tilespmem:$0x1F680] =	vst v63  }
0x41: {  	s4 =	rddreg [dreg:$0xb]  }
0x42: {  	[spmem:s6] =	stream.linear.scatter [tilespmem:s21], [sflag:$0x5], $0xC40, $0x38;
	[tilespmem:$0x1F680] =	vst v63  }
0x43: {  	s6 =	rddreg [dreg:$0xc]  }
0x44: {  	[spmem:s4] =	stream.linear.scatter [tilespmem:s21], [sflag:$0x5], $0xC40, $0x38;
	[tilespmem:$0x1F680] =	vst v63  }
0x45: {  	s4 =	rddreg [dreg:$0xd]  }
0x46: {  	[spmem:s6] =	stream.linear.scatter [tilespmem:s21], [sflag:$0x5], $0xC40, $0x38;
	[tilespmem:$0x1F680] =	vst v63  }
0x47: {  	s6 =	rddreg [dreg:$0xe]  }
0x48: {  	[spmem:s4] =	stream.linear.scatter [tilespmem:s21], [sflag:$0x5], $0xC40, $0x38;
	[tilespmem:$0x1F680] =	vst v63  }
0x49: {  	s4 =	rddreg [dreg:$0xf]  }
0x4a: {  	[spmem:s6] =	stream.linear.scatter [tilespmem:s21], [sflag:$0x5], $0xC40, $0x38;
	[tilespmem:$0x1F680] =	vst v63  }
0x4b: {  	s6 =	rddreg [dreg:$0x10]  }
0x4c: {  	[spmem:s4] =	stream.linear.scatter [tilespmem:s21], [sflag:$0x5], $0xC40, $0x38;
	[tilespmem:$0x1F680] =	vst v63  }
0x4d: {  	s4 =	rddreg [dreg:$0x11]  }
0x4e: {  	[spmem:s6] =	stream.linear.scatter [tilespmem:s21], [sflag:$0x5], $0xC40, $0x38;
	[tilespmem:$0x1F680] =	vst v63  }
0x4f: {  	s6 =	rddreg [dreg:$0x12]  }
0x50: {  	[spmem:s4] =	stream.linear.scatter [tilespmem:s21], [sflag:$0x5], $0xC40, $0x38;
	[tilespmem:$0x1F680] =	vst v63  }
0x51: {  	s4 =	rddreg [dreg:$0x13]  }
0x52: {  	[spmem:s6] =	stream.linear.scatter [tilespmem:s21], [sflag:$0x5], $0xC40, $0x38;
	[tilespmem:$0x1F680] =	vst v63  }
0x53: {  	s6 =	rddreg [dreg:$0x14]  }
0x54: {  	[spmem:s4] =	stream.linear.scatter [tilespmem:s21], [sflag:$0x5], $0xC40, $0x38;
	[tilespmem:$0x1F680] =	vst v63  }
0x55: {  	s4 =	rddreg [dreg:$0x15]  }
0x56: {  	[spmem:s6] =	stream.linear.scatter [tilespmem:s21], [sflag:$0x5], $0xC40, $0x38;
	[tilespmem:$0x1F680] =	vst v63  }
0x57: {  	s6 =	rddreg [dreg:$0x17]  }
0x58: {  	[spmem:s4] =	stream.linear.scatter [tilespmem:s21], [sflag:$0x5], $0xC40, $0x38;
	[tilespmem:$0x1F680] =	vst v63  }
0x59: {  	s4 =	rddreg [dreg:$0x18]  }
0x5a: {  	[spmem:s6] =	stream.linear.scatter [tilespmem:s21], [sflag:$0x5], $0xC40, $0x38;
	[tilespmem:$0x1F680] =	vst v63  }
0x5b: {  	s6 =	rddreg [dreg:$0x19]  }
0x5c: {  	[spmem:s4] =	stream.linear.scatter [tilespmem:s21], [sflag:$0x5], $0xC40, $0x38;
	[tilespmem:$0x1F680] =	vst v63  }
0x5d: {  	s4 =	rddreg [dreg:$0x1a]  }
0x5e: {  	[spmem:s6] =	stream.linear.scatter [tilespmem:s21], [sflag:$0x5], $0xC40, $0x38;
	[tilespmem:$0x1F680] =	vst v63  }
0x5f: {  	s6 =	rddreg [dreg:$0x1b]  }
0x60: {  	[spmem:s4] =	stream.linear.scatter [tilespmem:s21], [sflag:$0x5], $0xC40, $0x38;
	[tilespmem:$0x1F680] =	vst v63  }
0x61: {  	s4 =	rddreg [dreg:$0x1c]  }
0x62: {  	[spmem:s6] =	stream.linear.scatter [tilespmem:s21], [sflag:$0x5], $0xC40, $0x38;
	[tilespmem:$0x1F680] =	vst v63  }
0x63: {  	s6 =	rddreg [dreg:$0x1d]  }
0x64: {  	[spmem:s4] =	stream.linear.scatter [tilespmem:s21], [sflag:$0x5], $0xC40, $0x38;
	[tilespmem:$0x1F680] =	vst v63  }
0x65: {  	s4 =	rddreg [dreg:$0x1e]  }
0x66: {  	[spmem:s6] =	stream.linear.scatter [tilespmem:s21], [sflag:$0x5], $0xC40, $0x38;
	[tilespmem:$0x1F680] =	vst v63  }
0x67: {  	s6 =	rddreg [dreg:$0x1f]  }
0x68: {  	[spmem:s4] =	stream.linear.scatter [tilespmem:s21], [sflag:$0x5], $0xC40, $0x38;
	[tilespmem:$0x1F680] =	vst v63  }
0x69: {  	s4 =	sld [smem:$0x7FB]  }
0x6a: {  	[spmem:s6] =	stream.linear.scatter [tilespmem:s21], [sflag:$0x5], $0xC40, $0x38;
	[tilespmem:$0x1F680] =	vst v63  }
0x6b: {  	s6 =	sld [smem:$0x7FC]  }
0x6c: {  	[spmem:s4] =	stream.linear.scatter [tilespmem:s21], [sflag:$0x5], $0xC40, $0x38;
	[tilespmem:$0x1F680] =	vst v63  }
0x6d: {  	s4 =	sld [smem:$0x7FD]  }
0x6e: {  	[spmem:s6] =	stream.linear.scatter [tilespmem:s21], [sflag:$0x5], $0xC40, $0x38;
	[tilespmem:$0x1F680] =	vst v63  }
0x6f: {  	_ = 	snop  }
0x70: {  	[spmem:s4] =	stream.linear.scatter [tilespmem:s21], [sflag:$0x5], $0xC40, $0x38;
	[tilespmem:$0x1F680] =	vst v63  }
0x71: {  	_ = 	snop  }
0x72: {  	[spmem:s9] =	stream.linear.scatter [tilespmem:s21], [sflag:$0x5], $0xC40, $0x38;
	[tilespmem:$0x1F680] =	vst v63  }
0x73: {  	_ = 	snop  }
0x74: {  	[spmem:s12] =	stream.linear.scatter [tilespmem:s21], [sflag:$0x5], $0xC40, $0x38;
	[tilespmem:$0x1F680] =	vst v63  }
0x75: {  	_ = 	snop  }
0x76: {  	[spmem:s13] =	stream.linear.scatter [tilespmem:s21], [sflag:$0x5], $0xC40, $0x38;
	[tilespmem:$0x1F680] =	vst v63  }
0x77: {  	_ = 	snop  }
0x78: {  	[spmem:s14] =	stream.linear.scatter [tilespmem:s21], [sflag:$0x5], $0xC40, $0x38;
	[tilespmem:$0x1F680] =	vst v63  }
0x79: {  	_ = 	snop  }
0x7a: {  	[spmem:s15] =	stream.linear.scatter [tilespmem:s21], [sflag:$0x5], $0xC40, $0x38;
	[tilespmem:$0x1F680] =	vst v63  }
0x7b: {  	_ = 	snop  }
0x7c: {  	[spmem:s16] =	stream.linear.scatter [tilespmem:s21], [sflag:$0x5], $0xC40, $0x38;
	[tilespmem:$0x1F680] =	vst v63  }
0x7d: {  	_ =	swait.ge [sflag:s22], $0xC40  }
0x7e: {  	[sflag:s22] =	ssyncset.done $0x0  }
0x7f: {  	[sflag:s22] =	ssyncadd.s32 $0xFFFFF3C0  }
0x80: {  	_ =	swait.ge [sflag:s22], $0xC40  }
0x81: {  	[sflag:s22] =	ssyncset.done $0x0  }
0x82: {  	[sflag:s22] =	ssyncadd.s32 $0xFFFFF3C0  }
0x83: {  	_ =	swait.ge [sflag:s22], $0xC40  }
0x84: {  	[sflag:s22] =	ssyncset.done $0x0  }
0x85: {  	[sflag:s22] =	ssyncadd.s32 $0xFFFFF3C0  }
0x86: {  	_ =	swait.ge [sflag:s22], $0xC40  }
0x87: {  	[sflag:s22] =	ssyncset.done $0x0  }
0x88: {  	[sflag:s22] =	ssyncadd.s32 $0xFFFFF3C0  }
0x89: {  	_ =	swait.ge [sflag:s22], $0xC40  }
0x8a: {  	[sflag:s22] =	ssyncset.done $0x0  }
0x8b: {  	[sflag:s22] =	ssyncadd.s32 $0xFFFFF3C0  }
0x8c: {  	_ =	swait.ge [sflag:s22], $0xC40  }
0x8d: {  	[sflag:s22] =	ssyncset.done $0x0  }
0x8e: {  	[sflag:s22] =	ssyncadd.s32 $0xFFFFF3C0  }
0x8f: {  	_ =	swait.ge [sflag:s22], $0xC40  }
0x90: {  	[sflag:s22] =	ssyncset.done $0x0  }
0x91: {  	[sflag:s22] =	ssyncadd.s32 $0xFFFFF3C0  }
0x92: {  	_ =	swait.ge [sflag:s22], $0xC40  }
0x93: {  	[sflag:s22] =	ssyncset.done $0x0  }
0x94: {  	[sflag:s22] =	ssyncadd.s32 $0xFFFFF3C0  }
0x95: {  	_ =	swait.ge [sflag:s22], $0xC40  }
0x96: {  	[sflag:s22] =	ssyncset.done $0x0  }
0x97: {  	[sflag:s22] =	ssyncadd.s32 $0xFFFFF3C0  }
0x98: {  	_ =	swait.ge [sflag:s22], $0xC40  }
0x99: {  	[sflag:s22] =	ssyncset.done $0x0  }
0x9a: {  	[sflag:s22] =	ssyncadd.s32 $0xFFFFF3C0  }
0x9b: {  	_ =	swait.ge [sflag:s22], $0xC40  }
0x9c: {  	[sflag:s22] =	ssyncset.done $0x0  }
0x9d: {  	[sflag:s22] =	ssyncadd.s32 $0xFFFFF3C0  }
0x9e: {  	_ =	swait.ge [sflag:s22], $0xC40  }
0x9f: {  	[sflag:s22] =	ssyncset.done $0x0  }
0xa0: {  	[sflag:s22] =	ssyncadd.s32 $0xFFFFF3C0  }
0xa1: {  	_ =	swait.ge [sflag:s22], $0xC40  }
0xa2: {  	[sflag:s22] =	ssyncset.done $0x0  }
0xa3: {  	[sflag:s22] =	ssyncadd.s32 $0xFFFFF3C0  }
0xa4: {  	_ =	swait.ge [sflag:s22], $0xC40  }
0xa5: {  	[sflag:s22] =	ssyncset.done $0x0  }
0xa6: {  	[sflag:s22] =	ssyncadd.s32 $0xFFFFF3C0  }
0xa7: {  	_ =	swait.ge [sflag:s22], $0xC40  }
0xa8: {  	[sflag:s22] =	ssyncset.done $0x0  }
0xa9: {  	[sflag:s22] =	ssyncadd.s32 $0xFFFFF3C0  }
0xaa: {  	_ =	swait.ge [sflag:s22], $0xC40  }
0xab: {  	[sflag:s22] =	ssyncset.done $0x0  }
0xac: {  	[sflag:s22] =	ssyncadd.s32 $0xFFFFF3C0  }
0xad: {  	_ =	swait.ge [sflag:s22], $0xC40  }
0xae: {  	[sflag:s22] =	ssyncset.done $0x0  }
0xaf: {  	[sflag:s22] =	ssyncadd.s32 $0xFFFFF3C0  }
0xb0: {  	_ =	swait.ge [sflag:s22], $0xC40  }
0xb1: {  	[sflag:s22] =	ssyncset.done $0x0  }
0xb2: {  	[sflag:s22] =	ssyncadd.s32 $0xFFFFF3C0  }
0xb3: {  	_ =	swait.ge [sflag:s22], $0xC40  }
0xb4: {  	[sflag:s22] =	ssyncset.done $0x0  }
0xb5: {  	[sflag:s22] =	ssyncadd.s32 $0xFFFFF3C0  }
0xb6: {  	_ =	swait.ge [sflag:s22], $0xC40  }
0xb7: {  	[sflag:s22] =	ssyncset.done $0x0  }
0xb8: {  	[sflag:s22] =	ssyncadd.s32 $0xFFFFF3C0  }
0xb9: {  	_ =	swait.ge [sflag:s22], $0xC40  }
0xba: {  	[sflag:s22] =	ssyncset.done $0x0  }
0xbb: {  	[sflag:s22] =	ssyncadd.s32 $0xFFFFF3C0  }
0xbc: {  	_ =	swait.ge [sflag:s22], $0xC40  }
0xbd: {  	[sflag:s22] =	ssyncset.done $0x0  }
0xbe: {  	[sflag:s22] =	ssyncadd.s32 $0xFFFFF3C0  }
0xbf: {  	_ =	swait.ge [sflag:s22], $0xC40  }
0xc0: {  	[sflag:s22] =	ssyncset.done $0x0  }
0xc1: {  	[sflag:s22] =	ssyncadd.s32 $0xFFFFF3C0  }
0xc2: {  	_ =	swait.ge [sflag:s22], $0xC40  }
0xc3: {  	[sflag:s22] =	ssyncset.done $0x0  }
0xc4: {  	[sflag:s22] =	ssyncadd.s32 $0xFFFFF3C0  }
0xc5: {  	_ =	swait.ge [sflag:s22], $0xC40  }
0xc6: {  	[sflag:s22] =	ssyncset.done $0x0  }
0xc7: {  	[sflag:s22] =	ssyncadd.s32 $0xFFFFF3C0  }
0xc8: {  	_ =	swait.ge [sflag:s22], $0xC40  }
0xc9: {  	[sflag:s22] =	ssyncset.done $0x0  }
0xca: {  	[sflag:s22] =	ssyncadd.s32 $0xFFFFF3C0  }
0xcb: {  	_ =	swait.ge [sflag:s22], $0xC40  }
0xcc: {  	[sflag:s22] =	ssyncset.done $0x0  }
0xcd: {  	[sflag:s22] =	ssyncadd.s32 $0xFFFFF3C0  }
0xce: {  	_ =	swait.ge [sflag:s22], $0xC40  }
0xcf: {  	[sflag:s22] =	ssyncset.done $0x0  }
0xd0: {  	[sflag:s22] =	ssyncadd.s32 $0xFFFFF3C0  }
0xd1: {  	_ =	swait.ge [sflag:s22], $0xC40  }
0xd2: {  	[sflag:s22] =	ssyncset.done $0x0  }
0xd3: {  	[sflag:s22] =	ssyncadd.s32 $0xFFFFF3C0  }
0xd4: {  	_ =	swait.ge [sflag:s22], $0xC40  }
0xd5: {  	[sflag:s22] =	ssyncset.done $0x0  }
0xd6: {  	[sflag:s22] =	ssyncadd.s32 $0xFFFFF3C0  }
0xd7: {  	_ =	swait.ge [sflag:s22], $0xC40  }
0xd8: {  	[sflag:s22] =	ssyncset.done $0x0  }
0xd9: {  	[sflag:s22] =	ssyncadd.s32 $0xFFFFF3C0  }
0xda: {  	_ =	swait.ge [sflag:s22], $0xC40  }
0xdb: {  	[sflag:s22] =	ssyncset.done $0x0  }
0xdc: {  	[sflag:s22] =	ssyncadd.s32 $0xFFFFF3C0  }
0xdd: {  	[bflag:$0x0] =	sbarrier.arrive $0xFFFF  }
0xde: {  	_ =	swait.ge [sflag:s23], $0x1880  }
0xdf: {  	[sflag:s23] =	ssyncset.done $0x0  }
0xe0: {  	[sflag:s23] =	ssyncadd.s32 $0xFFFFE780  }
0xe1: {  	_ =	swait.ge [sflag:s23], $0x1880  }
0xe2: {  	s6 =	smul.u32 $0x3, s0;
	[sflag:s23] =	ssyncset.done $0x0  }
0xe3: {  	s3 =	simm.s32 $0x0;
	[sflag:s23] =	ssyncadd.s32 $0xFFFFE780  }
0xe4: {  	s4 =	ssub.s32 s11, s6;
	v9 =	vld [tilespmem:s3+$0x18870]  }
0xe5: {  	s11 =	smul.u32 $0x188000, s4;
	v8 =	vld [tilespmem:s3+$0x18840]  }
0xe6: {  	v7 =	vld [tilespmem:s3+$0x18850]  }
0xe7: {  	s4 =	sadd.s32 $0x188000, s11;
	v10 =	vld [tilespmem:s3+$0x18820]  }
0xe8: {  	v1 =	vmov s11;
	v2 =	vmov s4;
	v3 =	vld [tilespmem:s3+$0x18810]  }
0xe9: {  	v11 =	vld [tilespmem:s3+$0x1A0D0];
	vm0 =	vge.s32 v9, v1;
	vm1 =	vlt.s32 v9, v2  }
0xea: {  	v15 =	vld [tilespmem:s3+$0x18860];
	vm2 =	vlt.s32 v8, v2;
	v16 =	vsub.s32 v8, v1;
	v13 =	vshra.s32 v9, $0x2  }
0xeb: {  	vm3 =	vge.s32 v8, v1;
	vm4 =	vge.s32 v7, v1;
	vm5 =	vlt.s32 v7, v2  }
0xec: {  	v5 =	vld [tilespmem:s3+$0x18800];
	v14 =	vshra.s32 v7, $0x2;
	v6 =	vshra.s32 v10, $0x2;
	v19 =	vshra.s32 v8, $0x2  }
0xed: {  	v17 =	vld [tilespmem:s3+$0x1A0F0];
	v20 =	vsub.s32 v7, v1;
	vm14 =	vlt.s32 v10, v2;
	v7 =	vshra.s32 v3, $0x2  }
0xee: {  	v12 =	vld [tilespmem:s3+$0x1A0C0];
	v9 =	vsub.s32 v9, v1;
	vm15 =	vge.s32 v10, v1;
	vm4 =	vmand vm4, vm5  }
0xef: {  	v18 =	vld [tilespmem:s3+$0x1A0A0];
	vm6 =	vge.s32 v15, v1;
	vm7 =	vlt.s32 v15, v2;
	v11 =	vnsel vm4, $0x0, v11  }
0xf0: {  	v8 =	vld [tilespmem:s3+$0x18830];
	vm0 =	vmand vm0, vm1;
	vm3 =	vmand vm3, vm2;
	v14 =	vsel vm4, v20, v14;
	[tilespmem:s3+$0x1A0D0] =	vst v11  }
0xf1: {  	vm1 =	vlt.s32 v3, v2;
	vm2 =	vmand vm15, vm14;
	v9 =	vsel vm0, v9, v13;
	[tilespmem:s3+$0x18850] =	vst v14  }
0xf2: {  	v13 =	vshra.s32 v5, $0x2;
	v17 =	vnsel vm0, $0x0, v17;
	v16 =	vsel vm3, v16, v19;
	v14 =	vld [tilespmem:s3+$0x1A080];
	[tilespmem:s3+$0x18870] =	vst v9  }
0xf3: {  	v4 =	vld [tilespmem:s3+$0x1A090];
	vm0 =	vmand vm6, vm7;
	v11 =	vsub.s32 v10, v1;
	v10 =	vnsel vm3, $0x0, v12;
	[tilespmem:s3+$0x1A0F0] =	vst v17  }
0xf4: {  	s4 =	simm.s32 $0x200;
	v9 =	vshra.s32 v15, $0x2;
	v12 =	vld [tilespmem:s3+$0x1A0E0];
	[tilespmem:s3+$0x1A0C0] =	vst v10;
	v10 =	vsub.s32 v15, v1;
	v15 =	vnsel vm2, $0x0, v18  }
.LBB2_5:
0xf5: {  	s6 =	sshra.s32 s4, $0x2;
	p0 =	sne.s32 s4, $0x6000;
	s4 =	sadd.s32 $0x200, s4;
	vm3 =	vge.s32 v5, v1;
	vm4 =	vlt.s32 v5, v2;
	v17 =	vld [tilespmem:s3+$0x1A0B0];
	v18 =	vshra.s32 v8, $0x2;
	[tilespmem:s3+$0x18840] =	vst v16  }
0xf6: {  	v5 =	vsub.s32 v5, v1;
	v16 =	vld [tilespmem:s6+$0x18850];
	vm3 =	vmand vm3, vm4;
	vm4 =	vge.s32 v8, v1  }
0xf7: {  	v19 =	vld [tilespmem:s6+$0x18870];
	v5 =	vsel vm3, v5, v13;
	v13 =	vnsel vm3, $0x0, v14;
	[tilespmem:s3+$0x1A0A0] =	vst v15;
	v14 =	vsub.s32 v8, v1  }
0xf8: {  	vm3 =	vge.s32 v3, v1;
	v15 =	vld [tilespmem:s6+$0x18840];
	[tilespmem:s3+$0x18800] =	vst v5;
	v5 =	vsel vm2, v11, v6;
	vm2 =	vlt.s32 v8, v2  }
0xf9: {  	v3 =	vsub.s32 v3, v1;
	vm1 =	vmand vm3, vm1;
	[tilespmem:s3+$0x18820] =	vst v5;
	vm2 =	vmand vm4, vm2  }
0xfa: {  	v3 =	vsel vm1, v3, v7;
	v4 =	vnsel vm1, $0x0, v4;
	v8 =	vld [tilespmem:s6+$0x18820];
	[tilespmem:s3+$0x1A080] =	vst v13;
	v5 =	vsel vm2, v14, v18  }
0xfb: {  	v6 =	vnsel vm0, $0x0, v12;
	v7 =	vnsel vm2, $0x0, v17;
	v18 =	vld [tilespmem:s6+$0x1A0C0];
	[tilespmem:s3+$0x18810] =	vst v3  }
0xfc: {  	v9 =	vsel vm0, v10, v9;
	v3 =	vld [tilespmem:s6+$0x18810];
	vm3 =	vge.s32 v19, v1;
	vm4 =	vlt.s32 v19, v2;
	[tilespmem:s3+$0x1A0E0] =	vst v6  }
0xfd: {  	v11 =	vshra.s32 v19, $0x2;
	vm0 =	vlt.s32 v15, v2;
	v12 =	vsub.s32 v15, v1;
	v10 =	vld [tilespmem:s6+$0x1A0D0];
	[tilespmem:s3+$0x18830] =	vst v5  }
0xfe: {  	vm5 =	vge.s32 v16, v1;
	v14 =	vshra.s32 v16, $0x2;
	vm1 =	vge.s32 v15, v1;
	v5 =	vld [tilespmem:s6+$0x18800];
	[tilespmem:s3+$0x18860] =	vst v9  }
0xff: {  	vm6 =	vlt.s32 v16, v2;
	v17 =	vshra.s32 v15, $0x2;
	v6 =	vshra.s32 v8, $0x2;
	v15 =	vld [tilespmem:s6+$0x18860];
	[tilespmem:s3+$0x1A090] =	vst v4  }
0x100: {  	vm5 =	vmand vm5, vm6;
	v9 =	vsub.s32 v16, v1;
	vm2 =	vlt.s32 v8, v2;
	v4 =	vld [tilespmem:s6+$0x1A090];
	[tilespmem:s3+$0x1A0B0] =	vst v7;
	s3 =	smov.u32 s6  }
0x101: {  	v13 =	vsub.s32 v19, v1;
	vm3 =	vmand vm3, vm4;
	v7 =	vshra.s32 v3, $0x2;
	v16 =	vld [tilespmem:s3+$0x1A0F0]  }
0x102: {  	v20 =	vsel vm3, v13, v11;
	vm4 =	vge.s32 v8, v1;
	v19 =	vld [tilespmem:s3+$0x1A0A0];
	v10 =	vnsel vm5, $0x0, v10  }
.Ltmp1:
0x103: {  	v11 =	vsub.s32 v8, v1;
	v9 =	vsel vm5, v9, v14;
	v13 =	vshra.s32 v5, $0x2;
	v8 =	vld [tilespmem:s3+$0x18830];
	[tilespmem:s3+$0x1A0D0] =	vst v10;
	(pc) =	sbr.rel @p0 .LBB2_5-.Ltmp1, $4  }
0x104: {  	vm0 =	vmand vm1, vm0;
	[tilespmem:s3+$0x18850] =	vst v9;
	vm5 =	vge.s32 v15, v1;
	vm6 =	vlt.s32 v15, v2  }
0x105: {  	vm1 =	vlt.s32 v3, v2;
	v10 =	vnsel vm0, $0x0, v18;
	v9 =	vshra.s32 v15, $0x2;
	v14 =	vld [tilespmem:s3+$0x1A080];
	[tilespmem:s3+$0x18870] =	vst v20  }
0x106: {  	vm2 =	vmand vm4, vm2;
	[tilespmem:s3+$0x1A0C0] =	vst v10;
	v10 =	vsub.s32 v15, v1;
	v18 =	vnsel vm3, $0x0, v16  }
0x107: {  	v16 =	vsel vm0, v12, v17;
	vm0 =	vmand vm5, vm6;
	v15 =	vnsel vm2, $0x0, v19;
	v12 =	vld [tilespmem:s3+$0x1A0E0];
	[tilespmem:s3+$0x1A0F0] =	vst v18  }
0x108: {  	vm3 =	vge.s32 v5, v1;
	vm4 =	vlt.s32 v5, v2  }
0x109: {  	[tilespmem:s3+$0x18840] =	vst v16;
	v5 =	vsub.s32 v5, v1;
	vm12 =	vge.s32 v3, v1;
	vm3 =	vmand vm3, vm4  }
0x10a: {  	[tilespmem:s3+$0x1A0A0] =	vst v15;
	v3 =	vsub.s32 v3, v1;
	vm1 =	vmand vm12, vm1;
	v5 =	vsel vm3, v5, v13  }
0x10b: {  	v3 =	vsel vm1, v3, v7;
	[tilespmem:s3+$0x18800] =	vst v5  }
0x10c: {  	v4 =	vnsel vm1, $0x0, v4;
	[tilespmem:s3+$0x18810] =	vst v3  }
0x10d: {  	v17 =	vld [tilespmem:s3+$0x1A0B0];
	v13 =	vshra.s32 v8, $0x2;
	v5 =	vsel vm2, v11, v6;
	[tilespmem:s3+$0x1A090] =	vst v4  }
0x10e: {  	v6 =	vnsel vm3, $0x0, v14;
	vm2 =	vge.s32 v8, v1;
	vm3 =	vlt.s32 v8, v2;
	[tilespmem:s3+$0x18820] =	vst v5  }
0x10f: {  	[tilespmem:s3+$0x1A080] =	vst v6;
	v5 =	vsub.s32 v8, v1;
	vm2 =	vmand vm2, vm3;
	v3 =	vnsel vm0, $0x0, v12  }
0x110: {  	v5 =	vsel vm2, v5, v13;
	[tilespmem:s3+$0x1A0E0] =	vst v3  }
0x111: {  	v3 =	vsel vm0, v10, v9;
	[tilespmem:s3+$0x18830] =	vst v5  }
0x112: {  	[tilespmem:s3+$0x18860] =	vst v3;
	v3 =	vnsel vm2, $0x0, v17  }
0x113: {  	[tilespmem:s3+$0x1A0B0] =	vst v3  }
0x114: {  	[spmem:s5] =	stream.indirect.scatter.add.f32 [tilespmem:s18], [sflag:$0x3], $0x1, s17, s24, $0xb8;
	[tilespmem:$0x1F680] =	vst v63  }
0x115: {  	_ =	swait.ge [sflag:s25], $0x1880  }
0x116: {  	[sflag:s25] =	ssyncset.done $0x0  }
0x117: {  	[sflag:s25] =	ssyncadd.s32 $0xFFFFE780  }
0x118: {  	_ =	swait.ge [sflag:s25], $0x1880  }
0x119: {  	[sflag:s25] =	ssyncset.done $0x0  }
0x11a: {  	s3 =	simm.s32 $0x0;
	[sflag:s25] =	ssyncadd.s32 $0xFFFFE780  }
0x11b: {  	v9 =	vld [tilespmem:s3+$0x1B970]  }
0x11c: {  	v8 =	vld [tilespmem:s3+$0x1B940]  }
0x11d: {  	v7 =	vld [tilespmem:s3+$0x1B950]  }
0x11e: {  	v10 =	vld [tilespmem:s3+$0x1B920]  }
0x11f: {  	v3 =	vld [tilespmem:s3+$0x1B910]  }
0x120: {  	v11 =	vld [tilespmem:s3+$0x1D1D0];
	vm0 =	vge.s32 v9, v1;
	vm1 =	vlt.s32 v9, v2  }
0x121: {  	v15 =	vld [tilespmem:s3+$0x1B960];
	vm2 =	vlt.s32 v8, v2;
	v16 =	vsub.s32 v8, v1;
	v13 =	vshra.s32 v9, $0x2  }
0x122: {  	vm3 =	vge.s32 v8, v1;
	vm13 =	vge.s32 v7, v1;
	vm5 =	vlt.s32 v7, v2  }
0x123: {  	v5 =	vld [tilespmem:s3+$0x1B900];
	v14 =	vshra.s32 v7, $0x2;
	v6 =	vshra.s32 v10, $0x2;
	v19 =	vshra.s32 v8, $0x2  }
0x124: {  	v17 =	vld [tilespmem:s3+$0x1D1F0];
	v20 =	vsub.s32 v7, v1;
	vm14 =	vlt.s32 v10, v2;
	v7 =	vshra.s32 v3, $0x2  }
0x125: {  	v12 =	vld [tilespmem:s3+$0x1D1C0];
	v9 =	vsub.s32 v9, v1;
	vm15 =	vge.s32 v10, v1;
	vm4 =	vmand vm13, vm5  }
0x126: {  	v18 =	vld [tilespmem:s3+$0x1D1A0];
	vm6 =	vge.s32 v15, v1;
	vm7 =	vlt.s32 v15, v2;
	v11 =	vnsel vm4, $0x0, v11  }
0x127: {  	v8 =	vld [tilespmem:s3+$0x1B930];
	vm0 =	vmand vm0, vm1;
	vm3 =	vmand vm3, vm2;
	v14 =	vsel vm4, v20, v14;
	[tilespmem:s3+$0x1D1D0] =	vst v11  }
0x128: {  	vm1 =	vlt.s32 v3, v2;
	vm2 =	vmand vm15, vm14;
	v9 =	vsel vm0, v9, v13;
	[tilespmem:s3+$0x1B950] =	vst v14  }
0x129: {  	v13 =	vshra.s32 v5, $0x2;
	v17 =	vnsel vm0, $0x0, v17;
	v16 =	vsel vm3, v16, v19;
	v14 =	vld [tilespmem:s3+$0x1D180];
	[tilespmem:s3+$0x1B970] =	vst v9  }
0x12a: {  	v4 =	vld [tilespmem:s3+$0x1D190];
	vm0 =	vmand vm6, vm7;
	v11 =	vsub.s32 v10, v1;
	v10 =	vnsel vm3, $0x0, v12;
	[tilespmem:s3+$0x1D1F0] =	vst v17  }
0x12b: {  	s4 =	simm.s32 $0x200;
	v9 =	vshra.s32 v15, $0x2;
	v12 =	vld [tilespmem:s3+$0x1D1E0];
	[tilespmem:s3+$0x1D1C0] =	vst v10;
	v10 =	vsub.s32 v15, v1;
	v15 =	vnsel vm2, $0x0, v18  }
.LBB2_7:
0x12c: {  	s6 =	sshra.s32 s4, $0x2;
	p0 =	sne.s32 s4, $0x6000;
	s4 =	sadd.s32 $0x200, s4;
	vm3 =	vge.s32 v5, v1;
	vm4 =	vlt.s32 v5, v2;
	v17 =	vld [tilespmem:s3+$0x1D1B0];
	v18 =	vshra.s32 v8, $0x2;
	[tilespmem:s3+$0x1B940] =	vst v16  }
0x12d: {  	v5 =	vsub.s32 v5, v1;
	v16 =	vld [tilespmem:s6+$0x1B950];
	vm3 =	vmand vm3, vm4;
	vm4 =	vge.s32 v8, v1  }
0x12e: {  	v19 =	vld [tilespmem:s6+$0x1B970];
	v5 =	vsel vm3, v5, v13;
	v13 =	vnsel vm3, $0x0, v14;
	[tilespmem:s3+$0x1D1A0] =	vst v15;
	v14 =	vsub.s32 v8, v1  }
0x12f: {  	vm3 =	vge.s32 v3, v1;
	v15 =	vld [tilespmem:s6+$0x1B940];
	[tilespmem:s3+$0x1B900] =	vst v5;
	v5 =	vsel vm2, v11, v6;
	vm2 =	vlt.s32 v8, v2  }
0x130: {  	v3 =	vsub.s32 v3, v1;
	vm1 =	vmand vm3, vm1;
	[tilespmem:s3+$0x1B920] =	vst v5;
	vm2 =	vmand vm4, vm2  }
0x131: {  	v3 =	vsel vm1, v3, v7;
	v4 =	vnsel vm1, $0x0, v4;
	v8 =	vld [tilespmem:s6+$0x1B920];
	[tilespmem:s3+$0x1D180] =	vst v13;
	v5 =	vsel vm2, v14, v18  }
0x132: {  	v6 =	vnsel vm0, $0x0, v12;
	v7 =	vnsel vm2, $0x0, v17;
	v18 =	vld [tilespmem:s6+$0x1D1C0];
	[tilespmem:s3+$0x1B910] =	vst v3  }
0x133: {  	v9 =	vsel vm0, v10, v9;
	v3 =	vld [tilespmem:s6+$0x1B910];
	vm3 =	vge.s32 v19, v1;
	vm4 =	vlt.s32 v19, v2;
	[tilespmem:s3+$0x1D1E0] =	vst v6  }
0x134: {  	v11 =	vshra.s32 v19, $0x2;
	vm0 =	vlt.s32 v15, v2;
	v12 =	vsub.s32 v15, v1;
	v10 =	vld [tilespmem:s6+$0x1D1D0];
	[tilespmem:s3+$0x1B930] =	vst v5  }
0x135: {  	vm5 =	vge.s32 v16, v1;
	v14 =	vshra.s32 v16, $0x2;
	vm1 =	vge.s32 v15, v1;
	v5 =	vld [tilespmem:s6+$0x1B900];
	[tilespmem:s3+$0x1B960] =	vst v9  }
0x136: {  	vm6 =	vlt.s32 v16, v2;
	v17 =	vshra.s32 v15, $0x2;
	v6 =	vshra.s32 v8, $0x2;
	v15 =	vld [tilespmem:s6+$0x1B960];
	[tilespmem:s3+$0x1D190] =	vst v4  }
0x137: {  	vm5 =	vmand vm5, vm6;
	v9 =	vsub.s32 v16, v1;
	vm2 =	vlt.s32 v8, v2;
	v4 =	vld [tilespmem:s6+$0x1D190];
	[tilespmem:s3+$0x1D1B0] =	vst v7;
	s3 =	smov.u32 s6  }
0x138: {  	v13 =	vsub.s32 v19, v1;
	vm3 =	vmand vm3, vm4;
	v7 =	vshra.s32 v3, $0x2;
	v16 =	vld [tilespmem:s3+$0x1D1F0]  }
0x139: {  	v20 =	vsel vm3, v13, v11;
	vm4 =	vge.s32 v8, v1;
	v19 =	vld [tilespmem:s3+$0x1D1A0];
	v10 =	vnsel vm5, $0x0, v10  }
.Ltmp2:
0x13a: {  	v11 =	vsub.s32 v8, v1;
	v9 =	vsel vm5, v9, v14;
	v13 =	vshra.s32 v5, $0x2;
	v8 =	vld [tilespmem:s3+$0x1B930];
	[tilespmem:s3+$0x1D1D0] =	vst v10;
	(pc) =	sbr.rel @p0 .LBB2_7-.Ltmp2, $4  }
0x13b: {  	vm0 =	vmand vm1, vm0;
	[tilespmem:s3+$0x1B950] =	vst v9;
	vm5 =	vge.s32 v15, v1;
	vm6 =	vlt.s32 v15, v2  }
0x13c: {  	vm1 =	vlt.s32 v3, v2;
	v10 =	vnsel vm0, $0x0, v18;
	v9 =	vshra.s32 v15, $0x2;
	v14 =	vld [tilespmem:s3+$0x1D180];
	[tilespmem:s3+$0x1B970] =	vst v20  }
0x13d: {  	vm2 =	vmand vm4, vm2;
	[tilespmem:s3+$0x1D1C0] =	vst v10;
	v10 =	vsub.s32 v15, v1;
	v18 =	vnsel vm3, $0x0, v16  }
0x13e: {  	v16 =	vsel vm0, v12, v17;
	vm0 =	vmand vm5, vm6;
	v15 =	vnsel vm2, $0x0, v19;
	v12 =	vld [tilespmem:s3+$0x1D1E0];
	[tilespmem:s3+$0x1D1F0] =	vst v18  }
0x13f: {  	vm3 =	vge.s32 v5, v1;
	vm4 =	vlt.s32 v5, v2  }
0x140: {  	[tilespmem:s3+$0x1B940] =	vst v16;
	v5 =	vsub.s32 v5, v1;
	vm12 =	vge.s32 v3, v1;
	vm3 =	vmand vm3, vm4  }
0x141: {  	[tilespmem:s3+$0x1D1A0] =	vst v15;
	v3 =	vsub.s32 v3, v1;
	vm1 =	vmand vm12, vm1;
	v5 =	vsel vm3, v5, v13  }
0x142: {  	v3 =	vsel vm1, v3, v7;
	[tilespmem:s3+$0x1B900] =	vst v5  }
0x143: {  	v4 =	vnsel vm1, $0x0, v4;
	[tilespmem:s3+$0x1B910] =	vst v3  }
0x144: {  	v17 =	vld [tilespmem:s3+$0x1D1B0];
	v13 =	vshra.s32 v8, $0x2;
	v5 =	vsel vm2, v11, v6;
	[tilespmem:s3+$0x1D190] =	vst v4  }
0x145: {  	v6 =	vnsel vm3, $0x0, v14;
	vm2 =	vge.s32 v8, v1;
	vm3 =	vlt.s32 v8, v2;
	[tilespmem:s3+$0x1B920] =	vst v5  }
0x146: {  	[tilespmem:s3+$0x1D180] =	vst v6;
	v5 =	vsub.s32 v8, v1;
	vm2 =	vmand vm2, vm3;
	v3 =	vnsel vm0, $0x0, v12  }
0x147: {  	v5 =	vsel vm2, v5, v13;
	[tilespmem:s3+$0x1D1E0] =	vst v3  }
0x148: {  	v3 =	vsel vm0, v10, v9;
	[tilespmem:s3+$0x1B930] =	vst v5  }
0x149: {  	[tilespmem:s3+$0x1B960] =	vst v3;
	v3 =	vnsel vm2, $0x0, v17  }
0x14a: {  	[tilespmem:s3+$0x1D1B0] =	vst v3  }
0x14b: {  	[spmem:s5] =	stream.indirect.scatter.add.f32 [tilespmem:s20], [sflag:$0x4], $0x1, s19, s24, $0xb8;
	[tilespmem:$0x1F680] =	vst v63  }
0x14c: {  	_ =	swait.ge [sflag:s26], $0x1880  }
0x14d: {  	s3 =	sadd.s32 $0x620, s7;
	[sflag:s26] =	ssyncset.done $0x0  }
0x14e: {  	s6 =	simm.s32 $0x0;
	s4 =	sadd.s32 s2, s3;
	[sflag:s26] =	ssyncadd.s32 $0xFFFFE780  }
0x14f: {  	[tilespmem:s17], [sflag:$0x1] =	stream.linear.gather [hbm4b:s4+s6], $0x1880, $0x38;
	[tilespmem:$0x1F680] =	vst v63  }
0x150: {  	s3 =	sadd.s32 s1, s3  }
0x151: {  	[tilespmem:s18], [sflag:$0x1] =	stream.linear.gather [hbm4b:s3+s6], $0x1880, $0x38;
	[tilespmem:$0x1F680] =	vst v63  }
0x152: {  	_ =	swait.ge [sflag:s23], $0x1880  }
0x153: {  	[sflag:s23] =	ssyncset.done $0x0  }
0x154: {  	[sflag:s23] =	ssyncadd.s32 $0xFFFFE780  }
0x155: {  	_ =	swait.ge [sflag:s23], $0x1880  }
0x156: {  	[sflag:s23] =	ssyncset.done $0x0  }
0x157: {  	s3 =	simm.s32 $0x0;
	[sflag:s23] =	ssyncadd.s32 $0xFFFFE780  }
0x158: {  	v9 =	vld [tilespmem:s3+$0x18870]  }
0x159: {  	v8 =	vld [tilespmem:s3+$0x18840]  }
0x15a: {  	v7 =	vld [tilespmem:s3+$0x18850]  }
0x15b: {  	v10 =	vld [tilespmem:s3+$0x18820]  }
0x15c: {  	v3 =	vld [tilespmem:s3+$0x18810]  }
0x15d: {  	v11 =	vld [tilespmem:s3+$0x1A0D0];
	vm0 =	vge.s32 v9, v1;
	vm1 =	vlt.s32 v9, v2  }
0x15e: {  	v15 =	vld [tilespmem:s3+$0x18860];
	vm2 =	vlt.s32 v8, v2;
	v16 =	vsub.s32 v8, v1;
	v13 =	vshra.s32 v9, $0x2  }
0x15f: {  	vm3 =	vge.s32 v8, v1;
	vm13 =	vge.s32 v7, v1;
	vm5 =	vlt.s32 v7, v2  }
0x160: {  	v5 =	vld [tilespmem:s3+$0x18800];
	v14 =	vshra.s32 v7, $0x2;
	v6 =	vshra.s32 v10, $0x2;
	v19 =	vshra.s32 v8, $0x2  }
0x161: {  	v17 =	vld [tilespmem:s3+$0x1A0F0];
	v20 =	vsub.s32 v7, v1;
	vm14 =	vlt.s32 v10, v2;
	v7 =	vshra.s32 v3, $0x2  }
0x162: {  	v12 =	vld [tilespmem:s3+$0x1A0C0];
	v9 =	vsub.s32 v9, v1;
	vm15 =	vge.s32 v10, v1;
	vm4 =	vmand vm13, vm5  }
0x163: {  	v18 =	vld [tilespmem:s3+$0x1A0A0];
	vm6 =	vge.s32 v15, v1;
	vm7 =	vlt.s32 v15, v2;
	v11 =	vnsel vm4, $0x0, v11  }
0x164: {  	v8 =	vld [tilespmem:s3+$0x18830];
	vm0 =	vmand vm0, vm1;
	vm3 =	vmand vm3, vm2;
	v14 =	vsel vm4, v20, v14;
	[tilespmem:s3+$0x1A0D0] =	vst v11  }
0x165: {  	vm1 =	vlt.s32 v3, v2;
	vm2 =	vmand vm15, vm14;
	v9 =	vsel vm0, v9, v13;
	[tilespmem:s3+$0x18850] =	vst v14  }
0x166: {  	v13 =	vshra.s32 v5, $0x2;
	v17 =	vnsel vm0, $0x0, v17;
	v16 =	vsel vm3, v16, v19;
	v14 =	vld [tilespmem:s3+$0x1A080];
	[tilespmem:s3+$0x18870] =	vst v9  }
0x167: {  	v4 =	vld [tilespmem:s3+$0x1A090];
	vm0 =	vmand vm6, vm7;
	v11 =	vsub.s32 v10, v1;
	v10 =	vnsel vm3, $0x0, v12;
	[tilespmem:s3+$0x1A0F0] =	vst v17  }
0x168: {  	s4 =	simm.s32 $0x200;
	v9 =	vshra.s32 v15, $0x2;
	v12 =	vld [tilespmem:s3+$0x1A0E0];
	[tilespmem:s3+$0x1A0C0] =	vst v10;
	v10 =	vsub.s32 v15, v1;
	v15 =	vnsel vm2, $0x0, v18  }
.LBB2_9:
0x169: {  	s6 =	sshra.s32 s4, $0x2;
	p0 =	sne.s32 s4, $0x6000;
	s4 =	sadd.s32 $0x200, s4;
	vm3 =	vge.s32 v5, v1;
	vm4 =	vlt.s32 v5, v2;
	v17 =	vld [tilespmem:s3+$0x1A0B0];
	v18 =	vshra.s32 v8, $0x2;
	[tilespmem:s3+$0x18840] =	vst v16  }
0x16a: {  	v5 =	vsub.s32 v5, v1;
	v16 =	vld [tilespmem:s6+$0x18850];
	vm3 =	vmand vm3, vm4;
	vm4 =	vge.s32 v8, v1  }
0x16b: {  	v19 =	vld [tilespmem:s6+$0x18870];
	v5 =	vsel vm3, v5, v13;
	v13 =	vnsel vm3, $0x0, v14;
	[tilespmem:s3+$0x1A0A0] =	vst v15;
	v14 =	vsub.s32 v8, v1  }
0x16c: {  	vm3 =	vge.s32 v3, v1;
	v15 =	vld [tilespmem:s6+$0x18840];
	[tilespmem:s3+$0x18800] =	vst v5;
	v5 =	vsel vm2, v11, v6;
	vm2 =	vlt.s32 v8, v2  }
0x16d: {  	v3 =	vsub.s32 v3, v1;
	vm1 =	vmand vm3, vm1;
	[tilespmem:s3+$0x18820] =	vst v5;
	vm2 =	vmand vm4, vm2  }
0x16e: {  	v3 =	vsel vm1, v3, v7;
	v4 =	vnsel vm1, $0x0, v4;
	v8 =	vld [tilespmem:s6+$0x18820];
	[tilespmem:s3+$0x1A080] =	vst v13;
	v5 =	vsel vm2, v14, v18  }
0x16f: {  	v6 =	vnsel vm0, $0x0, v12;
	v7 =	vnsel vm2, $0x0, v17;
	v18 =	vld [tilespmem:s6+$0x1A0C0];
	[tilespmem:s3+$0x18810] =	vst v3  }
0x170: {  	v9 =	vsel vm0, v10, v9;
	v3 =	vld [tilespmem:s6+$0x18810];
	vm3 =	vge.s32 v19, v1;
	vm4 =	vlt.s32 v19, v2;
	[tilespmem:s3+$0x1A0E0] =	vst v6  }
0x171: {  	v11 =	vshra.s32 v19, $0x2;
	vm0 =	vlt.s32 v15, v2;
	v12 =	vsub.s32 v15, v1;
	v10 =	vld [tilespmem:s6+$0x1A0D0];
	[tilespmem:s3+$0x18830] =	vst v5  }
0x172: {  	vm5 =	vge.s32 v16, v1;
	v14 =	vshra.s32 v16, $0x2;
	vm1 =	vge.s32 v15, v1;
	v5 =	vld [tilespmem:s6+$0x18800];
	[tilespmem:s3+$0x18860] =	vst v9  }
0x173: {  	vm6 =	vlt.s32 v16, v2;
	v17 =	vshra.s32 v15, $0x2;
	v6 =	vshra.s32 v8, $0x2;
	v15 =	vld [tilespmem:s6+$0x18860];
	[tilespmem:s3+$0x1A090] =	vst v4  }
0x174: {  	vm5 =	vmand vm5, vm6;
	v9 =	vsub.s32 v16, v1;
	vm2 =	vlt.s32 v8, v2;
	v4 =	vld [tilespmem:s6+$0x1A090];
	[tilespmem:s3+$0x1A0B0] =	vst v7;
	s3 =	smov.u32 s6  }
0x175: {  	v13 =	vsub.s32 v19, v1;
	vm3 =	vmand vm3, vm4;
	v7 =	vshra.s32 v3, $0x2;
	v16 =	vld [tilespmem:s3+$0x1A0F0]  }
0x176: {  	v20 =	vsel vm3, v13, v11;
	vm4 =	vge.s32 v8, v1;
	v19 =	vld [tilespmem:s3+$0x1A0A0];
	v10 =	vnsel vm5, $0x0, v10  }
.Ltmp3:
0x177: {  	v11 =	vsub.s32 v8, v1;
	v9 =	vsel vm5, v9, v14;
	v13 =	vshra.s32 v5, $0x2;
	v8 =	vld [tilespmem:s3+$0x18830];
	[tilespmem:s3+$0x1A0D0] =	vst v10;
	(pc) =	sbr.rel @p0 .LBB2_9-.Ltmp3, $4  }
0x178: {  	vm0 =	vmand vm1, vm0;
	[tilespmem:s3+$0x18850] =	vst v9;
	vm5 =	vge.s32 v15, v1;
	vm6 =	vlt.s32 v15, v2  }
0x179: {  	vm1 =	vlt.s32 v3, v2;
	v10 =	vnsel vm0, $0x0, v18;
	v9 =	vshra.s32 v15, $0x2;
	v14 =	vld [tilespmem:s3+$0x1A080];
	[tilespmem:s3+$0x18870] =	vst v20  }
0x17a: {  	vm2 =	vmand vm4, vm2;
	[tilespmem:s3+$0x1A0C0] =	vst v10;
	v10 =	vsub.s32 v15, v1;
	v18 =	vnsel vm3, $0x0, v16  }
0x17b: {  	v16 =	vsel vm0, v12, v17;
	vm0 =	vmand vm5, vm6;
	v15 =	vnsel vm2, $0x0, v19;
	v12 =	vld [tilespmem:s3+$0x1A0E0];
	[tilespmem:s3+$0x1A0F0] =	vst v18  }
0x17c: {  	vm3 =	vge.s32 v5, v1;
	vm4 =	vlt.s32 v5, v2  }
0x17d: {  	[tilespmem:s3+$0x18840] =	vst v16;
	v5 =	vsub.s32 v5, v1;
	vm12 =	vge.s32 v3, v1;
	vm3 =	vmand vm3, vm4  }
0x17e: {  	[tilespmem:s3+$0x1A0A0] =	vst v15;
	v3 =	vsub.s32 v3, v1;
	vm1 =	vmand vm12, vm1;
	v5 =	vsel vm3, v5, v13  }
0x17f: {  	v3 =	vsel vm1, v3, v7;
	[tilespmem:s3+$0x18800] =	vst v5  }
0x180: {  	v4 =	vnsel vm1, $0x0, v4;
	[tilespmem:s3+$0x18810] =	vst v3  }
0x181: {  	v17 =	vld [tilespmem:s3+$0x1A0B0];
	v13 =	vshra.s32 v8, $0x2;
	v5 =	vsel vm2, v11, v6;
	[tilespmem:s3+$0x1A090] =	vst v4  }
0x182: {  	v6 =	vnsel vm3, $0x0, v14;
	vm2 =	vge.s32 v8, v1;
	vm3 =	vlt.s32 v8, v2;
	[tilespmem:s3+$0x18820] =	vst v5  }
0x183: {  	[tilespmem:s3+$0x1A080] =	vst v6;
	v5 =	vsub.s32 v8, v1;
	vm2 =	vmand vm2, vm3;
	v3 =	vnsel vm0, $0x0, v12  }
0x184: {  	v5 =	vsel vm2, v5, v13;
	[tilespmem:s3+$0x1A0E0] =	vst v3  }
0x185: {  	v3 =	vsel vm0, v10, v9;
	[tilespmem:s3+$0x18830] =	vst v5  }
0x186: {  	[tilespmem:s3+$0x18860] =	vst v3;
	v3 =	vnsel vm2, $0x0, v17  }
0x187: {  	[tilespmem:s3+$0x1A0B0] =	vst v3  }
0x188: {  	[spmem:s5] =	stream.indirect.scatter.add.f32 [tilespmem:s18], [sflag:$0x3], $0x1, s17, s24, $0xb8;
	[tilespmem:$0x1F680] =	vst v63  }
0x189: {  	_ =	swait.ge [sflag:s28], $0x1880  }
0x18a: {  	s3 =	sadd.s32 $0x930, s7;
	[sflag:s28] =	ssyncset.done $0x0  }
0x18b: {  	s6 =	simm.s32 $0x0;
	s4 =	sadd.s32 s2, s3;
	[sflag:s28] =	ssyncadd.s32 $0xFFFFE780  }
0x18c: {  	[tilespmem:s19], [sflag:$0x2] =	stream.linear.gather [hbm4b:s4+s6], $0x1880, $0x38;
	[tilespmem:$0x1F680] =	vst v63  }
0x18d: {  	s3 =	sadd.s32 s1, s3  }
0x18e: {  	[tilespmem:s20], [sflag:$0x2] =	stream.linear.gather [hbm4b:s3+s6], $0x1880, $0x38;
	[tilespmem:$0x1F680] =	vst v63  }
0x18f: {  	_ =	swait.ge [sflag:s25], $0x1880  }
0x190: {  	[sflag:s25] =	ssyncset.done $0x0  }
0x191: {  	[sflag:s25] =	ssyncadd.s32 $0xFFFFE780  }
0x192: {  	_ =	swait.ge [sflag:s25], $0x1880  }
0x193: {  	[sflag:s25] =	ssyncset.done $0x0  }
0x194: {  	s3 =	simm.s32 $0x0;
	[sflag:s25] =	ssyncadd.s32 $0xFFFFE780  }
0x195: {  	v9 =	vld [tilespmem:s3+$0x1B970]  }
0x196: {  	v8 =	vld [tilespmem:s3+$0x1B940]  }
0x197: {  	v7 =	vld [tilespmem:s3+$0x1B950]  }
0x198: {  	v10 =	vld [tilespmem:s3+$0x1B920]  }
0x199: {  	v3 =	vld [tilespmem:s3+$0x1B910]  }
0x19a: {  	v11 =	vld [tilespmem:s3+$0x1D1D0];
	vm0 =	vge.s32 v9, v1;
	vm1 =	vlt.s32 v9, v2  }
0x19b: {  	v15 =	vld [tilespmem:s3+$0x1B960];
	vm2 =	vlt.s32 v8, v2;
	v16 =	vsub.s32 v8, v1;
	v13 =	vshra.s32 v9, $0x2  }
0x19c: {  	vm3 =	vge.s32 v8, v1;
	vm13 =	vge.s32 v7, v1;
	vm5 =	vlt.s32 v7, v2  }
0x19d: {  	v5 =	vld [tilespmem:s3+$0x1B900];
	v14 =	vshra.s32 v7, $0x2;
	v6 =	vshra.s32 v10, $0x2;
	v19 =	vshra.s32 v8, $0x2  }
0x19e: {  	v17 =	vld [tilespmem:s3+$0x1D1F0];
	v20 =	vsub.s32 v7, v1;
	vm14 =	vlt.s32 v10, v2;
	v7 =	vshra.s32 v3, $0x2  }
0x19f: {  	v12 =	vld [tilespmem:s3+$0x1D1C0];
	v9 =	vsub.s32 v9, v1;
	vm15 =	vge.s32 v10, v1;
	vm4 =	vmand vm13, vm5  }
0x1a0: {  	v18 =	vld [tilespmem:s3+$0x1D1A0];
	vm6 =	vge.s32 v15, v1;
	vm7 =	vlt.s32 v15, v2;
	v11 =	vnsel vm4, $0x0, v11  }
0x1a1: {  	v8 =	vld [tilespmem:s3+$0x1B930];
	vm0 =	vmand vm0, vm1;
	vm3 =	vmand vm3, vm2;
	v14 =	vsel vm4, v20, v14;
	[tilespmem:s3+$0x1D1D0] =	vst v11  }
0x1a2: {  	vm1 =	vlt.s32 v3, v2;
	vm2 =	vmand vm15, vm14;
	v9 =	vsel vm0, v9, v13;
	[tilespmem:s3+$0x1B950] =	vst v14  }
0x1a3: {  	v13 =	vshra.s32 v5, $0x2;
	v17 =	vnsel vm0, $0x0, v17;
	v16 =	vsel vm3, v16, v19;
	v14 =	vld [tilespmem:s3+$0x1D180];
	[tilespmem:s3+$0x1B970] =	vst v9  }
0x1a4: {  	v4 =	vld [tilespmem:s3+$0x1D190];
	vm0 =	vmand vm6, vm7;
	v11 =	vsub.s32 v10, v1;
	v10 =	vnsel vm3, $0x0, v12;
	[tilespmem:s3+$0x1D1F0] =	vst v17  }
0x1a5: {  	s4 =	simm.s32 $0x200;
	v9 =	vshra.s32 v15, $0x2;
	v12 =	vld [tilespmem:s3+$0x1D1E0];
	[tilespmem:s3+$0x1D1C0] =	vst v10;
	v10 =	vsub.s32 v15, v1;
	v15 =	vnsel vm2, $0x0, v18  }
.LBB2_11:
0x1a6: {  	s6 =	sshra.s32 s4, $0x2;
	p0 =	sne.s32 s4, $0x6000;
	s4 =	sadd.s32 $0x200, s4;
	vm3 =	vge.s32 v5, v1;
	vm4 =	vlt.s32 v5, v2;
	v17 =	vld [tilespmem:s3+$0x1D1B0];
	v18 =	vshra.s32 v8, $0x2;
	[tilespmem:s3+$0x1B940] =	vst v16  }
0x1a7: {  	v5 =	vsub.s32 v5, v1;
	v16 =	vld [tilespmem:s6+$0x1B950];
	vm3 =	vmand vm3, vm4;
	vm4 =	vge.s32 v8, v1  }
0x1a8: {  	v19 =	vld [tilespmem:s6+$0x1B970];
	v5 =	vsel vm3, v5, v13;
	v13 =	vnsel vm3, $0x0, v14;
	[tilespmem:s3+$0x1D1A0] =	vst v15;
	v14 =	vsub.s32 v8, v1  }
0x1a9: {  	vm3 =	vge.s32 v3, v1;
	v15 =	vld [tilespmem:s6+$0x1B940];
	[tilespmem:s3+$0x1B900] =	vst v5;
	v5 =	vsel vm2, v11, v6;
	vm2 =	vlt.s32 v8, v2  }
0x1aa: {  	v3 =	vsub.s32 v3, v1;
	vm1 =	vmand vm3, vm1;
	[tilespmem:s3+$0x1B920] =	vst v5;
	vm2 =	vmand vm4, vm2  }
0x1ab: {  	v3 =	vsel vm1, v3, v7;
	v4 =	vnsel vm1, $0x0, v4;
	v8 =	vld [tilespmem:s6+$0x1B920];
	[tilespmem:s3+$0x1D180] =	vst v13;
	v5 =	vsel vm2, v14, v18  }
0x1ac: {  	v6 =	vnsel vm0, $0x0, v12;
	v7 =	vnsel vm2, $0x0, v17;
	v18 =	vld [tilespmem:s6+$0x1D1C0];
	[tilespmem:s3+$0x1B910] =	vst v3  }
0x1ad: {  	v9 =	vsel vm0, v10, v9;
	v3 =	vld [tilespmem:s6+$0x1B910];
	vm3 =	vge.s32 v19, v1;
	vm4 =	vlt.s32 v19, v2;
	[tilespmem:s3+$0x1D1E0] =	vst v6  }
0x1ae: {  	v11 =	vshra.s32 v19, $0x2;
	vm0 =	vlt.s32 v15, v2;
	v12 =	vsub.s32 v15, v1;
	v10 =	vld [tilespmem:s6+$0x1D1D0];
	[tilespmem:s3+$0x1B930] =	vst v5  }
0x1af: {  	vm5 =	vge.s32 v16, v1;
	v14 =	vshra.s32 v16, $0x2;
	vm1 =	vge.s32 v15, v1;
	v5 =	vld [tilespmem:s6+$0x1B900];
	[tilespmem:s3+$0x1B960] =	vst v9  }
0x1b0: {  	vm6 =	vlt.s32 v16, v2;
	v17 =	vshra.s32 v15, $0x2;
	v6 =	vshra.s32 v8, $0x2;
	v15 =	vld [tilespmem:s6+$0x1B960];
	[tilespmem:s3+$0x1D190] =	vst v4  }
0x1b1: {  	vm5 =	vmand vm5, vm6;
	v9 =	vsub.s32 v16, v1;
	vm2 =	vlt.s32 v8, v2;
	v4 =	vld [tilespmem:s6+$0x1D190];
	[tilespmem:s3+$0x1D1B0] =	vst v7;
	s3 =	smov.u32 s6  }
0x1b2: {  	v13 =	vsub.s32 v19, v1;
	vm3 =	vmand vm3, vm4;
	v7 =	vshra.s32 v3, $0x2;
	v16 =	vld [tilespmem:s3+$0x1D1F0]  }
0x1b3: {  	v20 =	vsel vm3, v13, v11;
	vm4 =	vge.s32 v8, v1;
	v19 =	vld [tilespmem:s3+$0x1D1A0];
	v10 =	vnsel vm5, $0x0, v10  }
.Ltmp4:
0x1b4: {  	v11 =	vsub.s32 v8, v1;
	v9 =	vsel vm5, v9, v14;
	v13 =	vshra.s32 v5, $0x2;
	v8 =	vld [tilespmem:s3+$0x1B930];
	[tilespmem:s3+$0x1D1D0] =	vst v10;
	(pc) =	sbr.rel @p0 .LBB2_11-.Ltmp4, $4  }
0x1b5: {  	vm0 =	vmand vm1, vm0;
	[tilespmem:s3+$0x1B950] =	vst v9;
	vm5 =	vge.s32 v15, v1;
	vm6 =	vlt.s32 v15, v2  }
0x1b6: {  	vm1 =	vlt.s32 v3, v2;
	v10 =	vnsel vm0, $0x0, v18;
	v9 =	vshra.s32 v15, $0x2;
	v14 =	vld [tilespmem:s3+$0x1D180];
	[tilespmem:s3+$0x1B970] =	vst v20  }
0x1b7: {  	vm2 =	vmand vm4, vm2;
	[tilespmem:s3+$0x1D1C0] =	vst v10;
	v10 =	vsub.s32 v15, v1;
	v18 =	vnsel vm3, $0x0, v16  }
0x1b8: {  	v16 =	vsel vm0, v12, v17;
	vm0 =	vmand vm5, vm6;
	v15 =	vnsel vm2, $0x0, v19;
	v12 =	vld [tilespmem:s3+$0x1D1E0];
	[tilespmem:s3+$0x1D1F0] =	vst v18  }
0x1b9: {  	vm3 =	vge.s32 v5, v1;
	vm4 =	vlt.s32 v5, v2  }
0x1ba: {  	[tilespmem:s3+$0x1B940] =	vst v16;
	v5 =	vsub.s32 v5, v1;
	vm12 =	vge.s32 v3, v1;
	vm3 =	vmand vm3, vm4  }
0x1bb: {  	[tilespmem:s3+$0x1D1A0] =	vst v15;
	v3 =	vsub.s32 v3, v1;
	vm1 =	vmand vm12, vm1;
	v5 =	vsel vm3, v5, v13  }
0x1bc: {  	v3 =	vsel vm1, v3, v7;
	[tilespmem:s3+$0x1B900] =	vst v5  }
0x1bd: {  	v4 =	vnsel vm1, $0x0, v4;
	[tilespmem:s3+$0x1B910] =	vst v3  }
0x1be: {  	v17 =	vld [tilespmem:s3+$0x1D1B0];
	v13 =	vshra.s32 v8, $0x2;
	v5 =	vsel vm2, v11, v6;
	[tilespmem:s3+$0x1D190] =	vst v4  }
0x1bf: {  	v6 =	vnsel vm3, $0x0, v14;
	vm2 =	vge.s32 v8, v1;
	vm3 =	vlt.s32 v8, v2;
	[tilespmem:s3+$0x1B920] =	vst v5  }
0x1c0: {  	[tilespmem:s3+$0x1D180] =	vst v6;
	v5 =	vsub.s32 v8, v1;
	vm2 =	vmand vm2, vm3;
	v3 =	vnsel vm0, $0x0, v12  }
0x1c1: {  	v5 =	vsel vm2, v5, v13;
	[tilespmem:s3+$0x1D1E0] =	vst v3  }
0x1c2: {  	v3 =	vsel vm0, v10, v9;
	[tilespmem:s3+$0x1B930] =	vst v5  }
0x1c3: {  	[tilespmem:s3+$0x1B960] =	vst v3;
	v3 =	vnsel vm2, $0x0, v17  }
0x1c4: {  	[tilespmem:s3+$0x1D1B0] =	vst v3  }
0x1c5: {  	[spmem:s5] =	stream.indirect.scatter.add.f32 [tilespmem:s20], [sflag:$0x4], $0x1, s19, s24, $0xb8;
	[tilespmem:$0x1F680] =	vst v63  }
0x1c6: {  	_ =	swait.ge [sflag:s26], $0x1880  }
0x1c7: {  	s3 =	sadd.s32 $0xC40, s7;
	[sflag:s26] =	ssyncset.done $0x0  }
0x1c8: {  	s6 =	simm.s32 $0x0;
	s4 =	sadd.s32 s2, s3;
	[sflag:s26] =	ssyncadd.s32 $0xFFFFE780  }
0x1c9: {  	[tilespmem:s17], [sflag:$0x1] =	stream.linear.gather [hbm4b:s4+s6], $0x1880, $0x38;
	[tilespmem:$0x1F680] =	vst v63  }
0x1ca: {  	s3 =	sadd.s32 s1, s3  }
0x1cb: {  	[tilespmem:s18], [sflag:$0x1] =	stream.linear.gather [hbm4b:s3+s6], $0x1880, $0x38;
	[tilespmem:$0x1F680] =	vst v63  }
0x1cc: {  	_ =	swait.ge [sflag:s23], $0x1880  }
0x1cd: {  	[sflag:s23] =	ssyncset.done $0x0  }
0x1ce: {  	[sflag:s23] =	ssyncadd.s32 $0xFFFFE780  }
0x1cf: {  	_ =	swait.ge [sflag:s23], $0x1880  }
0x1d0: {  	[sflag:s23] =	ssyncset.done $0x0  }
0x1d1: {  	s3 =	simm.s32 $0x0;
	[sflag:s23] =	ssyncadd.s32 $0xFFFFE780  }
0x1d2: {  	v9 =	vld [tilespmem:s3+$0x18870]  }
0x1d3: {  	v8 =	vld [tilespmem:s3+$0x18840]  }
0x1d4: {  	v7 =	vld [tilespmem:s3+$0x18850]  }
0x1d5: {  	v10 =	vld [tilespmem:s3+$0x18820]  }
0x1d6: {  	v3 =	vld [tilespmem:s3+$0x18810]  }
0x1d7: {  	v11 =	vld [tilespmem:s3+$0x1A0D0];
	vm0 =	vge.s32 v9, v1;
	vm1 =	vlt.s32 v9, v2  }
0x1d8: {  	v15 =	vld [tilespmem:s3+$0x18860];
	vm2 =	vlt.s32 v8, v2;
	v16 =	vsub.s32 v8, v1;
	v13 =	vshra.s32 v9, $0x2  }
0x1d9: {  	vm3 =	vge.s32 v8, v1;
	vm13 =	vge.s32 v7, v1;
	vm5 =	vlt.s32 v7, v2  }
0x1da: {  	v5 =	vld [tilespmem:s3+$0x18800];
	v14 =	vshra.s32 v7, $0x2;
	v6 =	vshra.s32 v10, $0x2;
	v19 =	vshra.s32 v8, $0x2  }
0x1db: {  	v17 =	vld [tilespmem:s3+$0x1A0F0];
	v20 =	vsub.s32 v7, v1;
	vm14 =	vlt.s32 v10, v2;
	v7 =	vshra.s32 v3, $0x2  }
0x1dc: {  	v12 =	vld [tilespmem:s3+$0x1A0C0];
	v9 =	vsub.s32 v9, v1;
	vm15 =	vge.s32 v10, v1;
	vm4 =	vmand vm13, vm5  }
0x1dd: {  	v18 =	vld [tilespmem:s3+$0x1A0A0];
	vm6 =	vge.s32 v15, v1;
	vm7 =	vlt.s32 v15, v2;
	v11 =	vnsel vm4, $0x0, v11  }
0x1de: {  	v8 =	vld [tilespmem:s3+$0x18830];
	vm0 =	vmand vm0, vm1;
	vm3 =	vmand vm3, vm2;
	v14 =	vsel vm4, v20, v14;
	[tilespmem:s3+$0x1A0D0] =	vst v11  }
0x1df: {  	vm1 =	vlt.s32 v3, v2;
	vm2 =	vmand vm15, vm14;
	v9 =	vsel vm0, v9, v13;
	[tilespmem:s3+$0x18850] =	vst v14  }
0x1e0: {  	v13 =	vshra.s32 v5, $0x2;
	v17 =	vnsel vm0, $0x0, v17;
	v16 =	vsel vm3, v16, v19;
	v14 =	vld [tilespmem:s3+$0x1A080];
	[tilespmem:s3+$0x18870] =	vst v9  }
0x1e1: {  	v4 =	vld [tilespmem:s3+$0x1A090];
	vm0 =	vmand vm6, vm7;
	v11 =	vsub.s32 v10, v1;
	v10 =	vnsel vm3, $0x0, v12;
	[tilespmem:s3+$0x1A0F0] =	vst v17  }
0x1e2: {  	s4 =	simm.s32 $0x200;
	v9 =	vshra.s32 v15, $0x2;
	v12 =	vld [tilespmem:s3+$0x1A0E0];
	[tilespmem:s3+$0x1A0C0] =	vst v10;
	v10 =	vsub.s32 v15, v1;
	v15 =	vnsel vm2, $0x0, v18  }
.LBB2_13:
0x1e3: {  	s6 =	sshra.s32 s4, $0x2;
	p0 =	sne.s32 s4, $0x6000;
	s4 =	sadd.s32 $0x200, s4;
	vm3 =	vge.s32 v5, v1;
	vm4 =	vlt.s32 v5, v2;
	v17 =	vld [tilespmem:s3+$0x1A0B0];
	v18 =	vshra.s32 v8, $0x2;
	[tilespmem:s3+$0x18840] =	vst v16  }
0x1e4: {  	v5 =	vsub.s32 v5, v1;
	v16 =	vld [tilespmem:s6+$0x18850];
	vm3 =	vmand vm3, vm4;
	vm4 =	vge.s32 v8, v1  }
0x1e5: {  	v19 =	vld [tilespmem:s6+$0x18870];
	v5 =	vsel vm3, v5, v13;
	v13 =	vnsel vm3, $0x0, v14;
	[tilespmem:s3+$0x1A0A0] =	vst v15;
	v14 =	vsub.s32 v8, v1  }
0x1e6: {  	vm3 =	vge.s32 v3, v1;
	v15 =	vld [tilespmem:s6+$0x18840];
	[tilespmem:s3+$0x18800] =	vst v5;
	v5 =	vsel vm2, v11, v6;
	vm2 =	vlt.s32 v8, v2  }
0x1e7: {  	v3 =	vsub.s32 v3, v1;
	vm1 =	vmand vm3, vm1;
	[tilespmem:s3+$0x18820] =	vst v5;
	vm2 =	vmand vm4, vm2  }
0x1e8: {  	v3 =	vsel vm1, v3, v7;
	v4 =	vnsel vm1, $0x0, v4;
	v8 =	vld [tilespmem:s6+$0x18820];
	[tilespmem:s3+$0x1A080] =	vst v13;
	v5 =	vsel vm2, v14, v18  }
0x1e9: {  	v6 =	vnsel vm0, $0x0, v12;
	v7 =	vnsel vm2, $0x0, v17;
	v18 =	vld [tilespmem:s6+$0x1A0C0];
	[tilespmem:s3+$0x18810] =	vst v3  }
0x1ea: {  	v9 =	vsel vm0, v10, v9;
	v3 =	vld [tilespmem:s6+$0x18810];
	vm3 =	vge.s32 v19, v1;
	vm4 =	vlt.s32 v19, v2;
	[tilespmem:s3+$0x1A0E0] =	vst v6  }
0x1eb: {  	v11 =	vshra.s32 v19, $0x2;
	vm0 =	vlt.s32 v15, v2;
	v12 =	vsub.s32 v15, v1;
	v10 =	vld [tilespmem:s6+$0x1A0D0];
	[tilespmem:s3+$0x18830] =	vst v5  }
0x1ec: {  	vm5 =	vge.s32 v16, v1;
	v14 =	vshra.s32 v16, $0x2;
	vm1 =	vge.s32 v15, v1;
	v5 =	vld [tilespmem:s6+$0x18800];
	[tilespmem:s3+$0x18860] =	vst v9  }
0x1ed: {  	vm6 =	vlt.s32 v16, v2;
	v17 =	vshra.s32 v15, $0x2;
	v6 =	vshra.s32 v8, $0x2;
	v15 =	vld [tilespmem:s6+$0x18860];
	[tilespmem:s3+$0x1A090] =	vst v4  }
0x1ee: {  	vm5 =	vmand vm5, vm6;
	v9 =	vsub.s32 v16, v1;
	vm2 =	vlt.s32 v8, v2;
	v4 =	vld [tilespmem:s6+$0x1A090];
	[tilespmem:s3+$0x1A0B0] =	vst v7;
	s3 =	smov.u32 s6  }
0x1ef: {  	v13 =	vsub.s32 v19, v1;
	vm3 =	vmand vm3, vm4;
	v7 =	vshra.s32 v3, $0x2;
	v16 =	vld [tilespmem:s3+$0x1A0F0]  }
0x1f0: {  	v20 =	vsel vm3, v13, v11;
	vm4 =	vge.s32 v8, v1;
	v19 =	vld [tilespmem:s3+$0x1A0A0];
	v10 =	vnsel vm5, $0x0, v10  }
.Ltmp5:
0x1f1: {  	v11 =	vsub.s32 v8, v1;
	v9 =	vsel vm5, v9, v14;
	v13 =	vshra.s32 v5, $0x2;
	v8 =	vld [tilespmem:s3+$0x18830];
	[tilespmem:s3+$0x1A0D0] =	vst v10;
	(pc) =	sbr.rel @p0 .LBB2_13-.Ltmp5, $4  }
0x1f2: {  	vm0 =	vmand vm1, vm0;
	[tilespmem:s3+$0x18850] =	vst v9;
	vm5 =	vge.s32 v15, v1;
	vm6 =	vlt.s32 v15, v2  }
0x1f3: {  	vm1 =	vlt.s32 v3, v2;
	v10 =	vnsel vm0, $0x0, v18;
	v9 =	vshra.s32 v15, $0x2;
	v14 =	vld [tilespmem:s3+$0x1A080];
	[tilespmem:s3+$0x18870] =	vst v20  }
0x1f4: {  	vm2 =	vmand vm4, vm2;
	[tilespmem:s3+$0x1A0C0] =	vst v10;
	v10 =	vsub.s32 v15, v1;
	v18 =	vnsel vm3, $0x0, v16  }
0x1f5: {  	v16 =	vsel vm0, v12, v17;
	vm0 =	vmand vm5, vm6;
	v15 =	vnsel vm2, $0x0, v19;
	v12 =	vld [tilespmem:s3+$0x1A0E0];
	[tilespmem:s3+$0x1A0F0] =	vst v18  }
0x1f6: {  	vm3 =	vge.s32 v5, v1;
	vm4 =	vlt.s32 v5, v2  }
0x1f7: {  	[tilespmem:s3+$0x18840] =	vst v16;
	v5 =	vsub.s32 v5, v1;
	vm12 =	vge.s32 v3, v1;
	vm3 =	vmand vm3, vm4  }
0x1f8: {  	[tilespmem:s3+$0x1A0A0] =	vst v15;
	v3 =	vsub.s32 v3, v1;
	vm1 =	vmand vm12, vm1;
	v5 =	vsel vm3, v5, v13  }
0x1f9: {  	v3 =	vsel vm1, v3, v7;
	[tilespmem:s3+$0x18800] =	vst v5  }
0x1fa: {  	v4 =	vnsel vm1, $0x0, v4;
	[tilespmem:s3+$0x18810] =	vst v3  }
0x1fb: {  	v17 =	vld [tilespmem:s3+$0x1A0B0];
	v13 =	vshra.s32 v8, $0x2;
	v5 =	vsel vm2, v11, v6;
	[tilespmem:s3+$0x1A090] =	vst v4  }
0x1fc: {  	v6 =	vnsel vm3, $0x0, v14;
	vm2 =	vge.s32 v8, v1;
	vm3 =	vlt.s32 v8, v2;
	[tilespmem:s3+$0x18820] =	vst v5  }
0x1fd: {  	[tilespmem:s3+$0x1A080] =	vst v6;
	v5 =	vsub.s32 v8, v1;
	vm2 =	vmand vm2, vm3;
	v3 =	vnsel vm0, $0x0, v12  }
0x1fe: {  	v5 =	vsel vm2, v5, v13;
	[tilespmem:s3+$0x1A0E0] =	vst v3  }
0x1ff: {  	v3 =	vsel vm0, v10, v9;
	[tilespmem:s3+$0x18830] =	vst v5  }
0x200: {  	[tilespmem:s3+$0x18860] =	vst v3;
	v3 =	vnsel vm2, $0x0, v17  }
0x201: {  	[tilespmem:s3+$0x1A0B0] =	vst v3  }
0x202: {  	[spmem:s5] =	stream.indirect.scatter.add.f32 [tilespmem:s18], [sflag:$0x3], $0x1, s17, s24, $0xb8;
	[tilespmem:$0x1F680] =	vst v63  }
0x203: {  	_ =	swait.ge [sflag:s28], $0x1880  }
0x204: {  	s3 =	sadd.s32 $0xF50, s7;
	[sflag:s28] =	ssyncset.done $0x0  }
0x205: {  	s6 =	simm.s32 $0x0;
	s4 =	sadd.s32 s2, s3;
	[sflag:s28] =	ssyncadd.s32 $0xFFFFE780  }
0x206: {  	[tilespmem:s19], [sflag:$0x2] =	stream.linear.gather [hbm4b:s4+s6], $0x1880, $0x38;
	[tilespmem:$0x1F680] =	vst v63  }
0x207: {  	s3 =	sadd.s32 s1, s3  }
0x208: {  	[tilespmem:s20], [sflag:$0x2] =	stream.linear.gather [hbm4b:s3+s6], $0x1880, $0x38;
	[tilespmem:$0x1F680] =	vst v63  }
0x209: {  	_ =	swait.ge [sflag:s25], $0x1880  }
0x20a: {  	[sflag:s25] =	ssyncset.done $0x0  }
0x20b: {  	[sflag:s25] =	ssyncadd.s32 $0xFFFFE780  }
0x20c: {  	_ =	swait.ge [sflag:s25], $0x1880  }
0x20d: {  	[sflag:s25] =	ssyncset.done $0x0  }
0x20e: {  	s3 =	simm.s32 $0x0;
	[sflag:s25] =	ssyncadd.s32 $0xFFFFE780  }
0x20f: {  	v9 =	vld [tilespmem:s3+$0x1B970]  }
0x210: {  	v8 =	vld [tilespmem:s3+$0x1B940]  }
0x211: {  	v7 =	vld [tilespmem:s3+$0x1B950]  }
0x212: {  	v10 =	vld [tilespmem:s3+$0x1B920]  }
0x213: {  	v3 =	vld [tilespmem:s3+$0x1B910]  }
0x214: {  	v11 =	vld [tilespmem:s3+$0x1D1D0];
	vm0 =	vge.s32 v9, v1;
	vm1 =	vlt.s32 v9, v2  }
0x215: {  	v15 =	vld [tilespmem:s3+$0x1B960];
	vm2 =	vlt.s32 v8, v2;
	v16 =	vsub.s32 v8, v1;
	v13 =	vshra.s32 v9, $0x2  }
0x216: {  	vm3 =	vge.s32 v8, v1;
	vm13 =	vge.s32 v7, v1;
	vm5 =	vlt.s32 v7, v2  }
0x217: {  	v5 =	vld [tilespmem:s3+$0x1B900];
	v14 =	vshra.s32 v7, $0x2;
	v6 =	vshra.s32 v10, $0x2;
	v19 =	vshra.s32 v8, $0x2  }
0x218: {  	v17 =	vld [tilespmem:s3+$0x1D1F0];
	v20 =	vsub.s32 v7, v1;
	vm14 =	vlt.s32 v10, v2;
	v7 =	vshra.s32 v3, $0x2  }
0x219: {  	v12 =	vld [tilespmem:s3+$0x1D1C0];
	v9 =	vsub.s32 v9, v1;
	vm15 =	vge.s32 v10, v1;
	vm4 =	vmand vm13, vm5  }
0x21a: {  	v18 =	vld [tilespmem:s3+$0x1D1A0];
	vm6 =	vge.s32 v15, v1;
	vm7 =	vlt.s32 v15, v2;
	v11 =	vnsel vm4, $0x0, v11  }
0x21b: {  	v8 =	vld [tilespmem:s3+$0x1B930];
	vm0 =	vmand vm0, vm1;
	vm3 =	vmand vm3, vm2;
	v14 =	vsel vm4, v20, v14;
	[tilespmem:s3+$0x1D1D0] =	vst v11  }
0x21c: {  	vm1 =	vlt.s32 v3, v2;
	vm2 =	vmand vm15, vm14;
	v9 =	vsel vm0, v9, v13;
	[tilespmem:s3+$0x1B950] =	vst v14  }
0x21d: {  	v13 =	vshra.s32 v5, $0x2;
	v17 =	vnsel vm0, $0x0, v17;
	v16 =	vsel vm3, v16, v19;
	v14 =	vld [tilespmem:s3+$0x1D180];
	[tilespmem:s3+$0x1B970] =	vst v9  }
0x21e: {  	v4 =	vld [tilespmem:s3+$0x1D190];
	vm0 =	vmand vm6, vm7;
	v11 =	vsub.s32 v10, v1;
	v10 =	vnsel vm3, $0x0, v12;
	[tilespmem:s3+$0x1D1F0] =	vst v17  }
0x21f: {  	s4 =	simm.s32 $0x200;
	v9 =	vshra.s32 v15, $0x2;
	v12 =	vld [tilespmem:s3+$0x1D1E0];
	[tilespmem:s3+$0x1D1C0] =	vst v10;
	v10 =	vsub.s32 v15, v1;
	v15 =	vnsel vm2, $0x0, v18  }
.LBB2_15:
0x220: {  	s6 =	sshra.s32 s4, $0x2;
	p0 =	sne.s32 s4, $0x6000;
	s4 =	sadd.s32 $0x200, s4;
	vm3 =	vge.s32 v5, v1;
	vm4 =	vlt.s32 v5, v2;
	v17 =	vld [tilespmem:s3+$0x1D1B0];
	v18 =	vshra.s32 v8, $0x2;
	[tilespmem:s3+$0x1B940] =	vst v16  }
0x221: {  	v5 =	vsub.s32 v5, v1;
	v16 =	vld [tilespmem:s6+$0x1B950];
	vm3 =	vmand vm3, vm4;
	vm4 =	vge.s32 v8, v1  }
0x222: {  	v19 =	vld [tilespmem:s6+$0x1B970];
	v5 =	vsel vm3, v5, v13;
	v13 =	vnsel vm3, $0x0, v14;
	[tilespmem:s3+$0x1D1A0] =	vst v15;
	v14 =	vsub.s32 v8, v1  }
0x223: {  	vm3 =	vge.s32 v3, v1;
	v15 =	vld [tilespmem:s6+$0x1B940];
	[tilespmem:s3+$0x1B900] =	vst v5;
	v5 =	vsel vm2, v11, v6;
	vm2 =	vlt.s32 v8, v2  }
0x224: {  	v3 =	vsub.s32 v3, v1;
	vm1 =	vmand vm3, vm1;
	[tilespmem:s3+$0x1B920] =	vst v5;
	vm2 =	vmand vm4, vm2  }
0x225: {  	v3 =	vsel vm1, v3, v7;
	v4 =	vnsel vm1, $0x0, v4;
	v8 =	vld [tilespmem:s6+$0x1B920];
	[tilespmem:s3+$0x1D180] =	vst v13;
	v5 =	vsel vm2, v14, v18  }
0x226: {  	v6 =	vnsel vm0, $0x0, v12;
	v7 =	vnsel vm2, $0x0, v17;
	v18 =	vld [tilespmem:s6+$0x1D1C0];
	[tilespmem:s3+$0x1B910] =	vst v3  }
0x227: {  	v9 =	vsel vm0, v10, v9;
	v3 =	vld [tilespmem:s6+$0x1B910];
	vm3 =	vge.s32 v19, v1;
	vm4 =	vlt.s32 v19, v2;
	[tilespmem:s3+$0x1D1E0] =	vst v6  }
0x228: {  	v11 =	vshra.s32 v19, $0x2;
	vm0 =	vlt.s32 v15, v2;
	v12 =	vsub.s32 v15, v1;
	v10 =	vld [tilespmem:s6+$0x1D1D0];
	[tilespmem:s3+$0x1B930] =	vst v5  }
0x229: {  	vm5 =	vge.s32 v16, v1;
	v14 =	vshra.s32 v16, $0x2;
	vm1 =	vge.s32 v15, v1;
	v5 =	vld [tilespmem:s6+$0x1B900];
	[tilespmem:s3+$0x1B960] =	vst v9  }
0x22a: {  	vm6 =	vlt.s32 v16, v2;
	v17 =	vshra.s32 v15, $0x2;
	v6 =	vshra.s32 v8, $0x2;
	v15 =	vld [tilespmem:s6+$0x1B960];
	[tilespmem:s3+$0x1D190] =	vst v4  }
0x22b: {  	vm5 =	vmand vm5, vm6;
	v9 =	vsub.s32 v16, v1;
	vm2 =	vlt.s32 v8, v2;
	v4 =	vld [tilespmem:s6+$0x1D190];
	[tilespmem:s3+$0x1D1B0] =	vst v7;
	s3 =	smov.u32 s6  }
0x22c: {  	v13 =	vsub.s32 v19, v1;
	vm3 =	vmand vm3, vm4;
	v7 =	vshra.s32 v3, $0x2;
	v16 =	vld [tilespmem:s3+$0x1D1F0]  }
0x22d: {  	v20 =	vsel vm3, v13, v11;
	vm4 =	vge.s32 v8, v1;
	v19 =	vld [tilespmem:s3+$0x1D1A0];
	v10 =	vnsel vm5, $0x0, v10  }
.Ltmp6:
0x22e: {  	v11 =	vsub.s32 v8, v1;
	v9 =	vsel vm5, v9, v14;
	v13 =	vshra.s32 v5, $0x2;
	v8 =	vld [tilespmem:s3+$0x1B930];
	[tilespmem:s3+$0x1D1D0] =	vst v10;
	(pc) =	sbr.rel @p0 .LBB2_15-.Ltmp6, $4  }
0x22f: {  	vm0 =	vmand vm1, vm0;
	[tilespmem:s3+$0x1B950] =	vst v9;
	vm5 =	vge.s32 v15, v1;
	vm6 =	vlt.s32 v15, v2  }
0x230: {  	vm1 =	vlt.s32 v3, v2;
	v10 =	vnsel vm0, $0x0, v18;
	v9 =	vshra.s32 v15, $0x2;
	v14 =	vld [tilespmem:s3+$0x1D180];
	[tilespmem:s3+$0x1B970] =	vst v20  }
0x231: {  	vm2 =	vmand vm4, vm2;
	[tilespmem:s3+$0x1D1C0] =	vst v10;
	v10 =	vsub.s32 v15, v1;
	v18 =	vnsel vm3, $0x0, v16  }
0x232: {  	v16 =	vsel vm0, v12, v17;
	vm0 =	vmand vm5, vm6;
	v15 =	vnsel vm2, $0x0, v19;
	v12 =	vld [tilespmem:s3+$0x1D1E0];
	[tilespmem:s3+$0x1D1F0] =	vst v18  }
0x233: {  	vm3 =	vge.s32 v5, v1;
	vm4 =	vlt.s32 v5, v2  }
0x234: {  	[tilespmem:s3+$0x1B940] =	vst v16;
	v5 =	vsub.s32 v5, v1;
	vm12 =	vge.s32 v3, v1;
	vm3 =	vmand vm3, vm4  }
0x235: {  	[tilespmem:s3+$0x1D1A0] =	vst v15;
	v3 =	vsub.s32 v3, v1;
	vm1 =	vmand vm12, vm1;
	v5 =	vsel vm3, v5, v13  }
0x236: {  	v3 =	vsel vm1, v3, v7;
	[tilespmem:s3+$0x1B900] =	vst v5  }
0x237: {  	v4 =	vnsel vm1, $0x0, v4;
	[tilespmem:s3+$0x1B910] =	vst v3  }
0x238: {  	v17 =	vld [tilespmem:s3+$0x1D1B0];
	v13 =	vshra.s32 v8, $0x2;
	v5 =	vsel vm2, v11, v6;
	[tilespmem:s3+$0x1D190] =	vst v4  }
0x239: {  	v6 =	vnsel vm3, $0x0, v14;
	vm2 =	vge.s32 v8, v1;
	vm3 =	vlt.s32 v8, v2;
	[tilespmem:s3+$0x1B920] =	vst v5  }
0x23a: {  	[tilespmem:s3+$0x1D180] =	vst v6;
	v5 =	vsub.s32 v8, v1;
	vm2 =	vmand vm2, vm3;
	v3 =	vnsel vm0, $0x0, v12  }
0x23b: {  	v5 =	vsel vm2, v5, v13;
	[tilespmem:s3+$0x1D1E0] =	vst v3  }
0x23c: {  	v3 =	vsel vm0, v10, v9;
	[tilespmem:s3+$0x1B930] =	vst v5  }
0x23d: {  	[tilespmem:s3+$0x1B960] =	vst v3;
	v3 =	vnsel vm2, $0x0, v17  }
0x23e: {  	[tilespmem:s3+$0x1D1B0] =	vst v3  }
0x23f: {  	[spmem:s5] =	stream.indirect.scatter.add.f32 [tilespmem:s20], [sflag:$0x4], $0x1, s19, s24, $0xb8;
	[tilespmem:$0x1F680] =	vst v63  }
0x240: {  	_ =	swait.ge [sflag:s26], $0x1880  }
0x241: {  	s3 =	sadd.s32 $0x1260, s7;
	[sflag:s26] =	ssyncset.done $0x0  }
0x242: {  	s6 =	simm.s32 $0x0;
	s4 =	sadd.s32 s2, s3;
	[sflag:s26] =	ssyncadd.s32 $0xFFFFE780  }
0x243: {  	[tilespmem:s17], [sflag:$0x1] =	stream.linear.gather [hbm4b:s4+s6], $0x1880, $0x38;
	[tilespmem:$0x1F680] =	vst v63  }
0x244: {  	s3 =	sadd.s32 s1, s3  }
0x245: {  	[tilespmem:s18], [sflag:$0x1] =	stream.linear.gather [hbm4b:s3+s6], $0x1880, $0x38;
	[tilespmem:$0x1F680] =	vst v63  }
0x246: {  	_ =	swait.ge [sflag:s23], $0x1880  }
0x247: {  	[sflag:s23] =	ssyncset.done $0x0  }
0x248: {  	[sflag:s23] =	ssyncadd.s32 $0xFFFFE780  }
0x249: {  	_ =	swait.ge [sflag:s23], $0x1880  }
0x24a: {  	[sflag:s23] =	ssyncset.done $0x0  }
0x24b: {  	s3 =	simm.s32 $0x0;
	[sflag:s23] =	ssyncadd.s32 $0xFFFFE780  }
0x24c: {  	v9 =	vld [tilespmem:s3+$0x18870]  }
0x24d: {  	v8 =	vld [tilespmem:s3+$0x18840]  }
0x24e: {  	v7 =	vld [tilespmem:s3+$0x18850]  }
0x24f: {  	v10 =	vld [tilespmem:s3+$0x18820]  }
0x250: {  	v3 =	vld [tilespmem:s3+$0x18810]  }
0x251: {  	v11 =	vld [tilespmem:s3+$0x1A0D0];
	vm0 =	vge.s32 v9, v1;
	vm1 =	vlt.s32 v9, v2  }
0x252: {  	v15 =	vld [tilespmem:s3+$0x18860];
	vm2 =	vlt.s32 v8, v2;
	v16 =	vsub.s32 v8, v1;
	v13 =	vshra.s32 v9, $0x2  }
0x253: {  	vm3 =	vge.s32 v8, v1;
	vm13 =	vge.s32 v7, v1;
	vm5 =	vlt.s32 v7, v2  }
0x254: {  	v5 =	vld [tilespmem:s3+$0x18800];
	v14 =	vshra.s32 v7, $0x2;
	v6 =	vshra.s32 v10, $0x2;
	v19 =	vshra.s32 v8, $0x2  }
0x255: {  	v17 =	vld [tilespmem:s3+$0x1A0F0];
	v20 =	vsub.s32 v7, v1;
	vm14 =	vlt.s32 v10, v2;
	v7 =	vshra.s32 v3, $0x2  }
0x256: {  	v12 =	vld [tilespmem:s3+$0x1A0C0];
	v9 =	vsub.s32 v9, v1;
	vm15 =	vge.s32 v10, v1;
	vm4 =	vmand vm13, vm5  }
0x257: {  	v18 =	vld [tilespmem:s3+$0x1A0A0];
	vm6 =	vge.s32 v15, v1;
	vm7 =	vlt.s32 v15, v2;
	v11 =	vnsel vm4, $0x0, v11  }
0x258: {  	v8 =	vld [tilespmem:s3+$0x18830];
	vm0 =	vmand vm0, vm1;
	vm3 =	vmand vm3, vm2;
	v14 =	vsel vm4, v20, v14;
	[tilespmem:s3+$0x1A0D0] =	vst v11  }
0x259: {  	vm1 =	vlt.s32 v3, v2;
	vm2 =	vmand vm15, vm14;
	v9 =	vsel vm0, v9, v13;
	[tilespmem:s3+$0x18850] =	vst v14  }
0x25a: {  	v13 =	vshra.s32 v5, $0x2;
	v17 =	vnsel vm0, $0x0, v17;
	v16 =	vsel vm3, v16, v19;
	v14 =	vld [tilespmem:s3+$0x1A080];
	[tilespmem:s3+$0x18870] =	vst v9  }
0x25b: {  	v4 =	vld [tilespmem:s3+$0x1A090];
	vm0 =	vmand vm6, vm7;
	v11 =	vsub.s32 v10, v1;
	v10 =	vnsel vm3, $0x0, v12;
	[tilespmem:s3+$0x1A0F0] =	vst v17  }
0x25c: {  	s4 =	simm.s32 $0x200;
	v9 =	vshra.s32 v15, $0x2;
	v12 =	vld [tilespmem:s3+$0x1A0E0];
	[tilespmem:s3+$0x1A0C0] =	vst v10;
	v10 =	vsub.s32 v15, v1;
	v15 =	vnsel vm2, $0x0, v18  }
.LBB2_17:
0x25d: {  	s6 =	sshra.s32 s4, $0x2;
	p0 =	sne.s32 s4, $0x6000;
	s4 =	sadd.s32 $0x200, s4;
	vm3 =	vge.s32 v5, v1;
	vm4 =	vlt.s32 v5, v2;
	v17 =	vld [tilespmem:s3+$0x1A0B0];
	v18 =	vshra.s32 v8, $0x2;
	[tilespmem:s3+$0x18840] =	vst v16  }
0x25e: {  	v5 =	vsub.s32 v5, v1;
	v16 =	vld [tilespmem:s6+$0x18850];
	vm3 =	vmand vm3, vm4;
	vm4 =	vge.s32 v8, v1  }
0x25f: {  	v19 =	vld [tilespmem:s6+$0x18870];
	v5 =	vsel vm3, v5, v13;
	v13 =	vnsel vm3, $0x0, v14;
	[tilespmem:s3+$0x1A0A0] =	vst v15;
	v14 =	vsub.s32 v8, v1  }
0x260: {  	vm3 =	vge.s32 v3, v1;
	v15 =	vld [tilespmem:s6+$0x18840];
	[tilespmem:s3+$0x18800] =	vst v5;
	v5 =	vsel vm2, v11, v6;
	vm2 =	vlt.s32 v8, v2  }
0x261: {  	v3 =	vsub.s32 v3, v1;
	vm1 =	vmand vm3, vm1;
	[tilespmem:s3+$0x18820] =	vst v5;
	vm2 =	vmand vm4, vm2  }
0x262: {  	v3 =	vsel vm1, v3, v7;
	v4 =	vnsel vm1, $0x0, v4;
	v8 =	vld [tilespmem:s6+$0x18820];
	[tilespmem:s3+$0x1A080] =	vst v13;
	v5 =	vsel vm2, v14, v18  }
0x263: {  	v6 =	vnsel vm0, $0x0, v12;
	v7 =	vnsel vm2, $0x0, v17;
	v18 =	vld [tilespmem:s6+$0x1A0C0];
	[tilespmem:s3+$0x18810] =	vst v3  }
0x264: {  	v9 =	vsel vm0, v10, v9;
	v3 =	vld [tilespmem:s6+$0x18810];
	vm3 =	vge.s32 v19, v1;
	vm4 =	vlt.s32 v19, v2;
	[tilespmem:s3+$0x1A0E0] =	vst v6  }
0x265: {  	v11 =	vshra.s32 v19, $0x2;
	vm0 =	vlt.s32 v15, v2;
	v12 =	vsub.s32 v15, v1;
	v10 =	vld [tilespmem:s6+$0x1A0D0];
	[tilespmem:s3+$0x18830] =	vst v5  }
0x266: {  	vm5 =	vge.s32 v16, v1;
	v14 =	vshra.s32 v16, $0x2;
	vm1 =	vge.s32 v15, v1;
	v5 =	vld [tilespmem:s6+$0x18800];
	[tilespmem:s3+$0x18860] =	vst v9  }
0x267: {  	vm6 =	vlt.s32 v16, v2;
	v17 =	vshra.s32 v15, $0x2;
	v6 =	vshra.s32 v8, $0x2;
	v15 =	vld [tilespmem:s6+$0x18860];
	[tilespmem:s3+$0x1A090] =	vst v4  }
0x268: {  	vm5 =	vmand vm5, vm6;
	v9 =	vsub.s32 v16, v1;
	vm2 =	vlt.s32 v8, v2;
	v4 =	vld [tilespmem:s6+$0x1A090];
	[tilespmem:s3+$0x1A0B0] =	vst v7;
	s3 =	smov.u32 s6  }
0x269: {  	v13 =	vsub.s32 v19, v1;
	vm3 =	vmand vm3, vm4;
	v7 =	vshra.s32 v3, $0x2;
	v16 =	vld [tilespmem:s3+$0x1A0F0]  }
0x26a: {  	v20 =	vsel vm3, v13, v11;
	vm4 =	vge.s32 v8, v1;
	v19 =	vld [tilespmem:s3+$0x1A0A0];
	v10 =	vnsel vm5, $0x0, v10  }
.Ltmp7:
0x26b: {  	v11 =	vsub.s32 v8, v1;
	v9 =	vsel vm5, v9, v14;
	v13 =	vshra.s32 v5, $0x2;
	v8 =	vld [tilespmem:s3+$0x18830];
	[tilespmem:s3+$0x1A0D0] =	vst v10;
	(pc) =	sbr.rel @p0 .LBB2_17-.Ltmp7, $4  }
0x26c: {  	vm0 =	vmand vm1, vm0;
	[tilespmem:s3+$0x18850] =	vst v9;
	vm5 =	vge.s32 v15, v1;
	vm6 =	vlt.s32 v15, v2  }
0x26d: {  	vm1 =	vlt.s32 v3, v2;
	v10 =	vnsel vm0, $0x0, v18;
	v9 =	vshra.s32 v15, $0x2;
	v14 =	vld [tilespmem:s3+$0x1A080];
	[tilespmem:s3+$0x18870] =	vst v20  }
0x26e: {  	vm2 =	vmand vm4, vm2;
	[tilespmem:s3+$0x1A0C0] =	vst v10;
	v10 =	vsub.s32 v15, v1;
	v18 =	vnsel vm3, $0x0, v16  }
0x26f: {  	v16 =	vsel vm0, v12, v17;
	vm0 =	vmand vm5, vm6;
	v15 =	vnsel vm2, $0x0, v19;
	v12 =	vld [tilespmem:s3+$0x1A0E0];
	[tilespmem:s3+$0x1A0F0] =	vst v18  }
0x270: {  	vm3 =	vge.s32 v5, v1;
	vm4 =	vlt.s32 v5, v2  }
0x271: {  	[tilespmem:s3+$0x18840] =	vst v16;
	v5 =	vsub.s32 v5, v1;
	vm12 =	vge.s32 v3, v1;
	vm3 =	vmand vm3, vm4  }
0x272: {  	[tilespmem:s3+$0x1A0A0] =	vst v15;
	v3 =	vsub.s32 v3, v1;
	vm1 =	vmand vm12, vm1;
	v5 =	vsel vm3, v5, v13  }
0x273: {  	v3 =	vsel vm1, v3, v7;
	[tilespmem:s3+$0x18800] =	vst v5  }
0x274: {  	v4 =	vnsel vm1, $0x0, v4;
	[tilespmem:s3+$0x18810] =	vst v3  }
0x275: {  	v17 =	vld [tilespmem:s3+$0x1A0B0];
	v13 =	vshra.s32 v8, $0x2;
	v5 =	vsel vm2, v11, v6;
	[tilespmem:s3+$0x1A090] =	vst v4  }
0x276: {  	v6 =	vnsel vm3, $0x0, v14;
	vm2 =	vge.s32 v8, v1;
	vm3 =	vlt.s32 v8, v2;
	[tilespmem:s3+$0x18820] =	vst v5  }
0x277: {  	[tilespmem:s3+$0x1A080] =	vst v6;
	v5 =	vsub.s32 v8, v1;
	vm2 =	vmand vm2, vm3;
	v3 =	vnsel vm0, $0x0, v12  }
0x278: {  	v5 =	vsel vm2, v5, v13;
	[tilespmem:s3+$0x1A0E0] =	vst v3  }
0x279: {  	v3 =	vsel vm0, v10, v9;
	[tilespmem:s3+$0x18830] =	vst v5  }
0x27a: {  	[tilespmem:s3+$0x18860] =	vst v3;
	v3 =	vnsel vm2, $0x0, v17  }
0x27b: {  	[tilespmem:s3+$0x1A0B0] =	vst v3  }
0x27c: {  	[spmem:s5] =	stream.indirect.scatter.add.f32 [tilespmem:s18], [sflag:$0x3], $0x1, s17, s24, $0xb8;
	[tilespmem:$0x1F680] =	vst v63  }
0x27d: {  	_ =	swait.ge [sflag:s28], $0x1880  }
0x27e: {  	s3 =	sadd.s32 $0x1570, s7;
	[sflag:s28] =	ssyncset.done $0x0  }
0x27f: {  	s6 =	simm.s32 $0x0;
	s4 =	sadd.s32 s2, s3;
	[sflag:s28] =	ssyncadd.s32 $0xFFFFE780  }
0x280: {  	[tilespmem:s19], [sflag:$0x2] =	stream.linear.gather [hbm4b:s4+s6], $0x1880, $0x38;
	[tilespmem:$0x1F680] =	vst v63  }
0x281: {  	s3 =	sadd.s32 s1, s3  }
0x282: {  	[tilespmem:s20], [sflag:$0x2] =	stream.linear.gather [hbm4b:s3+s6], $0x1880, $0x38;
	[tilespmem:$0x1F680] =	vst v63  }
0x283: {  	_ =	swait.ge [sflag:s25], $0x1880  }
0x284: {  	[sflag:s25] =	ssyncset.done $0x0  }
0x285: {  	[sflag:s25] =	ssyncadd.s32 $0xFFFFE780  }
0x286: {  	_ =	swait.ge [sflag:s25], $0x1880  }
0x287: {  	[sflag:s25] =	ssyncset.done $0x0  }
0x288: {  	s3 =	simm.s32 $0x0;
	[sflag:s25] =	ssyncadd.s32 $0xFFFFE780  }
0x289: {  	v9 =	vld [tilespmem:s3+$0x1B970]  }
0x28a: {  	v8 =	vld [tilespmem:s3+$0x1B940]  }
0x28b: {  	v7 =	vld [tilespmem:s3+$0x1B950]  }
0x28c: {  	v10 =	vld [tilespmem:s3+$0x1B920]  }
0x28d: {  	v3 =	vld [tilespmem:s3+$0x1B910]  }
0x28e: {  	v11 =	vld [tilespmem:s3+$0x1D1D0];
	vm0 =	vge.s32 v9, v1;
	vm1 =	vlt.s32 v9, v2  }
0x28f: {  	v15 =	vld [tilespmem:s3+$0x1B960];
	vm2 =	vlt.s32 v8, v2;
	v16 =	vsub.s32 v8, v1;
	v13 =	vshra.s32 v9, $0x2  }
0x290: {  	vm3 =	vge.s32 v8, v1;
	vm13 =	vge.s32 v7, v1;
	vm5 =	vlt.s32 v7, v2  }
0x291: {  	v5 =	vld [tilespmem:s3+$0x1B900];
	v14 =	vshra.s32 v7, $0x2;
	v6 =	vshra.s32 v10, $0x2;
	v19 =	vshra.s32 v8, $0x2  }
0x292: {  	v17 =	vld [tilespmem:s3+$0x1D1F0];
	v20 =	vsub.s32 v7, v1;
	vm14 =	vlt.s32 v10, v2;
	v7 =	vshra.s32 v3, $0x2  }
0x293: {  	v12 =	vld [tilespmem:s3+$0x1D1C0];
	v9 =	vsub.s32 v9, v1;
	vm15 =	vge.s32 v10, v1;
	vm4 =	vmand vm13, vm5  }
0x294: {  	v18 =	vld [tilespmem:s3+$0x1D1A0];
	vm6 =	vge.s32 v15, v1;
	vm7 =	vlt.s32 v15, v2;
	v11 =	vnsel vm4, $0x0, v11  }
0x295: {  	v8 =	vld [tilespmem:s3+$0x1B930];
	vm0 =	vmand vm0, vm1;
	vm3 =	vmand vm3, vm2;
	v14 =	vsel vm4, v20, v14;
	[tilespmem:s3+$0x1D1D0] =	vst v11  }
0x296: {  	vm1 =	vlt.s32 v3, v2;
	vm2 =	vmand vm15, vm14;
	v9 =	vsel vm0, v9, v13;
	[tilespmem:s3+$0x1B950] =	vst v14  }
0x297: {  	v13 =	vshra.s32 v5, $0x2;
	v17 =	vnsel vm0, $0x0, v17;
	v16 =	vsel vm3, v16, v19;
	v14 =	vld [tilespmem:s3+$0x1D180];
	[tilespmem:s3+$0x1B970] =	vst v9  }
0x298: {  	v4 =	vld [tilespmem:s3+$0x1D190];
	vm0 =	vmand vm6, vm7;
	v11 =	vsub.s32 v10, v1;
	v10 =	vnsel vm3, $0x0, v12;
	[tilespmem:s3+$0x1D1F0] =	vst v17  }
0x299: {  	s4 =	simm.s32 $0x200;
	v9 =	vshra.s32 v15, $0x2;
	v12 =	vld [tilespmem:s3+$0x1D1E0];
	[tilespmem:s3+$0x1D1C0] =	vst v10;
	v10 =	vsub.s32 v15, v1;
	v15 =	vnsel vm2, $0x0, v18  }
.LBB2_19:
0x29a: {  	s6 =	sshra.s32 s4, $0x2;
	p0 =	sne.s32 s4, $0x6000;
	s4 =	sadd.s32 $0x200, s4;
	vm3 =	vge.s32 v5, v1;
	vm4 =	vlt.s32 v5, v2;
	v17 =	vld [tilespmem:s3+$0x1D1B0];
	v18 =	vshra.s32 v8, $0x2;
	[tilespmem:s3+$0x1B940] =	vst v16  }
0x29b: {  	v5 =	vsub.s32 v5, v1;
	v16 =	vld [tilespmem:s6+$0x1B950];
	vm3 =	vmand vm3, vm4;
	vm4 =	vge.s32 v8, v1  }
0x29c: {  	v19 =	vld [tilespmem:s6+$0x1B970];
	v5 =	vsel vm3, v5, v13;
	v13 =	vnsel vm3, $0x0, v14;
	[tilespmem:s3+$0x1D1A0] =	vst v15;
	v14 =	vsub.s32 v8, v1  }
0x29d: {  	vm3 =	vge.s32 v3, v1;
	v15 =	vld [tilespmem:s6+$0x1B940];
	[tilespmem:s3+$0x1B900] =	vst v5;
	v5 =	vsel vm2, v11, v6;
	vm2 =	vlt.s32 v8, v2  }
0x29e: {  	v3 =	vsub.s32 v3, v1;
	vm1 =	vmand vm3, vm1;
	[tilespmem:s3+$0x1B920] =	vst v5;
	vm2 =	vmand vm4, vm2  }
0x29f: {  	v3 =	vsel vm1, v3, v7;
	v4 =	vnsel vm1, $0x0, v4;
	v8 =	vld [tilespmem:s6+$0x1B920];
	[tilespmem:s3+$0x1D180] =	vst v13;
	v5 =	vsel vm2, v14, v18  }
0x2a0: {  	v6 =	vnsel vm0, $0x0, v12;
	v7 =	vnsel vm2, $0x0, v17;
	v18 =	vld [tilespmem:s6+$0x1D1C0];
	[tilespmem:s3+$0x1B910] =	vst v3  }
0x2a1: {  	v9 =	vsel vm0, v10, v9;
	v3 =	vld [tilespmem:s6+$0x1B910];
	vm3 =	vge.s32 v19, v1;
	vm4 =	vlt.s32 v19, v2;
	[tilespmem:s3+$0x1D1E0] =	vst v6  }
0x2a2: {  	v11 =	vshra.s32 v19, $0x2;
	vm0 =	vlt.s32 v15, v2;
	v12 =	vsub.s32 v15, v1;
	v10 =	vld [tilespmem:s6+$0x1D1D0];
	[tilespmem:s3+$0x1B930] =	vst v5  }
0x2a3: {  	vm5 =	vge.s32 v16, v1;
	v14 =	vshra.s32 v16, $0x2;
	vm1 =	vge.s32 v15, v1;
	v5 =	vld [tilespmem:s6+$0x1B900];
	[tilespmem:s3+$0x1B960] =	vst v9  }
0x2a4: {  	vm6 =	vlt.s32 v16, v2;
	v17 =	vshra.s32 v15, $0x2;
	v6 =	vshra.s32 v8, $0x2;
	v15 =	vld [tilespmem:s6+$0x1B960];
	[tilespmem:s3+$0x1D190] =	vst v4  }
0x2a5: {  	vm5 =	vmand vm5, vm6;
	v9 =	vsub.s32 v16, v1;
	vm2 =	vlt.s32 v8, v2;
	v4 =	vld [tilespmem:s6+$0x1D190];
	[tilespmem:s3+$0x1D1B0] =	vst v7;
	s3 =	smov.u32 s6  }
0x2a6: {  	v13 =	vsub.s32 v19, v1;
	vm3 =	vmand vm3, vm4;
	v7 =	vshra.s32 v3, $0x2;
	v16 =	vld [tilespmem:s3+$0x1D1F0]  }
0x2a7: {  	v20 =	vsel vm3, v13, v11;
	vm4 =	vge.s32 v8, v1;
	v19 =	vld [tilespmem:s3+$0x1D1A0];
	v10 =	vnsel vm5, $0x0, v10  }
.Ltmp8:
0x2a8: {  	v11 =	vsub.s32 v8, v1;
	v9 =	vsel vm5, v9, v14;
	v13 =	vshra.s32 v5, $0x2;
	v8 =	vld [tilespmem:s3+$0x1B930];
	[tilespmem:s3+$0x1D1D0] =	vst v10;
	(pc) =	sbr.rel @p0 .LBB2_19-.Ltmp8, $4  }
0x2a9: {  	vm0 =	vmand vm1, vm0;
	[tilespmem:s3+$0x1B950] =	vst v9;
	vm5 =	vge.s32 v15, v1;
	vm6 =	vlt.s32 v15, v2  }
0x2aa: {  	vm1 =	vlt.s32 v3, v2;
	v10 =	vnsel vm0, $0x0, v18;
	v9 =	vshra.s32 v15, $0x2;
	v14 =	vld [tilespmem:s3+$0x1D180];
	[tilespmem:s3+$0x1B970] =	vst v20  }
0x2ab: {  	vm2 =	vmand vm4, vm2;
	[tilespmem:s3+$0x1D1C0] =	vst v10;
	v10 =	vsub.s32 v15, v1;
	v18 =	vnsel vm3, $0x0, v16  }
0x2ac: {  	v16 =	vsel vm0, v12, v17;
	vm0 =	vmand vm5, vm6;
	v15 =	vnsel vm2, $0x0, v19;
	v12 =	vld [tilespmem:s3+$0x1D1E0];
	[tilespmem:s3+$0x1D1F0] =	vst v18  }
0x2ad: {  	vm3 =	vge.s32 v5, v1;
	vm4 =	vlt.s32 v5, v2  }
0x2ae: {  	[tilespmem:s3+$0x1B940] =	vst v16;
	v5 =	vsub.s32 v5, v1;
	vm12 =	vge.s32 v3, v1;
	vm3 =	vmand vm3, vm4  }
0x2af: {  	[tilespmem:s3+$0x1D1A0] =	vst v15;
	v3 =	vsub.s32 v3, v1;
	vm1 =	vmand vm12, vm1;
	v5 =	vsel vm3, v5, v13  }
0x2b0: {  	v3 =	vsel vm1, v3, v7;
	[tilespmem:s3+$0x1B900] =	vst v5  }
0x2b1: {  	v4 =	vnsel vm1, $0x0, v4;
	[tilespmem:s3+$0x1B910] =	vst v3  }
0x2b2: {  	v17 =	vld [tilespmem:s3+$0x1D1B0];
	v13 =	vshra.s32 v8, $0x2;
	v5 =	vsel vm2, v11, v6;
	[tilespmem:s3+$0x1D190] =	vst v4  }
0x2b3: {  	v6 =	vnsel vm3, $0x0, v14;
	vm2 =	vge.s32 v8, v1;
	vm3 =	vlt.s32 v8, v2;
	[tilespmem:s3+$0x1B920] =	vst v5  }
0x2b4: {  	[tilespmem:s3+$0x1D180] =	vst v6;
	v5 =	vsub.s32 v8, v1;
	vm2 =	vmand vm2, vm3;
	v3 =	vnsel vm0, $0x0, v12  }
0x2b5: {  	v5 =	vsel vm2, v5, v13;
	[tilespmem:s3+$0x1D1E0] =	vst v3  }
0x2b6: {  	v3 =	vsel vm0, v10, v9;
	[tilespmem:s3+$0x1B930] =	vst v5  }
0x2b7: {  	[tilespmem:s3+$0x1B960] =	vst v3;
	v3 =	vnsel vm2, $0x0, v17  }
0x2b8: {  	[tilespmem:s3+$0x1D1B0] =	vst v3  }
0x2b9: {  	[spmem:s5] =	stream.indirect.scatter.add.f32 [tilespmem:s20], [sflag:$0x4], $0x1, s19, s24, $0xb8;
	[tilespmem:$0x1F680] =	vst v63  }
0x2ba: {  	_ =	swait.ge [sflag:s26], $0x1880  }
0x2bb: {  	s3 =	sadd.s32 $0x1880, s7;
	[sflag:s26] =	ssyncset.done $0x0  }
0x2bc: {  	s6 =	simm.s32 $0x0;
	s4 =	sadd.s32 s2, s3;
	[sflag:s26] =	ssyncadd.s32 $0xFFFFE780  }
0x2bd: {  	[tilespmem:s17], [sflag:$0x1] =	stream.linear.gather [hbm4b:s4+s6], $0x1880, $0x38;
	[tilespmem:$0x1F680] =	vst v63  }
0x2be: {  	s3 =	sadd.s32 s1, s3  }
0x2bf: {  	[tilespmem:s18], [sflag:$0x1] =	stream.linear.gather [hbm4b:s3+s6], $0x1880, $0x38;
	[tilespmem:$0x1F680] =	vst v63  }
0x2c0: {  	_ =	swait.ge [sflag:s23], $0x1880  }
0x2c1: {  	[sflag:s23] =	ssyncset.done $0x0  }
0x2c2: {  	[sflag:s23] =	ssyncadd.s32 $0xFFFFE780  }
0x2c3: {  	_ =	swait.ge [sflag:s23], $0x1880  }
0x2c4: {  	[sflag:s23] =	ssyncset.done $0x0  }
0x2c5: {  	s3 =	simm.s32 $0x0;
	[sflag:s23] =	ssyncadd.s32 $0xFFFFE780  }
0x2c6: {  	v9 =	vld [tilespmem:s3+$0x18870]  }
0x2c7: {  	v8 =	vld [tilespmem:s3+$0x18840]  }
0x2c8: {  	v7 =	vld [tilespmem:s3+$0x18850]  }
0x2c9: {  	v10 =	vld [tilespmem:s3+$0x18820]  }
0x2ca: {  	v3 =	vld [tilespmem:s3+$0x18810]  }
0x2cb: {  	v11 =	vld [tilespmem:s3+$0x1A0D0];
	vm0 =	vge.s32 v9, v1;
	vm1 =	vlt.s32 v9, v2  }
0x2cc: {  	v15 =	vld [tilespmem:s3+$0x18860];
	vm2 =	vlt.s32 v8, v2;
	v16 =	vsub.s32 v8, v1;
	v13 =	vshra.s32 v9, $0x2  }
0x2cd: {  	vm3 =	vge.s32 v8, v1;
	vm13 =	vge.s32 v7, v1;
	vm5 =	vlt.s32 v7, v2  }
0x2ce: {  	v5 =	vld [tilespmem:s3+$0x18800];
	v14 =	vshra.s32 v7, $0x2;
	v6 =	vshra.s32 v10, $0x2;
	v19 =	vshra.s32 v8, $0x2  }
0x2cf: {  	v17 =	vld [tilespmem:s3+$0x1A0F0];
	v20 =	vsub.s32 v7, v1;
	vm14 =	vlt.s32 v10, v2;
	v7 =	vshra.s32 v3, $0x2  }
0x2d0: {  	v12 =	vld [tilespmem:s3+$0x1A0C0];
	v9 =	vsub.s32 v9, v1;
	vm15 =	vge.s32 v10, v1;
	vm4 =	vmand vm13, vm5  }
0x2d1: {  	v18 =	vld [tilespmem:s3+$0x1A0A0];
	vm6 =	vge.s32 v15, v1;
	vm7 =	vlt.s32 v15, v2;
	v11 =	vnsel vm4, $0x0, v11  }
0x2d2: {  	v8 =	vld [tilespmem:s3+$0x18830];
	vm0 =	vmand vm0, vm1;
	vm3 =	vmand vm3, vm2;
	v14 =	vsel vm4, v20, v14;
	[tilespmem:s3+$0x1A0D0] =	vst v11  }
0x2d3: {  	vm1 =	vlt.s32 v3, v2;
	vm2 =	vmand vm15, vm14;
	v9 =	vsel vm0, v9, v13;
	[tilespmem:s3+$0x18850] =	vst v14  }
0x2d4: {  	v13 =	vshra.s32 v5, $0x2;
	v17 =	vnsel vm0, $0x0, v17;
	v16 =	vsel vm3, v16, v19;
	v14 =	vld [tilespmem:s3+$0x1A080];
	[tilespmem:s3+$0x18870] =	vst v9  }
0x2d5: {  	v4 =	vld [tilespmem:s3+$0x1A090];
	vm0 =	vmand vm6, vm7;
	v11 =	vsub.s32 v10, v1;
	v10 =	vnsel vm3, $0x0, v12;
	[tilespmem:s3+$0x1A0F0] =	vst v17  }
0x2d6: {  	s4 =	simm.s32 $0x200;
	v9 =	vshra.s32 v15, $0x2;
	v12 =	vld [tilespmem:s3+$0x1A0E0];
	[tilespmem:s3+$0x1A0C0] =	vst v10;
	v10 =	vsub.s32 v15, v1;
	v15 =	vnsel vm2, $0x0, v18  }
.LBB2_21:
0x2d7: {  	s6 =	sshra.s32 s4, $0x2;
	p0 =	sne.s32 s4, $0x6000;
	s4 =	sadd.s32 $0x200, s4;
	vm3 =	vge.s32 v5, v1;
	vm4 =	vlt.s32 v5, v2;
	v17 =	vld [tilespmem:s3+$0x1A0B0];
	v18 =	vshra.s32 v8, $0x2;
	[tilespmem:s3+$0x18840] =	vst v16  }
0x2d8: {  	v5 =	vsub.s32 v5, v1;
	v16 =	vld [tilespmem:s6+$0x18850];
	vm3 =	vmand vm3, vm4;
	vm4 =	vge.s32 v8, v1  }
0x2d9: {  	v19 =	vld [tilespmem:s6+$0x18870];
	v5 =	vsel vm3, v5, v13;
	v13 =	vnsel vm3, $0x0, v14;
	[tilespmem:s3+$0x1A0A0] =	vst v15;
	v14 =	vsub.s32 v8, v1  }
0x2da: {  	vm3 =	vge.s32 v3, v1;
	v15 =	vld [tilespmem:s6+$0x18840];
	[tilespmem:s3+$0x18800] =	vst v5;
	v5 =	vsel vm2, v11, v6;
	vm2 =	vlt.s32 v8, v2  }
0x2db: {  	v3 =	vsub.s32 v3, v1;
	vm1 =	vmand vm3, vm1;
	[tilespmem:s3+$0x18820] =	vst v5;
	vm2 =	vmand vm4, vm2  }
0x2dc: {  	v3 =	vsel vm1, v3, v7;
	v4 =	vnsel vm1, $0x0, v4;
	v8 =	vld [tilespmem:s6+$0x18820];
	[tilespmem:s3+$0x1A080] =	vst v13;
	v5 =	vsel vm2, v14, v18  }
0x2dd: {  	v6 =	vnsel vm0, $0x0, v12;
	v7 =	vnsel vm2, $0x0, v17;
	v18 =	vld [tilespmem:s6+$0x1A0C0];
	[tilespmem:s3+$0x18810] =	vst v3  }
0x2de: {  	v9 =	vsel vm0, v10, v9;
	v3 =	vld [tilespmem:s6+$0x18810];
	vm3 =	vge.s32 v19, v1;
	vm4 =	vlt.s32 v19, v2;
	[tilespmem:s3+$0x1A0E0] =	vst v6  }
0x2df: {  	v11 =	vshra.s32 v19, $0x2;
	vm0 =	vlt.s32 v15, v2;
	v12 =	vsub.s32 v15, v1;
	v10 =	vld [tilespmem:s6+$0x1A0D0];
	[tilespmem:s3+$0x18830] =	vst v5  }
0x2e0: {  	vm5 =	vge.s32 v16, v1;
	v14 =	vshra.s32 v16, $0x2;
	vm1 =	vge.s32 v15, v1;
	v5 =	vld [tilespmem:s6+$0x18800];
	[tilespmem:s3+$0x18860] =	vst v9  }
0x2e1: {  	vm6 =	vlt.s32 v16, v2;
	v17 =	vshra.s32 v15, $0x2;
	v6 =	vshra.s32 v8, $0x2;
	v15 =	vld [tilespmem:s6+$0x18860];
	[tilespmem:s3+$0x1A090] =	vst v4  }
0x2e2: {  	vm5 =	vmand vm5, vm6;
	v9 =	vsub.s32 v16, v1;
	vm2 =	vlt.s32 v8, v2;
	v4 =	vld [tilespmem:s6+$0x1A090];
	[tilespmem:s3+$0x1A0B0] =	vst v7;
	s3 =	smov.u32 s6  }
0x2e3: {  	v13 =	vsub.s32 v19, v1;
	vm3 =	vmand vm3, vm4;
	v7 =	vshra.s32 v3, $0x2;
	v16 =	vld [tilespmem:s3+$0x1A0F0]  }
0x2e4: {  	v20 =	vsel vm3, v13, v11;
	vm4 =	vge.s32 v8, v1;
	v19 =	vld [tilespmem:s3+$0x1A0A0];
	v10 =	vnsel vm5, $0x0, v10  }
.Ltmp9:
0x2e5: {  	v11 =	vsub.s32 v8, v1;
	v9 =	vsel vm5, v9, v14;
	v13 =	vshra.s32 v5, $0x2;
	v8 =	vld [tilespmem:s3+$0x18830];
	[tilespmem:s3+$0x1A0D0] =	vst v10;
	(pc) =	sbr.rel @p0 .LBB2_21-.Ltmp9, $4  }
0x2e6: {  	vm0 =	vmand vm1, vm0;
	[tilespmem:s3+$0x18850] =	vst v9;
	vm5 =	vge.s32 v15, v1;
	vm6 =	vlt.s32 v15, v2  }
0x2e7: {  	vm1 =	vlt.s32 v3, v2;
	v10 =	vnsel vm0, $0x0, v18;
	v9 =	vshra.s32 v15, $0x2;
	v14 =	vld [tilespmem:s3+$0x1A080];
	[tilespmem:s3+$0x18870] =	vst v20  }
0x2e8: {  	vm2 =	vmand vm4, vm2;
	[tilespmem:s3+$0x1A0C0] =	vst v10;
	v10 =	vsub.s32 v15, v1;
	v18 =	vnsel vm3, $0x0, v16  }
0x2e9: {  	v16 =	vsel vm0, v12, v17;
	vm0 =	vmand vm5, vm6;
	v15 =	vnsel vm2, $0x0, v19;
	v12 =	vld [tilespmem:s3+$0x1A0E0];
	[tilespmem:s3+$0x1A0F0] =	vst v18  }
0x2ea: {  	vm3 =	vge.s32 v5, v1;
	vm4 =	vlt.s32 v5, v2  }
0x2eb: {  	[tilespmem:s3+$0x18840] =	vst v16;
	v5 =	vsub.s32 v5, v1;
	vm12 =	vge.s32 v3, v1;
	vm3 =	vmand vm3, vm4  }
0x2ec: {  	[tilespmem:s3+$0x1A0A0] =	vst v15;
	v3 =	vsub.s32 v3, v1;
	vm1 =	vmand vm12, vm1;
	v5 =	vsel vm3, v5, v13  }
0x2ed: {  	v3 =	vsel vm1, v3, v7;
	[tilespmem:s3+$0x18800] =	vst v5  }
0x2ee: {  	v4 =	vnsel vm1, $0x0, v4;
	[tilespmem:s3+$0x18810] =	vst v3  }
0x2ef: {  	v17 =	vld [tilespmem:s3+$0x1A0B0];
	v13 =	vshra.s32 v8, $0x2;
	v5 =	vsel vm2, v11, v6;
	[tilespmem:s3+$0x1A090] =	vst v4  }
0x2f0: {  	v6 =	vnsel vm3, $0x0, v14;
	vm2 =	vge.s32 v8, v1;
	vm3 =	vlt.s32 v8, v2;
	[tilespmem:s3+$0x18820] =	vst v5  }
0x2f1: {  	[tilespmem:s3+$0x1A080] =	vst v6;
	v5 =	vsub.s32 v8, v1;
	vm2 =	vmand vm2, vm3;
	v3 =	vnsel vm0, $0x0, v12  }
0x2f2: {  	v5 =	vsel vm2, v5, v13;
	[tilespmem:s3+$0x1A0E0] =	vst v3  }
0x2f3: {  	v3 =	vsel vm0, v10, v9;
	[tilespmem:s3+$0x18830] =	vst v5  }
0x2f4: {  	[tilespmem:s3+$0x18860] =	vst v3;
	v3 =	vnsel vm2, $0x0, v17  }
0x2f5: {  	[tilespmem:s3+$0x1A0B0] =	vst v3  }
0x2f6: {  	[spmem:s5] =	stream.indirect.scatter.add.f32 [tilespmem:s18], [sflag:$0x3], $0x1, s17, s24, $0xb8;
	[tilespmem:$0x1F680] =	vst v63  }
0x2f7: {  	_ =	swait.ge [sflag:s28], $0x1880  }
0x2f8: {  	s3 =	sadd.s32 $0x1B90, s7;
	[sflag:s28] =	ssyncset.done $0x0  }
0x2f9: {  	s6 =	simm.s32 $0x0;
	s4 =	sadd.s32 s2, s3;
	[sflag:s28] =	ssyncadd.s32 $0xFFFFE780  }
0x2fa: {  	[tilespmem:s19], [sflag:$0x2] =	stream.linear.gather [hbm4b:s4+s6], $0x1880, $0x38;
	[tilespmem:$0x1F680] =	vst v63  }
0x2fb: {  	s3 =	sadd.s32 s1, s3  }
0x2fc: {  	[tilespmem:s20], [sflag:$0x2] =	stream.linear.gather [hbm4b:s3+s6], $0x1880, $0x38;
	[tilespmem:$0x1F680] =	vst v63  }
0x2fd: {  	_ =	swait.ge [sflag:s25], $0x1880  }
0x2fe: {  	[sflag:s25] =	ssyncset.done $0x0  }
0x2ff: {  	[sflag:s25] =	ssyncadd.s32 $0xFFFFE780  }
0x300: {  	_ =	swait.ge [sflag:s25], $0x1880  }
0x301: {  	[sflag:s25] =	ssyncset.done $0x0  }
0x302: {  	s3 =	simm.s32 $0x0;
	[sflag:s25] =	ssyncadd.s32 $0xFFFFE780  }
0x303: {  	v9 =	vld [tilespmem:s3+$0x1B970]  }
0x304: {  	v8 =	vld [tilespmem:s3+$0x1B940]  }
0x305: {  	v7 =	vld [tilespmem:s3+$0x1B950]  }
0x306: {  	v10 =	vld [tilespmem:s3+$0x1B920]  }
0x307: {  	v3 =	vld [tilespmem:s3+$0x1B910]  }
0x308: {  	v11 =	vld [tilespmem:s3+$0x1D1D0];
	vm0 =	vge.s32 v9, v1;
	vm1 =	vlt.s32 v9, v2  }
0x309: {  	v15 =	vld [tilespmem:s3+$0x1B960];
	vm2 =	vlt.s32 v8, v2;
	v16 =	vsub.s32 v8, v1;
	v13 =	vshra.s32 v9, $0x2  }
0x30a: {  	vm3 =	vge.s32 v8, v1;
	vm13 =	vge.s32 v7, v1;
	vm5 =	vlt.s32 v7, v2  }
0x30b: {  	v5 =	vld [tilespmem:s3+$0x1B900];
	v14 =	vshra.s32 v7, $0x2;
	v6 =	vshra.s32 v10, $0x2;
	v19 =	vshra.s32 v8, $0x2  }
0x30c: {  	v17 =	vld [tilespmem:s3+$0x1D1F0];
	v20 =	vsub.s32 v7, v1;
	vm14 =	vlt.s32 v10, v2;
	v7 =	vshra.s32 v3, $0x2  }
0x30d: {  	v12 =	vld [tilespmem:s3+$0x1D1C0];
	v9 =	vsub.s32 v9, v1;
	vm15 =	vge.s32 v10, v1;
	vm4 =	vmand vm13, vm5  }
0x30e: {  	v18 =	vld [tilespmem:s3+$0x1D1A0];
	vm6 =	vge.s32 v15, v1;
	vm7 =	vlt.s32 v15, v2;
	v11 =	vnsel vm4, $0x0, v11  }
0x30f: {  	v8 =	vld [tilespmem:s3+$0x1B930];
	vm0 =	vmand vm0, vm1;
	vm3 =	vmand vm3, vm2;
	v14 =	vsel vm4, v20, v14;
	[tilespmem:s3+$0x1D1D0] =	vst v11  }
0x310: {  	vm1 =	vlt.s32 v3, v2;
	vm2 =	vmand vm15, vm14;
	v9 =	vsel vm0, v9, v13;
	[tilespmem:s3+$0x1B950] =	vst v14  }
0x311: {  	v13 =	vshra.s32 v5, $0x2;
	v17 =	vnsel vm0, $0x0, v17;
	v16 =	vsel vm3, v16, v19;
	v14 =	vld [tilespmem:s3+$0x1D180];
	[tilespmem:s3+$0x1B970] =	vst v9  }
0x312: {  	v4 =	vld [tilespmem:s3+$0x1D190];
	vm0 =	vmand vm6, vm7;
	v11 =	vsub.s32 v10, v1;
	v10 =	vnsel vm3, $0x0, v12;
	[tilespmem:s3+$0x1D1F0] =	vst v17  }
0x313: {  	s4 =	simm.s32 $0x200;
	v9 =	vshra.s32 v15, $0x2;
	v12 =	vld [tilespmem:s3+$0x1D1E0];
	[tilespmem:s3+$0x1D1C0] =	vst v10;
	v10 =	vsub.s32 v15, v1;
	v15 =	vnsel vm2, $0x0, v18  }
.LBB2_23:
0x314: {  	s6 =	sshra.s32 s4, $0x2;
	p0 =	sne.s32 s4, $0x6000;
	s4 =	sadd.s32 $0x200, s4;
	vm3 =	vge.s32 v5, v1;
	vm4 =	vlt.s32 v5, v2;
	v17 =	vld [tilespmem:s3+$0x1D1B0];
	v18 =	vshra.s32 v8, $0x2;
	[tilespmem:s3+$0x1B940] =	vst v16  }
0x315: {  	v5 =	vsub.s32 v5, v1;
	v16 =	vld [tilespmem:s6+$0x1B950];
	vm3 =	vmand vm3, vm4;
	vm4 =	vge.s32 v8, v1  }
0x316: {  	v19 =	vld [tilespmem:s6+$0x1B970];
	v5 =	vsel vm3, v5, v13;
	v13 =	vnsel vm3, $0x0, v14;
	[tilespmem:s3+$0x1D1A0] =	vst v15;
	v14 =	vsub.s32 v8, v1  }
0x317: {  	vm3 =	vge.s32 v3, v1;
	v15 =	vld [tilespmem:s6+$0x1B940];
	[tilespmem:s3+$0x1B900] =	vst v5;
	v5 =	vsel vm2, v11, v6;
	vm2 =	vlt.s32 v8, v2  }
0x318: {  	v3 =	vsub.s32 v3, v1;
	vm1 =	vmand vm3, vm1;
	[tilespmem:s3+$0x1B920] =	vst v5;
	vm2 =	vmand vm4, vm2  }
0x319: {  	v3 =	vsel vm1, v3, v7;
	v4 =	vnsel vm1, $0x0, v4;
	v8 =	vld [tilespmem:s6+$0x1B920];
	[tilespmem:s3+$0x1D180] =	vst v13;
	v5 =	vsel vm2, v14, v18  }
0x31a: {  	v6 =	vnsel vm0, $0x0, v12;
	v7 =	vnsel vm2, $0x0, v17;
	v18 =	vld [tilespmem:s6+$0x1D1C0];
	[tilespmem:s3+$0x1B910] =	vst v3  }
0x31b: {  	v9 =	vsel vm0, v10, v9;
	v3 =	vld [tilespmem:s6+$0x1B910];
	vm3 =	vge.s32 v19, v1;
	vm4 =	vlt.s32 v19, v2;
	[tilespmem:s3+$0x1D1E0] =	vst v6  }
0x31c: {  	v11 =	vshra.s32 v19, $0x2;
	vm0 =	vlt.s32 v15, v2;
	v12 =	vsub.s32 v15, v1;
	v10 =	vld [tilespmem:s6+$0x1D1D0];
	[tilespmem:s3+$0x1B930] =	vst v5  }
0x31d: {  	vm5 =	vge.s32 v16, v1;
	v14 =	vshra.s32 v16, $0x2;
	vm1 =	vge.s32 v15, v1;
	v5 =	vld [tilespmem:s6+$0x1B900];
	[tilespmem:s3+$0x1B960] =	vst v9  }
0x31e: {  	vm6 =	vlt.s32 v16, v2;
	v17 =	vshra.s32 v15, $0x2;
	v6 =	vshra.s32 v8, $0x2;
	v15 =	vld [tilespmem:s6+$0x1B960];
	[tilespmem:s3+$0x1D190] =	vst v4  }
0x31f: {  	vm5 =	vmand vm5, vm6;
	v9 =	vsub.s32 v16, v1;
	vm2 =	vlt.s32 v8, v2;
	v4 =	vld [tilespmem:s6+$0x1D190];
	[tilespmem:s3+$0x1D1B0] =	vst v7;
	s3 =	smov.u32 s6  }
0x320: {  	v13 =	vsub.s32 v19, v1;
	vm3 =	vmand vm3, vm4;
	v7 =	vshra.s32 v3, $0x2;
	v16 =	vld [tilespmem:s3+$0x1D1F0]  }
0x321: {  	v20 =	vsel vm3, v13, v11;
	vm4 =	vge.s32 v8, v1;
	v19 =	vld [tilespmem:s3+$0x1D1A0];
	v10 =	vnsel vm5, $0x0, v10  }
.Ltmp10:
0x322: {  	v11 =	vsub.s32 v8, v1;
	v9 =	vsel vm5, v9, v14;
	v13 =	vshra.s32 v5, $0x2;
	v8 =	vld [tilespmem:s3+$0x1B930];
	[tilespmem:s3+$0x1D1D0] =	vst v10;
	(pc) =	sbr.rel @p0 .LBB2_23-.Ltmp10, $4  }
0x323: {  	vm0 =	vmand vm1, vm0;
	[tilespmem:s3+$0x1B950] =	vst v9;
	vm5 =	vge.s32 v15, v1;
	vm6 =	vlt.s32 v15, v2  }
0x324: {  	vm1 =	vlt.s32 v3, v2;
	v10 =	vnsel vm0, $0x0, v18;
	v9 =	vshra.s32 v15, $0x2;
	v14 =	vld [tilespmem:s3+$0x1D180];
	[tilespmem:s3+$0x1B970] =	vst v20  }
0x325: {  	vm2 =	vmand vm4, vm2;
	[tilespmem:s3+$0x1D1C0] =	vst v10;
	v10 =	vsub.s32 v15, v1;
	v18 =	vnsel vm3, $0x0, v16  }
0x326: {  	v16 =	vsel vm0, v12, v17;
	vm0 =	vmand vm5, vm6;
	v15 =	vnsel vm2, $0x0, v19;
	v12 =	vld [tilespmem:s3+$0x1D1E0];
	[tilespmem:s3+$0x1D1F0] =	vst v18  }
0x327: {  	vm3 =	vge.s32 v5, v1;
	vm4 =	vlt.s32 v5, v2  }
0x328: {  	[tilespmem:s3+$0x1B940] =	vst v16;
	v5 =	vsub.s32 v5, v1;
	vm12 =	vge.s32 v3, v1;
	vm3 =	vmand vm3, vm4  }
0x329: {  	[tilespmem:s3+$0x1D1A0] =	vst v15;
	v3 =	vsub.s32 v3, v1;
	vm1 =	vmand vm12, vm1;
	v5 =	vsel vm3, v5, v13  }
0x32a: {  	v3 =	vsel vm1, v3, v7;
	[tilespmem:s3+$0x1B900] =	vst v5  }
0x32b: {  	v4 =	vnsel vm1, $0x0, v4;
	[tilespmem:s3+$0x1B910] =	vst v3  }
0x32c: {  	v17 =	vld [tilespmem:s3+$0x1D1B0];
	v13 =	vshra.s32 v8, $0x2;
	v5 =	vsel vm2, v11, v6;
	[tilespmem:s3+$0x1D190] =	vst v4  }
0x32d: {  	v6 =	vnsel vm3, $0x0, v14;
	vm2 =	vge.s32 v8, v1;
	vm3 =	vlt.s32 v8, v2;
	[tilespmem:s3+$0x1B920] =	vst v5  }
0x32e: {  	[tilespmem:s3+$0x1D180] =	vst v6;
	v5 =	vsub.s32 v8, v1;
	vm2 =	vmand vm2, vm3;
	v3 =	vnsel vm0, $0x0, v12  }
0x32f: {  	v5 =	vsel vm2, v5, v13;
	[tilespmem:s3+$0x1D1E0] =	vst v3  }
0x330: {  	v3 =	vsel vm0, v10, v9;
	[tilespmem:s3+$0x1B930] =	vst v5  }
0x331: {  	[tilespmem:s3+$0x1B960] =	vst v3;
	v3 =	vnsel vm2, $0x0, v17  }
0x332: {  	[tilespmem:s3+$0x1D1B0] =	vst v3  }
0x333: {  	[spmem:s5] =	stream.indirect.scatter.add.f32 [tilespmem:s20], [sflag:$0x4], $0x1, s19, s24, $0xb8;
	[tilespmem:$0x1F680] =	vst v63  }
0x334: {  	_ =	swait.ge [sflag:s26], $0x1880  }
0x335: {  	s3 =	sadd.s32 $0x1EA0, s7;
	[sflag:s26] =	ssyncset.done $0x0  }
0x336: {  	s6 =	simm.s32 $0x0;
	s4 =	sadd.s32 s2, s3;
	[sflag:s26] =	ssyncadd.s32 $0xFFFFE780  }
0x337: {  	[tilespmem:s17], [sflag:$0x1] =	stream.linear.gather [hbm4b:s4+s6], $0x1880, $0x38;
	[tilespmem:$0x1F680] =	vst v63  }
0x338: {  	s3 =	sadd.s32 s1, s3  }
0x339: {  	[tilespmem:s18], [sflag:$0x1] =	stream.linear.gather [hbm4b:s3+s6], $0x1880, $0x38;
	[tilespmem:$0x1F680] =	vst v63  }
0x33a: {  	_ =	swait.ge [sflag:s23], $0x1880  }
0x33b: {  	[sflag:s23] =	ssyncset.done $0x0  }
0x33c: {  	[sflag:s23] =	ssyncadd.s32 $0xFFFFE780  }
0x33d: {  	_ =	swait.ge [sflag:s23], $0x1880  }
0x33e: {  	[sflag:s23] =	ssyncset.done $0x0  }
0x33f: {  	s3 =	simm.s32 $0x0;
	[sflag:s23] =	ssyncadd.s32 $0xFFFFE780  }
0x340: {  	v9 =	vld [tilespmem:s3+$0x18870]  }
0x341: {  	v8 =	vld [tilespmem:s3+$0x18840]  }
0x342: {  	v7 =	vld [tilespmem:s3+$0x18850]  }
0x343: {  	v10 =	vld [tilespmem:s3+$0x18820]  }
0x344: {  	v3 =	vld [tilespmem:s3+$0x18810]  }
0x345: {  	v11 =	vld [tilespmem:s3+$0x1A0D0];
	vm0 =	vge.s32 v9, v1;
	vm1 =	vlt.s32 v9, v2  }
0x346: {  	v15 =	vld [tilespmem:s3+$0x18860];
	vm2 =	vlt.s32 v8, v2;
	v16 =	vsub.s32 v8, v1;
	v13 =	vshra.s32 v9, $0x2  }
0x347: {  	vm3 =	vge.s32 v8, v1;
	vm13 =	vge.s32 v7, v1;
	vm5 =	vlt.s32 v7, v2  }
0x348: {  	v5 =	vld [tilespmem:s3+$0x18800];
	v14 =	vshra.s32 v7, $0x2;
	v6 =	vshra.s32 v10, $0x2;
	v19 =	vshra.s32 v8, $0x2  }
0x349: {  	v17 =	vld [tilespmem:s3+$0x1A0F0];
	v20 =	vsub.s32 v7, v1;
	vm14 =	vlt.s32 v10, v2;
	v7 =	vshra.s32 v3, $0x2  }
0x34a: {  	v12 =	vld [tilespmem:s3+$0x1A0C0];
	v9 =	vsub.s32 v9, v1;
	vm15 =	vge.s32 v10, v1;
	vm4 =	vmand vm13, vm5  }
0x34b: {  	v18 =	vld [tilespmem:s3+$0x1A0A0];
	vm6 =	vge.s32 v15, v1;
	vm7 =	vlt.s32 v15, v2;
	v11 =	vnsel vm4, $0x0, v11  }
0x34c: {  	v8 =	vld [tilespmem:s3+$0x18830];
	vm0 =	vmand vm0, vm1;
	vm3 =	vmand vm3, vm2;
	v14 =	vsel vm4, v20, v14;
	[tilespmem:s3+$0x1A0D0] =	vst v11  }
0x34d: {  	vm1 =	vlt.s32 v3, v2;
	vm2 =	vmand vm15, vm14;
	v9 =	vsel vm0, v9, v13;
	[tilespmem:s3+$0x18850] =	vst v14  }
0x34e: {  	v13 =	vshra.s32 v5, $0x2;
	v17 =	vnsel vm0, $0x0, v17;
	v16 =	vsel vm3, v16, v19;
	v14 =	vld [tilespmem:s3+$0x1A080];
	[tilespmem:s3+$0x18870] =	vst v9  }
0x34f: {  	v4 =	vld [tilespmem:s3+$0x1A090];
	vm0 =	vmand vm6, vm7;
	v11 =	vsub.s32 v10, v1;
	v10 =	vnsel vm3, $0x0, v12;
	[tilespmem:s3+$0x1A0F0] =	vst v17  }
0x350: {  	s4 =	simm.s32 $0x200;
	v9 =	vshra.s32 v15, $0x2;
	v12 =	vld [tilespmem:s3+$0x1A0E0];
	[tilespmem:s3+$0x1A0C0] =	vst v10;
	v10 =	vsub.s32 v15, v1;
	v15 =	vnsel vm2, $0x0, v18  }
.LBB2_25:
0x351: {  	s6 =	sshra.s32 s4, $0x2;
	p0 =	sne.s32 s4, $0x6000;
	s4 =	sadd.s32 $0x200, s4;
	vm3 =	vge.s32 v5, v1;
	vm4 =	vlt.s32 v5, v2;
	v17 =	vld [tilespmem:s3+$0x1A0B0];
	v18 =	vshra.s32 v8, $0x2;
	[tilespmem:s3+$0x18840] =	vst v16  }
0x352: {  	v5 =	vsub.s32 v5, v1;
	v16 =	vld [tilespmem:s6+$0x18850];
	vm3 =	vmand vm3, vm4;
	vm4 =	vge.s32 v8, v1  }
0x353: {  	v19 =	vld [tilespmem:s6+$0x18870];
	v5 =	vsel vm3, v5, v13;
	v13 =	vnsel vm3, $0x0, v14;
	[tilespmem:s3+$0x1A0A0] =	vst v15;
	v14 =	vsub.s32 v8, v1  }
0x354: {  	vm3 =	vge.s32 v3, v1;
	v15 =	vld [tilespmem:s6+$0x18840];
	[tilespmem:s3+$0x18800] =	vst v5;
	v5 =	vsel vm2, v11, v6;
	vm2 =	vlt.s32 v8, v2  }
0x355: {  	v3 =	vsub.s32 v3, v1;
	vm1 =	vmand vm3, vm1;
	[tilespmem:s3+$0x18820] =	vst v5;
	vm2 =	vmand vm4, vm2  }
0x356: {  	v3 =	vsel vm1, v3, v7;
	v4 =	vnsel vm1, $0x0, v4;
	v8 =	vld [tilespmem:s6+$0x18820];
	[tilespmem:s3+$0x1A080] =	vst v13;
	v5 =	vsel vm2, v14, v18  }
0x357: {  	v6 =	vnsel vm0, $0x0, v12;
	v7 =	vnsel vm2, $0x0, v17;
	v18 =	vld [tilespmem:s6+$0x1A0C0];
	[tilespmem:s3+$0x18810] =	vst v3  }
0x358: {  	v9 =	vsel vm0, v10, v9;
	v3 =	vld [tilespmem:s6+$0x18810];
	vm3 =	vge.s32 v19, v1;
	vm4 =	vlt.s32 v19, v2;
	[tilespmem:s3+$0x1A0E0] =	vst v6  }
0x359: {  	v11 =	vshra.s32 v19, $0x2;
	vm0 =	vlt.s32 v15, v2;
	v12 =	vsub.s32 v15, v1;
	v10 =	vld [tilespmem:s6+$0x1A0D0];
	[tilespmem:s3+$0x18830] =	vst v5  }
0x35a: {  	vm5 =	vge.s32 v16, v1;
	v14 =	vshra.s32 v16, $0x2;
	vm1 =	vge.s32 v15, v1;
	v5 =	vld [tilespmem:s6+$0x18800];
	[tilespmem:s3+$0x18860] =	vst v9  }
0x35b: {  	vm6 =	vlt.s32 v16, v2;
	v17 =	vshra.s32 v15, $0x2;
	v6 =	vshra.s32 v8, $0x2;
	v15 =	vld [tilespmem:s6+$0x18860];
	[tilespmem:s3+$0x1A090] =	vst v4  }
0x35c: {  	vm5 =	vmand vm5, vm6;
	v9 =	vsub.s32 v16, v1;
	vm2 =	vlt.s32 v8, v2;
	v4 =	vld [tilespmem:s6+$0x1A090];
	[tilespmem:s3+$0x1A0B0] =	vst v7;
	s3 =	smov.u32 s6  }
0x35d: {  	v13 =	vsub.s32 v19, v1;
	vm3 =	vmand vm3, vm4;
	v7 =	vshra.s32 v3, $0x2;
	v16 =	vld [tilespmem:s3+$0x1A0F0]  }
0x35e: {  	v20 =	vsel vm3, v13, v11;
	vm4 =	vge.s32 v8, v1;
	v19 =	vld [tilespmem:s3+$0x1A0A0];
	v10 =	vnsel vm5, $0x0, v10  }
.Ltmp11:
0x35f: {  	v11 =	vsub.s32 v8, v1;
	v9 =	vsel vm5, v9, v14;
	v13 =	vshra.s32 v5, $0x2;
	v8 =	vld [tilespmem:s3+$0x18830];
	[tilespmem:s3+$0x1A0D0] =	vst v10;
	(pc) =	sbr.rel @p0 .LBB2_25-.Ltmp11, $4  }
0x360: {  	vm0 =	vmand vm1, vm0;
	[tilespmem:s3+$0x18850] =	vst v9;
	vm5 =	vge.s32 v15, v1;
	vm6 =	vlt.s32 v15, v2  }
0x361: {  	vm1 =	vlt.s32 v3, v2;
	v10 =	vnsel vm0, $0x0, v18;
	v9 =	vshra.s32 v15, $0x2;
	v14 =	vld [tilespmem:s3+$0x1A080];
	[tilespmem:s3+$0x18870] =	vst v20  }
0x362: {  	vm2 =	vmand vm4, vm2;
	[tilespmem:s3+$0x1A0C0] =	vst v10;
	v10 =	vsub.s32 v15, v1;
	v18 =	vnsel vm3, $0x0, v16  }
0x363: {  	v16 =	vsel vm0, v12, v17;
	vm0 =	vmand vm5, vm6;
	v15 =	vnsel vm2, $0x0, v19;
	v12 =	vld [tilespmem:s3+$0x1A0E0];
	[tilespmem:s3+$0x1A0F0] =	vst v18  }
0x364: {  	vm3 =	vge.s32 v5, v1;
	vm4 =	vlt.s32 v5, v2  }
0x365: {  	[tilespmem:s3+$0x18840] =	vst v16;
	v5 =	vsub.s32 v5, v1;
	vm12 =	vge.s32 v3, v1;
	vm3 =	vmand vm3, vm4  }
0x366: {  	[tilespmem:s3+$0x1A0A0] =	vst v15;
	v3 =	vsub.s32 v3, v1;
	vm1 =	vmand vm12, vm1;
	v5 =	vsel vm3, v5, v13  }
0x367: {  	v3 =	vsel vm1, v3, v7;
	[tilespmem:s3+$0x18800] =	vst v5  }
0x368: {  	v4 =	vnsel vm1, $0x0, v4;
	[tilespmem:s3+$0x18810] =	vst v3  }
0x369: {  	v17 =	vld [tilespmem:s3+$0x1A0B0];
	v13 =	vshra.s32 v8, $0x2;
	v5 =	vsel vm2, v11, v6;
	[tilespmem:s3+$0x1A090] =	vst v4  }
0x36a: {  	v6 =	vnsel vm3, $0x0, v14;
	vm2 =	vge.s32 v8, v1;
	vm3 =	vlt.s32 v8, v2;
	[tilespmem:s3+$0x18820] =	vst v5  }
0x36b: {  	[tilespmem:s3+$0x1A080] =	vst v6;
	v5 =	vsub.s32 v8, v1;
	vm2 =	vmand vm2, vm3;
	v3 =	vnsel vm0, $0x0, v12  }
0x36c: {  	v5 =	vsel vm2, v5, v13;
	[tilespmem:s3+$0x1A0E0] =	vst v3  }
0x36d: {  	v3 =	vsel vm0, v10, v9;
	[tilespmem:s3+$0x18830] =	vst v5  }
0x36e: {  	[tilespmem:s3+$0x18860] =	vst v3;
	v3 =	vnsel vm2, $0x0, v17  }
0x36f: {  	[tilespmem:s3+$0x1A0B0] =	vst v3  }
0x370: {  	[spmem:s5] =	stream.indirect.scatter.add.f32 [tilespmem:s18], [sflag:$0x3], $0x1, s17, s24, $0xb8;
	[tilespmem:$0x1F680] =	vst v63  }
0x371: {  	_ =	swait.ge [sflag:s28], $0x1880  }
0x372: {  	s7 =	sadd.s32 $0x21B0, s7;
	[sflag:s28] =	ssyncset.done $0x0  }
0x373: {  	s6 =	simm.s32 $0x0;
	s4 =	sadd.s32 s2, s7;
	[sflag:s28] =	ssyncadd.s32 $0xFFFFE780  }
0x374: {  	[tilespmem:s19], [sflag:$0x2] =	stream.linear.gather [hbm4b:s4+s6], $0x1880, $0x38;
	[tilespmem:$0x1F680] =	vst v63  }
0x375: {  	s3 =	sadd.s32 s1, s7  }
0x376: {  	[tilespmem:s20], [sflag:$0x2] =	stream.linear.gather [hbm4b:s3+s6], $0x1880, $0x38;
	[tilespmem:$0x1F680] =	vst v63  }
0x377: {  	_ =	swait.ge [sflag:s25], $0x1880  }
0x378: {  	[sflag:s25] =	ssyncset.done $0x0  }
0x379: {  	[sflag:s25] =	ssyncadd.s32 $0xFFFFE780  }
0x37a: {  	_ =	swait.ge [sflag:s25], $0x1880  }
0x37b: {  	[sflag:s25] =	ssyncset.done $0x0  }
0x37c: {  	s3 =	simm.s32 $0x0;
	[sflag:s25] =	ssyncadd.s32 $0xFFFFE780  }
0x37d: {  	v9 =	vld [tilespmem:s3+$0x1B970]  }
0x37e: {  	v8 =	vld [tilespmem:s3+$0x1B940]  }
0x37f: {  	v7 =	vld [tilespmem:s3+$0x1B950]  }
0x380: {  	v10 =	vld [tilespmem:s3+$0x1B920]  }
0x381: {  	v3 =	vld [tilespmem:s3+$0x1B910]  }
0x382: {  	v11 =	vld [tilespmem:s3+$0x1D1D0];
	vm0 =	vge.s32 v9, v1;
	vm1 =	vlt.s32 v9, v2  }
0x383: {  	v15 =	vld [tilespmem:s3+$0x1B960];
	vm2 =	vlt.s32 v8, v2;
	v16 =	vsub.s32 v8, v1;
	v13 =	vshra.s32 v9, $0x2  }
0x384: {  	vm3 =	vge.s32 v8, v1;
	vm13 =	vge.s32 v7, v1;
	vm5 =	vlt.s32 v7, v2  }
0x385: {  	v5 =	vld [tilespmem:s3+$0x1B900];
	v14 =	vshra.s32 v7, $0x2;
	v6 =	vshra.s32 v10, $0x2;
	v19 =	vshra.s32 v8, $0x2  }
0x386: {  	v17 =	vld [tilespmem:s3+$0x1D1F0];
	v20 =	vsub.s32 v7, v1;
	vm14 =	vlt.s32 v10, v2;
	v7 =	vshra.s32 v3, $0x2  }
0x387: {  	v12 =	vld [tilespmem:s3+$0x1D1C0];
	v9 =	vsub.s32 v9, v1;
	vm15 =	vge.s32 v10, v1;
	vm4 =	vmand vm13, vm5  }
0x388: {  	v18 =	vld [tilespmem:s3+$0x1D1A0];
	vm6 =	vge.s32 v15, v1;
	vm7 =	vlt.s32 v15, v2;
	v11 =	vnsel vm4, $0x0, v11  }
0x389: {  	v8 =	vld [tilespmem:s3+$0x1B930];
	vm0 =	vmand vm0, vm1;
	vm3 =	vmand vm3, vm2;
	v14 =	vsel vm4, v20, v14;
	[tilespmem:s3+$0x1D1D0] =	vst v11  }
0x38a: {  	vm1 =	vlt.s32 v3, v2;
	vm2 =	vmand vm15, vm14;
	v9 =	vsel vm0, v9, v13;
	[tilespmem:s3+$0x1B950] =	vst v14  }
0x38b: {  	v13 =	vshra.s32 v5, $0x2;
	v17 =	vnsel vm0, $0x0, v17;
	v16 =	vsel vm3, v16, v19;
	v14 =	vld [tilespmem:s3+$0x1D180];
	[tilespmem:s3+$0x1B970] =	vst v9  }
0x38c: {  	v4 =	vld [tilespmem:s3+$0x1D190];
	vm0 =	vmand vm6, vm7;
	v11 =	vsub.s32 v10, v1;
	v10 =	vnsel vm3, $0x0, v12;
	[tilespmem:s3+$0x1D1F0] =	vst v17  }
0x38d: {  	s4 =	simm.s32 $0x200;
	v9 =	vshra.s32 v15, $0x2;
	v12 =	vld [tilespmem:s3+$0x1D1E0];
	[tilespmem:s3+$0x1D1C0] =	vst v10;
	v10 =	vsub.s32 v15, v1;
	v15 =	vnsel vm2, $0x0, v18  }
.LBB2_27:
0x38e: {  	s6 =	sshra.s32 s4, $0x2;
	p0 =	sne.s32 s4, $0x6000;
	s4 =	sadd.s32 $0x200, s4;
	vm3 =	vge.s32 v5, v1;
	vm4 =	vlt.s32 v5, v2;
	v17 =	vld [tilespmem:s3+$0x1D1B0];
	v18 =	vshra.s32 v8, $0x2;
	[tilespmem:s3+$0x1B940] =	vst v16  }
0x38f: {  	v5 =	vsub.s32 v5, v1;
	v16 =	vld [tilespmem:s6+$0x1B950];
	vm3 =	vmand vm3, vm4;
	vm4 =	vge.s32 v8, v1  }
0x390: {  	v19 =	vld [tilespmem:s6+$0x1B970];
	v5 =	vsel vm3, v5, v13;
	v13 =	vnsel vm3, $0x0, v14;
	[tilespmem:s3+$0x1D1A0] =	vst v15;
	v14 =	vsub.s32 v8, v1  }
0x391: {  	vm3 =	vge.s32 v3, v1;
	v15 =	vld [tilespmem:s6+$0x1B940];
	[tilespmem:s3+$0x1B900] =	vst v5;
	v5 =	vsel vm2, v11, v6;
	vm2 =	vlt.s32 v8, v2  }
0x392: {  	v3 =	vsub.s32 v3, v1;
	vm1 =	vmand vm3, vm1;
	[tilespmem:s3+$0x1B920] =	vst v5;
	vm2 =	vmand vm4, vm2  }
0x393: {  	v3 =	vsel vm1, v3, v7;
	v4 =	vnsel vm1, $0x0, v4;
	v8 =	vld [tilespmem:s6+$0x1B920];
	[tilespmem:s3+$0x1D180] =	vst v13;
	v5 =	vsel vm2, v14, v18  }
0x394: {  	v6 =	vnsel vm0, $0x0, v12;
	v7 =	vnsel vm2, $0x0, v17;
	v18 =	vld [tilespmem:s6+$0x1D1C0];
	[tilespmem:s3+$0x1B910] =	vst v3  }
0x395: {  	v9 =	vsel vm0, v10, v9;
	v3 =	vld [tilespmem:s6+$0x1B910];
	vm3 =	vge.s32 v19, v1;
	vm4 =	vlt.s32 v19, v2;
	[tilespmem:s3+$0x1D1E0] =	vst v6  }
0x396: {  	v11 =	vshra.s32 v19, $0x2;
	vm0 =	vlt.s32 v15, v2;
	v12 =	vsub.s32 v15, v1;
	v10 =	vld [tilespmem:s6+$0x1D1D0];
	[tilespmem:s3+$0x1B930] =	vst v5  }
0x397: {  	vm5 =	vge.s32 v16, v1;
	v14 =	vshra.s32 v16, $0x2;
	vm1 =	vge.s32 v15, v1;
	v5 =	vld [tilespmem:s6+$0x1B900];
	[tilespmem:s3+$0x1B960] =	vst v9  }
0x398: {  	vm6 =	vlt.s32 v16, v2;
	v17 =	vshra.s32 v15, $0x2;
	v6 =	vshra.s32 v8, $0x2;
	v15 =	vld [tilespmem:s6+$0x1B960];
	[tilespmem:s3+$0x1D190] =	vst v4  }
0x399: {  	vm5 =	vmand vm5, vm6;
	v9 =	vsub.s32 v16, v1;
	vm2 =	vlt.s32 v8, v2;
	v4 =	vld [tilespmem:s6+$0x1D190];
	[tilespmem:s3+$0x1D1B0] =	vst v7;
	s3 =	smov.u32 s6  }
0x39a: {  	v13 =	vsub.s32 v19, v1;
	vm3 =	vmand vm3, vm4;
	v7 =	vshra.s32 v3, $0x2;
	v16 =	vld [tilespmem:s3+$0x1D1F0]  }
0x39b: {  	v20 =	vsel vm3, v13, v11;
	vm4 =	vge.s32 v8, v1;
	v19 =	vld [tilespmem:s3+$0x1D1A0];
	v10 =	vnsel vm5, $0x0, v10  }
.Ltmp12:
0x39c: {  	v11 =	vsub.s32 v8, v1;
	v9 =	vsel vm5, v9, v14;
	v13 =	vshra.s32 v5, $0x2;
	v8 =	vld [tilespmem:s3+$0x1B930];
	[tilespmem:s3+$0x1D1D0] =	vst v10;
	(pc) =	sbr.rel @p0 .LBB2_27-.Ltmp12, $4  }
0x39d: {  	vm0 =	vmand vm1, vm0;
	[tilespmem:s3+$0x1B950] =	vst v9;
	vm5 =	vge.s32 v15, v1;
	vm6 =	vlt.s32 v15, v2  }
0x39e: {  	vm1 =	vlt.s32 v3, v2;
	v10 =	vnsel vm0, $0x0, v18;
	v9 =	vshra.s32 v15, $0x2;
	v14 =	vld [tilespmem:s3+$0x1D180];
	[tilespmem:s3+$0x1B970] =	vst v20  }
0x39f: {  	vm2 =	vmand vm4, vm2;
	[tilespmem:s3+$0x1D1C0] =	vst v10;
	v10 =	vsub.s32 v15, v1;
	v18 =	vnsel vm3, $0x0, v16  }
0x3a0: {  	v16 =	vsel vm0, v12, v17;
	vm0 =	vmand vm5, vm6;
	v15 =	vnsel vm2, $0x0, v19;
	v12 =	vld [tilespmem:s3+$0x1D1E0];
	[tilespmem:s3+$0x1D1F0] =	vst v18  }
0x3a1: {  	vm3 =	vge.s32 v5, v1  }
0x3a2: {  	vm4 =	vlt.s32 v5, v2;
	[tilespmem:s3+$0x1B940] =	vst v16;
	v60 =	vsub.s32 v5, v1;
	v61 =	vshra.s32 v8, $0x2  }
0x3a3: {  	[tilespmem:s3+$0x1D1A0] =	vst v15;
	vm13 =	vge.s32 v3, v1;
	v62 =	vsel vm2, v11, v6;
	vm3 =	vmand vm3, vm4  }
0x3a4: {  	v3 =	vsub.s32 v3, v1;
	vm14 =	vge.s32 v8, v1;
	[tilespmem:s3+$0x1B920] =	vst v62;
	v5 =	vsel vm3, v60, v13  }
0x3a5: {  	vm15 =	vlt.s32 v8, v2;
	vm1 =	vmand vm13, vm1;
	v63 =	vnsel vm3, $0x0, v14;
	[tilespmem:s3+$0x1B900] =	vst v5  }
0x3a6: {  	v17 =	vld [tilespmem:s3+$0x1D1B0];
	v1 =	vsub.s32 v8, v1;
	vm2 =	vmand vm14, vm15;
	v2 =	vsel vm1, v3, v7;
	[tilespmem:s3+$0x1D180] =	vst v63  }
0x3a7: {  	v1 =	vsel vm2, v1, v61;
	[tilespmem:s3+$0x1B910] =	vst v2  }
0x3a8: {  	[tilespmem:s3+$0x1B930] =	vst v1;
	v1 =	vnsel vm1, $0x0, v4  }
0x3a9: {  	v2 =	vnsel vm0, $0x0, v12;
	[tilespmem:s3+$0x1D190] =	vst v1  }
0x3aa: {  	[tilespmem:s3+$0x1D1E0] =	vst v2;
	v2 =	vsel vm0, v10, v9  }
0x3ab: {  	[tilespmem:s3+$0x1B960] =	vst v2;
	v2 =	vnsel vm2, $0x0, v17  }
0x3ac: {  	[tilespmem:s3+$0x1D1B0] =	vst v2  }
0x3ad: {  	[spmem:s5] =	stream.indirect.scatter.add.f32 [tilespmem:s20], [sflag:$0x4], $0x1, s19, s24, $0xb8;
	[tilespmem:$0x1F680] =	vst v63  }
0x3ae: {  	_ =	swait.ge [sflag:s26], $0x1880  }
0x3af: {  	[sflag:s26] =	ssyncset.done $0x0  }
0x3b0: {  	[sflag:s26] =	ssyncadd.s32 $0xFFFFE780  }
0x3b1: {  	s0 =	smul.u32 $0x498000, s0;
	_ =	swait.ge [sflag:s28], $0x1880  }
0x3b2: {  	s6 =	sadd.s32 s8, s11;
	s31 =	sadd.s32 $0x1, s31;
	[sflag:s28] =	ssyncset.done $0x0  }
0x3b3: {  	s7 =	stileid.u32;
	p0 =	sne.s32 s31, $0xC;
	[sflag:s28] =	ssyncadd.s32 $0xFFFFE780  }
0x3b4: {  	s0 =	sadd.s32 s0, s6;
	s3 =	sshll.u32 s7, $0x6;
	[bflag:$0x0] =	sbarrier.arrive $0xFFFF  }
0x3b5: {  	s0 =	sshrl.u32 s0, $0x3;
	s3 =	sor.u32 $0x1C06, s3;
	s4 =	rddreg [dreg:$0x2]  }
.Ltmp13:
0x3b6: {  	s11 =	rddreg [dreg:$0x16];
	s0 =	sadd.s32 s4, s0;
	(pc) =	sbr.rel @p0 .LBB2_4-.Ltmp13, $4  }
0x3b7: {  	[hbm:s0], [sflag:s3] =	dma.local [spmem:s11], $0x3100  }
0x3b8: {  	_ =	swait.ge [sflag:s29], $0x3100  }
0x3b9: {  	[sflag:s29] =	ssyncset.done $0x0  }
0x3ba: {  	[sflag:s29] =	ssyncadd.s32 $0xFFFFCF00  }
0x3bb: {  	s7 =	rddreg [dreg:$0x6]  }
0x3bc: {  	s0 =	rddreg [dreg:$0x8];
	s7 =	sadd.s32 $0x1, s7  }
0x3bd: {  	p0 =	sne.s32 s7, s0  }
.Ltmp14:
0x3be: {  	_ = 	snop;
	(pc) =	sbr.rel @p0 .LBB2_1-.Ltmp14, $1  }
0x3bf: {  	_ =	sdelay $0x3  }
0x3c0: {  	_ =	sfence.sel $0x180000  }
0x3c1: {  	[bflag:$0x0] =	sbarrier.arrive $0xFFFF  }
0x3c2: {  	_ =	strace $0x90000047  }
0x3c3: {  	s0 =	stileid.u32;
	[bflag:$0x2] =	sbarrier.arrive $0xFFFF  }
0x3c4: {  	p0 =	sne.s32 s0, $0x0;
	s0 =	rddreg [dreg:$0x4]  }
0x3c5: {  	s0 =	sadd.s32 @!p0 $0x100000, s0  }
0x3c6: {  	[sflag:s0] =	ssyncadd.tile.s32 @!p0 $0x1;
	_ =	shalt  }
.Lfunc_end2:
_tile_overlayer_lowered:
.L_overlay_start_2:
0x3c7: {  	(tag) =	ssettag $0x2  }
0x3c8: {  	s0 =	rddreg [dreg:$0x0];
	s2 =	stileid.u32  }
0x3c9: {  	s1 =	rddreg [dreg:$0x1];
	p0 =	sne.s32 s2, $0x0  }
0x3ca: {  	s3 =	rddreg [dreg:$0x2];
	[bflag:$0x3] =	sbarrier.arrive $0xFFFF;
	s2 =	simm.s32 @!p0 $0x1C06  }
0x3cb: {  	[timem:s3], [sflag:s2] =	dma.local @!p0 [hbm:s0], s1  }
0x3cc: {  	s0 =	simm.s32 @!p0 $0x6  }
0x3cd: {  	_ =	swait.ge @!p0 [sflag:s0], s1  }
0x3ce: {  	s1 =	ssub.s32 @!p0 $0x0, s1;
	[sflag:s0] =	ssyncset.done @!p0 $0x0  }
0x3cf: {  	[sflag:s0] =	ssyncadd.s32 @!p0 s1  }
0x3d0: {  	[bflag:$0x3] =	sbarrier.arrive $0xFFFF  }
0x3d1: {  	_ =	shalt  }

</sc_bundles>
